<compile_context>
chip_gen: v7x
topology: tpu7x:2x2x1
jax: 0.10.2.dev20260603
libtpu: 0.0.44.dev20260713+nightly
codegen_flags: <defaults>
</compile_context>

<pallas_src>
import jax
import jax.numpy as jnp
from jax import lax
from jax.experimental import pallas as pl
from jax.experimental.pallas import tpu as pltpu
from jax.experimental.pallas import tpu_sc as plsc

B = 16384
N_NUM = 13
N_CAT = 26
VOCAB = 100000
EMB_DIM = 32
EPS = 1e-08
N_COLS = N_NUM + N_CAT
OUT_D = N_NUM + N_CAT * EMB_DIM

NC = 2
NS = 16
NW = NC * NS
B_PER_W = B // NW
R = 8
N_CHUNKS = B_PER_W // R
N_PAIRS = N_CHUNKS // 2
LANES = 16
HALF = EMB_DIM // LANES
SUPER_D = 128
SUPER_ROWS = N_CAT * VOCAB * EMB_DIM // SUPER_D
LOOKUPS = N_CAT * R
N_STREAMS = 2
PER_STREAM = LOOKUPS // N_STREAMS


def _body(xt_hbm, tab_hbm, mean_hbm, std_hbm, out_hbm,
          xwbuf, idx_a, sub_a, idx_b, sub_b, cat_a, cat_b, obuf_a, obuf_b,
          mean_v, std_v, gsem_a, gsem_b, wsem_a, wsem_b):
  wid = lax.axis_index("s") * NC + lax.axis_index("c")

  pltpu.sync_copy(mean_hbm, mean_v)
  pltpu.sync_copy(std_hbm, std_v)
  pltpu.sync_copy(xt_hbm.at[:, pl.ds(wid * B_PER_W, B_PER_W)], xwbuf)

  iota = lax.iota(jnp.int32, LANES)
  lane_f = lax.shift_right_logical(iota, 3)
  lane_r = lax.bitwise_and(iota, 7)
  mask13 = iota < 13

  def idx_build(ch, idxs, subs):
    col = ch * R + lane_r
    for j in range(N_CAT // 2):
      fvec = lane_f + (2 * j)
      ids = plsc.load_gather(xwbuf, [fvec + N_NUM, col])
      gid = ids.astype(jnp.int32) + fvec * VOCAB
      idxs[pl.ds(2 * j * R, LANES)] = lax.shift_right_logical(gid, 2)
      subs[pl.ds(2 * j * R, LANES)] = lax.bitwise_and(gid, 3)

  def fire(idxs, cat, gsem):
    for g in range(N_STREAMS):
      sl = pl.ds(g * PER_STREAM, PER_STREAM)
      pltpu.async_copy(tab_hbm.at[idxs.at[sl]], cat.at[sl], gsem)

  def drain_gather(idxs, cat, gsem):
    for g in range(N_STREAMS):
      sl = pl.ds(g * PER_STREAM, PER_STREAM)
      pltpu.make_async_copy(tab_hbm.at[idxs.at[sl]], cat.at[sl], gsem).wait()

  def consume(ch, idxs, subs, cat, obuf, gsem, wsem, i, first_guard):
    @pl.when(first_guard)
    def _():
      pltpu.make_async_copy(obuf, out_hbm.at[pl.ds(0, R)], wsem).wait()

    drain_gather(idxs, cat, gsem)

    def row_body(r, carry):
      rv = jnp.full((LANES,), 0, jnp.int32) + r
      for f in range(N_CAT):
        kv = jnp.full((LANES,), f * R, jnp.int32) + r
        sub = plsc.load_gather(subs, [kv])
        src0 = sub * EMB_DIM + iota
        for h in range(HALF):
          v = plsc.load_gather(cat, [kv, src0 + (h * LANES)])
          dst_c = iota + (N_NUM + f * EMB_DIM + h * LANES)
          plsc.store_scatter(obuf, [rv, dst_c], v)
      return carry

    lax.fori_loop(0, R, row_body, 0)

    m = mean_v[...]
    inv_s = 1.0 / (std_v[...] + EPS)
    def num_body(r, carry):
      v = plsc.load_gather(xwbuf, [iota, jnp.full((LANES,), 0, jnp.int32) + ch * R + r])
      plsc.store_scatter(obuf, [jnp.full((LANES,), 0, jnp.int32) + r, iota],
                         (v - m) * inv_s, mask=mask13)
      return carry

    lax.fori_loop(0, R, num_body, 0)

    base = wid * B_PER_W + ch * R
    pltpu.async_copy(obuf, out_hbm.at[pl.ds(base, R)], wsem)

  def pair_body(i, carry):
    ch0 = 2 * i
    ch1 = 2 * i + 1

    idx_build(ch1, idx_b, sub_b)
    fire(idx_b, cat_b, gsem_b)

    consume(ch0, idx_a, sub_a, cat_a, obuf_a, gsem_a, wsem_a, i, i > 0)

    @pl.when(i < N_PAIRS - 1)
    def _():
      idx_build(ch0 + 2, idx_a, sub_a)
      fire(idx_a, cat_a, gsem_a)

    consume(ch1, idx_b, sub_b, cat_b, obuf_b, gsem_b, wsem_b, i, i > 0)
    return carry

  idx_build(0, idx_a, sub_a)
  fire(idx_a, cat_a, gsem_a)

  lax.fori_loop(0, N_PAIRS, pair_body, 0)

  pltpu.make_async_copy(obuf_a, out_hbm.at[pl.ds(0, R)], wsem_a).wait()
  pltpu.make_async_copy(obuf_b, out_hbm.at[pl.ds(0, R)], wsem_b).wait()


@jax.jit
def _run(xt, tab_flat, mean16, std16):
  mesh = plsc.VectorSubcoreMesh(core_axis_name="c", subcore_axis_name="s",
                                num_cores=NC, num_subcores=NS)
  return pl.kernel(
      _body,
      out_type=jax.ShapeDtypeStruct((B, OUT_D), jnp.float32),
      mesh=mesh,
      compiler_params=pltpu.CompilerParams(needs_layout_passes=False),
      scratch_types=[
          pltpu.VMEM((N_COLS, B_PER_W), jnp.float32),
          pltpu.VMEM((LOOKUPS,), jnp.int32),
          pltpu.VMEM((LOOKUPS,), jnp.int32),
          pltpu.VMEM((LOOKUPS,), jnp.int32),
          pltpu.VMEM((LOOKUPS,), jnp.int32),
          pltpu.VMEM((LOOKUPS, SUPER_D), jnp.float32),
          pltpu.VMEM((LOOKUPS, SUPER_D), jnp.float32),
          pltpu.VMEM((R, OUT_D), jnp.float32),
          pltpu.VMEM((R, OUT_D), jnp.float32),
          pltpu.VMEM((LANES,), jnp.float32),
          pltpu.VMEM((LANES,), jnp.float32),
          pltpu.SemaphoreType.DMA,
          pltpu.SemaphoreType.DMA,
          pltpu.SemaphoreType.DMA,
          pltpu.SemaphoreType.DMA,
      ],
  )(xt, tab_flat, mean16, std16)


def kernel(x, tables, mean, std):
  tab_flat = tables.reshape(SUPER_ROWS, SUPER_D)
  mean16 = jnp.zeros((LANES,), jnp.float32).at[:N_NUM].set(mean)
  std16 = jnp.ones((LANES,), jnp.float32).at[:N_NUM].set(std)
  return _run(x.T, tab_flat, mean16, std16)

# --- scband reference (transcript-rebuilt; emitter-appended) ---
"""Pipeline reference for scband-tabular-preprocessor-6365141533242 (READ-ONLY COPY).

The authoritative reference and input builder live on the scoring server;
editing this copy changes nothing except your own understanding.
"""

import jax, jax.numpy as jnp
import numpy as np

B = 16384
N_NUM = 13
N_CAT = 26
VOCAB = 100000
EMB_DIM = 32
EPS = 1e-08


def setup_inputs(seed: int = 0) -> dict:
    key = jax.random.key(seed)
    k_x, k_t = jax.random.split(key)
    # Mixed tabular tensor: columns 0..12 numerical, 13..38 categorical ids stored as floats
    x = jax.random.randint(k_x, (B, N_NUM + N_CAT), 0, VOCAB).astype(jnp.float32)
    # One embedding table per categorical field, stacked: [26, VOCAB, EMB_DIM]
    tables = jax.random.normal(k_t, (N_CAT, VOCAB, EMB_DIM), dtype=jnp.float32)
    # StandardNormLayer buffers (unfit defaults: mean=0, std=1)
    mean = jnp.zeros((N_NUM,), dtype=jnp.float32)
    std = jnp.ones((N_NUM,), dtype=jnp.float32)
    return {"x": x, "tables": tables, "mean": mean, "std": std}


def reference(x, tables, mean, std):
    # numerical_norm(x[..., numerical_indices])
    num_x = (x[:, :N_NUM] - mean) / (std + EPS)
    # categorical encodings: one embedding lookup per categorical column
    cat_ids = x[:, N_NUM:N_NUM + N_CAT].astype(jnp.int32)  # [B, 26]
    # gather: tables[f, cat_ids[:, f]] for each field f -> [B, 26, EMB_DIM]
    gathered = tables[jnp.arange(N_CAT)[None, :], cat_ids]
    cat_x = gathered.reshape(B, N_CAT * EMB_DIM)
    return jnp.concatenate([num_x, cat_x], axis=-1)

if __name__ == "__main__":
    import jax
    _d = setup_inputs()
    print(jax.jit(kernel)(*tuple(_d.values())))

</pallas_src>

<mosaic_0001>
#map = affine_map<(d0, d1) -> (0, 0)>
#map1 = affine_map<(d0, d1) -> (0)>
module attributes {stable_mosaic.version = 14 : i64} {
  func.func @_body(%arg0: i32, %arg1: i32, %arg2: memref<39x16384xf32, #tpu.memory_space<hbm>>, %arg3: memref<650000x128xf32, #tpu.memory_space<hbm>>, %arg4: memref<16xf32, #tpu.memory_space<hbm>>, %arg5: memref<16xf32, #tpu.memory_space<hbm>>, %arg6: memref<16384x845xf32, #tpu.memory_space<hbm>>, %arg7: memref<39x512xf32, #tpu.memory_space<vmem>>, %arg8: memref<208xi32, #tpu.memory_space<vmem>>, %arg9: memref<208xi32, #tpu.memory_space<vmem>>, %arg10: memref<208xi32, #tpu.memory_space<vmem>>, %arg11: memref<208xi32, #tpu.memory_space<vmem>>, %arg12: memref<208x128xf32, #tpu.memory_space<vmem>>, %arg13: memref<208x128xf32, #tpu.memory_space<vmem>>, %arg14: memref<8x845xf32, #tpu.memory_space<vmem>>, %arg15: memref<8x845xf32, #tpu.memory_space<vmem>>, %arg16: memref<16xf32, #tpu.memory_space<vmem>>, %arg17: memref<16xf32, #tpu.memory_space<vmem>>, %arg18: memref<!tpu.dma_semaphore, #tpu.memory_space<semaphore_mem>>, %arg19: memref<!tpu.dma_semaphore, #tpu.memory_space<semaphore_mem>>, %arg20: memref<!tpu.dma_semaphore, #tpu.memory_space<semaphore_mem>>, %arg21: memref<!tpu.dma_semaphore, #tpu.memory_space<semaphore_mem>>) attributes {dimension_semantics = [#tpu.dimension_semantics<core_parallel>, #tpu.dimension_semantics<subcore_parallel>], iteration_bounds = array<i64: 2, 16>, scalar_prefetch = 0 : i64, scratch_operands = 15 : i64, tpu.core_type = #tpu.core_type<sc_vector_subcore>, window_params = [{transform_indices = #map}, {transform_indices = #map}, {transform_indices = #map1}, {transform_indices = #map1}, {transform_indices = #map}]} {
    %mul3A = arith.constant 2 : i32
    %mul3A_0 = arith.muli %arg1, %mul3A : i32
    %add3A = arith.addi %mul3A_0, %arg0 : i32
    "tpu.region"() ({
      %run_scoped3A = tpu.sem_alloc : memref<!tpu.dma_semaphore, #tpu.memory_space<semaphore_mem>>
      tpu.enqueue_dma source(%arg4 : memref<16xf32, #tpu.memory_space<hbm>>) target(%arg16 : memref<16xf32, #tpu.memory_space<vmem>>) target_semaphore(%run_scoped3A : memref<!tpu.dma_semaphore, #tpu.memory_space<semaphore_mem>>)
      tpu.wait_dma2 semaphore(%run_scoped3A : memref<!tpu.dma_semaphore, #tpu.memory_space<semaphore_mem>>) src(%arg4 : memref<16xf32, #tpu.memory_space<hbm>>) dst(%arg16 : memref<16xf32, #tpu.memory_space<vmem>>)
      tpu.yield
    }) : () -> ()
    "tpu.region"() ({
      %run_scoped3A = tpu.sem_alloc : memref<!tpu.dma_semaphore, #tpu.memory_space<semaphore_mem>>
      tpu.enqueue_dma source(%arg5 : memref<16xf32, #tpu.memory_space<hbm>>) target(%arg17 : memref<16xf32, #tpu.memory_space<vmem>>) target_semaphore(%run_scoped3A : memref<!tpu.dma_semaphore, #tpu.memory_space<semaphore_mem>>)
      tpu.wait_dma2 semaphore(%run_scoped3A : memref<!tpu.dma_semaphore, #tpu.memory_space<semaphore_mem>>) src(%arg5 : memref<16xf32, #tpu.memory_space<hbm>>) dst(%arg17 : memref<16xf32, #tpu.memory_space<vmem>>)
      tpu.yield
    }) : () -> ()
    %mul3A_1 = arith.constant 512 : i32
    %mul3A_2 = arith.muli %add3A, %mul3A_1 : i32
    "tpu.region"() ({
      %run_scoped3A = tpu.sem_alloc : memref<!tpu.dma_semaphore, #tpu.memory_space<semaphore_mem>>
      %dma_start3A_326 = arith.constant 0 : i32
      %dma_start3A_327 = tpu.memref_slice %arg2[%dma_start3A_326, %mul3A_2] : memref<39x16384xf32, #tpu.memory_space<hbm>> -> memref<39x512xf32, #tpu.memory_space<hbm>>
      %dma_start3A_328 = arith.constant 0 : i32
      %dma_start3A_329 = tpu.memref_slice %arg2[%dma_start3A_328, %mul3A_2] : memref<39x16384xf32, #tpu.memory_space<hbm>> -> memref<39x512xf32, #tpu.memory_space<hbm>>
      tpu.enqueue_dma source(%dma_start3A_329 : memref<39x512xf32, #tpu.memory_space<hbm>>) target(%arg7 : memref<39x512xf32, #tpu.memory_space<vmem>>) target_semaphore(%run_scoped3A : memref<!tpu.dma_semaphore, #tpu.memory_space<semaphore_mem>>)
      %dma_wait3A_330 = arith.constant 0 : i32
      %dma_wait3A_331 = tpu.memref_slice %arg2[%dma_wait3A_330, %mul3A_2] : memref<39x16384xf32, #tpu.memory_space<hbm>> -> memref<39x512xf32, #tpu.memory_space<hbm>>
      %dma_wait3A_332 = arith.constant 0 : i32
      %dma_wait3A_333 = tpu.memref_slice %arg2[%dma_wait3A_332, %mul3A_2] : memref<39x16384xf32, #tpu.memory_space<hbm>> -> memref<39x512xf32, #tpu.memory_space<hbm>>
      tpu.wait_dma2 semaphore(%run_scoped3A : memref<!tpu.dma_semaphore, #tpu.memory_space<semaphore_mem>>) src(%dma_wait3A_333 : memref<39x512xf32, #tpu.memory_space<hbm>>) dst(%arg7 : memref<39x512xf32, #tpu.memory_space<vmem>>)
      tpu.yield
    }) : () -> ()
    %iota3A = tpu.iota {dimensions = array<i32: 0>} : vector<16xi32>
    %shift_right_logical3A = arith.constant 3 : i32
    %shift_right_logical3A_3 = vector.broadcast %shift_right_logical3A : i32 to vector<16xi32>
    %shift_right_logical3A_4 = arith.shrui %iota3A, %shift_right_logical3A_3 : vector<16xi32>
    %and3A = arith.constant 7 : i32
    %and3A_5 = vector.broadcast %and3A : i32 to vector<16xi32>
    %and3A_6 = arith.andi %iota3A, %and3A_5 : vector<16xi32>
    %lt3A = arith.constant 13 : i32
    %lt3A_7 = vector.broadcast %lt3A : i32 to vector<16xi32>
    %lt3A_8 = arith.cmpi slt, %iota3A, %lt3A_7 : vector<16xi32>
    %add3A_9 = arith.constant 0 : i32
    %add3A_10 = vector.broadcast %add3A_9 : i32 to vector<16xi32>
    %add3A_11 = arith.addi %add3A_10, %and3A_6 : vector<16xi32>
    %add3A_12 = arith.constant 0 : i32
    %add3A_13 = vector.broadcast %add3A_12 : i32 to vector<16xi32>
    %add3A_14 = arith.addi %shift_right_logical3A_4, %add3A_13 : vector<16xi32>
    %add3A_15 = arith.constant 13 : i32
    %add3A_16 = vector.broadcast %add3A_15 : i32 to vector<16xi32>
    %add3A_17 = arith.addi %add3A_14, %add3A_16 : vector<16xi32>
    %gather3A = tpu.vector_load_idx %arg7[%add3A_17, %add3A_11] : memref<39x512xf32, #tpu.memory_space<vmem>>[vector<16xi32>, vector<16xi32>], vector<16xf32>,
    %convert_element_type3A = arith.fptosi %gather3A : vector<16xf32> to vector<16xi32>
    %mul3A_18 = arith.constant 100000 : i32
    %mul3A_19 = vector.broadcast %mul3A_18 : i32 to vector<16xi32>
    %mul3A_20 = arith.muli %add3A_14, %mul3A_19 : vector<16xi32>
    %add3A_21 = arith.addi %convert_element_type3A, %mul3A_20 : vector<16xi32>
    %shift_right_logical3A_22 = arith.constant 2 : i32
    %shift_right_logical3A_23 = vector.broadcast %shift_right_logical3A_22 : i32 to vector<16xi32>
    %shift_right_logical3A_24 = arith.shrui %add3A_21, %shift_right_logical3A_23 : vector<16xi32>
    %swap3A = arith.constant 0 : index
    %swap3A_25 = tpu.vector_load %arg8[%swap3A] {strides = array<i32>} : memref<208xi32, #tpu.memory_space<vmem>>, vector<16xi32>,
    tpu.vector_store %arg8[%swap3A], %shift_right_logical3A_24 {strides = array<i32>} : memref<208xi32, #tpu.memory_space<vmem>>, vector<16xi32>,
    %and3A_26 = arith.constant 3 : i32
    %and3A_27 = vector.broadcast %and3A_26 : i32 to vector<16xi32>
    %and3A_28 = arith.andi %add3A_21, %and3A_27 : vector<16xi32>
    %swap3A_29 = arith.constant 0 : index
    %swap3A_30 = tpu.vector_load %arg9[%swap3A_29] {strides = array<i32>} : memref<208xi32, #tpu.memory_space<vmem>>, vector<16xi32>,
    tpu.vector_store %arg9[%swap3A_29], %and3A_28 {strides = array<i32>} : memref<208xi32, #tpu.memory_space<vmem>>, vector<16xi32>,
    %add3A_31 = arith.constant 2 : i32
    %add3A_32 = vector.broadcast %add3A_31 : i32 to vector<16xi32>
    %add3A_33 = arith.addi %shift_right_logical3A_4, %add3A_32 : vector<16xi32>
    %add3A_34 = arith.constant 13 : i32
    %add3A_35 = vector.broadcast %add3A_34 : i32 to vector<16xi32>
    %add3A_36 = arith.addi %add3A_33, %add3A_35 : vector<16xi32>
    %gather3A_37 = tpu.vector_load_idx %arg7[%add3A_36, %add3A_11] : memref<39x512xf32, #tpu.memory_space<vmem>>[vector<16xi32>, vector<16xi32>], vector<16xf32>,
    %convert_element_type3A_38 = arith.fptosi %gather3A_37 : vector<16xf32> to vector<16xi32>
    %mul3A_39 = arith.constant 100000 : i32
    %mul3A_40 = vector.broadcast %mul3A_39 : i32 to vector<16xi32>
    %mul3A_41 = arith.muli %add3A_33, %mul3A_40 : vector<16xi32>
    %add3A_42 = arith.addi %convert_element_type3A_38, %mul3A_41 : vector<16xi32>
    %shift_right_logical3A_43 = arith.constant 2 : i32
    %shift_right_logical3A_44 = vector.broadcast %shift_right_logical3A_43 : i32 to vector<16xi32>
    %shift_right_logical3A_45 = arith.shrui %add3A_42, %shift_right_logical3A_44 : vector<16xi32>
    %swap3A_46 = arith.constant 16 : index
    %swap3A_47 = tpu.vector_load %arg8[%swap3A_46] {strides = array<i32>} : memref<208xi32, #tpu.memory_space<vmem>>, vector<16xi32>,
    tpu.vector_store %arg8[%swap3A_46], %shift_right_logical3A_45 {strides = array<i32>} : memref<208xi32, #tpu.memory_space<vmem>>, vector<16xi32>,
    %and3A_48 = arith.constant 3 : i32
    %and3A_49 = vector.broadcast %and3A_48 : i32 to vector<16xi32>
    %and3A_50 = arith.andi %add3A_42, %and3A_49 : vector<16xi32>
    %swap3A_51 = arith.constant 16 : index
    %swap3A_52 = tpu.vector_load %arg9[%swap3A_51] {strides = array<i32>} : memref<208xi32, #tpu.memory_space<vmem>>, vector<16xi32>,
    tpu.vector_store %arg9[%swap3A_51], %and3A_50 {strides = array<i32>} : memref<208xi32, #tpu.memory_space<vmem>>, vector<16xi32>,
    %add3A_53 = arith.constant 4 : i32
    %add3A_54 = vector.broadcast %add3A_53 : i32 to vector<16xi32>
    %add3A_55 = arith.addi %shift_right_logical3A_4, %add3A_54 : vector<16xi32>
    %add3A_56 = arith.constant 13 : i32
    %add3A_57 = vector.broadcast %add3A_56 : i32 to vector<16xi32>
    %add3A_58 = arith.addi %add3A_55, %add3A_57 : vector<16xi32>
    %gather3A_59 = tpu.vector_load_idx %arg7[%add3A_58, %add3A_11] : memref<39x512xf32, #tpu.memory_space<vmem>>[vector<16xi32>, vector<16xi32>], vector<16xf32>,
    %convert_element_type3A_60 = arith.fptosi %gather3A_59 : vector<16xf32> to vector<16xi32>
    %mul3A_61 = arith.constant 100000 : i32
    %mul3A_62 = vector.broadcast %mul3A_61 : i32 to vector<16xi32>
    %mul3A_63 = arith.muli %add3A_55, %mul3A_62 : vector<16xi32>
    %add3A_64 = arith.addi %convert_element_type3A_60, %mul3A_63 : vector<16xi32>
    %shift_right_logical3A_65 = arith.constant 2 : i32
    %shift_right_logical3A_66 = vector.broadcast %shift_right_logical3A_65 : i32 to vector<16xi32>
    %shift_right_logical3A_67 = arith.shrui %add3A_64, %shift_right_logical3A_66 : vector<16xi32>
    %swap3A_68 = arith.constant 32 : index
    %swap3A_69 = tpu.vector_load %arg8[%swap3A_68] {strides = array<i32>} : memref<208xi32, #tpu.memory_space<vmem>>, vector<16xi32>,
    tpu.vector_store %arg8[%swap3A_68], %shift_right_logical3A_67 {strides = array<i32>} : memref<208xi32, #tpu.memory_space<vmem>>, vector<16xi32>,
    %and3A_70 = arith.constant 3 : i32
    %and3A_71 = vector.broadcast %and3A_70 : i32 to vector<16xi32>
    %and3A_72 = arith.andi %add3A_64, %and3A_71 : vector<16xi32>
    %swap3A_73 = arith.constant 32 : index
    %swap3A_74 = tpu.vector_load %arg9[%swap3A_73] {strides = array<i32>} : memref<208xi32, #tpu.memory_space<vmem>>, vector<16xi32>,
    tpu.vector_store %arg9[%swap3A_73], %and3A_72 {strides = array<i32>} : memref<208xi32, #tpu.memory_space<vmem>>, vector<16xi32>,
    %add3A_75 = arith.constant 6 : i32
    %add3A_76 = vector.broadcast %add3A_75 : i32 to vector<16xi32>
    %add3A_77 = arith.addi %shift_right_logical3A_4, %add3A_76 : vector<16xi32>
    %add3A_78 = arith.constant 13 : i32
    %add3A_79 = vector.broadcast %add3A_78 : i32 to vector<16xi32>
    %add3A_80 = arith.addi %add3A_77, %add3A_79 : vector<16xi32>
    %gather3A_81 = tpu.vector_load_idx %arg7[%add3A_80, %add3A_11] : memref<39x512xf32, #tpu.memory_space<vmem>>[vector<16xi32>, vector<16xi32>], vector<16xf32>,
    %convert_element_type3A_82 = arith.fptosi %gather3A_81 : vector<16xf32> to vector<16xi32>
    %mul3A_83 = arith.constant 100000 : i32
    %mul3A_84 = vector.broadcast %mul3A_83 : i32 to vector<16xi32>
    %mul3A_85 = arith.muli %add3A_77, %mul3A_84 : vector<16xi32>
    %add3A_86 = arith.addi %convert_element_type3A_82, %mul3A_85 : vector<16xi32>
    %shift_right_logical3A_87 = arith.constant 2 : i32
    %shift_right_logical3A_88 = vector.broadcast %shift_right_logical3A_87 : i32 to vector<16xi32>
    %shift_right_logical3A_89 = arith.shrui %add3A_86, %shift_right_logical3A_88 : vector<16xi32>
    %swap3A_90 = arith.constant 48 : index
    %swap3A_91 = tpu.vector_load %arg8[%swap3A_90] {strides = array<i32>} : memref<208xi32, #tpu.memory_space<vmem>>, vector<16xi32>,
    tpu.vector_store %arg8[%swap3A_90], %shift_right_logical3A_89 {strides = array<i32>} : memref<208xi32, #tpu.memory_space<vmem>>, vector<16xi32>,
    %and3A_92 = arith.constant 3 : i32
    %and3A_93 = vector.broadcast %and3A_92 : i32 to vector<16xi32>
    %and3A_94 = arith.andi %add3A_86, %and3A_93 : vector<16xi32>
    %swap3A_95 = arith.constant 48 : index
    %swap3A_96 = tpu.vector_load %arg9[%swap3A_95] {strides = array<i32>} : memref<208xi32, #tpu.memory_space<vmem>>, vector<16xi32>,
    tpu.vector_store %arg9[%swap3A_95], %and3A_94 {strides = array<i32>} : memref<208xi32, #tpu.memory_space<vmem>>, vector<16xi32>,
    %add3A_97 = arith.constant 8 : i32
    %add3A_98 = vector.broadcast %add3A_97 : i32 to vector<16xi32>
    %add3A_99 = arith.addi %shift_right_logical3A_4, %add3A_98 : vector<16xi32>
    %add3A_100 = arith.constant 13 : i32
    %add3A_101 = vector.broadcast %add3A_100 : i32 to vector<16xi32>
    %add3A_102 = arith.addi %add3A_99, %add3A_101 : vector<16xi32>
    %gather3A_103 = tpu.vector_load_idx %arg7[%add3A_102, %add3A_11] : memref<39x512xf32, #tpu.memory_space<vmem>>[vector<16xi32>, vector<16xi32>], vector<16xf32>,
    %convert_element_type3A_104 = arith.fptosi %gather3A_103 : vector<16xf32> to vector<16xi32>
    %mul3A_105 = arith.constant 100000 : i32
    %mul3A_106 = vector.broadcast %mul3A_105 : i32 to vector<16xi32>
    %mul3A_107 = arith.muli %add3A_99, %mul3A_106 : vector<16xi32>
    %add3A_108 = arith.addi %convert_element_type3A_104, %mul3A_107 : vector<16xi32>
    %shift_right_logical3A_109 = arith.constant 2 : i32
    %shift_right_logical3A_110 = vector.broadcast %shift_right_logical3A_109 : i32 to vector<16xi32>
    %shift_right_logical3A_111 = arith.shrui %add3A_108, %shift_right_logical3A_110 : vector<16xi32>
    %swap3A_112 = arith.constant 64 : index
    %swap3A_113 = tpu.vector_load %arg8[%swap3A_112] {strides = array<i32>} : memref<208xi32, #tpu.memory_space<vmem>>, vector<16xi32>,
    tpu.vector_store %arg8[%swap3A_112], %shift_right_logical3A_111 {strides = array<i32>} : memref<208xi32, #tpu.memory_space<vmem>>, vector<16xi32>,
    %and3A_114 = arith.constant 3 : i32
    %and3A_115 = vector.broadcast %and3A_114 : i32 to vector<16xi32>
    %and3A_116 = arith.andi %add3A_108, %and3A_115 : vector<16xi32>
    %swap3A_117 = arith.constant 64 : index
    %swap3A_118 = tpu.vector_load %arg9[%swap3A_117] {strides = array<i32>} : memref<208xi32, #tpu.memory_space<vmem>>, vector<16xi32>,
    tpu.vector_store %arg9[%swap3A_117], %and3A_116 {strides = array<i32>} : memref<208xi32, #tpu.memory_space<vmem>>, vector<16xi32>,
    %add3A_119 = arith.constant 10 : i32
    %add3A_120 = vector.broadcast %add3A_119 : i32 to vector<16xi32>
    %add3A_121 = arith.addi %shift_right_logical3A_4, %add3A_120 : vector<16xi32>
    %add3A_122 = arith.constant 13 : i32
    %add3A_123 = vector.broadcast %add3A_122 : i32 to vector<16xi32>
    %add3A_124 = arith.addi %add3A_121, %add3A_123 : vector<16xi32>
    %gather3A_125 = tpu.vector_load_idx %arg7[%add3A_124, %add3A_11] : memref<39x512xf32, #tpu.memory_space<vmem>>[vector<16xi32>, vector<16xi32>], vector<16xf32>,
    %convert_element_type3A_126 = arith.fptosi %gather3A_125 : vector<16xf32> to vector<16xi32>
    %mul3A_127 = arith.constant 100000 : i32
    %mul3A_128 = vector.broadcast %mul3A_127 : i32 to vector<16xi32>
    %mul3A_129 = arith.muli %add3A_121, %mul3A_128 : vector<16xi32>
    %add3A_130 = arith.addi %convert_element_type3A_126, %mul3A_129 : vector<16xi32>
    %shift_right_logical3A_131 = arith.constant 2 : i32
    %shift_right_logical3A_132 = vector.broadcast %shift_right_logical3A_131 : i32 to vector<16xi32>
    %shift_right_logical3A_133 = arith.shrui %add3A_130, %shift_right_logical3A_132 : vector<16xi32>
    %swap3A_134 = arith.constant 80 : index
    %swap3A_135 = tpu.vector_load %arg8[%swap3A_134] {strides = array<i32>} : memref<208xi32, #tpu.memory_space<vmem>>, vector<16xi32>,
    tpu.vector_store %arg8[%swap3A_134], %shift_right_logical3A_133 {strides = array<i32>} : memref<208xi32, #tpu.memory_space<vmem>>, vector<16xi32>,
    %and3A_136 = arith.constant 3 : i32
    %and3A_137 = vector.broadcast %and3A_136 : i32 to vector<16xi32>
    %and3A_138 = arith.andi %add3A_130, %and3A_137 : vector<16xi32>
    %swap3A_139 = arith.constant 80 : index
    %swap3A_140 = tpu.vector_load %arg9[%swap3A_139] {strides = array<i32>} : memref<208xi32, #tpu.memory_space<vmem>>, vector<16xi32>,
    tpu.vector_store %arg9[%swap3A_139], %and3A_138 {strides = array<i32>} : memref<208xi32, #tpu.memory_space<vmem>>, vector<16xi32>,
    %add3A_141 = arith.constant 12 : i32
    %add3A_142 = vector.broadcast %add3A_141 : i32 to vector<16xi32>
    %add3A_143 = arith.addi %shift_right_logical3A_4, %add3A_142 : vector<16xi32>
    %add3A_144 = arith.constant 13 : i32
    %add3A_145 = vector.broadcast %add3A_144 : i32 to vector<16xi32>
    %add3A_146 = arith.addi %add3A_143, %add3A_145 : vector<16xi32>
    %gather3A_147 = tpu.vector_load_idx %arg7[%add3A_146, %add3A_11] : memref<39x512xf32, #tpu.memory_space<vmem>>[vector<16xi32>, vector<16xi32>], vector<16xf32>,
    %convert_element_type3A_148 = arith.fptosi %gather3A_147 : vector<16xf32> to vector<16xi32>
    %mul3A_149 = arith.constant 100000 : i32
    %mul3A_150 = vector.broadcast %mul3A_149 : i32 to vector<16xi32>
    %mul3A_151 = arith.muli %add3A_143, %mul3A_150 : vector<16xi32>
    %add3A_152 = arith.addi %convert_element_type3A_148, %mul3A_151 : vector<16xi32>
    %shift_right_logical3A_153 = arith.constant 2 : i32
    %shift_right_logical3A_154 = vector.broadcast %shift_right_logical3A_153 : i32 to vector<16xi32>
    %shift_right_logical3A_155 = arith.shrui %add3A_152, %shift_right_logical3A_154 : vector<16xi32>
    %swap3A_156 = arith.constant 96 : index
    %swap3A_157 = tpu.vector_load %arg8[%swap3A_156] {strides = array<i32>} : memref<208xi32, #tpu.memory_space<vmem>>, vector<16xi32>,
    tpu.vector_store %arg8[%swap3A_156], %shift_right_logical3A_155 {strides = array<i32>} : memref<208xi32, #tpu.memory_space<vmem>>, vector<16xi32>,
    %and3A_158 = arith.constant 3 : i32
    %and3A_159 = vector.broadcast %and3A_158 : i32 to vector<16xi32>
    %and3A_160 = arith.andi %add3A_152, %and3A_159 : vector<16xi32>
    %swap3A_161 = arith.constant 96 : index
    %swap3A_162 = tpu.vector_load %arg9[%swap3A_161] {strides = array<i32>} : memref<208xi32, #tpu.memory_space<vmem>>, vector<16xi32>,
    tpu.vector_store %arg9[%swap3A_161], %and3A_160 {strides = array<i32>} : memref<208xi32, #tpu.memory_space<vmem>>, vector<16xi32>,
    %add3A_163 = arith.constant 14 : i32
    %add3A_164 = vector.broadcast %add3A_163 : i32 to vector<16xi32>
    %add3A_165 = arith.addi %shift_right_logical3A_4, %add3A_164 : vector<16xi32>
    %add3A_166 = arith.constant 13 : i32
    %add3A_167 = vector.broadcast %add3A_166 : i32 to vector<16xi32>
    %add3A_168 = arith.addi %add3A_165, %add3A_167 : vector<16xi32>
    %gather3A_169 = tpu.vector_load_idx %arg7[%add3A_168, %add3A_11] : memref<39x512xf32, #tpu.memory_space<vmem>>[vector<16xi32>, vector<16xi32>], vector<16xf32>,
    %convert_element_type3A_170 = arith.fptosi %gather3A_169 : vector<16xf32> to vector<16xi32>
    %mul3A_171 = arith.constant 100000 : i32
    %mul3A_172 = vector.broadcast %mul3A_171 : i32 to vector<16xi32>
    %mul3A_173 = arith.muli %add3A_165, %mul3A_172 : vector<16xi32>
    %add3A_174 = arith.addi %convert_element_type3A_170, %mul3A_173 : vector<16xi32>
    %shift_right_logical3A_175 = arith.constant 2 : i32
    %shift_right_logical3A_176 = vector.broadcast %shift_right_logical3A_175 : i32 to vector<16xi32>
    %shift_right_logical3A_177 = arith.shrui %add3A_174, %shift_right_logical3A_176 : vector<16xi32>
    %swap3A_178 = arith.constant 112 : index
    %swap3A_179 = tpu.vector_load %arg8[%swap3A_178] {strides = array<i32>} : memref<208xi32, #tpu.memory_space<vmem>>, vector<16xi32>,
    tpu.vector_store %arg8[%swap3A_178], %shift_right_logical3A_177 {strides = array<i32>} : memref<208xi32, #tpu.memory_space<vmem>>, vector<16xi32>,
    %and3A_180 = arith.constant 3 : i32
    %and3A_181 = vector.broadcast %and3A_180 : i32 to vector<16xi32>
    %and3A_182 = arith.andi %add3A_174, %and3A_181 : vector<16xi32>
    %swap3A_183 = arith.constant 112 : index
    %swap3A_184 = tpu.vector_load %arg9[%swap3A_183] {strides = array<i32>} : memref<208xi32, #tpu.memory_space<vmem>>, vector<16xi32>,
    tpu.vector_store %arg9[%swap3A_183], %and3A_182 {strides = array<i32>} : memref<208xi32, #tpu.memory_space<vmem>>, vector<16xi32>,
    %add3A_185 = arith.constant 16 : i32
    %add3A_186 = vector.broadcast %add3A_185 : i32 to vector<16xi32>
    %add3A_187 = arith.addi %shift_right_logical3A_4, %add3A_186 : vector<16xi32>
    %add3A_188 = arith.constant 13 : i32
    %add3A_189 = vector.broadcast %add3A_188 : i32 to vector<16xi32>
    %add3A_190 = arith.addi %add3A_187, %add3A_189 : vector<16xi32>
    %gather3A_191 = tpu.vector_load_idx %arg7[%add3A_190, %add3A_11] : memref<39x512xf32, #tpu.memory_space<vmem>>[vector<16xi32>, vector<16xi32>], vector<16xf32>,
    %convert_element_type3A_192 = arith.fptosi %gather3A_191 : vector<16xf32> to vector<16xi32>
    %mul3A_193 = arith.constant 100000 : i32
    %mul3A_194 = vector.broadcast %mul3A_193 : i32 to vector<16xi32>
    %mul3A_195 = arith.muli %add3A_187, %mul3A_194 : vector<16xi32>
    %add3A_196 = arith.addi %convert_element_type3A_192, %mul3A_195 : vector<16xi32>
    %shift_right_logical3A_197 = arith.constant 2 : i32
    %shift_right_logical3A_198 = vector.broadcast %shift_right_logical3A_197 : i32 to vector<16xi32>
    %shift_right_logical3A_199 = arith.shrui %add3A_196, %shift_right_logical3A_198 : vector<16xi32>
    %swap3A_200 = arith.constant 128 : index
    %swap3A_201 = tpu.vector_load %arg8[%swap3A_200] {strides = array<i32>} : memref<208xi32, #tpu.memory_space<vmem>>, vector<16xi32>,
    tpu.vector_store %arg8[%swap3A_200], %shift_right_logical3A_199 {strides = array<i32>} : memref<208xi32, #tpu.memory_space<vmem>>, vector<16xi32>,
    %and3A_202 = arith.constant 3 : i32
    %and3A_203 = vector.broadcast %and3A_202 : i32 to vector<16xi32>
    %and3A_204 = arith.andi %add3A_196, %and3A_203 : vector<16xi32>
    %swap3A_205 = arith.constant 128 : index
    %swap3A_206 = tpu.vector_load %arg9[%swap3A_205] {strides = array<i32>} : memref<208xi32, #tpu.memory_space<vmem>>, vector<16xi32>,
    tpu.vector_store %arg9[%swap3A_205], %and3A_204 {strides = array<i32>} : memref<208xi32, #tpu.memory_space<vmem>>, vector<16xi32>,
    %add3A_207 = arith.constant 18 : i32
    %add3A_208 = vector.broadcast %add3A_207 : i32 to vector<16xi32>
    %add3A_209 = arith.addi %shift_right_logical3A_4, %add3A_208 : vector<16xi32>
    %add3A_210 = arith.constant 13 : i32
    %add3A_211 = vector.broadcast %add3A_210 : i32 to vector<16xi32>
    %add3A_212 = arith.addi %add3A_209, %add3A_211 : vector<16xi32>
    %gather3A_213 = tpu.vector_load_idx %arg7[%add3A_212, %add3A_11] : memref<39x512xf32, #tpu.memory_space<vmem>>[vector<16xi32>, vector<16xi32>], vector<16xf32>,
    %convert_element_type3A_214 = arith.fptosi %gather3A_213 : vector<16xf32> to vector<16xi32>
    %mul3A_215 = arith.constant 100000 : i32
    %mul3A_216 = vector.broadcast %mul3A_215 : i32 to vector<16xi32>
    %mul3A_217 = arith.muli %add3A_209, %mul3A_216 : vector<16xi32>
    %add3A_218 = arith.addi %convert_element_type3A_214, %mul3A_217 : vector<16xi32>
    %shift_right_logical3A_219 = arith.constant 2 : i32
    %shift_right_logical3A_220 = vector.broadcast %shift_right_logical3A_219 : i32 to vector<16xi32>
    %shift_right_logical3A_221 = arith.shrui %add3A_218, %shift_right_logical3A_220 : vector<16xi32>
    %swap3A_222 = arith.constant 144 : index
    %swap3A_223 = tpu.vector_load %arg8[%swap3A_222] {strides = array<i32>} : memref<208xi32, #tpu.memory_space<vmem>>, vector<16xi32>,
    tpu.vector_store %arg8[%swap3A_222], %shift_right_logical3A_221 {strides = array<i32>} : memref<208xi32, #tpu.memory_space<vmem>>, vector<16xi32>,
    %and3A_224 = arith.constant 3 : i32
    %and3A_225 = vector.broadcast %and3A_224 : i32 to vector<16xi32>
    %and3A_226 = arith.andi %add3A_218, %and3A_225 : vector<16xi32>
    %swap3A_227 = arith.constant 144 : index
    %swap3A_228 = tpu.vector_load %arg9[%swap3A_227] {strides = array<i32>} : memref<208xi32, #tpu.memory_space<vmem>>, vector<16xi32>,
    tpu.vector_store %arg9[%swap3A_227], %and3A_226 {strides = array<i32>} : memref<208xi32, #tpu.memory_space<vmem>>, vector<16xi32>,
    %add3A_229 = arith.constant 20 : i32
    %add3A_230 = vector.broadcast %add3A_229 : i32 to vector<16xi32>
    %add3A_231 = arith.addi %shift_right_logical3A_4, %add3A_230 : vector<16xi32>
    %add3A_232 = arith.constant 13 : i32
    %add3A_233 = vector.broadcast %add3A_232 : i32 to vector<16xi32>
    %add3A_234 = arith.addi %add3A_231, %add3A_233 : vector<16xi32>
    %gather3A_235 = tpu.vector_load_idx %arg7[%add3A_234, %add3A_11] : memref<39x512xf32, #tpu.memory_space<vmem>>[vector<16xi32>, vector<16xi32>], vector<16xf32>,
    %convert_element_type3A_236 = arith.fptosi %gather3A_235 : vector<16xf32> to vector<16xi32>
    %mul3A_237 = arith.constant 100000 : i32
    %mul3A_238 = vector.broadcast %mul3A_237 : i32 to vector<16xi32>
    %mul3A_239 = arith.muli %add3A_231, %mul3A_238 : vector<16xi32>
    %add3A_240 = arith.addi %convert_element_type3A_236, %mul3A_239 : vector<16xi32>
    %shift_right_logical3A_241 = arith.constant 2 : i32
    %shift_right_logical3A_242 = vector.broadcast %shift_right_logical3A_241 : i32 to vector<16xi32>
    %shift_right_logical3A_243 = arith.shrui %add3A_240, %shift_right_logical3A_242 : vector<16xi32>
    %swap3A_244 = arith.constant 160 : index
    %swap3A_245 = tpu.vector_load %arg8[%swap3A_244] {strides = array<i32>} : memref<208xi32, #tpu.memory_space<vmem>>, vector<16xi32>,
    tpu.vector_store %arg8[%swap3A_244], %shift_right_logical3A_243 {strides = array<i32>} : memref<208xi32, #tpu.memory_space<vmem>>, vector<16xi32>,
    %and3A_246 = arith.constant 3 : i32
    %and3A_247 = vector.broadcast %and3A_246 : i32 to vector<16xi32>
    %and3A_248 = arith.andi %add3A_240, %and3A_247 : vector<16xi32>
    %swap3A_249 = arith.constant 160 : index
    %swap3A_250 = tpu.vector_load %arg9[%swap3A_249] {strides = array<i32>} : memref<208xi32, #tpu.memory_space<vmem>>, vector<16xi32>,
    tpu.vector_store %arg9[%swap3A_249], %and3A_248 {strides = array<i32>} : memref<208xi32, #tpu.memory_space<vmem>>, vector<16xi32>,
    %add3A_251 = arith.constant 22 : i32
    %add3A_252 = vector.broadcast %add3A_251 : i32 to vector<16xi32>
    %add3A_253 = arith.addi %shift_right_logical3A_4, %add3A_252 : vector<16xi32>
    %add3A_254 = arith.constant 13 : i32
    %add3A_255 = vector.broadcast %add3A_254 : i32 to vector<16xi32>
    %add3A_256 = arith.addi %add3A_253, %add3A_255 : vector<16xi32>
    %gather3A_257 = tpu.vector_load_idx %arg7[%add3A_256, %add3A_11] : memref<39x512xf32, #tpu.memory_space<vmem>>[vector<16xi32>, vector<16xi32>], vector<16xf32>,
    %convert_element_type3A_258 = arith.fptosi %gather3A_257 : vector<16xf32> to vector<16xi32>
    %mul3A_259 = arith.constant 100000 : i32
    %mul3A_260 = vector.broadcast %mul3A_259 : i32 to vector<16xi32>
    %mul3A_261 = arith.muli %add3A_253, %mul3A_260 : vector<16xi32>
    %add3A_262 = arith.addi %convert_element_type3A_258, %mul3A_261 : vector<16xi32>
    %shift_right_logical3A_263 = arith.constant 2 : i32
    %shift_right_logical3A_264 = vector.broadcast %shift_right_logical3A_263 : i32 to vector<16xi32>
    %shift_right_logical3A_265 = arith.shrui %add3A_262, %shift_right_logical3A_264 : vector<16xi32>
    %swap3A_266 = arith.constant 176 : index
    %swap3A_267 = tpu.vector_load %arg8[%swap3A_266] {strides = array<i32>} : memref<208xi32, #tpu.memory_space<vmem>>, vector<16xi32>,
    tpu.vector_store %arg8[%swap3A_266], %shift_right_logical3A_265 {strides = array<i32>} : memref<208xi32, #tpu.memory_space<vmem>>, vector<16xi32>,
    %and3A_268 = arith.constant 3 : i32
    %and3A_269 = vector.broadcast %and3A_268 : i32 to vector<16xi32>
    %and3A_270 = arith.andi %add3A_262, %and3A_269 : vector<16xi32>
    %swap3A_271 = arith.constant 176 : index
    %swap3A_272 = tpu.vector_load %arg9[%swap3A_271] {strides = array<i32>} : memref<208xi32, #tpu.memory_space<vmem>>, vector<16xi32>,
    tpu.vector_store %arg9[%swap3A_271], %and3A_270 {strides = array<i32>} : memref<208xi32, #tpu.memory_space<vmem>>, vector<16xi32>,
    %add3A_273 = arith.constant 24 : i32
    %add3A_274 = vector.broadcast %add3A_273 : i32 to vector<16xi32>
    %add3A_275 = arith.addi %shift_right_logical3A_4, %add3A_274 : vector<16xi32>
    %add3A_276 = arith.constant 13 : i32
    %add3A_277 = vector.broadcast %add3A_276 : i32 to vector<16xi32>
    %add3A_278 = arith.addi %add3A_275, %add3A_277 : vector<16xi32>
    %gather3A_279 = tpu.vector_load_idx %arg7[%add3A_278, %add3A_11] : memref<39x512xf32, #tpu.memory_space<vmem>>[vector<16xi32>, vector<16xi32>], vector<16xf32>,
    %convert_element_type3A_280 = arith.fptosi %gather3A_279 : vector<16xf32> to vector<16xi32>
    %mul3A_281 = arith.constant 100000 : i32
    %mul3A_282 = vector.broadcast %mul3A_281 : i32 to vector<16xi32>
    %mul3A_283 = arith.muli %add3A_275, %mul3A_282 : vector<16xi32>
    %add3A_284 = arith.addi %convert_element_type3A_280, %mul3A_283 : vector<16xi32>
    %shift_right_logical3A_285 = arith.constant 2 : i32
    %shift_right_logical3A_286 = vector.broadcast %shift_right_logical3A_285 : i32 to vector<16xi32>
    %shift_right_logical3A_287 = arith.shrui %add3A_284, %shift_right_logical3A_286 : vector<16xi32>
    %swap3A_288 = arith.constant 192 : index
    %swap3A_289 = tpu.vector_load %arg8[%swap3A_288] {strides = array<i32>} : memref<208xi32, #tpu.memory_space<vmem>>, vector<16xi32>,
    tpu.vector_store %arg8[%swap3A_288], %shift_right_logical3A_287 {strides = array<i32>} : memref<208xi32, #tpu.memory_space<vmem>>, vector<16xi32>,
    %and3A_290 = arith.constant 3 : i32
    %and3A_291 = vector.broadcast %and3A_290 : i32 to vector<16xi32>
    %and3A_292 = arith.andi %add3A_284, %and3A_291 : vector<16xi32>
    %swap3A_293 = arith.constant 192 : index
    %swap3A_294 = tpu.vector_load %arg9[%swap3A_293] {strides = array<i32>} : memref<208xi32, #tpu.memory_space<vmem>>, vector<16xi32>,
    tpu.vector_store %arg9[%swap3A_293], %and3A_292 {strides = array<i32>} : memref<208xi32, #tpu.memory_space<vmem>>, vector<16xi32>,
    %dma_start3A = arith.constant 0 : i32
    %dma_start3A_295 = arith.constant 0 : i32
    %dma_start3A_296 = tpu.memref_slice %arg12[%dma_start3A, %dma_start3A_295] : memref<208x128xf32, #tpu.memory_space<vmem>> -> memref<104x128xf32, #tpu.memory_space<vmem>>
    %dma_start3A_297 = arith.constant 0 : i32
    %dma_start3A_298 = tpu.memref_slice %arg8[%dma_start3A_297] : memref<208xi32, #tpu.memory_space<vmem>> -> memref<104xi32, #tpu.memory_space<vmem>>
    %dma_start3A_299 = arith.constant 0 : i32
    %dma_start3A_300 = arith.constant 0 : i32
    %dma_start3A_301 = tpu.memref_slice %arg3[%dma_start3A_299, %dma_start3A_300] : memref<650000x128xf32, #tpu.memory_space<hbm>> -> memref<650000x128xf32, #tpu.memory_space<hbm>>
    tpu.enqueue_indirect_dma source(%dma_start3A_301 : memref<650000x128xf32, #tpu.memory_space<hbm>>) target(%dma_start3A_296 : memref<104x128xf32, #tpu.memory_space<vmem>>) offsets(%dma_start3A_298 : memref<104xi32, #tpu.memory_space<vmem>>) semaphore(%arg18 : memref<!tpu.dma_semaphore, #tpu.memory_space<semaphore_mem>>)
    %dma_start3A_302 = arith.constant 104 : i32
    %dma_start3A_303 = arith.constant 0 : i32
    %dma_start3A_304 = tpu.memref_slice %arg12[%dma_start3A_302, %dma_start3A_303] : memref<208x128xf32, #tpu.memory_space<vmem>> -> memref<104x128xf32, #tpu.memory_space<vmem>>
    %dma_start3A_305 = arith.constant 104 : i32
    %dma_start3A_306 = tpu.memref_slice %arg8[%dma_start3A_305] : memref<208xi32, #tpu.memory_space<vmem>> -> memref<104xi32, #tpu.memory_space<vmem>>
    %dma_start3A_307 = arith.constant 0 : i32
    %dma_start3A_308 = arith.constant 0 : i32
    %dma_start3A_309 = tpu.memref_slice %arg3[%dma_start3A_307, %dma_start3A_308] : memref<650000x128xf32, #tpu.memory_space<hbm>> -> memref<650000x128xf32, #tpu.memory_space<hbm>>
    tpu.enqueue_indirect_dma source(%dma_start3A_309 : memref<650000x128xf32, #tpu.memory_space<hbm>>) target(%dma_start3A_304 : memref<104x128xf32, #tpu.memory_space<vmem>>) offsets(%dma_start3A_306 : memref<104xi32, #tpu.memory_space<vmem>>) semaphore(%arg18 : memref<!tpu.dma_semaphore, #tpu.memory_space<semaphore_mem>>)
    %scan3A = arith.constant 0 : i32
    %scan3A_310 = arith.constant 0 : i32
    %scan3A_311 = arith.constant 32 : i32
    %scan3A_312 = arith.addi %scan3A_310, %scan3A_311 : i32
    %scan3A_313 = arith.constant 1 : i32
    scf.for %scan3A_326 = %scan3A_310 to %scan3A_312 step %scan3A_313  : i32 {
      %mul3A_327 = arith.constant 2 : i32
      %mul3A_328 = arith.muli %mul3A_327, %scan3A_326 : i32
      %mul3A_329 = arith.constant 2 : i32
      %mul3A_330 = arith.muli %mul3A_329, %scan3A_326 : i32
      %add3A_331 = arith.constant 1 : i32
      %add3A_332 = arith.addi %mul3A_330, %add3A_331 : i32
      %mul3A_333 = arith.constant 8 : i32
      %mul3A_334 = arith.muli %add3A_332, %mul3A_333 : i32
      %add3A_335 = vector.broadcast %mul3A_334 : i32 to vector<16xi32>
      %add3A_336 = arith.addi %add3A_335, %and3A_6 : vector<16xi32>
      %add3A_337 = arith.constant 0 : i32
      %add3A_338 = vector.broadcast %add3A_337 : i32 to vector<16xi32>
      %add3A_339 = arith.addi %shift_right_logical3A_4, %add3A_338 : vector<16xi32>
      %add3A_340 = arith.constant 13 : i32
      %add3A_341 = vector.broadcast %add3A_340 : i32 to vector<16xi32>
      %add3A_342 = arith.addi %add3A_339, %add3A_341 : vector<16xi32>
      %gather3A_343 = tpu.vector_load_idx %arg7[%add3A_342, %add3A_336] : memref<39x512xf32, #tpu.memory_space<vmem>>[vector<16xi32>, vector<16xi32>], vector<16xf32>,
      %convert_element_type3A_344 = arith.fptosi %gather3A_343 : vector<16xf32> to vector<16xi32>
      %mul3A_345 = arith.constant 100000 : i32
      %mul3A_346 = vector.broadcast %mul3A_345 : i32 to vector<16xi32>
      %mul3A_347 = arith.muli %add3A_339, %mul3A_346 : vector<16xi32>
      %add3A_348 = arith.addi %convert_element_type3A_344, %mul3A_347 : vector<16xi32>
      %shift_right_logical3A_349 = arith.constant 2 : i32
      %shift_right_logical3A_350 = vector.broadcast %shift_right_logical3A_349 : i32 to vector<16xi32>
      %shift_right_logical3A_351 = arith.shrui %add3A_348, %shift_right_logical3A_350 : vector<16xi32>
      %swap3A_352 = arith.constant 0 : index
      %swap3A_353 = tpu.vector_load %arg10[%swap3A_352] {strides = array<i32>} : memref<208xi32, #tpu.memory_space<vmem>>, vector<16xi32>,
      tpu.vector_store %arg10[%swap3A_352], %shift_right_logical3A_351 {strides = array<i32>} : memref<208xi32, #tpu.memory_space<vmem>>, vector<16xi32>,
      %and3A_354 = arith.constant 3 : i32
      %and3A_355 = vector.broadcast %and3A_354 : i32 to vector<16xi32>
      %and3A_356 = arith.andi %add3A_348, %and3A_355 : vector<16xi32>
      %swap3A_357 = arith.constant 0 : index
      %swap3A_358 = tpu.vector_load %arg11[%swap3A_357] {strides = array<i32>} : memref<208xi32, #tpu.memory_space<vmem>>, vector<16xi32>,
      tpu.vector_store %arg11[%swap3A_357], %and3A_356 {strides = array<i32>} : memref<208xi32, #tpu.memory_space<vmem>>, vector<16xi32>,
      %add3A_359 = arith.constant 2 : i32
      %add3A_360 = vector.broadcast %add3A_359 : i32 to vector<16xi32>
      %add3A_361 = arith.addi %shift_right_logical3A_4, %add3A_360 : vector<16xi32>
      %add3A_362 = arith.constant 13 : i32
      %add3A_363 = vector.broadcast %add3A_362 : i32 to vector<16xi32>
      %add3A_364 = arith.addi %add3A_361, %add3A_363 : vector<16xi32>
      %gather3A_365 = tpu.vector_load_idx %arg7[%add3A_364, %add3A_336] : memref<39x512xf32, #tpu.memory_space<vmem>>[vector<16xi32>, vector<16xi32>], vector<16xf32>,
      %convert_element_type3A_366 = arith.fptosi %gather3A_365 : vector<16xf32> to vector<16xi32>
      %mul3A_367 = arith.constant 100000 : i32
      %mul3A_368 = vector.broadcast %mul3A_367 : i32 to vector<16xi32>
      %mul3A_369 = arith.muli %add3A_361, %mul3A_368 : vector<16xi32>
      %add3A_370 = arith.addi %convert_element_type3A_366, %mul3A_369 : vector<16xi32>
      %shift_right_logical3A_371 = arith.constant 2 : i32
      %shift_right_logical3A_372 = vector.broadcast %shift_right_logical3A_371 : i32 to vector<16xi32>
      %shift_right_logical3A_373 = arith.shrui %add3A_370, %shift_right_logical3A_372 : vector<16xi32>
      %swap3A_374 = arith.constant 16 : index
      %swap3A_375 = tpu.vector_load %arg10[%swap3A_374] {strides = array<i32>} : memref<208xi32, #tpu.memory_space<vmem>>, vector<16xi32>,
      tpu.vector_store %arg10[%swap3A_374], %shift_right_logical3A_373 {strides = array<i32>} : memref<208xi32, #tpu.memory_space<vmem>>, vector<16xi32>,
      %and3A_376 = arith.constant 3 : i32
      %and3A_377 = vector.broadcast %and3A_376 : i32 to vector<16xi32>
      %and3A_378 = arith.andi %add3A_370, %and3A_377 : vector<16xi32>
      %swap3A_379 = arith.constant 16 : index
      %swap3A_380 = tpu.vector_load %arg11[%swap3A_379] {strides = array<i32>} : memref<208xi32, #tpu.memory_space<vmem>>, vector<16xi32>,
      tpu.vector_store %arg11[%swap3A_379], %and3A_378 {strides = array<i32>} : memref<208xi32, #tpu.memory_space<vmem>>, vector<16xi32>,
      %add3A_381 = arith.constant 4 : i32
      %add3A_382 = vector.broadcast %add3A_381 : i32 to vector<16xi32>
      %add3A_383 = arith.addi %shift_right_logical3A_4, %add3A_382 : vector<16xi32>
      %add3A_384 = arith.constant 13 : i32
      %add3A_385 = vector.broadcast %add3A_384 : i32 to vector<16xi32>
      %add3A_386 = arith.addi %add3A_383, %add3A_385 : vector<16xi32>
      %gather3A_387 = tpu.vector_load_idx %arg7[%add3A_386, %add3A_336] : memref<39x512xf32, #tpu.memory_space<vmem>>[vector<16xi32>, vector<16xi32>], vector<16xf32>,
      %convert_element_type3A_388 = arith.fptosi %gather3A_387 : vector<16xf32> to vector<16xi32>
      %mul3A_389 = arith.constant 100000 : i32
      %mul3A_390 = vector.broadcast %mul3A_389 : i32 to vector<16xi32>
      %mul3A_391 = arith.muli %add3A_383, %mul3A_390 : vector<16xi32>
      %add3A_392 = arith.addi %convert_element_type3A_388, %mul3A_391 : vector<16xi32>
      %shift_right_logical3A_393 = arith.constant 2 : i32
      %shift_right_logical3A_394 = vector.broadcast %shift_right_logical3A_393 : i32 to vector<16xi32>
      %shift_right_logical3A_395 = arith.shrui %add3A_392, %shift_right_logical3A_394 : vector<16xi32>
      %swap3A_396 = arith.constant 32 : index
      %swap3A_397 = tpu.vector_load %arg10[%swap3A_396] {strides = array<i32>} : memref<208xi32, #tpu.memory_space<vmem>>, vector<16xi32>,
      tpu.vector_store %arg10[%swap3A_396], %shift_right_logical3A_395 {strides = array<i32>} : memref<208xi32, #tpu.memory_space<vmem>>, vector<16xi32>,
      %and3A_398 = arith.constant 3 : i32
      %and3A_399 = vector.broadcast %and3A_398 : i32 to vector<16xi32>
      %and3A_400 = arith.andi %add3A_392, %and3A_399 : vector<16xi32>
      %swap3A_401 = arith.constant 32 : index
      %swap3A_402 = tpu.vector_load %arg11[%swap3A_401] {strides = array<i32>} : memref<208xi32, #tpu.memory_space<vmem>>, vector<16xi32>,
      tpu.vector_store %arg11[%swap3A_401], %and3A_400 {strides = array<i32>} : memref<208xi32, #tpu.memory_space<vmem>>, vector<16xi32>,
      %add3A_403 = arith.constant 6 : i32
      %add3A_404 = vector.broadcast %add3A_403 : i32 to vector<16xi32>
      %add3A_405 = arith.addi %shift_right_logical3A_4, %add3A_404 : vector<16xi32>
      %add3A_406 = arith.constant 13 : i32
      %add3A_407 = vector.broadcast %add3A_406 : i32 to vector<16xi32>
      %add3A_408 = arith.addi %add3A_405, %add3A_407 : vector<16xi32>
      %gather3A_409 = tpu.vector_load_idx %arg7[%add3A_408, %add3A_336] : memref<39x512xf32, #tpu.memory_space<vmem>>[vector<16xi32>, vector<16xi32>], vector<16xf32>,
      %convert_element_type3A_410 = arith.fptosi %gather3A_409 : vector<16xf32> to vector<16xi32>
      %mul3A_411 = arith.constant 100000 : i32
      %mul3A_412 = vector.broadcast %mul3A_411 : i32 to vector<16xi32>
      %mul3A_413 = arith.muli %add3A_405, %mul3A_412 : vector<16xi32>
      %add3A_414 = arith.addi %convert_element_type3A_410, %mul3A_413 : vector<16xi32>
      %shift_right_logical3A_415 = arith.constant 2 : i32
      %shift_right_logical3A_416 = vector.broadcast %shift_right_logical3A_415 : i32 to vector<16xi32>
      %shift_right_logical3A_417 = arith.shrui %add3A_414, %shift_right_logical3A_416 : vector<16xi32>
      %swap3A_418 = arith.constant 48 : index
      %swap3A_419 = tpu.vector_load %arg10[%swap3A_418] {strides = array<i32>} : memref<208xi32, #tpu.memory_space<vmem>>, vector<16xi32>,
      tpu.vector_store %arg10[%swap3A_418], %shift_right_logical3A_417 {strides = array<i32>} : memref<208xi32, #tpu.memory_space<vmem>>, vector<16xi32>,
      %and3A_420 = arith.constant 3 : i32
      %and3A_421 = vector.broadcast %and3A_420 : i32 to vector<16xi32>
      %and3A_422 = arith.andi %add3A_414, %and3A_421 : vector<16xi32>
      %swap3A_423 = arith.constant 48 : index
      %swap3A_424 = tpu.vector_load %arg11[%swap3A_423] {strides = array<i32>} : memref<208xi32, #tpu.memory_space<vmem>>, vector<16xi32>,
      tpu.vector_store %arg11[%swap3A_423], %and3A_422 {strides = array<i32>} : memref<208xi32, #tpu.memory_space<vmem>>, vector<16xi32>,
      %add3A_425 = arith.constant 8 : i32
      %add3A_426 = vector.broadcast %add3A_425 : i32 to vector<16xi32>
      %add3A_427 = arith.addi %shift_right_logical3A_4, %add3A_426 : vector<16xi32>
      %add3A_428 = arith.constant 13 : i32
      %add3A_429 = vector.broadcast %add3A_428 : i32 to vector<16xi32>
      %add3A_430 = arith.addi %add3A_427, %add3A_429 : vector<16xi32>
      %gather3A_431 = tpu.vector_load_idx %arg7[%add3A_430, %add3A_336] : memref<39x512xf32, #tpu.memory_space<vmem>>[vector<16xi32>, vector<16xi32>], vector<16xf32>,
      %convert_element_type3A_432 = arith.fptosi %gather3A_431 : vector<16xf32> to vector<16xi32>
      %mul3A_433 = arith.constant 100000 : i32
      %mul3A_434 = vector.broadcast %mul3A_433 : i32 to vector<16xi32>
      %mul3A_435 = arith.muli %add3A_427, %mul3A_434 : vector<16xi32>
      %add3A_436 = arith.addi %convert_element_type3A_432, %mul3A_435 : vector<16xi32>
      %shift_right_logical3A_437 = arith.constant 2 : i32
      %shift_right_logical3A_438 = vector.broadcast %shift_right_logical3A_437 : i32 to vector<16xi32>
      %shift_right_logical3A_439 = arith.shrui %add3A_436, %shift_right_logical3A_438 : vector<16xi32>
      %swap3A_440 = arith.constant 64 : index
      %swap3A_441 = tpu.vector_load %arg10[%swap3A_440] {strides = array<i32>} : memref<208xi32, #tpu.memory_space<vmem>>, vector<16xi32>,
      tpu.vector_store %arg10[%swap3A_440], %shift_right_logical3A_439 {strides = array<i32>} : memref<208xi32, #tpu.memory_space<vmem>>, vector<16xi32>,
      %and3A_442 = arith.constant 3 : i32
      %and3A_443 = vector.broadcast %and3A_442 : i32 to vector<16xi32>
      %and3A_444 = arith.andi %add3A_436, %and3A_443 : vector<16xi32>
      %swap3A_445 = arith.constant 64 : index
      %swap3A_446 = tpu.vector_load %arg11[%swap3A_445] {strides = array<i32>} : memref<208xi32, #tpu.memory_space<vmem>>, vector<16xi32>,
      tpu.vector_store %arg11[%swap3A_445], %and3A_444 {strides = array<i32>} : memref<208xi32, #tpu.memory_space<vmem>>, vector<16xi32>,
      %add3A_447 = arith.constant 10 : i32
      %add3A_448 = vector.broadcast %add3A_447 : i32 to vector<16xi32>
      %add3A_449 = arith.addi %shift_right_logical3A_4, %add3A_448 : vector<16xi32>
      %add3A_450 = arith.constant 13 : i32
      %add3A_451 = vector.broadcast %add3A_450 : i32 to vector<16xi32>
      %add3A_452 = arith.addi %add3A_449, %add3A_451 : vector<16xi32>
      %gather3A_453 = tpu.vector_load_idx %arg7[%add3A_452, %add3A_336] : memref<39x512xf32, #tpu.memory_space<vmem>>[vector<16xi32>, vector<16xi32>], vector<16xf32>,
      %convert_element_type3A_454 = arith.fptosi %gather3A_453 : vector<16xf32> to vector<16xi32>
      %mul3A_455 = arith.constant 100000 : i32
      %mul3A_456 = vector.broadcast %mul3A_455 : i32 to vector<16xi32>
      %mul3A_457 = arith.muli %add3A_449, %mul3A_456 : vector<16xi32>
      %add3A_458 = arith.addi %convert_element_type3A_454, %mul3A_457 : vector<16xi32>
      %shift_right_logical3A_459 = arith.constant 2 : i32
      %shift_right_logical3A_460 = vector.broadcast %shift_right_logical3A_459 : i32 to vector<16xi32>
      %shift_right_logical3A_461 = arith.shrui %add3A_458, %shift_right_logical3A_460 : vector<16xi32>
      %swap3A_462 = arith.constant 80 : index
      %swap3A_463 = tpu.vector_load %arg10[%swap3A_462] {strides = array<i32>} : memref<208xi32, #tpu.memory_space<vmem>>, vector<16xi32>,
      tpu.vector_store %arg10[%swap3A_462], %shift_right_logical3A_461 {strides = array<i32>} : memref<208xi32, #tpu.memory_space<vmem>>, vector<16xi32>,
      %and3A_464 = arith.constant 3 : i32
      %and3A_465 = vector.broadcast %and3A_464 : i32 to vector<16xi32>
      %and3A_466 = arith.andi %add3A_458, %and3A_465 : vector<16xi32>
      %swap3A_467 = arith.constant 80 : index
      %swap3A_468 = tpu.vector_load %arg11[%swap3A_467] {strides = array<i32>} : memref<208xi32, #tpu.memory_space<vmem>>, vector<16xi32>,
      tpu.vector_store %arg11[%swap3A_467], %and3A_466 {strides = array<i32>} : memref<208xi32, #tpu.memory_space<vmem>>, vector<16xi32>,
      %add3A_469 = arith.constant 12 : i32
      %add3A_470 = vector.broadcast %add3A_469 : i32 to vector<16xi32>
      %add3A_471 = arith.addi %shift_right_logical3A_4, %add3A_470 : vector<16xi32>
      %add3A_472 = arith.constant 13 : i32
      %add3A_473 = vector.broadcast %add3A_472 : i32 to vector<16xi32>
      %add3A_474 = arith.addi %add3A_471, %add3A_473 : vector<16xi32>
      %gather3A_475 = tpu.vector_load_idx %arg7[%add3A_474, %add3A_336] : memref<39x512xf32, #tpu.memory_space<vmem>>[vector<16xi32>, vector<16xi32>], vector<16xf32>,
      %convert_element_type3A_476 = arith.fptosi %gather3A_475 : vector<16xf32> to vector<16xi32>
      %mul3A_477 = arith.constant 100000 : i32
      %mul3A_478 = vector.broadcast %mul3A_477 : i32 to vector<16xi32>
      %mul3A_479 = arith.muli %add3A_471, %mul3A_478 : vector<16xi32>
      %add3A_480 = arith.addi %convert_element_type3A_476, %mul3A_479 : vector<16xi32>
      %shift_right_logical3A_481 = arith.constant 2 : i32
      %shift_right_logical3A_482 = vector.broadcast %shift_right_logical3A_481 : i32 to vector<16xi32>
      %shift_right_logical3A_483 = arith.shrui %add3A_480, %shift_right_logical3A_482 : vector<16xi32>
      %swap3A_484 = arith.constant 96 : index
      %swap3A_485 = tpu.vector_load %arg10[%swap3A_484] {strides = array<i32>} : memref<208xi32, #tpu.memory_space<vmem>>, vector<16xi32>,
      tpu.vector_store %arg10[%swap3A_484], %shift_right_logical3A_483 {strides = array<i32>} : memref<208xi32, #tpu.memory_space<vmem>>, vector<16xi32>,
      %and3A_486 = arith.constant 3 : i32
      %and3A_487 = vector.broadcast %and3A_486 : i32 to vector<16xi32>
      %and3A_488 = arith.andi %add3A_480, %and3A_487 : vector<16xi32>
      %swap3A_489 = arith.constant 96 : index
      %swap3A_490 = tpu.vector_load %arg11[%swap3A_489] {strides = array<i32>} : memref<208xi32, #tpu.memory_space<vmem>>, vector<16xi32>,
      tpu.vector_store %arg11[%swap3A_489], %and3A_488 {strides = array<i32>} : memref<208xi32, #tpu.memory_space<vmem>>, vector<16xi32>,
      %add3A_491 = arith.constant 14 : i32
      %add3A_492 = vector.broadcast %add3A_491 : i32 to vector<16xi32>
      %add3A_493 = arith.addi %shift_right_logical3A_4, %add3A_492 : vector<16xi32>
      %add3A_494 = arith.constant 13 : i32
      %add3A_495 = vector.broadcast %add3A_494 : i32 to vector<16xi32>
      %add3A_496 = arith.addi %add3A_493, %add3A_495 : vector<16xi32>
      %gather3A_497 = tpu.vector_load_idx %arg7[%add3A_496, %add3A_336] : memref<39x512xf32, #tpu.memory_space<vmem>>[vector<16xi32>, vector<16xi32>], vector<16xf32>,
      %convert_element_type3A_498 = arith.fptosi %gather3A_497 : vector<16xf32> to vector<16xi32>
      %mul3A_499 = arith.constant 100000 : i32
      %mul3A_500 = vector.broadcast %mul3A_499 : i32 to vector<16xi32>
      %mul3A_501 = arith.muli %add3A_493, %mul3A_500 : vector<16xi32>
      %add3A_502 = arith.addi %convert_element_type3A_498, %mul3A_501 : vector<16xi32>
      %shift_right_logical3A_503 = arith.constant 2 : i32
      %shift_right_logical3A_504 = vector.broadcast %shift_right_logical3A_503 : i32 to vector<16xi32>
      %shift_right_logical3A_505 = arith.shrui %add3A_502, %shift_right_logical3A_504 : vector<16xi32>
      %swap3A_506 = arith.constant 112 : index
      %swap3A_507 = tpu.vector_load %arg10[%swap3A_506] {strides = array<i32>} : memref<208xi32, #tpu.memory_space<vmem>>, vector<16xi32>,
      tpu.vector_store %arg10[%swap3A_506], %shift_right_logical3A_505 {strides = array<i32>} : memref<208xi32, #tpu.memory_space<vmem>>, vector<16xi32>,
      %and3A_508 = arith.constant 3 : i32
      %and3A_509 = vector.broadcast %and3A_508 : i32 to vector<16xi32>
      %and3A_510 = arith.andi %add3A_502, %and3A_509 : vector<16xi32>
      %swap3A_511 = arith.constant 112 : index
      %swap3A_512 = tpu.vector_load %arg11[%swap3A_511] {strides = array<i32>} : memref<208xi32, #tpu.memory_space<vmem>>, vector<16xi32>,
      tpu.vector_store %arg11[%swap3A_511], %and3A_510 {strides = array<i32>} : memref<208xi32, #tpu.memory_space<vmem>>, vector<16xi32>,
      %add3A_513 = arith.constant 16 : i32
      %add3A_514 = vector.broadcast %add3A_513 : i32 to vector<16xi32>
      %add3A_515 = arith.addi %shift_right_logical3A_4, %add3A_514 : vector<16xi32>
      %add3A_516 = arith.constant 13 : i32
      %add3A_517 = vector.broadcast %add3A_516 : i32 to vector<16xi32>
      %add3A_518 = arith.addi %add3A_515, %add3A_517 : vector<16xi32>
      %gather3A_519 = tpu.vector_load_idx %arg7[%add3A_518, %add3A_336] : memref<39x512xf32, #tpu.memory_space<vmem>>[vector<16xi32>, vector<16xi32>], vector<16xf32>,
      %convert_element_type3A_520 = arith.fptosi %gather3A_519 : vector<16xf32> to vector<16xi32>
      %mul3A_521 = arith.constant 100000 : i32
      %mul3A_522 = vector.broadcast %mul3A_521 : i32 to vector<16xi32>
      %mul3A_523 = arith.muli %add3A_515, %mul3A_522 : vector<16xi32>
      %add3A_524 = arith.addi %convert_element_type3A_520, %mul3A_523 : vector<16xi32>
      %shift_right_logical3A_525 = arith.constant 2 : i32
      %shift_right_logical3A_526 = vector.broadcast %shift_right_logical3A_525 : i32 to vector<16xi32>
      %shift_right_logical3A_527 = arith.shrui %add3A_524, %shift_right_logical3A_526 : vector<16xi32>
      %swap3A_528 = arith.constant 128 : index
      %swap3A_529 = tpu.vector_load %arg10[%swap3A_528] {strides = array<i32>} : memref<208xi32, #tpu.memory_space<vmem>>, vector<16xi32>,
      tpu.vector_store %arg10[%swap3A_528], %shift_right_logical3A_527 {strides = array<i32>} : memref<208xi32, #tpu.memory_space<vmem>>, vector<16xi32>,
      %and3A_530 = arith.constant 3 : i32
      %and3A_531 = vector.broadcast %and3A_530 : i32 to vector<16xi32>
      %and3A_532 = arith.andi %add3A_524, %and3A_531 : vector<16xi32>
      %swap3A_533 = arith.constant 128 : index
      %swap3A_534 = tpu.vector_load %arg11[%swap3A_533] {strides = array<i32>} : memref<208xi32, #tpu.memory_space<vmem>>, vector<16xi32>,
      tpu.vector_store %arg11[%swap3A_533], %and3A_532 {strides = array<i32>} : memref<208xi32, #tpu.memory_space<vmem>>, vector<16xi32>,
      %add3A_535 = arith.constant 18 : i32
      %add3A_536 = vector.broadcast %add3A_535 : i32 to vector<16xi32>
      %add3A_537 = arith.addi %shift_right_logical3A_4, %add3A_536 : vector<16xi32>
      %add3A_538 = arith.constant 13 : i32
      %add3A_539 = vector.broadcast %add3A_538 : i32 to vector<16xi32>
      %add3A_540 = arith.addi %add3A_537, %add3A_539 : vector<16xi32>
      %gather3A_541 = tpu.vector_load_idx %arg7[%add3A_540, %add3A_336] : memref<39x512xf32, #tpu.memory_space<vmem>>[vector<16xi32>, vector<16xi32>], vector<16xf32>,
      %convert_element_type3A_542 = arith.fptosi %gather3A_541 : vector<16xf32> to vector<16xi32>
      %mul3A_543 = arith.constant 100000 : i32
      %mul3A_544 = vector.broadcast %mul3A_543 : i32 to vector<16xi32>
      %mul3A_545 = arith.muli %add3A_537, %mul3A_544 : vector<16xi32>
      %add3A_546 = arith.addi %convert_element_type3A_542, %mul3A_545 : vector<16xi32>
      %shift_right_logical3A_547 = arith.constant 2 : i32
      %shift_right_logical3A_548 = vector.broadcast %shift_right_logical3A_547 : i32 to vector<16xi32>
      %shift_right_logical3A_549 = arith.shrui %add3A_546, %shift_right_logical3A_548 : vector<16xi32>
      %swap3A_550 = arith.constant 144 : index
      %swap3A_551 = tpu.vector_load %arg10[%swap3A_550] {strides = array<i32>} : memref<208xi32, #tpu.memory_space<vmem>>, vector<16xi32>,
      tpu.vector_store %arg10[%swap3A_550], %shift_right_logical3A_549 {strides = array<i32>} : memref<208xi32, #tpu.memory_space<vmem>>, vector<16xi32>,
      %and3A_552 = arith.constant 3 : i32
      %and3A_553 = vector.broadcast %and3A_552 : i32 to vector<16xi32>
      %and3A_554 = arith.andi %add3A_546, %and3A_553 : vector<16xi32>
      %swap3A_555 = arith.constant 144 : index
      %swap3A_556 = tpu.vector_load %arg11[%swap3A_555] {strides = array<i32>} : memref<208xi32, #tpu.memory_space<vmem>>, vector<16xi32>,
      tpu.vector_store %arg11[%swap3A_555], %and3A_554 {strides = array<i32>} : memref<208xi32, #tpu.memory_space<vmem>>, vector<16xi32>,
      %add3A_557 = arith.constant 20 : i32
      %add3A_558 = vector.broadcast %add3A_557 : i32 to vector<16xi32>
      %add3A_559 = arith.addi %shift_right_logical3A_4, %add3A_558 : vector<16xi32>
      %add3A_560 = arith.constant 13 : i32
      %add3A_561 = vector.broadcast %add3A_560 : i32 to vector<16xi32>
      %add3A_562 = arith.addi %add3A_559, %add3A_561 : vector<16xi32>
      %gather3A_563 = tpu.vector_load_idx %arg7[%add3A_562, %add3A_336] : memref<39x512xf32, #tpu.memory_space<vmem>>[vector<16xi32>, vector<16xi32>], vector<16xf32>,
      %convert_element_type3A_564 = arith.fptosi %gather3A_563 : vector<16xf32> to vector<16xi32>
      %mul3A_565 = arith.constant 100000 : i32
      %mul3A_566 = vector.broadcast %mul3A_565 : i32 to vector<16xi32>
      %mul3A_567 = arith.muli %add3A_559, %mul3A_566 : vector<16xi32>
      %add3A_568 = arith.addi %convert_element_type3A_564, %mul3A_567 : vector<16xi32>
      %shift_right_logical3A_569 = arith.constant 2 : i32
      %shift_right_logical3A_570 = vector.broadcast %shift_right_logical3A_569 : i32 to vector<16xi32>
      %shift_right_logical3A_571 = arith.shrui %add3A_568, %shift_right_logical3A_570 : vector<16xi32>
      %swap3A_572 = arith.constant 160 : index
      %swap3A_573 = tpu.vector_load %arg10[%swap3A_572] {strides = array<i32>} : memref<208xi32, #tpu.memory_space<vmem>>, vector<16xi32>,
      tpu.vector_store %arg10[%swap3A_572], %shift_right_logical3A_571 {strides = array<i32>} : memref<208xi32, #tpu.memory_space<vmem>>, vector<16xi32>,
      %and3A_574 = arith.constant 3 : i32
      %and3A_575 = vector.broadcast %and3A_574 : i32 to vector<16xi32>
      %and3A_576 = arith.andi %add3A_568, %and3A_575 : vector<16xi32>
      %swap3A_577 = arith.constant 160 : index
      %swap3A_578 = tpu.vector_load %arg11[%swap3A_577] {strides = array<i32>} : memref<208xi32, #tpu.memory_space<vmem>>, vector<16xi32>,
      tpu.vector_store %arg11[%swap3A_577], %and3A_576 {strides = array<i32>} : memref<208xi32, #tpu.memory_space<vmem>>, vector<16xi32>,
      %add3A_579 = arith.constant 22 : i32
      %add3A_580 = vector.broadcast %add3A_579 : i32 to vector<16xi32>
      %add3A_581 = arith.addi %shift_right_logical3A_4, %add3A_580 : vector<16xi32>
      %add3A_582 = arith.constant 13 : i32
      %add3A_583 = vector.broadcast %add3A_582 : i32 to vector<16xi32>
      %add3A_584 = arith.addi %add3A_581, %add3A_583 : vector<16xi32>
      %gather3A_585 = tpu.vector_load_idx %arg7[%add3A_584, %add3A_336] : memref<39x512xf32, #tpu.memory_space<vmem>>[vector<16xi32>, vector<16xi32>], vector<16xf32>,
      %convert_element_type3A_586 = arith.fptosi %gather3A_585 : vector<16xf32> to vector<16xi32>
      %mul3A_587 = arith.constant 100000 : i32
      %mul3A_588 = vector.broadcast %mul3A_587 : i32 to vector<16xi32>
      %mul3A_589 = arith.muli %add3A_581, %mul3A_588 : vector<16xi32>
      %add3A_590 = arith.addi %convert_element_type3A_586, %mul3A_589 : vector<16xi32>
      %shift_right_logical3A_591 = arith.constant 2 : i32
      %shift_right_logical3A_592 = vector.broadcast %shift_right_logical3A_591 : i32 to vector<16xi32>
      %shift_right_logical3A_593 = arith.shrui %add3A_590, %shift_right_logical3A_592 : vector<16xi32>
      %swap3A_594 = arith.constant 176 : index
      %swap3A_595 = tpu.vector_load %arg10[%swap3A_594] {strides = array<i32>} : memref<208xi32, #tpu.memory_space<vmem>>, vector<16xi32>,
      tpu.vector_store %arg10[%swap3A_594], %shift_right_logical3A_593 {strides = array<i32>} : memref<208xi32, #tpu.memory_space<vmem>>, vector<16xi32>,
      %and3A_596 = arith.constant 3 : i32
      %and3A_597 = vector.broadcast %and3A_596 : i32 to vector<16xi32>
      %and3A_598 = arith.andi %add3A_590, %and3A_597 : vector<16xi32>
      %swap3A_599 = arith.constant 176 : index
      %swap3A_600 = tpu.vector_load %arg11[%swap3A_599] {strides = array<i32>} : memref<208xi32, #tpu.memory_space<vmem>>, vector<16xi32>,
      tpu.vector_store %arg11[%swap3A_599], %and3A_598 {strides = array<i32>} : memref<208xi32, #tpu.memory_space<vmem>>, vector<16xi32>,
      %add3A_601 = arith.constant 24 : i32
      %add3A_602 = vector.broadcast %add3A_601 : i32 to vector<16xi32>
      %add3A_603 = arith.addi %shift_right_logical3A_4, %add3A_602 : vector<16xi32>
      %add3A_604 = arith.constant 13 : i32
      %add3A_605 = vector.broadcast %add3A_604 : i32 to vector<16xi32>
      %add3A_606 = arith.addi %add3A_603, %add3A_605 : vector<16xi32>
      %gather3A_607 = tpu.vector_load_idx %arg7[%add3A_606, %add3A_336] : memref<39x512xf32, #tpu.memory_space<vmem>>[vector<16xi32>, vector<16xi32>], vector<16xf32>,
      %convert_element_type3A_608 = arith.fptosi %gather3A_607 : vector<16xf32> to vector<16xi32>
      %mul3A_609 = arith.constant 100000 : i32
      %mul3A_610 = vector.broadcast %mul3A_609 : i32 to vector<16xi32>
      %mul3A_611 = arith.muli %add3A_603, %mul3A_610 : vector<16xi32>
      %add3A_612 = arith.addi %convert_element_type3A_608, %mul3A_611 : vector<16xi32>
      %shift_right_logical3A_613 = arith.constant 2 : i32
      %shift_right_logical3A_614 = vector.broadcast %shift_right_logical3A_613 : i32 to vector<16xi32>
      %shift_right_logical3A_615 = arith.shrui %add3A_612, %shift_right_logical3A_614 : vector<16xi32>
      %swap3A_616 = arith.constant 192 : index
      %swap3A_617 = tpu.vector_load %arg10[%swap3A_616] {strides = array<i32>} : memref<208xi32, #tpu.memory_space<vmem>>, vector<16xi32>,
      tpu.vector_store %arg10[%swap3A_616], %shift_right_logical3A_615 {strides = array<i32>} : memref<208xi32, #tpu.memory_space<vmem>>, vector<16xi32>,
      %and3A_618 = arith.constant 3 : i32
      %and3A_619 = vector.broadcast %and3A_618 : i32 to vector<16xi32>
      %and3A_620 = arith.andi %add3A_612, %and3A_619 : vector<16xi32>
      %swap3A_621 = arith.constant 192 : index
      %swap3A_622 = tpu.vector_load %arg11[%swap3A_621] {strides = array<i32>} : memref<208xi32, #tpu.memory_space<vmem>>, vector<16xi32>,
      tpu.vector_store %arg11[%swap3A_621], %and3A_620 {strides = array<i32>} : memref<208xi32, #tpu.memory_space<vmem>>, vector<16xi32>,
      %dma_start3A_623 = arith.constant 0 : i32
      %dma_start3A_624 = arith.constant 0 : i32
      %dma_start3A_625 = tpu.memref_slice %arg13[%dma_start3A_623, %dma_start3A_624] : memref<208x128xf32, #tpu.memory_space<vmem>> -> memref<104x128xf32, #tpu.memory_space<vmem>>
      %dma_start3A_626 = arith.constant 0 : i32
      %dma_start3A_627 = tpu.memref_slice %arg10[%dma_start3A_626] : memref<208xi32, #tpu.memory_space<vmem>> -> memref<104xi32, #tpu.memory_space<vmem>>
      %dma_start3A_628 = arith.constant 0 : i32
      %dma_start3A_629 = arith.constant 0 : i32
      %dma_start3A_630 = tpu.memref_slice %arg3[%dma_start3A_628, %dma_start3A_629] : memref<650000x128xf32, #tpu.memory_space<hbm>> -> memref<650000x128xf32, #tpu.memory_space<hbm>>
      tpu.enqueue_indirect_dma source(%dma_start3A_630 : memref<650000x128xf32, #tpu.memory_space<hbm>>) target(%dma_start3A_625 : memref<104x128xf32, #tpu.memory_space<vmem>>) offsets(%dma_start3A_627 : memref<104xi32, #tpu.memory_space<vmem>>) semaphore(%arg19 : memref<!tpu.dma_semaphore, #tpu.memory_space<semaphore_mem>>)
      %dma_start3A_631 = arith.constant 104 : i32
      %dma_start3A_632 = arith.constant 0 : i32
      %dma_start3A_633 = tpu.memref_slice %arg13[%dma_start3A_631, %dma_start3A_632] : memref<208x128xf32, #tpu.memory_space<vmem>> -> memref<104x128xf32, #tpu.memory_space<vmem>>
      %dma_start3A_634 = arith.constant 104 : i32
      %dma_start3A_635 = tpu.memref_slice %arg10[%dma_start3A_634] : memref<208xi32, #tpu.memory_space<vmem>> -> memref<104xi32, #tpu.memory_space<vmem>>
      %dma_start3A_636 = arith.constant 0 : i32
      %dma_start3A_637 = arith.constant 0 : i32
      %dma_start3A_638 = tpu.memref_slice %arg3[%dma_start3A_636, %dma_start3A_637] : memref<650000x128xf32, #tpu.memory_space<hbm>> -> memref<650000x128xf32, #tpu.memory_space<hbm>>
      tpu.enqueue_indirect_dma source(%dma_start3A_638 : memref<650000x128xf32, #tpu.memory_space<hbm>>) target(%dma_start3A_633 : memref<104x128xf32, #tpu.memory_space<vmem>>) offsets(%dma_start3A_635 : memref<104xi32, #tpu.memory_space<vmem>>) semaphore(%arg19 : memref<!tpu.dma_semaphore, #tpu.memory_space<semaphore_mem>>)
      %gt3A = arith.constant 0 : i32
      %gt3A_639 = arith.cmpi sgt, %scan3A_326, %gt3A : i32
      %convert_element_type3A_640 = arith.extui %gt3A_639 : i1 to i32
      %cond3A = arith.constant 0 : i32
      %cond3A_641 = arith.cmpi ne, %convert_element_type3A_640, %cond3A : i32
      scf.if %cond3A_641 {
        %dma_wait3A_744 = arith.constant 0 : i32
        %dma_wait3A_745 = arith.constant 0 : i32
        %dma_wait3A_746 = tpu.memref_slice %arg6[%dma_wait3A_744, %dma_wait3A_745] : memref<16384x845xf32, #tpu.memory_space<hbm>> -> memref<8x845xf32, #tpu.memory_space<hbm>>
        %dma_wait3A_747 = arith.constant 0 : i32
        %dma_wait3A_748 = arith.constant 0 : i32
        %dma_wait3A_749 = tpu.memref_slice %arg6[%dma_wait3A_747, %dma_wait3A_748] : memref<16384x845xf32, #tpu.memory_space<hbm>> -> memref<8x845xf32, #tpu.memory_space<hbm>>
        tpu.wait_dma2 semaphore(%arg20 : memref<!tpu.dma_semaphore, #tpu.memory_space<semaphore_mem>>) src(%arg14 : memref<8x845xf32, #tpu.memory_space<vmem>>) dst(%dma_wait3A_749 : memref<8x845xf32, #tpu.memory_space<hbm>>)
      } else {
      }
      %dma_wait3A_642 = arith.constant 0 : i32
      %dma_wait3A_643 = arith.constant 0 : i32
      %dma_wait3A_644 = tpu.memref_slice %arg12[%dma_wait3A_642, %dma_wait3A_643] : memref<208x128xf32, #tpu.memory_space<vmem>> -> memref<104x128xf32, #tpu.memory_space<vmem>>
      %dma_wait3A_645 = arith.constant 0 : i32
      %dma_wait3A_646 = tpu.memref_slice %arg8[%dma_wait3A_645] : memref<208xi32, #tpu.memory_space<vmem>> -> memref<104xi32, #tpu.memory_space<vmem>>
      %dma_wait3A_647 = arith.constant 0 : i32
      %dma_wait3A_648 = arith.constant 0 : i32
      %dma_wait3A_649 = tpu.memref_slice %arg3[%dma_wait3A_647, %dma_wait3A_648] : memref<650000x128xf32, #tpu.memory_space<hbm>> -> memref<650000x128xf32, #tpu.memory_space<hbm>>
      tpu.wait_indirect_dma semaphore(%arg18 : memref<!tpu.dma_semaphore, #tpu.memory_space<semaphore_mem>>) src(%dma_wait3A_649 : memref<650000x128xf32, #tpu.memory_space<hbm>>) dst(%dma_wait3A_644 : memref<104x128xf32, #tpu.memory_space<vmem>>)
      %dma_wait3A_650 = arith.constant 104 : i32
      %dma_wait3A_651 = arith.constant 0 : i32
      %dma_wait3A_652 = tpu.memref_slice %arg12[%dma_wait3A_650, %dma_wait3A_651] : memref<208x128xf32, #tpu.memory_space<vmem>> -> memref<104x128xf32, #tpu.memory_space<vmem>>
      %dma_wait3A_653 = arith.constant 104 : i32
      %dma_wait3A_654 = tpu.memref_slice %arg8[%dma_wait3A_653] : memref<208xi32, #tpu.memory_space<vmem>> -> memref<104xi32, #tpu.memory_space<vmem>>
      %dma_wait3A_655 = arith.constant 0 : i32
      %dma_wait3A_656 = arith.constant 0 : i32
      %dma_wait3A_657 = tpu.memref_slice %arg3[%dma_wait3A_655, %dma_wait3A_656] : memref<650000x128xf32, #tpu.memory_space<hbm>> -> memref<650000x128xf32, #tpu.memory_space<hbm>>
      tpu.wait_indirect_dma semaphore(%arg18 : memref<!tpu.dma_semaphore, #tpu.memory_space<semaphore_mem>>) src(%dma_wait3A_657 : memref<650000x128xf32, #tpu.memory_space<hbm>>) dst(%dma_wait3A_652 : memref<104x128xf32, #tpu.memory_space<vmem>>)
      %scan3A_658 = arith.constant 0 : i32
      %scan3A_659 = arith.constant 0 : i32
      %scan3A_660 = arith.constant 8 : i32
      %scan3A_661 = arith.addi %scan3A_659, %scan3A_660 : i32
      %scan3A_662 = arith.constant 1 : i32
      scf.for %scan3A_744 = %scan3A_659 to %scan3A_661 step %scan3A_662  : i32 {
        %broadcast_in_dim3A = arith.constant 0 : i32
        %broadcast_in_dim3A_745 = vector.broadcast %broadcast_in_dim3A : i32 to vector<16xi32>
        %add3A_746 = vector.broadcast %scan3A_744 : i32 to vector<16xi32>
        %add3A_747 = arith.addi %broadcast_in_dim3A_745, %add3A_746 : vector<16xi32>
        %broadcast_in_dim3A_748 = arith.constant 0 : i32
        %broadcast_in_dim3A_749 = vector.broadcast %broadcast_in_dim3A_748 : i32 to vector<16xi32>
        %add3A_750 = vector.broadcast %scan3A_744 : i32 to vector<16xi32>
        %add3A_751 = arith.addi %broadcast_in_dim3A_749, %add3A_750 : vector<16xi32>
        %gather3A_752 = tpu.vector_load_idx %arg9[%add3A_751] : memref<208xi32, #tpu.memory_space<vmem>>[vector<16xi32>], vector<16xi32>,
        %mul3A_753 = arith.constant 32 : i32
        %mul3A_754 = vector.broadcast %mul3A_753 : i32 to vector<16xi32>
        %mul3A_755 = arith.muli %gather3A_752, %mul3A_754 : vector<16xi32>
        %add3A_756 = arith.addi %mul3A_755, %iota3A : vector<16xi32>
        %add3A_757 = arith.constant 0 : i32
        %add3A_758 = vector.broadcast %add3A_757 : i32 to vector<16xi32>
        %add3A_759 = arith.addi %add3A_756, %add3A_758 : vector<16xi32>
        %gather3A_760 = tpu.vector_load_idx %arg12[%add3A_751, %add3A_759] : memref<208x128xf32, #tpu.memory_space<vmem>>[vector<16xi32>, vector<16xi32>], vector<16xf32>,
        %add3A_761 = arith.constant 13 : i32
        %add3A_762 = vector.broadcast %add3A_761 : i32 to vector<16xi32>
        %add3A_763 = arith.addi %iota3A, %add3A_762 : vector<16xi32>
        tpu.vector_store_idx %arg14[%add3A_747, %add3A_763], %gather3A_760 : memref<8x845xf32, #tpu.memory_space<vmem>>[vector<16xi32>, vector<16xi32>], vector<16xf32>,
        %add3A_764 = arith.constant 16 : i32
        %add3A_765 = vector.broadcast %add3A_764 : i32 to vector<16xi32>
        %add3A_766 = arith.addi %add3A_756, %add3A_765 : vector<16xi32>
        %gather3A_767 = tpu.vector_load_idx %arg12[%add3A_751, %add3A_766] : memref<208x128xf32, #tpu.memory_space<vmem>>[vector<16xi32>, vector<16xi32>], vector<16xf32>,
        %add3A_768 = arith.constant 29 : i32
        %add3A_769 = vector.broadcast %add3A_768 : i32 to vector<16xi32>
        %add3A_770 = arith.addi %iota3A, %add3A_769 : vector<16xi32>
        tpu.vector_store_idx %arg14[%add3A_747, %add3A_770], %gather3A_767 : memref<8x845xf32, #tpu.memory_space<vmem>>[vector<16xi32>, vector<16xi32>], vector<16xf32>,
        %broadcast_in_dim3A_771 = arith.constant 8 : i32
        %broadcast_in_dim3A_772 = vector.broadcast %broadcast_in_dim3A_771 : i32 to vector<16xi32>
        %add3A_773 = vector.broadcast %scan3A_744 : i32 to vector<16xi32>
        %add3A_774 = arith.addi %broadcast_in_dim3A_772, %add3A_773 : vector<16xi32>
        %gather3A_775 = tpu.vector_load_idx %arg9[%add3A_774] : memref<208xi32, #tpu.memory_space<vmem>>[vector<16xi32>], vector<16xi32>,
        %mul3A_776 = arith.constant 32 : i32
        %mul3A_777 = vector.broadcast %mul3A_776 : i32 to vector<16xi32>
        %mul3A_778 = arith.muli %gather3A_775, %mul3A_777 : vector<16xi32>
        %add3A_779 = arith.addi %mul3A_778, %iota3A : vector<16xi32>
        %add3A_780 = arith.constant 0 : i32
        %add3A_781 = vector.broadcast %add3A_780 : i32 to vector<16xi32>
        %add3A_782 = arith.addi %add3A_779, %add3A_781 : vector<16xi32>
        %gather3A_783 = tpu.vector_load_idx %arg12[%add3A_774, %add3A_782] : memref<208x128xf32, #tpu.memory_space<vmem>>[vector<16xi32>, vector<16xi32>], vector<16xf32>,
        %add3A_784 = arith.constant 45 : i32
        %add3A_785 = vector.broadcast %add3A_784 : i32 to vector<16xi32>
        %add3A_786 = arith.addi %iota3A, %add3A_785 : vector<16xi32>
        tpu.vector_store_idx %arg14[%add3A_747, %add3A_786], %gather3A_783 : memref<8x845xf32, #tpu.memory_space<vmem>>[vector<16xi32>, vector<16xi32>], vector<16xf32>,
        %add3A_787 = arith.constant 16 : i32
        %add3A_788 = vector.broadcast %add3A_787 : i32 to vector<16xi32>
        %add3A_789 = arith.addi %add3A_779, %add3A_788 : vector<16xi32>
        %gather3A_790 = tpu.vector_load_idx %arg12[%add3A_774, %add3A_789] : memref<208x128xf32, #tpu.memory_space<vmem>>[vector<16xi32>, vector<16xi32>], vector<16xf32>,
        %add3A_791 = arith.constant 61 : i32
        %add3A_792 = vector.broadcast %add3A_791 : i32 to vector<16xi32>
        %add3A_793 = arith.addi %iota3A, %add3A_792 : vector<16xi32>
        tpu.vector_store_idx %arg14[%add3A_747, %add3A_793], %gather3A_790 : memref<8x845xf32, #tpu.memory_space<vmem>>[vector<16xi32>, vector<16xi32>], vector<16xf32>,
        %broadcast_in_dim3A_794 = arith.constant 16 : i32
        %broadcast_in_dim3A_795 = vector.broadcast %broadcast_in_dim3A_794 : i32 to vector<16xi32>
        %add3A_796 = vector.broadcast %scan3A_744 : i32 to vector<16xi32>
        %add3A_797 = arith.addi %broadcast_in_dim3A_795, %add3A_796 : vector<16xi32>
        %gather3A_798 = tpu.vector_load_idx %arg9[%add3A_797] : memref<208xi32, #tpu.memory_space<vmem>>[vector<16xi32>], vector<16xi32>,
        %mul3A_799 = arith.constant 32 : i32
        %mul3A_800 = vector.broadcast %mul3A_799 : i32 to vector<16xi32>
        %mul3A_801 = arith.muli %gather3A_798, %mul3A_800 : vector<16xi32>
        %add3A_802 = arith.addi %mul3A_801, %iota3A : vector<16xi32>
        %add3A_803 = arith.constant 0 : i32
        %add3A_804 = vector.broadcast %add3A_803 : i32 to vector<16xi32>
        %add3A_805 = arith.addi %add3A_802, %add3A_804 : vector<16xi32>
        %gather3A_806 = tpu.vector_load_idx %arg12[%add3A_797, %add3A_805] : memref<208x128xf32, #tpu.memory_space<vmem>>[vector<16xi32>, vector<16xi32>], vector<16xf32>,
        %add3A_807 = arith.constant 77 : i32
        %add3A_808 = vector.broadcast %add3A_807 : i32 to vector<16xi32>
        %add3A_809 = arith.addi %iota3A, %add3A_808 : vector<16xi32>
        tpu.vector_store_idx %arg14[%add3A_747, %add3A_809], %gather3A_806 : memref<8x845xf32, #tpu.memory_space<vmem>>[vector<16xi32>, vector<16xi32>], vector<16xf32>,
        %add3A_810 = arith.constant 16 : i32
        %add3A_811 = vector.broadcast %add3A_810 : i32 to vector<16xi32>
        %add3A_812 = arith.addi %add3A_802, %add3A_811 : vector<16xi32>
        %gather3A_813 = tpu.vector_load_idx %arg12[%add3A_797, %add3A_812] : memref<208x128xf32, #tpu.memory_space<vmem>>[vector<16xi32>, vector<16xi32>], vector<16xf32>,
        %add3A_814 = arith.constant 93 : i32
        %add3A_815 = vector.broadcast %add3A_814 : i32 to vector<16xi32>
        %add3A_816 = arith.addi %iota3A, %add3A_815 : vector<16xi32>
        tpu.vector_store_idx %arg14[%add3A_747, %add3A_816], %gather3A_813 : memref<8x845xf32, #tpu.memory_space<vmem>>[vector<16xi32>, vector<16xi32>], vector<16xf32>,
        %broadcast_in_dim3A_817 = arith.constant 24 : i32
        %broadcast_in_dim3A_818 = vector.broadcast %broadcast_in_dim3A_817 : i32 to vector<16xi32>
        %add3A_819 = vector.broadcast %scan3A_744 : i32 to vector<16xi32>
        %add3A_820 = arith.addi %broadcast_in_dim3A_818, %add3A_819 : vector<16xi32>
        %gather3A_821 = tpu.vector_load_idx %arg9[%add3A_820] : memref<208xi32, #tpu.memory_space<vmem>>[vector<16xi32>], vector<16xi32>,
        %mul3A_822 = arith.constant 32 : i32
        %mul3A_823 = vector.broadcast %mul3A_822 : i32 to vector<16xi32>
        %mul3A_824 = arith.muli %gather3A_821, %mul3A_823 : vector<16xi32>
        %add3A_825 = arith.addi %mul3A_824, %iota3A : vector<16xi32>
        %add3A_826 = arith.constant 0 : i32
        %add3A_827 = vector.broadcast %add3A_826 : i32 to vector<16xi32>
        %add3A_828 = arith.addi %add3A_825, %add3A_827 : vector<16xi32>
        %gather3A_829 = tpu.vector_load_idx %arg12[%add3A_820, %add3A_828] : memref<208x128xf32, #tpu.memory_space<vmem>>[vector<16xi32>, vector<16xi32>], vector<16xf32>,
        %add3A_830 = arith.constant 109 : i32
        %add3A_831 = vector.broadcast %add3A_830 : i32 to vector<16xi32>
        %add3A_832 = arith.addi %iota3A, %add3A_831 : vector<16xi32>
        tpu.vector_store_idx %arg14[%add3A_747, %add3A_832], %gather3A_829 : memref<8x845xf32, #tpu.memory_space<vmem>>[vector<16xi32>, vector<16xi32>], vector<16xf32>,
        %add3A_833 = arith.constant 16 : i32
        %add3A_834 = vector.broadcast %add3A_833 : i32 to vector<16xi32>
        %add3A_835 = arith.addi %add3A_825, %add3A_834 : vector<16xi32>
        %gather3A_836 = tpu.vector_load_idx %arg12[%add3A_820, %add3A_835] : memref<208x128xf32, #tpu.memory_space<vmem>>[vector<16xi32>, vector<16xi32>], vector<16xf32>,
        %add3A_837 = arith.constant 125 : i32
        %add3A_838 = vector.broadcast %add3A_837 : i32 to vector<16xi32>
        %add3A_839 = arith.addi %iota3A, %add3A_838 : vector<16xi32>
        tpu.vector_store_idx %arg14[%add3A_747, %add3A_839], %gather3A_836 : memref<8x845xf32, #tpu.memory_space<vmem>>[vector<16xi32>, vector<16xi32>], vector<16xf32>,
        %broadcast_in_dim3A_840 = arith.constant 32 : i32
        %broadcast_in_dim3A_841 = vector.broadcast %broadcast_in_dim3A_840 : i32 to vector<16xi32>
        %add3A_842 = vector.broadcast %scan3A_744 : i32 to vector<16xi32>
        %add3A_843 = arith.addi %broadcast_in_dim3A_841, %add3A_842 : vector<16xi32>
        %gather3A_844 = tpu.vector_load_idx %arg9[%add3A_843] : memref<208xi32, #tpu.memory_space<vmem>>[vector<16xi32>], vector<16xi32>,
        %mul3A_845 = arith.constant 32 : i32
        %mul3A_846 = vector.broadcast %mul3A_845 : i32 to vector<16xi32>
        %mul3A_847 = arith.muli %gather3A_844, %mul3A_846 : vector<16xi32>
        %add3A_848 = arith.addi %mul3A_847, %iota3A : vector<16xi32>
        %add3A_849 = arith.constant 0 : i32
        %add3A_850 = vector.broadcast %add3A_849 : i32 to vector<16xi32>
        %add3A_851 = arith.addi %add3A_848, %add3A_850 : vector<16xi32>
        %gather3A_852 = tpu.vector_load_idx %arg12[%add3A_843, %add3A_851] : memref<208x128xf32, #tpu.memory_space<vmem>>[vector<16xi32>, vector<16xi32>], vector<16xf32>,
        %add3A_853 = arith.constant 141 : i32
        %add3A_854 = vector.broadcast %add3A_853 : i32 to vector<16xi32>
        %add3A_855 = arith.addi %iota3A, %add3A_854 : vector<16xi32>
        tpu.vector_store_idx %arg14[%add3A_747, %add3A_855], %gather3A_852 : memref<8x845xf32, #tpu.memory_space<vmem>>[vector<16xi32>, vector<16xi32>], vector<16xf32>,
        %add3A_856 = arith.constant 16 : i32
        %add3A_857 = vector.broadcast %add3A_856 : i32 to vector<16xi32>
        %add3A_858 = arith.addi %add3A_848, %add3A_857 : vector<16xi32>
        %gather3A_859 = tpu.vector_load_idx %arg12[%add3A_843, %add3A_858] : memref<208x128xf32, #tpu.memory_space<vmem>>[vector<16xi32>, vector<16xi32>], vector<16xf32>,
        %add3A_860 = arith.constant 157 : i32
        %add3A_861 = vector.broadcast %add3A_860 : i32 to vector<16xi32>
        %add3A_862 = arith.addi %iota3A, %add3A_861 : vector<16xi32>
        tpu.vector_store_idx %arg14[%add3A_747, %add3A_862], %gather3A_859 : memref<8x845xf32, #tpu.memory_space<vmem>>[vector<16xi32>, vector<16xi32>], vector<16xf32>,
        %broadcast_in_dim3A_863 = arith.constant 40 : i32
        %broadcast_in_dim3A_864 = vector.broadcast %broadcast_in_dim3A_863 : i32 to vector<16xi32>
        %add3A_865 = vector.broadcast %scan3A_744 : i32 to vector<16xi32>
        %add3A_866 = arith.addi %broadcast_in_dim3A_864, %add3A_865 : vector<16xi32>
        %gather3A_867 = tpu.vector_load_idx %arg9[%add3A_866] : memref<208xi32, #tpu.memory_space<vmem>>[vector<16xi32>], vector<16xi32>,
        %mul3A_868 = arith.constant 32 : i32
        %mul3A_869 = vector.broadcast %mul3A_868 : i32 to vector<16xi32>
        %mul3A_870 = arith.muli %gather3A_867, %mul3A_869 : vector<16xi32>
        %add3A_871 = arith.addi %mul3A_870, %iota3A : vector<16xi32>
        %add3A_872 = arith.constant 0 : i32
        %add3A_873 = vector.broadcast %add3A_872 : i32 to vector<16xi32>
        %add3A_874 = arith.addi %add3A_871, %add3A_873 : vector<16xi32>
        %gather3A_875 = tpu.vector_load_idx %arg12[%add3A_866, %add3A_874] : memref<208x128xf32, #tpu.memory_space<vmem>>[vector<16xi32>, vector<16xi32>], vector<16xf32>,
        %add3A_876 = arith.constant 173 : i32
        %add3A_877 = vector.broadcast %add3A_876 : i32 to vector<16xi32>
        %add3A_878 = arith.addi %iota3A, %add3A_877 : vector<16xi32>
        tpu.vector_store_idx %arg14[%add3A_747, %add3A_878], %gather3A_875 : memref<8x845xf32, #tpu.memory_space<vmem>>[vector<16xi32>, vector<16xi32>], vector<16xf32>,
        %add3A_879 = arith.constant 16 : i32
        %add3A_880 = vector.broadcast %add3A_879 : i32 to vector<16xi32>
        %add3A_881 = arith.addi %add3A_871, %add3A_880 : vector<16xi32>
        %gather3A_882 = tpu.vector_load_idx %arg12[%add3A_866, %add3A_881] : memref<208x128xf32, #tpu.memory_space<vmem>>[vector<16xi32>, vector<16xi32>], vector<16xf32>,
        %add3A_883 = arith.constant 189 : i32
        %add3A_884 = vector.broadcast %add3A_883 : i32 to vector<16xi32>
        %add3A_885 = arith.addi %iota3A, %add3A_884 : vector<16xi32>
        tpu.vector_store_idx %arg14[%add3A_747, %add3A_885], %gather3A_882 : memref<8x845xf32, #tpu.memory_space<vmem>>[vector<16xi32>, vector<16xi32>], vector<16xf32>,
        %broadcast_in_dim3A_886 = arith.constant 48 : i32
        %broadcast_in_dim3A_887 = vector.broadcast %broadcast_in_dim3A_886 : i32 to vector<16xi32>
        %add3A_888 = vector.broadcast %scan3A_744 : i32 to vector<16xi32>
        %add3A_889 = arith.addi %broadcast_in_dim3A_887, %add3A_888 : vector<16xi32>
        %gather3A_890 = tpu.vector_load_idx %arg9[%add3A_889] : memref<208xi32, #tpu.memory_space<vmem>>[vector<16xi32>], vector<16xi32>,
        %mul3A_891 = arith.constant 32 : i32
        %mul3A_892 = vector.broadcast %mul3A_891 : i32 to vector<16xi32>
        %mul3A_893 = arith.muli %gather3A_890, %mul3A_892 : vector<16xi32>
        %add3A_894 = arith.addi %mul3A_893, %iota3A : vector<16xi32>
        %add3A_895 = arith.constant 0 : i32
        %add3A_896 = vector.broadcast %add3A_895 : i32 to vector<16xi32>
        %add3A_897 = arith.addi %add3A_894, %add3A_896 : vector<16xi32>
        %gather3A_898 = tpu.vector_load_idx %arg12[%add3A_889, %add3A_897] : memref<208x128xf32, #tpu.memory_space<vmem>>[vector<16xi32>, vector<16xi32>], vector<16xf32>,
        %add3A_899 = arith.constant 205 : i32
        %add3A_900 = vector.broadcast %add3A_899 : i32 to vector<16xi32>
        %add3A_901 = arith.addi %iota3A, %add3A_900 : vector<16xi32>
        tpu.vector_store_idx %arg14[%add3A_747, %add3A_901], %gather3A_898 : memref<8x845xf32, #tpu.memory_space<vmem>>[vector<16xi32>, vector<16xi32>], vector<16xf32>,
        %add3A_902 = arith.constant 16 : i32
        %add3A_903 = vector.broadcast %add3A_902 : i32 to vector<16xi32>
        %add3A_904 = arith.addi %add3A_894, %add3A_903 : vector<16xi32>
        %gather3A_905 = tpu.vector_load_idx %arg12[%add3A_889, %add3A_904] : memref<208x128xf32, #tpu.memory_space<vmem>>[vector<16xi32>, vector<16xi32>], vector<16xf32>,
        %add3A_906 = arith.constant 221 : i32
        %add3A_907 = vector.broadcast %add3A_906 : i32 to vector<16xi32>
        %add3A_908 = arith.addi %iota3A, %add3A_907 : vector<16xi32>
        tpu.vector_store_idx %arg14[%add3A_747, %add3A_908], %gather3A_905 : memref<8x845xf32, #tpu.memory_space<vmem>>[vector<16xi32>, vector<16xi32>], vector<16xf32>,
        %broadcast_in_dim3A_909 = arith.constant 56 : i32
        %broadcast_in_dim3A_910 = vector.broadcast %broadcast_in_dim3A_909 : i32 to vector<16xi32>
        %add3A_911 = vector.broadcast %scan3A_744 : i32 to vector<16xi32>
        %add3A_912 = arith.addi %broadcast_in_dim3A_910, %add3A_911 : vector<16xi32>
        %gather3A_913 = tpu.vector_load_idx %arg9[%add3A_912] : memref<208xi32, #tpu.memory_space<vmem>>[vector<16xi32>], vector<16xi32>,
        %mul3A_914 = arith.constant 32 : i32
        %mul3A_915 = vector.broadcast %mul3A_914 : i32 to vector<16xi32>
        %mul3A_916 = arith.muli %gather3A_913, %mul3A_915 : vector<16xi32>
        %add3A_917 = arith.addi %mul3A_916, %iota3A : vector<16xi32>
        %add3A_918 = arith.constant 0 : i32
        %add3A_919 = vector.broadcast %add3A_918 : i32 to vector<16xi32>
        %add3A_920 = arith.addi %add3A_917, %add3A_919 : vector<16xi32>
        %gather3A_921 = tpu.vector_load_idx %arg12[%add3A_912, %add3A_920] : memref<208x128xf32, #tpu.memory_space<vmem>>[vector<16xi32>, vector<16xi32>], vector<16xf32>,
        %add3A_922 = arith.constant 237 : i32
        %add3A_923 = vector.broadcast %add3A_922 : i32 to vector<16xi32>
        %add3A_924 = arith.addi %iota3A, %add3A_923 : vector<16xi32>
        tpu.vector_store_idx %arg14[%add3A_747, %add3A_924], %gather3A_921 : memref<8x845xf32, #tpu.memory_space<vmem>>[vector<16xi32>, vector<16xi32>], vector<16xf32>,
        %add3A_925 = arith.constant 16 : i32
        %add3A_926 = vector.broadcast %add3A_925 : i32 to vector<16xi32>
        %add3A_927 = arith.addi %add3A_917, %add3A_926 : vector<16xi32>
        %gather3A_928 = tpu.vector_load_idx %arg12[%add3A_912, %add3A_927] : memref<208x128xf32, #tpu.memory_space<vmem>>[vector<16xi32>, vector<16xi32>], vector<16xf32>,
        %add3A_929 = arith.constant 253 : i32
        %add3A_930 = vector.broadcast %add3A_929 : i32 to vector<16xi32>
        %add3A_931 = arith.addi %iota3A, %add3A_930 : vector<16xi32>
        tpu.vector_store_idx %arg14[%add3A_747, %add3A_931], %gather3A_928 : memref<8x845xf32, #tpu.memory_space<vmem>>[vector<16xi32>, vector<16xi32>], vector<16xf32>,
        %broadcast_in_dim3A_932 = arith.constant 64 : i32
        %broadcast_in_dim3A_933 = vector.broadcast %broadcast_in_dim3A_932 : i32 to vector<16xi32>
        %add3A_934 = vector.broadcast %scan3A_744 : i32 to vector<16xi32>
        %add3A_935 = arith.addi %broadcast_in_dim3A_933, %add3A_934 : vector<16xi32>
        %gather3A_936 = tpu.vector_load_idx %arg9[%add3A_935] : memref<208xi32, #tpu.memory_space<vmem>>[vector<16xi32>], vector<16xi32>,
        %mul3A_937 = arith.constant 32 : i32
        %mul3A_938 = vector.broadcast %mul3A_937 : i32 to vector<16xi32>
        %mul3A_939 = arith.muli %gather3A_936, %mul3A_938 : vector<16xi32>
        %add3A_940 = arith.addi %mul3A_939, %iota3A : vector<16xi32>
        %add3A_941 = arith.constant 0 : i32
        %add3A_942 = vector.broadcast %add3A_941 : i32 to vector<16xi32>
        %add3A_943 = arith.addi %add3A_940, %add3A_942 : vector<16xi32>
        %gather3A_944 = tpu.vector_load_idx %arg12[%add3A_935, %add3A_943] : memref<208x128xf32, #tpu.memory_space<vmem>>[vector<16xi32>, vector<16xi32>], vector<16xf32>,
        %add3A_945 = arith.constant 269 : i32
        %add3A_946 = vector.broadcast %add3A_945 : i32 to vector<16xi32>
        %add3A_947 = arith.addi %iota3A, %add3A_946 : vector<16xi32>
        tpu.vector_store_idx %arg14[%add3A_747, %add3A_947], %gather3A_944 : memref<8x845xf32, #tpu.memory_space<vmem>>[vector<16xi32>, vector<16xi32>], vector<16xf32>,
        %add3A_948 = arith.constant 16 : i32
        %add3A_949 = vector.broadcast %add3A_948 : i32 to vector<16xi32>
        %add3A_950 = arith.addi %add3A_940, %add3A_949 : vector<16xi32>
        %gather3A_951 = tpu.vector_load_idx %arg12[%add3A_935, %add3A_950] : memref<208x128xf32, #tpu.memory_space<vmem>>[vector<16xi32>, vector<16xi32>], vector<16xf32>,
        %add3A_952 = arith.constant 285 : i32
        %add3A_953 = vector.broadcast %add3A_952 : i32 to vector<16xi32>
        %add3A_954 = arith.addi %iota3A, %add3A_953 : vector<16xi32>
        tpu.vector_store_idx %arg14[%add3A_747, %add3A_954], %gather3A_951 : memref<8x845xf32, #tpu.memory_space<vmem>>[vector<16xi32>, vector<16xi32>], vector<16xf32>,
        %broadcast_in_dim3A_955 = arith.constant 72 : i32
        %broadcast_in_dim3A_956 = vector.broadcast %broadcast_in_dim3A_955 : i32 to vector<16xi32>
        %add3A_957 = vector.broadcast %scan3A_744 : i32 to vector<16xi32>
        %add3A_958 = arith.addi %broadcast_in_dim3A_956, %add3A_957 : vector<16xi32>
        %gather3A_959 = tpu.vector_load_idx %arg9[%add3A_958] : memref<208xi32, #tpu.memory_space<vmem>>[vector<16xi32>], vector<16xi32>,
        %mul3A_960 = arith.constant 32 : i32
        %mul3A_961 = vector.broadcast %mul3A_960 : i32 to vector<16xi32>
        %mul3A_962 = arith.muli %gather3A_959, %mul3A_961 : vector<16xi32>
        %add3A_963 = arith.addi %mul3A_962, %iota3A : vector<16xi32>
        %add3A_964 = arith.constant 0 : i32
        %add3A_965 = vector.broadcast %add3A_964 : i32 to vector<16xi32>
        %add3A_966 = arith.addi %add3A_963, %add3A_965 : vector<16xi32>
        %gather3A_967 = tpu.vector_load_idx %arg12[%add3A_958, %add3A_966] : memref<208x128xf32, #tpu.memory_space<vmem>>[vector<16xi32>, vector<16xi32>], vector<16xf32>,
        %add3A_968 = arith.constant 301 : i32
        %add3A_969 = vector.broadcast %add3A_968 : i32 to vector<16xi32>
        %add3A_970 = arith.addi %iota3A, %add3A_969 : vector<16xi32>
        tpu.vector_store_idx %arg14[%add3A_747, %add3A_970], %gather3A_967 : memref<8x845xf32, #tpu.memory_space<vmem>>[vector<16xi32>, vector<16xi32>], vector<16xf32>,
        %add3A_971 = arith.constant 16 : i32
        %add3A_972 = vector.broadcast %add3A_971 : i32 to vector<16xi32>
        %add3A_973 = arith.addi %add3A_963, %add3A_972 : vector<16xi32>
        %gather3A_974 = tpu.vector_load_idx %arg12[%add3A_958, %add3A_973] : memref<208x128xf32, #tpu.memory_space<vmem>>[vector<16xi32>, vector<16xi32>], vector<16xf32>,
        %add3A_975 = arith.constant 317 : i32
        %add3A_976 = vector.broadcast %add3A_975 : i32 to vector<16xi32>
        %add3A_977 = arith.addi %iota3A, %add3A_976 : vector<16xi32>
        tpu.vector_store_idx %arg14[%add3A_747, %add3A_977], %gather3A_974 : memref<8x845xf32, #tpu.memory_space<vmem>>[vector<16xi32>, vector<16xi32>], vector<16xf32>,
        %broadcast_in_dim3A_978 = arith.constant 80 : i32
        %broadcast_in_dim3A_979 = vector.broadcast %broadcast_in_dim3A_978 : i32 to vector<16xi32>
        %add3A_980 = vector.broadcast %scan3A_744 : i32 to vector<16xi32>
        %add3A_981 = arith.addi %broadcast_in_dim3A_979, %add3A_980 : vector<16xi32>
        %gather3A_982 = tpu.vector_load_idx %arg9[%add3A_981] : memref<208xi32, #tpu.memory_space<vmem>>[vector<16xi32>], vector<16xi32>,
        %mul3A_983 = arith.constant 32 : i32
        %mul3A_984 = vector.broadcast %mul3A_983 : i32 to vector<16xi32>
        %mul3A_985 = arith.muli %gather3A_982, %mul3A_984 : vector<16xi32>
        %add3A_986 = arith.addi %mul3A_985, %iota3A : vector<16xi32>
        %add3A_987 = arith.constant 0 : i32
        %add3A_988 = vector.broadcast %add3A_987 : i32 to vector<16xi32>
        %add3A_989 = arith.addi %add3A_986, %add3A_988 : vector<16xi32>
        %gather3A_990 = tpu.vector_load_idx %arg12[%add3A_981, %add3A_989] : memref<208x128xf32, #tpu.memory_space<vmem>>[vector<16xi32>, vector<16xi32>], vector<16xf32>,
        %add3A_991 = arith.constant 333 : i32
        %add3A_992 = vector.broadcast %add3A_991 : i32 to vector<16xi32>
        %add3A_993 = arith.addi %iota3A, %add3A_992 : vector<16xi32>
        tpu.vector_store_idx %arg14[%add3A_747, %add3A_993], %gather3A_990 : memref<8x845xf32, #tpu.memory_space<vmem>>[vector<16xi32>, vector<16xi32>], vector<16xf32>,
        %add3A_994 = arith.constant 16 : i32
        %add3A_995 = vector.broadcast %add3A_994 : i32 to vector<16xi32>
        %add3A_996 = arith.addi %add3A_986, %add3A_995 : vector<16xi32>
        %gather3A_997 = tpu.vector_load_idx %arg12[%add3A_981, %add3A_996] : memref<208x128xf32, #tpu.memory_space<vmem>>[vector<16xi32>, vector<16xi32>], vector<16xf32>,
        %add3A_998 = arith.constant 349 : i32
        %add3A_999 = vector.broadcast %add3A_998 : i32 to vector<16xi32>
        %add3A_1000 = arith.addi %iota3A, %add3A_999 : vector<16xi32>
        tpu.vector_store_idx %arg14[%add3A_747, %add3A_1000], %gather3A_997 : memref<8x845xf32, #tpu.memory_space<vmem>>[vector<16xi32>, vector<16xi32>], vector<16xf32>,
        %broadcast_in_dim3A_1001 = arith.constant 88 : i32
        %broadcast_in_dim3A_1002 = vector.broadcast %broadcast_in_dim3A_1001 : i32 to vector<16xi32>
        %add3A_1003 = vector.broadcast %scan3A_744 : i32 to vector<16xi32>
        %add3A_1004 = arith.addi %broadcast_in_dim3A_1002, %add3A_1003 : vector<16xi32>
        %gather3A_1005 = tpu.vector_load_idx %arg9[%add3A_1004] : memref<208xi32, #tpu.memory_space<vmem>>[vector<16xi32>], vector<16xi32>,
        %mul3A_1006 = arith.constant 32 : i32
        %mul3A_1007 = vector.broadcast %mul3A_1006 : i32 to vector<16xi32>
        %mul3A_1008 = arith.muli %gather3A_1005, %mul3A_1007 : vector<16xi32>
        %add3A_1009 = arith.addi %mul3A_1008, %iota3A : vector<16xi32>
        %add3A_1010 = arith.constant 0 : i32
        %add3A_1011 = vector.broadcast %add3A_1010 : i32 to vector<16xi32>
        %add3A_1012 = arith.addi %add3A_1009, %add3A_1011 : vector<16xi32>
        %gather3A_1013 = tpu.vector_load_idx %arg12[%add3A_1004, %add3A_1012] : memref<208x128xf32, #tpu.memory_space<vmem>>[vector<16xi32>, vector<16xi32>], vector<16xf32>,
        %add3A_1014 = arith.constant 365 : i32
        %add3A_1015 = vector.broadcast %add3A_1014 : i32 to vector<16xi32>
        %add3A_1016 = arith.addi %iota3A, %add3A_1015 : vector<16xi32>
        tpu.vector_store_idx %arg14[%add3A_747, %add3A_1016], %gather3A_1013 : memref<8x845xf32, #tpu.memory_space<vmem>>[vector<16xi32>, vector<16xi32>], vector<16xf32>,
        %add3A_1017 = arith.constant 16 : i32
        %add3A_1018 = vector.broadcast %add3A_1017 : i32 to vector<16xi32>
        %add3A_1019 = arith.addi %add3A_1009, %add3A_1018 : vector<16xi32>
        %gather3A_1020 = tpu.vector_load_idx %arg12[%add3A_1004, %add3A_1019] : memref<208x128xf32, #tpu.memory_space<vmem>>[vector<16xi32>, vector<16xi32>], vector<16xf32>,
        %add3A_1021 = arith.constant 381 : i32
        %add3A_1022 = vector.broadcast %add3A_1021 : i32 to vector<16xi32>
        %add3A_1023 = arith.addi %iota3A, %add3A_1022 : vector<16xi32>
        tpu.vector_store_idx %arg14[%add3A_747, %add3A_1023], %gather3A_1020 : memref<8x845xf32, #tpu.memory_space<vmem>>[vector<16xi32>, vector<16xi32>], vector<16xf32>,
        %broadcast_in_dim3A_1024 = arith.constant 96 : i32
        %broadcast_in_dim3A_1025 = vector.broadcast %broadcast_in_dim3A_1024 : i32 to vector<16xi32>
        %add3A_1026 = vector.broadcast %scan3A_744 : i32 to vector<16xi32>
        %add3A_1027 = arith.addi %broadcast_in_dim3A_1025, %add3A_1026 : vector<16xi32>
        %gather3A_1028 = tpu.vector_load_idx %arg9[%add3A_1027] : memref<208xi32, #tpu.memory_space<vmem>>[vector<16xi32>], vector<16xi32>,
        %mul3A_1029 = arith.constant 32 : i32
        %mul3A_1030 = vector.broadcast %mul3A_1029 : i32 to vector<16xi32>
        %mul3A_1031 = arith.muli %gather3A_1028, %mul3A_1030 : vector<16xi32>
        %add3A_1032 = arith.addi %mul3A_1031, %iota3A : vector<16xi32>
        %add3A_1033 = arith.constant 0 : i32
        %add3A_1034 = vector.broadcast %add3A_1033 : i32 to vector<16xi32>
        %add3A_1035 = arith.addi %add3A_1032, %add3A_1034 : vector<16xi32>
        %gather3A_1036 = tpu.vector_load_idx %arg12[%add3A_1027, %add3A_1035] : memref<208x128xf32, #tpu.memory_space<vmem>>[vector<16xi32>, vector<16xi32>], vector<16xf32>,
        %add3A_1037 = arith.constant 397 : i32
        %add3A_1038 = vector.broadcast %add3A_1037 : i32 to vector<16xi32>
        %add3A_1039 = arith.addi %iota3A, %add3A_1038 : vector<16xi32>
        tpu.vector_store_idx %arg14[%add3A_747, %add3A_1039], %gather3A_1036 : memref<8x845xf32, #tpu.memory_space<vmem>>[vector<16xi32>, vector<16xi32>], vector<16xf32>,
        %add3A_1040 = arith.constant 16 : i32
        %add3A_1041 = vector.broadcast %add3A_1040 : i32 to vector<16xi32>
        %add3A_1042 = arith.addi %add3A_1032, %add3A_1041 : vector<16xi32>
        %gather3A_1043 = tpu.vector_load_idx %arg12[%add3A_1027, %add3A_1042] : memref<208x128xf32, #tpu.memory_space<vmem>>[vector<16xi32>, vector<16xi32>], vector<16xf32>,
        %add3A_1044 = arith.constant 413 : i32
        %add3A_1045 = vector.broadcast %add3A_1044 : i32 to vector<16xi32>
        %add3A_1046 = arith.addi %iota3A, %add3A_1045 : vector<16xi32>
        tpu.vector_store_idx %arg14[%add3A_747, %add3A_1046], %gather3A_1043 : memref<8x845xf32, #tpu.memory_space<vmem>>[vector<16xi32>, vector<16xi32>], vector<16xf32>,
        %broadcast_in_dim3A_1047 = arith.constant 104 : i32
        %broadcast_in_dim3A_1048 = vector.broadcast %broadcast_in_dim3A_1047 : i32 to vector<16xi32>
        %add3A_1049 = vector.broadcast %scan3A_744 : i32 to vector<16xi32>
        %add3A_1050 = arith.addi %broadcast_in_dim3A_1048, %add3A_1049 : vector<16xi32>
        %gather3A_1051 = tpu.vector_load_idx %arg9[%add3A_1050] : memref<208xi32, #tpu.memory_space<vmem>>[vector<16xi32>], vector<16xi32>,
        %mul3A_1052 = arith.constant 32 : i32
        %mul3A_1053 = vector.broadcast %mul3A_1052 : i32 to vector<16xi32>
        %mul3A_1054 = arith.muli %gather3A_1051, %mul3A_1053 : vector<16xi32>
        %add3A_1055 = arith.addi %mul3A_1054, %iota3A : vector<16xi32>
        %add3A_1056 = arith.constant 0 : i32
        %add3A_1057 = vector.broadcast %add3A_1056 : i32 to vector<16xi32>
        %add3A_1058 = arith.addi %add3A_1055, %add3A_1057 : vector<16xi32>
        %gather3A_1059 = tpu.vector_load_idx %arg12[%add3A_1050, %add3A_1058] : memref<208x128xf32, #tpu.memory_space<vmem>>[vector<16xi32>, vector<16xi32>], vector<16xf32>,
        %add3A_1060 = arith.constant 429 : i32
        %add3A_1061 = vector.broadcast %add3A_1060 : i32 to vector<16xi32>
        %add3A_1062 = arith.addi %iota3A, %add3A_1061 : vector<16xi32>
        tpu.vector_store_idx %arg14[%add3A_747, %add3A_1062], %gather3A_1059 : memref<8x845xf32, #tpu.memory_space<vmem>>[vector<16xi32>, vector<16xi32>], vector<16xf32>,
        %add3A_1063 = arith.constant 16 : i32
        %add3A_1064 = vector.broadcast %add3A_1063 : i32 to vector<16xi32>
        %add3A_1065 = arith.addi %add3A_1055, %add3A_1064 : vector<16xi32>
        %gather3A_1066 = tpu.vector_load_idx %arg12[%add3A_1050, %add3A_1065] : memref<208x128xf32, #tpu.memory_space<vmem>>[vector<16xi32>, vector<16xi32>], vector<16xf32>,
        %add3A_1067 = arith.constant 445 : i32
        %add3A_1068 = vector.broadcast %add3A_1067 : i32 to vector<16xi32>
        %add3A_1069 = arith.addi %iota3A, %add3A_1068 : vector<16xi32>
        tpu.vector_store_idx %arg14[%add3A_747, %add3A_1069], %gather3A_1066 : memref<8x845xf32, #tpu.memory_space<vmem>>[vector<16xi32>, vector<16xi32>], vector<16xf32>,
        %broadcast_in_dim3A_1070 = arith.constant 112 : i32
        %broadcast_in_dim3A_1071 = vector.broadcast %broadcast_in_dim3A_1070 : i32 to vector<16xi32>
        %add3A_1072 = vector.broadcast %scan3A_744 : i32 to vector<16xi32>
        %add3A_1073 = arith.addi %broadcast_in_dim3A_1071, %add3A_1072 : vector<16xi32>
        %gather3A_1074 = tpu.vector_load_idx %arg9[%add3A_1073] : memref<208xi32, #tpu.memory_space<vmem>>[vector<16xi32>], vector<16xi32>,
        %mul3A_1075 = arith.constant 32 : i32
        %mul3A_1076 = vector.broadcast %mul3A_1075 : i32 to vector<16xi32>
        %mul3A_1077 = arith.muli %gather3A_1074, %mul3A_1076 : vector<16xi32>
        %add3A_1078 = arith.addi %mul3A_1077, %iota3A : vector<16xi32>
        %add3A_1079 = arith.constant 0 : i32
        %add3A_1080 = vector.broadcast %add3A_1079 : i32 to vector<16xi32>
        %add3A_1081 = arith.addi %add3A_1078, %add3A_1080 : vector<16xi32>
        %gather3A_1082 = tpu.vector_load_idx %arg12[%add3A_1073, %add3A_1081] : memref<208x128xf32, #tpu.memory_space<vmem>>[vector<16xi32>, vector<16xi32>], vector<16xf32>,
        %add3A_1083 = arith.constant 461 : i32
        %add3A_1084 = vector.broadcast %add3A_1083 : i32 to vector<16xi32>
        %add3A_1085 = arith.addi %iota3A, %add3A_1084 : vector<16xi32>
        tpu.vector_store_idx %arg14[%add3A_747, %add3A_1085], %gather3A_1082 : memref<8x845xf32, #tpu.memory_space<vmem>>[vector<16xi32>, vector<16xi32>], vector<16xf32>,
        %add3A_1086 = arith.constant 16 : i32
        %add3A_1087 = vector.broadcast %add3A_1086 : i32 to vector<16xi32>
        %add3A_1088 = arith.addi %add3A_1078, %add3A_1087 : vector<16xi32>
        %gather3A_1089 = tpu.vector_load_idx %arg12[%add3A_1073, %add3A_1088] : memref<208x128xf32, #tpu.memory_space<vmem>>[vector<16xi32>, vector<16xi32>], vector<16xf32>,
        %add3A_1090 = arith.constant 477 : i32
        %add3A_1091 = vector.broadcast %add3A_1090 : i32 to vector<16xi32>
        %add3A_1092 = arith.addi %iota3A, %add3A_1091 : vector<16xi32>
        tpu.vector_store_idx %arg14[%add3A_747, %add3A_1092], %gather3A_1089 : memref<8x845xf32, #tpu.memory_space<vmem>>[vector<16xi32>, vector<16xi32>], vector<16xf32>,
        %broadcast_in_dim3A_1093 = arith.constant 120 : i32
        %broadcast_in_dim3A_1094 = vector.broadcast %broadcast_in_dim3A_1093 : i32 to vector<16xi32>
        %add3A_1095 = vector.broadcast %scan3A_744 : i32 to vector<16xi32>
        %add3A_1096 = arith.addi %broadcast_in_dim3A_1094, %add3A_1095 : vector<16xi32>
        %gather3A_1097 = tpu.vector_load_idx %arg9[%add3A_1096] : memref<208xi32, #tpu.memory_space<vmem>>[vector<16xi32>], vector<16xi32>,
        %mul3A_1098 = arith.constant 32 : i32
        %mul3A_1099 = vector.broadcast %mul3A_1098 : i32 to vector<16xi32>
        %mul3A_1100 = arith.muli %gather3A_1097, %mul3A_1099 : vector<16xi32>
        %add3A_1101 = arith.addi %mul3A_1100, %iota3A : vector<16xi32>
        %add3A_1102 = arith.constant 0 : i32
        %add3A_1103 = vector.broadcast %add3A_1102 : i32 to vector<16xi32>
        %add3A_1104 = arith.addi %add3A_1101, %add3A_1103 : vector<16xi32>
        %gather3A_1105 = tpu.vector_load_idx %arg12[%add3A_1096, %add3A_1104] : memref<208x128xf32, #tpu.memory_space<vmem>>[vector<16xi32>, vector<16xi32>], vector<16xf32>,
        %add3A_1106 = arith.constant 493 : i32
        %add3A_1107 = vector.broadcast %add3A_1106 : i32 to vector<16xi32>
        %add3A_1108 = arith.addi %iota3A, %add3A_1107 : vector<16xi32>
        tpu.vector_store_idx %arg14[%add3A_747, %add3A_1108], %gather3A_1105 : memref<8x845xf32, #tpu.memory_space<vmem>>[vector<16xi32>, vector<16xi32>], vector<16xf32>,
        %add3A_1109 = arith.constant 16 : i32
        %add3A_1110 = vector.broadcast %add3A_1109 : i32 to vector<16xi32>
        %add3A_1111 = arith.addi %add3A_1101, %add3A_1110 : vector<16xi32>
        %gather3A_1112 = tpu.vector_load_idx %arg12[%add3A_1096, %add3A_1111] : memref<208x128xf32, #tpu.memory_space<vmem>>[vector<16xi32>, vector<16xi32>], vector<16xf32>,
        %add3A_1113 = arith.constant 509 : i32
        %add3A_1114 = vector.broadcast %add3A_1113 : i32 to vector<16xi32>
        %add3A_1115 = arith.addi %iota3A, %add3A_1114 : vector<16xi32>
        tpu.vector_store_idx %arg14[%add3A_747, %add3A_1115], %gather3A_1112 : memref<8x845xf32, #tpu.memory_space<vmem>>[vector<16xi32>, vector<16xi32>], vector<16xf32>,
        %broadcast_in_dim3A_1116 = arith.constant 128 : i32
        %broadcast_in_dim3A_1117 = vector.broadcast %broadcast_in_dim3A_1116 : i32 to vector<16xi32>
        %add3A_1118 = vector.broadcast %scan3A_744 : i32 to vector<16xi32>
        %add3A_1119 = arith.addi %broadcast_in_dim3A_1117, %add3A_1118 : vector<16xi32>
        %gather3A_1120 = tpu.vector_load_idx %arg9[%add3A_1119] : memref<208xi32, #tpu.memory_space<vmem>>[vector<16xi32>], vector<16xi32>,
        %mul3A_1121 = arith.constant 32 : i32
        %mul3A_1122 = vector.broadcast %mul3A_1121 : i32 to vector<16xi32>
        %mul3A_1123 = arith.muli %gather3A_1120, %mul3A_1122 : vector<16xi32>
        %add3A_1124 = arith.addi %mul3A_1123, %iota3A : vector<16xi32>
        %add3A_1125 = arith.constant 0 : i32
        %add3A_1126 = vector.broadcast %add3A_1125 : i32 to vector<16xi32>
        %add3A_1127 = arith.addi %add3A_1124, %add3A_1126 : vector<16xi32>
        %gather3A_1128 = tpu.vector_load_idx %arg12[%add3A_1119, %add3A_1127] : memref<208x128xf32, #tpu.memory_space<vmem>>[vector<16xi32>, vector<16xi32>], vector<16xf32>,
        %add3A_1129 = arith.constant 525 : i32
        %add3A_1130 = vector.broadcast %add3A_1129 : i32 to vector<16xi32>
        %add3A_1131 = arith.addi %iota3A, %add3A_1130 : vector<16xi32>
        tpu.vector_store_idx %arg14[%add3A_747, %add3A_1131], %gather3A_1128 : memref<8x845xf32, #tpu.memory_space<vmem>>[vector<16xi32>, vector<16xi32>], vector<16xf32>,
        %add3A_1132 = arith.constant 16 : i32
        %add3A_1133 = vector.broadcast %add3A_1132 : i32 to vector<16xi32>
        %add3A_1134 = arith.addi %add3A_1124, %add3A_1133 : vector<16xi32>
        %gather3A_1135 = tpu.vector_load_idx %arg12[%add3A_1119, %add3A_1134] : memref<208x128xf32, #tpu.memory_space<vmem>>[vector<16xi32>, vector<16xi32>], vector<16xf32>,
        %add3A_1136 = arith.constant 541 : i32
        %add3A_1137 = vector.broadcast %add3A_1136 : i32 to vector<16xi32>
        %add3A_1138 = arith.addi %iota3A, %add3A_1137 : vector<16xi32>
        tpu.vector_store_idx %arg14[%add3A_747, %add3A_1138], %gather3A_1135 : memref<8x845xf32, #tpu.memory_space<vmem>>[vector<16xi32>, vector<16xi32>], vector<16xf32>,
        %broadcast_in_dim3A_1139 = arith.constant 136 : i32
        %broadcast_in_dim3A_1140 = vector.broadcast %broadcast_in_dim3A_1139 : i32 to vector<16xi32>
        %add3A_1141 = vector.broadcast %scan3A_744 : i32 to vector<16xi32>
        %add3A_1142 = arith.addi %broadcast_in_dim3A_1140, %add3A_1141 : vector<16xi32>
        %gather3A_1143 = tpu.vector_load_idx %arg9[%add3A_1142] : memref<208xi32, #tpu.memory_space<vmem>>[vector<16xi32>], vector<16xi32>,
        %mul3A_1144 = arith.constant 32 : i32
        %mul3A_1145 = vector.broadcast %mul3A_1144 : i32 to vector<16xi32>
        %mul3A_1146 = arith.muli %gather3A_1143, %mul3A_1145 : vector<16xi32>
        %add3A_1147 = arith.addi %mul3A_1146, %iota3A : vector<16xi32>
        %add3A_1148 = arith.constant 0 : i32
        %add3A_1149 = vector.broadcast %add3A_1148 : i32 to vector<16xi32>
        %add3A_1150 = arith.addi %add3A_1147, %add3A_1149 : vector<16xi32>
        %gather3A_1151 = tpu.vector_load_idx %arg12[%add3A_1142, %add3A_1150] : memref<208x128xf32, #tpu.memory_space<vmem>>[vector<16xi32>, vector<16xi32>], vector<16xf32>,
        %add3A_1152 = arith.constant 557 : i32
        %add3A_1153 = vector.broadcast %add3A_1152 : i32 to vector<16xi32>
        %add3A_1154 = arith.addi %iota3A, %add3A_1153 : vector<16xi32>
        tpu.vector_store_idx %arg14[%add3A_747, %add3A_1154], %gather3A_1151 : memref<8x845xf32, #tpu.memory_space<vmem>>[vector<16xi32>, vector<16xi32>], vector<16xf32>,
        %add3A_1155 = arith.constant 16 : i32
        %add3A_1156 = vector.broadcast %add3A_1155 : i32 to vector<16xi32>
        %add3A_1157 = arith.addi %add3A_1147, %add3A_1156 : vector<16xi32>
        %gather3A_1158 = tpu.vector_load_idx %arg12[%add3A_1142, %add3A_1157] : memref<208x128xf32, #tpu.memory_space<vmem>>[vector<16xi32>, vector<16xi32>], vector<16xf32>,
        %add3A_1159 = arith.constant 573 : i32
        %add3A_1160 = vector.broadcast %add3A_1159 : i32 to vector<16xi32>
        %add3A_1161 = arith.addi %iota3A, %add3A_1160 : vector<16xi32>
        tpu.vector_store_idx %arg14[%add3A_747, %add3A_1161], %gather3A_1158 : memref<8x845xf32, #tpu.memory_space<vmem>>[vector<16xi32>, vector<16xi32>], vector<16xf32>,
        %broadcast_in_dim3A_1162 = arith.constant 144 : i32
        %broadcast_in_dim3A_1163 = vector.broadcast %broadcast_in_dim3A_1162 : i32 to vector<16xi32>
        %add3A_1164 = vector.broadcast %scan3A_744 : i32 to vector<16xi32>
        %add3A_1165 = arith.addi %broadcast_in_dim3A_1163, %add3A_1164 : vector<16xi32>
        %gather3A_1166 = tpu.vector_load_idx %arg9[%add3A_1165] : memref<208xi32, #tpu.memory_space<vmem>>[vector<16xi32>], vector<16xi32>,
        %mul3A_1167 = arith.constant 32 : i32
        %mul3A_1168 = vector.broadcast %mul3A_1167 : i32 to vector<16xi32>
        %mul3A_1169 = arith.muli %gather3A_1166, %mul3A_1168 : vector<16xi32>
        %add3A_1170 = arith.addi %mul3A_1169, %iota3A : vector<16xi32>
        %add3A_1171 = arith.constant 0 : i32
        %add3A_1172 = vector.broadcast %add3A_1171 : i32 to vector<16xi32>
        %add3A_1173 = arith.addi %add3A_1170, %add3A_1172 : vector<16xi32>
        %gather3A_1174 = tpu.vector_load_idx %arg12[%add3A_1165, %add3A_1173] : memref<208x128xf32, #tpu.memory_space<vmem>>[vector<16xi32>, vector<16xi32>], vector<16xf32>,
        %add3A_1175 = arith.constant 589 : i32
        %add3A_1176 = vector.broadcast %add3A_1175 : i32 to vector<16xi32>
        %add3A_1177 = arith.addi %iota3A, %add3A_1176 : vector<16xi32>
        tpu.vector_store_idx %arg14[%add3A_747, %add3A_1177], %gather3A_1174 : memref<8x845xf32, #tpu.memory_space<vmem>>[vector<16xi32>, vector<16xi32>], vector<16xf32>,
        %add3A_1178 = arith.constant 16 : i32
        %add3A_1179 = vector.broadcast %add3A_1178 : i32 to vector<16xi32>
        %add3A_1180 = arith.addi %add3A_1170, %add3A_1179 : vector<16xi32>
        %gather3A_1181 = tpu.vector_load_idx %arg12[%add3A_1165, %add3A_1180] : memref<208x128xf32, #tpu.memory_space<vmem>>[vector<16xi32>, vector<16xi32>], vector<16xf32>,
        %add3A_1182 = arith.constant 605 : i32
        %add3A_1183 = vector.broadcast %add3A_1182 : i32 to vector<16xi32>
        %add3A_1184 = arith.addi %iota3A, %add3A_1183 : vector<16xi32>
        tpu.vector_store_idx %arg14[%add3A_747, %add3A_1184], %gather3A_1181 : memref<8x845xf32, #tpu.memory_space<vmem>>[vector<16xi32>, vector<16xi32>], vector<16xf32>,
        %broadcast_in_dim3A_1185 = arith.constant 152 : i32
        %broadcast_in_dim3A_1186 = vector.broadcast %broadcast_in_dim3A_1185 : i32 to vector<16xi32>
        %add3A_1187 = vector.broadcast %scan3A_744 : i32 to vector<16xi32>
        %add3A_1188 = arith.addi %broadcast_in_dim3A_1186, %add3A_1187 : vector<16xi32>
        %gather3A_1189 = tpu.vector_load_idx %arg9[%add3A_1188] : memref<208xi32, #tpu.memory_space<vmem>>[vector<16xi32>], vector<16xi32>,
        %mul3A_1190 = arith.constant 32 : i32
        %mul3A_1191 = vector.broadcast %mul3A_1190 : i32 to vector<16xi32>
        %mul3A_1192 = arith.muli %gather3A_1189, %mul3A_1191 : vector<16xi32>
        %add3A_1193 = arith.addi %mul3A_1192, %iota3A : vector<16xi32>
        %add3A_1194 = arith.constant 0 : i32
        %add3A_1195 = vector.broadcast %add3A_1194 : i32 to vector<16xi32>
        %add3A_1196 = arith.addi %add3A_1193, %add3A_1195 : vector<16xi32>
        %gather3A_1197 = tpu.vector_load_idx %arg12[%add3A_1188, %add3A_1196] : memref<208x128xf32, #tpu.memory_space<vmem>>[vector<16xi32>, vector<16xi32>], vector<16xf32>,
        %add3A_1198 = arith.constant 621 : i32
        %add3A_1199 = vector.broadcast %add3A_1198 : i32 to vector<16xi32>
        %add3A_1200 = arith.addi %iota3A, %add3A_1199 : vector<16xi32>
        tpu.vector_store_idx %arg14[%add3A_747, %add3A_1200], %gather3A_1197 : memref<8x845xf32, #tpu.memory_space<vmem>>[vector<16xi32>, vector<16xi32>], vector<16xf32>,
        %add3A_1201 = arith.constant 16 : i32
        %add3A_1202 = vector.broadcast %add3A_1201 : i32 to vector<16xi32>
        %add3A_1203 = arith.addi %add3A_1193, %add3A_1202 : vector<16xi32>
        %gather3A_1204 = tpu.vector_load_idx %arg12[%add3A_1188, %add3A_1203] : memref<208x128xf32, #tpu.memory_space<vmem>>[vector<16xi32>, vector<16xi32>], vector<16xf32>,
        %add3A_1205 = arith.constant 637 : i32
        %add3A_1206 = vector.broadcast %add3A_1205 : i32 to vector<16xi32>
        %add3A_1207 = arith.addi %iota3A, %add3A_1206 : vector<16xi32>
        tpu.vector_store_idx %arg14[%add3A_747, %add3A_1207], %gather3A_1204 : memref<8x845xf32, #tpu.memory_space<vmem>>[vector<16xi32>, vector<16xi32>], vector<16xf32>,
        %broadcast_in_dim3A_1208 = arith.constant 160 : i32
        %broadcast_in_dim3A_1209 = vector.broadcast %broadcast_in_dim3A_1208 : i32 to vector<16xi32>
        %add3A_1210 = vector.broadcast %scan3A_744 : i32 to vector<16xi32>
        %add3A_1211 = arith.addi %broadcast_in_dim3A_1209, %add3A_1210 : vector<16xi32>
        %gather3A_1212 = tpu.vector_load_idx %arg9[%add3A_1211] : memref<208xi32, #tpu.memory_space<vmem>>[vector<16xi32>], vector<16xi32>,
        %mul3A_1213 = arith.constant 32 : i32
        %mul3A_1214 = vector.broadcast %mul3A_1213 : i32 to vector<16xi32>
        %mul3A_1215 = arith.muli %gather3A_1212, %mul3A_1214 : vector<16xi32>
        %add3A_1216 = arith.addi %mul3A_1215, %iota3A : vector<16xi32>
        %add3A_1217 = arith.constant 0 : i32
        %add3A_1218 = vector.broadcast %add3A_1217 : i32 to vector<16xi32>
        %add3A_1219 = arith.addi %add3A_1216, %add3A_1218 : vector<16xi32>
        %gather3A_1220 = tpu.vector_load_idx %arg12[%add3A_1211, %add3A_1219] : memref<208x128xf32, #tpu.memory_space<vmem>>[vector<16xi32>, vector<16xi32>], vector<16xf32>,
        %add3A_1221 = arith.constant 653 : i32
        %add3A_1222 = vector.broadcast %add3A_1221 : i32 to vector<16xi32>
        %add3A_1223 = arith.addi %iota3A, %add3A_1222 : vector<16xi32>
        tpu.vector_store_idx %arg14[%add3A_747, %add3A_1223], %gather3A_1220 : memref<8x845xf32, #tpu.memory_space<vmem>>[vector<16xi32>, vector<16xi32>], vector<16xf32>,
        %add3A_1224 = arith.constant 16 : i32
        %add3A_1225 = vector.broadcast %add3A_1224 : i32 to vector<16xi32>
        %add3A_1226 = arith.addi %add3A_1216, %add3A_1225 : vector<16xi32>
        %gather3A_1227 = tpu.vector_load_idx %arg12[%add3A_1211, %add3A_1226] : memref<208x128xf32, #tpu.memory_space<vmem>>[vector<16xi32>, vector<16xi32>], vector<16xf32>,
        %add3A_1228 = arith.constant 669 : i32
        %add3A_1229 = vector.broadcast %add3A_1228 : i32 to vector<16xi32>
        %add3A_1230 = arith.addi %iota3A, %add3A_1229 : vector<16xi32>
        tpu.vector_store_idx %arg14[%add3A_747, %add3A_1230], %gather3A_1227 : memref<8x845xf32, #tpu.memory_space<vmem>>[vector<16xi32>, vector<16xi32>], vector<16xf32>,
        %broadcast_in_dim3A_1231 = arith.constant 168 : i32
        %broadcast_in_dim3A_1232 = vector.broadcast %broadcast_in_dim3A_1231 : i32 to vector<16xi32>
        %add3A_1233 = vector.broadcast %scan3A_744 : i32 to vector<16xi32>
        %add3A_1234 = arith.addi %broadcast_in_dim3A_1232, %add3A_1233 : vector<16xi32>
        %gather3A_1235 = tpu.vector_load_idx %arg9[%add3A_1234] : memref<208xi32, #tpu.memory_space<vmem>>[vector<16xi32>], vector<16xi32>,
        %mul3A_1236 = arith.constant 32 : i32
        %mul3A_1237 = vector.broadcast %mul3A_1236 : i32 to vector<16xi32>
        %mul3A_1238 = arith.muli %gather3A_1235, %mul3A_1237 : vector<16xi32>
        %add3A_1239 = arith.addi %mul3A_1238, %iota3A : vector<16xi32>
        %add3A_1240 = arith.constant 0 : i32
        %add3A_1241 = vector.broadcast %add3A_1240 : i32 to vector<16xi32>
        %add3A_1242 = arith.addi %add3A_1239, %add3A_1241 : vector<16xi32>
        %gather3A_1243 = tpu.vector_load_idx %arg12[%add3A_1234, %add3A_1242] : memref<208x128xf32, #tpu.memory_space<vmem>>[vector<16xi32>, vector<16xi32>], vector<16xf32>,
        %add3A_1244 = arith.constant 685 : i32
        %add3A_1245 = vector.broadcast %add3A_1244 : i32 to vector<16xi32>
        %add3A_1246 = arith.addi %iota3A, %add3A_1245 : vector<16xi32>
        tpu.vector_store_idx %arg14[%add3A_747, %add3A_1246], %gather3A_1243 : memref<8x845xf32, #tpu.memory_space<vmem>>[vector<16xi32>, vector<16xi32>], vector<16xf32>,
        %add3A_1247 = arith.constant 16 : i32
        %add3A_1248 = vector.broadcast %add3A_1247 : i32 to vector<16xi32>
        %add3A_1249 = arith.addi %add3A_1239, %add3A_1248 : vector<16xi32>
        %gather3A_1250 = tpu.vector_load_idx %arg12[%add3A_1234, %add3A_1249] : memref<208x128xf32, #tpu.memory_space<vmem>>[vector<16xi32>, vector<16xi32>], vector<16xf32>,
        %add3A_1251 = arith.constant 701 : i32
        %add3A_1252 = vector.broadcast %add3A_1251 : i32 to vector<16xi32>
        %add3A_1253 = arith.addi %iota3A, %add3A_1252 : vector<16xi32>
        tpu.vector_store_idx %arg14[%add3A_747, %add3A_1253], %gather3A_1250 : memref<8x845xf32, #tpu.memory_space<vmem>>[vector<16xi32>, vector<16xi32>], vector<16xf32>,
        %broadcast_in_dim3A_1254 = arith.constant 176 : i32
        %broadcast_in_dim3A_1255 = vector.broadcast %broadcast_in_dim3A_1254 : i32 to vector<16xi32>
        %add3A_1256 = vector.broadcast %scan3A_744 : i32 to vector<16xi32>
        %add3A_1257 = arith.addi %broadcast_in_dim3A_1255, %add3A_1256 : vector<16xi32>
        %gather3A_1258 = tpu.vector_load_idx %arg9[%add3A_1257] : memref<208xi32, #tpu.memory_space<vmem>>[vector<16xi32>], vector<16xi32>,
        %mul3A_1259 = arith.constant 32 : i32
        %mul3A_1260 = vector.broadcast %mul3A_1259 : i32 to vector<16xi32>
        %mul3A_1261 = arith.muli %gather3A_1258, %mul3A_1260 : vector<16xi32>
        %add3A_1262 = arith.addi %mul3A_1261, %iota3A : vector<16xi32>
        %add3A_1263 = arith.constant 0 : i32
        %add3A_1264 = vector.broadcast %add3A_1263 : i32 to vector<16xi32>
        %add3A_1265 = arith.addi %add3A_1262, %add3A_1264 : vector<16xi32>
        %gather3A_1266 = tpu.vector_load_idx %arg12[%add3A_1257, %add3A_1265] : memref<208x128xf32, #tpu.memory_space<vmem>>[vector<16xi32>, vector<16xi32>], vector<16xf32>,
        %add3A_1267 = arith.constant 717 : i32
        %add3A_1268 = vector.broadcast %add3A_1267 : i32 to vector<16xi32>
        %add3A_1269 = arith.addi %iota3A, %add3A_1268 : vector<16xi32>
        tpu.vector_store_idx %arg14[%add3A_747, %add3A_1269], %gather3A_1266 : memref<8x845xf32, #tpu.memory_space<vmem>>[vector<16xi32>, vector<16xi32>], vector<16xf32>,
        %add3A_1270 = arith.constant 16 : i32
        %add3A_1271 = vector.broadcast %add3A_1270 : i32 to vector<16xi32>
        %add3A_1272 = arith.addi %add3A_1262, %add3A_1271 : vector<16xi32>
        %gather3A_1273 = tpu.vector_load_idx %arg12[%add3A_1257, %add3A_1272] : memref<208x128xf32, #tpu.memory_space<vmem>>[vector<16xi32>, vector<16xi32>], vector<16xf32>,
        %add3A_1274 = arith.constant 733 : i32
        %add3A_1275 = vector.broadcast %add3A_1274 : i32 to vector<16xi32>
        %add3A_1276 = arith.addi %iota3A, %add3A_1275 : vector<16xi32>
        tpu.vector_store_idx %arg14[%add3A_747, %add3A_1276], %gather3A_1273 : memref<8x845xf32, #tpu.memory_space<vmem>>[vector<16xi32>, vector<16xi32>], vector<16xf32>,
        %broadcast_in_dim3A_1277 = arith.constant 184 : i32
        %broadcast_in_dim3A_1278 = vector.broadcast %broadcast_in_dim3A_1277 : i32 to vector<16xi32>
        %add3A_1279 = vector.broadcast %scan3A_744 : i32 to vector<16xi32>
        %add3A_1280 = arith.addi %broadcast_in_dim3A_1278, %add3A_1279 : vector<16xi32>
        %gather3A_1281 = tpu.vector_load_idx %arg9[%add3A_1280] : memref<208xi32, #tpu.memory_space<vmem>>[vector<16xi32>], vector<16xi32>,
        %mul3A_1282 = arith.constant 32 : i32
        %mul3A_1283 = vector.broadcast %mul3A_1282 : i32 to vector<16xi32>
        %mul3A_1284 = arith.muli %gather3A_1281, %mul3A_1283 : vector<16xi32>
        %add3A_1285 = arith.addi %mul3A_1284, %iota3A : vector<16xi32>
        %add3A_1286 = arith.constant 0 : i32
        %add3A_1287 = vector.broadcast %add3A_1286 : i32 to vector<16xi32>
        %add3A_1288 = arith.addi %add3A_1285, %add3A_1287 : vector<16xi32>
        %gather3A_1289 = tpu.vector_load_idx %arg12[%add3A_1280, %add3A_1288] : memref<208x128xf32, #tpu.memory_space<vmem>>[vector<16xi32>, vector<16xi32>], vector<16xf32>,
        %add3A_1290 = arith.constant 749 : i32
        %add3A_1291 = vector.broadcast %add3A_1290 : i32 to vector<16xi32>
        %add3A_1292 = arith.addi %iota3A, %add3A_1291 : vector<16xi32>
        tpu.vector_store_idx %arg14[%add3A_747, %add3A_1292], %gather3A_1289 : memref<8x845xf32, #tpu.memory_space<vmem>>[vector<16xi32>, vector<16xi32>], vector<16xf32>,
        %add3A_1293 = arith.constant 16 : i32
        %add3A_1294 = vector.broadcast %add3A_1293 : i32 to vector<16xi32>
        %add3A_1295 = arith.addi %add3A_1285, %add3A_1294 : vector<16xi32>
        %gather3A_1296 = tpu.vector_load_idx %arg12[%add3A_1280, %add3A_1295] : memref<208x128xf32, #tpu.memory_space<vmem>>[vector<16xi32>, vector<16xi32>], vector<16xf32>,
        %add3A_1297 = arith.constant 765 : i32
        %add3A_1298 = vector.broadcast %add3A_1297 : i32 to vector<16xi32>
        %add3A_1299 = arith.addi %iota3A, %add3A_1298 : vector<16xi32>
        tpu.vector_store_idx %arg14[%add3A_747, %add3A_1299], %gather3A_1296 : memref<8x845xf32, #tpu.memory_space<vmem>>[vector<16xi32>, vector<16xi32>], vector<16xf32>,
        %broadcast_in_dim3A_1300 = arith.constant 192 : i32
        %broadcast_in_dim3A_1301 = vector.broadcast %broadcast_in_dim3A_1300 : i32 to vector<16xi32>
        %add3A_1302 = vector.broadcast %scan3A_744 : i32 to vector<16xi32>
        %add3A_1303 = arith.addi %broadcast_in_dim3A_1301, %add3A_1302 : vector<16xi32>
        %gather3A_1304 = tpu.vector_load_idx %arg9[%add3A_1303] : memref<208xi32, #tpu.memory_space<vmem>>[vector<16xi32>], vector<16xi32>,
        %mul3A_1305 = arith.constant 32 : i32
        %mul3A_1306 = vector.broadcast %mul3A_1305 : i32 to vector<16xi32>
        %mul3A_1307 = arith.muli %gather3A_1304, %mul3A_1306 : vector<16xi32>
        %add3A_1308 = arith.addi %mul3A_1307, %iota3A : vector<16xi32>
        %add3A_1309 = arith.constant 0 : i32
        %add3A_1310 = vector.broadcast %add3A_1309 : i32 to vector<16xi32>
        %add3A_1311 = arith.addi %add3A_1308, %add3A_1310 : vector<16xi32>
        %gather3A_1312 = tpu.vector_load_idx %arg12[%add3A_1303, %add3A_1311] : memref<208x128xf32, #tpu.memory_space<vmem>>[vector<16xi32>, vector<16xi32>], vector<16xf32>,
        %add3A_1313 = arith.constant 781 : i32
        %add3A_1314 = vector.broadcast %add3A_1313 : i32 to vector<16xi32>
        %add3A_1315 = arith.addi %iota3A, %add3A_1314 : vector<16xi32>
        tpu.vector_store_idx %arg14[%add3A_747, %add3A_1315], %gather3A_1312 : memref<8x845xf32, #tpu.memory_space<vmem>>[vector<16xi32>, vector<16xi32>], vector<16xf32>,
        %add3A_1316 = arith.constant 16 : i32
        %add3A_1317 = vector.broadcast %add3A_1316 : i32 to vector<16xi32>
        %add3A_1318 = arith.addi %add3A_1308, %add3A_1317 : vector<16xi32>
        %gather3A_1319 = tpu.vector_load_idx %arg12[%add3A_1303, %add3A_1318] : memref<208x128xf32, #tpu.memory_space<vmem>>[vector<16xi32>, vector<16xi32>], vector<16xf32>,
        %add3A_1320 = arith.constant 797 : i32
        %add3A_1321 = vector.broadcast %add3A_1320 : i32 to vector<16xi32>
        %add3A_1322 = arith.addi %iota3A, %add3A_1321 : vector<16xi32>
        tpu.vector_store_idx %arg14[%add3A_747, %add3A_1322], %gather3A_1319 : memref<8x845xf32, #tpu.memory_space<vmem>>[vector<16xi32>, vector<16xi32>], vector<16xf32>,
        %broadcast_in_dim3A_1323 = arith.constant 200 : i32
        %broadcast_in_dim3A_1324 = vector.broadcast %broadcast_in_dim3A_1323 : i32 to vector<16xi32>
        %add3A_1325 = vector.broadcast %scan3A_744 : i32 to vector<16xi32>
        %add3A_1326 = arith.addi %broadcast_in_dim3A_1324, %add3A_1325 : vector<16xi32>
        %gather3A_1327 = tpu.vector_load_idx %arg9[%add3A_1326] : memref<208xi32, #tpu.memory_space<vmem>>[vector<16xi32>], vector<16xi32>,
        %mul3A_1328 = arith.constant 32 : i32
        %mul3A_1329 = vector.broadcast %mul3A_1328 : i32 to vector<16xi32>
        %mul3A_1330 = arith.muli %gather3A_1327, %mul3A_1329 : vector<16xi32>
        %add3A_1331 = arith.addi %mul3A_1330, %iota3A : vector<16xi32>
        %add3A_1332 = arith.constant 0 : i32
        %add3A_1333 = vector.broadcast %add3A_1332 : i32 to vector<16xi32>
        %add3A_1334 = arith.addi %add3A_1331, %add3A_1333 : vector<16xi32>
        %gather3A_1335 = tpu.vector_load_idx %arg12[%add3A_1326, %add3A_1334] : memref<208x128xf32, #tpu.memory_space<vmem>>[vector<16xi32>, vector<16xi32>], vector<16xf32>,
        %add3A_1336 = arith.constant 813 : i32
        %add3A_1337 = vector.broadcast %add3A_1336 : i32 to vector<16xi32>
        %add3A_1338 = arith.addi %iota3A, %add3A_1337 : vector<16xi32>
        tpu.vector_store_idx %arg14[%add3A_747, %add3A_1338], %gather3A_1335 : memref<8x845xf32, #tpu.memory_space<vmem>>[vector<16xi32>, vector<16xi32>], vector<16xf32>,
        %add3A_1339 = arith.constant 16 : i32
        %add3A_1340 = vector.broadcast %add3A_1339 : i32 to vector<16xi32>
        %add3A_1341 = arith.addi %add3A_1331, %add3A_1340 : vector<16xi32>
        %gather3A_1342 = tpu.vector_load_idx %arg12[%add3A_1326, %add3A_1341] : memref<208x128xf32, #tpu.memory_space<vmem>>[vector<16xi32>, vector<16xi32>], vector<16xf32>,
        %add3A_1343 = arith.constant 829 : i32
        %add3A_1344 = vector.broadcast %add3A_1343 : i32 to vector<16xi32>
        %add3A_1345 = arith.addi %iota3A, %add3A_1344 : vector<16xi32>
        tpu.vector_store_idx %arg14[%add3A_747, %add3A_1345], %gather3A_1342 : memref<8x845xf32, #tpu.memory_space<vmem>>[vector<16xi32>, vector<16xi32>], vector<16xf32>,
      }
      %scan3A_663 = arith.constant 8 : i32
      %get3A = arith.constant 0 : index
      %get3A_664 = tpu.vector_load %arg16[%get3A] {strides = array<i32>} : memref<16xf32, #tpu.memory_space<vmem>>, vector<16xf32>,
      %get3A_665 = arith.constant 0 : index
      %get3A_666 = tpu.vector_load %arg17[%get3A_665] {strides = array<i32>} : memref<16xf32, #tpu.memory_space<vmem>>, vector<16xf32>,
      %add3A_667 = arith.constant 9.99999993E-9 : f32
      %add3A_668 = vector.broadcast %add3A_667 : f32 to vector<16xf32>
      %add3A_669 = arith.addf %get3A_666, %add3A_668 : vector<16xf32>
      %div3A = arith.constant 1.000000e+00 : f32
      %div3A_670 = vector.broadcast %div3A : f32 to vector<16xf32>
      %div3A_671 = arith.divf %div3A_670, %add3A_669 : vector<16xf32>
      %scan3A_672 = arith.constant 0 : i32
      %scan3A_673 = arith.constant 0 : i32
      %scan3A_674 = arith.constant 8 : i32
      %scan3A_675 = arith.addi %scan3A_673, %scan3A_674 : i32
      %scan3A_676 = arith.constant 1 : i32
      scf.for %scan3A_744 = %scan3A_673 to %scan3A_675 step %scan3A_676  : i32 {
        %broadcast_in_dim3A = arith.constant 0 : i32
        %broadcast_in_dim3A_745 = vector.broadcast %broadcast_in_dim3A : i32 to vector<16xi32>
        %mul3A_746 = arith.constant 8 : i32
        %mul3A_747 = arith.muli %mul3A_328, %mul3A_746 : i32
        %add3A_748 = vector.broadcast %mul3A_747 : i32 to vector<16xi32>
        %add3A_749 = arith.addi %broadcast_in_dim3A_745, %add3A_748 : vector<16xi32>
        %add3A_750 = vector.broadcast %scan3A_744 : i32 to vector<16xi32>
        %add3A_751 = arith.addi %add3A_749, %add3A_750 : vector<16xi32>
        %gather3A_752 = tpu.vector_load_idx %arg7[%iota3A, %add3A_751] : memref<39x512xf32, #tpu.memory_space<vmem>>[vector<16xi32>, vector<16xi32>], vector<16xf32>,
        %broadcast_in_dim3A_753 = arith.constant 0 : i32
        %broadcast_in_dim3A_754 = vector.broadcast %broadcast_in_dim3A_753 : i32 to vector<16xi32>
        %add3A_755 = vector.broadcast %scan3A_744 : i32 to vector<16xi32>
        %add3A_756 = arith.addi %broadcast_in_dim3A_754, %add3A_755 : vector<16xi32>
        %sub3A = arith.subf %gather3A_752, %get3A_664 : vector<16xf32>
        %mul3A_757 = arith.mulf %sub3A, %div3A_671 : vector<16xf32>
        tpu.vector_store_idx %arg14[%add3A_756, %iota3A], %mul3A_757 masked %lt3A_8 : memref<8x845xf32, #tpu.memory_space<vmem>>[vector<16xi32>, vector<16xi32>], vector<16xf32>, vector<16xi1>
      }
      %scan3A_677 = arith.constant 8 : i32
      %mul3A_678 = arith.constant 512 : i32
      %mul3A_679 = arith.muli %add3A, %mul3A_678 : i32
      %mul3A_680 = arith.constant 8 : i32
      %mul3A_681 = arith.muli %mul3A_328, %mul3A_680 : i32
      %add3A_682 = arith.addi %mul3A_679, %mul3A_681 : i32
      %dma_start3A_683 = arith.constant 0 : i32
      %dma_start3A_684 = tpu.memref_slice %arg6[%add3A_682, %dma_start3A_683] : memref<16384x845xf32, #tpu.memory_space<hbm>> -> memref<8x845xf32, #tpu.memory_space<hbm>>
      %dma_start3A_685 = arith.constant 0 : i32
      %dma_start3A_686 = tpu.memref_slice %arg6[%add3A_682, %dma_start3A_685] : memref<16384x845xf32, #tpu.memory_space<hbm>> -> memref<8x845xf32, #tpu.memory_space<hbm>>
      tpu.enqueue_dma source(%arg14 : memref<8x845xf32, #tpu.memory_space<vmem>>) target(%dma_start3A_686 : memref<8x845xf32, #tpu.memory_space<hbm>>) target_semaphore(%arg20 : memref<!tpu.dma_semaphore, #tpu.memory_space<semaphore_mem>>)
      %lt3A_687 = arith.constant 31 : i32
      %lt3A_688 = arith.cmpi slt, %scan3A_326, %lt3A_687 : i32
      %convert_element_type3A_689 = arith.extui %lt3A_688 : i1 to i32
      %cond3A_690 = arith.constant 0 : i32
      %cond3A_691 = arith.cmpi ne, %convert_element_type3A_689, %cond3A_690 : i32
      scf.if %cond3A_691 {
        %add3A_744 = arith.constant 2 : i32
        %add3A_745 = arith.addi %mul3A_328, %add3A_744 : i32
        %mul3A_746 = arith.constant 8 : i32
        %mul3A_747 = arith.muli %add3A_745, %mul3A_746 : i32
        %add3A_748 = vector.broadcast %mul3A_747 : i32 to vector<16xi32>
        %add3A_749 = arith.addi %add3A_748, %and3A_6 : vector<16xi32>
        %add3A_750 = arith.constant 0 : i32
        %add3A_751 = vector.broadcast %add3A_750 : i32 to vector<16xi32>
        %add3A_752 = arith.addi %shift_right_logical3A_4, %add3A_751 : vector<16xi32>
        %add3A_753 = arith.constant 13 : i32
        %add3A_754 = vector.broadcast %add3A_753 : i32 to vector<16xi32>
        %add3A_755 = arith.addi %add3A_752, %add3A_754 : vector<16xi32>
        %gather3A_756 = tpu.vector_load_idx %arg7[%add3A_755, %add3A_749] : memref<39x512xf32, #tpu.memory_space<vmem>>[vector<16xi32>, vector<16xi32>], vector<16xf32>,
        %convert_element_type3A_757 = arith.fptosi %gather3A_756 : vector<16xf32> to vector<16xi32>
        %mul3A_758 = arith.constant 100000 : i32
        %mul3A_759 = vector.broadcast %mul3A_758 : i32 to vector<16xi32>
        %mul3A_760 = arith.muli %add3A_752, %mul3A_759 : vector<16xi32>
        %add3A_761 = arith.addi %convert_element_type3A_757, %mul3A_760 : vector<16xi32>
        %shift_right_logical3A_762 = arith.constant 2 : i32
        %shift_right_logical3A_763 = vector.broadcast %shift_right_logical3A_762 : i32 to vector<16xi32>
        %shift_right_logical3A_764 = arith.shrui %add3A_761, %shift_right_logical3A_763 : vector<16xi32>
        %swap3A_765 = arith.constant 0 : index
        %swap3A_766 = tpu.vector_load %arg8[%swap3A_765] {strides = array<i32>} : memref<208xi32, #tpu.memory_space<vmem>>, vector<16xi32>,
        tpu.vector_store %arg8[%swap3A_765], %shift_right_logical3A_764 {strides = array<i32>} : memref<208xi32, #tpu.memory_space<vmem>>, vector<16xi32>,
        %and3A_767 = arith.constant 3 : i32
        %and3A_768 = vector.broadcast %and3A_767 : i32 to vector<16xi32>
        %and3A_769 = arith.andi %add3A_761, %and3A_768 : vector<16xi32>
        %swap3A_770 = arith.constant 0 : index
        %swap3A_771 = tpu.vector_load %arg9[%swap3A_770] {strides = array<i32>} : memref<208xi32, #tpu.memory_space<vmem>>, vector<16xi32>,
        tpu.vector_store %arg9[%swap3A_770], %and3A_769 {strides = array<i32>} : memref<208xi32, #tpu.memory_space<vmem>>, vector<16xi32>,
        %add3A_772 = arith.constant 2 : i32
        %add3A_773 = vector.broadcast %add3A_772 : i32 to vector<16xi32>
        %add3A_774 = arith.addi %shift_right_logical3A_4, %add3A_773 : vector<16xi32>
        %add3A_775 = arith.constant 13 : i32
        %add3A_776 = vector.broadcast %add3A_775 : i32 to vector<16xi32>
        %add3A_777 = arith.addi %add3A_774, %add3A_776 : vector<16xi32>
        %gather3A_778 = tpu.vector_load_idx %arg7[%add3A_777, %add3A_749] : memref<39x512xf32, #tpu.memory_space<vmem>>[vector<16xi32>, vector<16xi32>], vector<16xf32>,
        %convert_element_type3A_779 = arith.fptosi %gather3A_778 : vector<16xf32> to vector<16xi32>
        %mul3A_780 = arith.constant 100000 : i32
        %mul3A_781 = vector.broadcast %mul3A_780 : i32 to vector<16xi32>
        %mul3A_782 = arith.muli %add3A_774, %mul3A_781 : vector<16xi32>
        %add3A_783 = arith.addi %convert_element_type3A_779, %mul3A_782 : vector<16xi32>
        %shift_right_logical3A_784 = arith.constant 2 : i32
        %shift_right_logical3A_785 = vector.broadcast %shift_right_logical3A_784 : i32 to vector<16xi32>
        %shift_right_logical3A_786 = arith.shrui %add3A_783, %shift_right_logical3A_785 : vector<16xi32>
        %swap3A_787 = arith.constant 16 : index
        %swap3A_788 = tpu.vector_load %arg8[%swap3A_787] {strides = array<i32>} : memref<208xi32, #tpu.memory_space<vmem>>, vector<16xi32>,
        tpu.vector_store %arg8[%swap3A_787], %shift_right_logical3A_786 {strides = array<i32>} : memref<208xi32, #tpu.memory_space<vmem>>, vector<16xi32>,
        %and3A_789 = arith.constant 3 : i32
        %and3A_790 = vector.broadcast %and3A_789 : i32 to vector<16xi32>
        %and3A_791 = arith.andi %add3A_783, %and3A_790 : vector<16xi32>
        %swap3A_792 = arith.constant 16 : index
        %swap3A_793 = tpu.vector_load %arg9[%swap3A_792] {strides = array<i32>} : memref<208xi32, #tpu.memory_space<vmem>>, vector<16xi32>,
        tpu.vector_store %arg9[%swap3A_792], %and3A_791 {strides = array<i32>} : memref<208xi32, #tpu.memory_space<vmem>>, vector<16xi32>,
        %add3A_794 = arith.constant 4 : i32
        %add3A_795 = vector.broadcast %add3A_794 : i32 to vector<16xi32>
        %add3A_796 = arith.addi %shift_right_logical3A_4, %add3A_795 : vector<16xi32>
        %add3A_797 = arith.constant 13 : i32
        %add3A_798 = vector.broadcast %add3A_797 : i32 to vector<16xi32>
        %add3A_799 = arith.addi %add3A_796, %add3A_798 : vector<16xi32>
        %gather3A_800 = tpu.vector_load_idx %arg7[%add3A_799, %add3A_749] : memref<39x512xf32, #tpu.memory_space<vmem>>[vector<16xi32>, vector<16xi32>], vector<16xf32>,
        %convert_element_type3A_801 = arith.fptosi %gather3A_800 : vector<16xf32> to vector<16xi32>
        %mul3A_802 = arith.constant 100000 : i32
        %mul3A_803 = vector.broadcast %mul3A_802 : i32 to vector<16xi32>
        %mul3A_804 = arith.muli %add3A_796, %mul3A_803 : vector<16xi32>
        %add3A_805 = arith.addi %convert_element_type3A_801, %mul3A_804 : vector<16xi32>
        %shift_right_logical3A_806 = arith.constant 2 : i32
        %shift_right_logical3A_807 = vector.broadcast %shift_right_logical3A_806 : i32 to vector<16xi32>
        %shift_right_logical3A_808 = arith.shrui %add3A_805, %shift_right_logical3A_807 : vector<16xi32>
        %swap3A_809 = arith.constant 32 : index
        %swap3A_810 = tpu.vector_load %arg8[%swap3A_809] {strides = array<i32>} : memref<208xi32, #tpu.memory_space<vmem>>, vector<16xi32>,
        tpu.vector_store %arg8[%swap3A_809], %shift_right_logical3A_808 {strides = array<i32>} : memref<208xi32, #tpu.memory_space<vmem>>, vector<16xi32>,
        %and3A_811 = arith.constant 3 : i32
        %and3A_812 = vector.broadcast %and3A_811 : i32 to vector<16xi32>
        %and3A_813 = arith.andi %add3A_805, %and3A_812 : vector<16xi32>
        %swap3A_814 = arith.constant 32 : index
        %swap3A_815 = tpu.vector_load %arg9[%swap3A_814] {strides = array<i32>} : memref<208xi32, #tpu.memory_space<vmem>>, vector<16xi32>,
        tpu.vector_store %arg9[%swap3A_814], %and3A_813 {strides = array<i32>} : memref<208xi32, #tpu.memory_space<vmem>>, vector<16xi32>,
        %add3A_816 = arith.constant 6 : i32
        %add3A_817 = vector.broadcast %add3A_816 : i32 to vector<16xi32>
        %add3A_818 = arith.addi %shift_right_logical3A_4, %add3A_817 : vector<16xi32>
        %add3A_819 = arith.constant 13 : i32
        %add3A_820 = vector.broadcast %add3A_819 : i32 to vector<16xi32>
        %add3A_821 = arith.addi %add3A_818, %add3A_820 : vector<16xi32>
        %gather3A_822 = tpu.vector_load_idx %arg7[%add3A_821, %add3A_749] : memref<39x512xf32, #tpu.memory_space<vmem>>[vector<16xi32>, vector<16xi32>], vector<16xf32>,
        %convert_element_type3A_823 = arith.fptosi %gather3A_822 : vector<16xf32> to vector<16xi32>
        %mul3A_824 = arith.constant 100000 : i32
        %mul3A_825 = vector.broadcast %mul3A_824 : i32 to vector<16xi32>
        %mul3A_826 = arith.muli %add3A_818, %mul3A_825 : vector<16xi32>
        %add3A_827 = arith.addi %convert_element_type3A_823, %mul3A_826 : vector<16xi32>
        %shift_right_logical3A_828 = arith.constant 2 : i32
        %shift_right_logical3A_829 = vector.broadcast %shift_right_logical3A_828 : i32 to vector<16xi32>
        %shift_right_logical3A_830 = arith.shrui %add3A_827, %shift_right_logical3A_829 : vector<16xi32>
        %swap3A_831 = arith.constant 48 : index
        %swap3A_832 = tpu.vector_load %arg8[%swap3A_831] {strides = array<i32>} : memref<208xi32, #tpu.memory_space<vmem>>, vector<16xi32>,
        tpu.vector_store %arg8[%swap3A_831], %shift_right_logical3A_830 {strides = array<i32>} : memref<208xi32, #tpu.memory_space<vmem>>, vector<16xi32>,
        %and3A_833 = arith.constant 3 : i32
        %and3A_834 = vector.broadcast %and3A_833 : i32 to vector<16xi32>
        %and3A_835 = arith.andi %add3A_827, %and3A_834 : vector<16xi32>
        %swap3A_836 = arith.constant 48 : index
        %swap3A_837 = tpu.vector_load %arg9[%swap3A_836] {strides = array<i32>} : memref<208xi32, #tpu.memory_space<vmem>>, vector<16xi32>,
        tpu.vector_store %arg9[%swap3A_836], %and3A_835 {strides = array<i32>} : memref<208xi32, #tpu.memory_space<vmem>>, vector<16xi32>,
        %add3A_838 = arith.constant 8 : i32
        %add3A_839 = vector.broadcast %add3A_838 : i32 to vector<16xi32>
        %add3A_840 = arith.addi %shift_right_logical3A_4, %add3A_839 : vector<16xi32>
        %add3A_841 = arith.constant 13 : i32
        %add3A_842 = vector.broadcast %add3A_841 : i32 to vector<16xi32>
        %add3A_843 = arith.addi %add3A_840, %add3A_842 : vector<16xi32>
        %gather3A_844 = tpu.vector_load_idx %arg7[%add3A_843, %add3A_749] : memref<39x512xf32, #tpu.memory_space<vmem>>[vector<16xi32>, vector<16xi32>], vector<16xf32>,
        %convert_element_type3A_845 = arith.fptosi %gather3A_844 : vector<16xf32> to vector<16xi32>
        %mul3A_846 = arith.constant 100000 : i32
        %mul3A_847 = vector.broadcast %mul3A_846 : i32 to vector<16xi32>
        %mul3A_848 = arith.muli %add3A_840, %mul3A_847 : vector<16xi32>
        %add3A_849 = arith.addi %convert_element_type3A_845, %mul3A_848 : vector<16xi32>
        %shift_right_logical3A_850 = arith.constant 2 : i32
        %shift_right_logical3A_851 = vector.broadcast %shift_right_logical3A_850 : i32 to vector<16xi32>
        %shift_right_logical3A_852 = arith.shrui %add3A_849, %shift_right_logical3A_851 : vector<16xi32>
        %swap3A_853 = arith.constant 64 : index
        %swap3A_854 = tpu.vector_load %arg8[%swap3A_853] {strides = array<i32>} : memref<208xi32, #tpu.memory_space<vmem>>, vector<16xi32>,
        tpu.vector_store %arg8[%swap3A_853], %shift_right_logical3A_852 {strides = array<i32>} : memref<208xi32, #tpu.memory_space<vmem>>, vector<16xi32>,
        %and3A_855 = arith.constant 3 : i32
        %and3A_856 = vector.broadcast %and3A_855 : i32 to vector<16xi32>
        %and3A_857 = arith.andi %add3A_849, %and3A_856 : vector<16xi32>
        %swap3A_858 = arith.constant 64 : index
        %swap3A_859 = tpu.vector_load %arg9[%swap3A_858] {strides = array<i32>} : memref<208xi32, #tpu.memory_space<vmem>>, vector<16xi32>,
        tpu.vector_store %arg9[%swap3A_858], %and3A_857 {strides = array<i32>} : memref<208xi32, #tpu.memory_space<vmem>>, vector<16xi32>,
        %add3A_860 = arith.constant 10 : i32
        %add3A_861 = vector.broadcast %add3A_860 : i32 to vector<16xi32>
        %add3A_862 = arith.addi %shift_right_logical3A_4, %add3A_861 : vector<16xi32>
        %add3A_863 = arith.constant 13 : i32
        %add3A_864 = vector.broadcast %add3A_863 : i32 to vector<16xi32>
        %add3A_865 = arith.addi %add3A_862, %add3A_864 : vector<16xi32>
        %gather3A_866 = tpu.vector_load_idx %arg7[%add3A_865, %add3A_749] : memref<39x512xf32, #tpu.memory_space<vmem>>[vector<16xi32>, vector<16xi32>], vector<16xf32>,
        %convert_element_type3A_867 = arith.fptosi %gather3A_866 : vector<16xf32> to vector<16xi32>
        %mul3A_868 = arith.constant 100000 : i32
        %mul3A_869 = vector.broadcast %mul3A_868 : i32 to vector<16xi32>
        %mul3A_870 = arith.muli %add3A_862, %mul3A_869 : vector<16xi32>
        %add3A_871 = arith.addi %convert_element_type3A_867, %mul3A_870 : vector<16xi32>
        %shift_right_logical3A_872 = arith.constant 2 : i32
        %shift_right_logical3A_873 = vector.broadcast %shift_right_logical3A_872 : i32 to vector<16xi32>
        %shift_right_logical3A_874 = arith.shrui %add3A_871, %shift_right_logical3A_873 : vector<16xi32>
        %swap3A_875 = arith.constant 80 : index
        %swap3A_876 = tpu.vector_load %arg8[%swap3A_875] {strides = array<i32>} : memref<208xi32, #tpu.memory_space<vmem>>, vector<16xi32>,
        tpu.vector_store %arg8[%swap3A_875], %shift_right_logical3A_874 {strides = array<i32>} : memref<208xi32, #tpu.memory_space<vmem>>, vector<16xi32>,
        %and3A_877 = arith.constant 3 : i32
        %and3A_878 = vector.broadcast %and3A_877 : i32 to vector<16xi32>
        %and3A_879 = arith.andi %add3A_871, %and3A_878 : vector<16xi32>
        %swap3A_880 = arith.constant 80 : index
        %swap3A_881 = tpu.vector_load %arg9[%swap3A_880] {strides = array<i32>} : memref<208xi32, #tpu.memory_space<vmem>>, vector<16xi32>,
        tpu.vector_store %arg9[%swap3A_880], %and3A_879 {strides = array<i32>} : memref<208xi32, #tpu.memory_space<vmem>>, vector<16xi32>,
        %add3A_882 = arith.constant 12 : i32
        %add3A_883 = vector.broadcast %add3A_882 : i32 to vector<16xi32>
        %add3A_884 = arith.addi %shift_right_logical3A_4, %add3A_883 : vector<16xi32>
        %add3A_885 = arith.constant 13 : i32
        %add3A_886 = vector.broadcast %add3A_885 : i32 to vector<16xi32>
        %add3A_887 = arith.addi %add3A_884, %add3A_886 : vector<16xi32>
        %gather3A_888 = tpu.vector_load_idx %arg7[%add3A_887, %add3A_749] : memref<39x512xf32, #tpu.memory_space<vmem>>[vector<16xi32>, vector<16xi32>], vector<16xf32>,
        %convert_element_type3A_889 = arith.fptosi %gather3A_888 : vector<16xf32> to vector<16xi32>
        %mul3A_890 = arith.constant 100000 : i32
        %mul3A_891 = vector.broadcast %mul3A_890 : i32 to vector<16xi32>
        %mul3A_892 = arith.muli %add3A_884, %mul3A_891 : vector<16xi32>
        %add3A_893 = arith.addi %convert_element_type3A_889, %mul3A_892 : vector<16xi32>
        %shift_right_logical3A_894 = arith.constant 2 : i32
        %shift_right_logical3A_895 = vector.broadcast %shift_right_logical3A_894 : i32 to vector<16xi32>
        %shift_right_logical3A_896 = arith.shrui %add3A_893, %shift_right_logical3A_895 : vector<16xi32>
        %swap3A_897 = arith.constant 96 : index
        %swap3A_898 = tpu.vector_load %arg8[%swap3A_897] {strides = array<i32>} : memref<208xi32, #tpu.memory_space<vmem>>, vector<16xi32>,
        tpu.vector_store %arg8[%swap3A_897], %shift_right_logical3A_896 {strides = array<i32>} : memref<208xi32, #tpu.memory_space<vmem>>, vector<16xi32>,
        %and3A_899 = arith.constant 3 : i32
        %and3A_900 = vector.broadcast %and3A_899 : i32 to vector<16xi32>
        %and3A_901 = arith.andi %add3A_893, %and3A_900 : vector<16xi32>
        %swap3A_902 = arith.constant 96 : index
        %swap3A_903 = tpu.vector_load %arg9[%swap3A_902] {strides = array<i32>} : memref<208xi32, #tpu.memory_space<vmem>>, vector<16xi32>,
        tpu.vector_store %arg9[%swap3A_902], %and3A_901 {strides = array<i32>} : memref<208xi32, #tpu.memory_space<vmem>>, vector<16xi32>,
        %add3A_904 = arith.constant 14 : i32
        %add3A_905 = vector.broadcast %add3A_904 : i32 to vector<16xi32>
        %add3A_906 = arith.addi %shift_right_logical3A_4, %add3A_905 : vector<16xi32>
        %add3A_907 = arith.constant 13 : i32
        %add3A_908 = vector.broadcast %add3A_907 : i32 to vector<16xi32>
        %add3A_909 = arith.addi %add3A_906, %add3A_908 : vector<16xi32>
        %gather3A_910 = tpu.vector_load_idx %arg7[%add3A_909, %add3A_749] : memref<39x512xf32, #tpu.memory_space<vmem>>[vector<16xi32>, vector<16xi32>], vector<16xf32>,
        %convert_element_type3A_911 = arith.fptosi %gather3A_910 : vector<16xf32> to vector<16xi32>
        %mul3A_912 = arith.constant 100000 : i32
        %mul3A_913 = vector.broadcast %mul3A_912 : i32 to vector<16xi32>
        %mul3A_914 = arith.muli %add3A_906, %mul3A_913 : vector<16xi32>
        %add3A_915 = arith.addi %convert_element_type3A_911, %mul3A_914 : vector<16xi32>
        %shift_right_logical3A_916 = arith.constant 2 : i32
        %shift_right_logical3A_917 = vector.broadcast %shift_right_logical3A_916 : i32 to vector<16xi32>
        %shift_right_logical3A_918 = arith.shrui %add3A_915, %shift_right_logical3A_917 : vector<16xi32>
        %swap3A_919 = arith.constant 112 : index
        %swap3A_920 = tpu.vector_load %arg8[%swap3A_919] {strides = array<i32>} : memref<208xi32, #tpu.memory_space<vmem>>, vector<16xi32>,
        tpu.vector_store %arg8[%swap3A_919], %shift_right_logical3A_918 {strides = array<i32>} : memref<208xi32, #tpu.memory_space<vmem>>, vector<16xi32>,
        %and3A_921 = arith.constant 3 : i32
        %and3A_922 = vector.broadcast %and3A_921 : i32 to vector<16xi32>
        %and3A_923 = arith.andi %add3A_915, %and3A_922 : vector<16xi32>
        %swap3A_924 = arith.constant 112 : index
        %swap3A_925 = tpu.vector_load %arg9[%swap3A_924] {strides = array<i32>} : memref<208xi32, #tpu.memory_space<vmem>>, vector<16xi32>,
        tpu.vector_store %arg9[%swap3A_924], %and3A_923 {strides = array<i32>} : memref<208xi32, #tpu.memory_space<vmem>>, vector<16xi32>,
        %add3A_926 = arith.constant 16 : i32
        %add3A_927 = vector.broadcast %add3A_926 : i32 to vector<16xi32>
        %add3A_928 = arith.addi %shift_right_logical3A_4, %add3A_927 : vector<16xi32>
        %add3A_929 = arith.constant 13 : i32
        %add3A_930 = vector.broadcast %add3A_929 : i32 to vector<16xi32>
        %add3A_931 = arith.addi %add3A_928, %add3A_930 : vector<16xi32>
        %gather3A_932 = tpu.vector_load_idx %arg7[%add3A_931, %add3A_749] : memref<39x512xf32, #tpu.memory_space<vmem>>[vector<16xi32>, vector<16xi32>], vector<16xf32>,
        %convert_element_type3A_933 = arith.fptosi %gather3A_932 : vector<16xf32> to vector<16xi32>
        %mul3A_934 = arith.constant 100000 : i32
        %mul3A_935 = vector.broadcast %mul3A_934 : i32 to vector<16xi32>
        %mul3A_936 = arith.muli %add3A_928, %mul3A_935 : vector<16xi32>
        %add3A_937 = arith.addi %convert_element_type3A_933, %mul3A_936 : vector<16xi32>
        %shift_right_logical3A_938 = arith.constant 2 : i32
        %shift_right_logical3A_939 = vector.broadcast %shift_right_logical3A_938 : i32 to vector<16xi32>
        %shift_right_logical3A_940 = arith.shrui %add3A_937, %shift_right_logical3A_939 : vector<16xi32>
        %swap3A_941 = arith.constant 128 : index
        %swap3A_942 = tpu.vector_load %arg8[%swap3A_941] {strides = array<i32>} : memref<208xi32, #tpu.memory_space<vmem>>, vector<16xi32>,
        tpu.vector_store %arg8[%swap3A_941], %shift_right_logical3A_940 {strides = array<i32>} : memref<208xi32, #tpu.memory_space<vmem>>, vector<16xi32>,
        %and3A_943 = arith.constant 3 : i32
        %and3A_944 = vector.broadcast %and3A_943 : i32 to vector<16xi32>
        %and3A_945 = arith.andi %add3A_937, %and3A_944 : vector<16xi32>
        %swap3A_946 = arith.constant 128 : index
        %swap3A_947 = tpu.vector_load %arg9[%swap3A_946] {strides = array<i32>} : memref<208xi32, #tpu.memory_space<vmem>>, vector<16xi32>,
        tpu.vector_store %arg9[%swap3A_946], %and3A_945 {strides = array<i32>} : memref<208xi32, #tpu.memory_space<vmem>>, vector<16xi32>,
        %add3A_948 = arith.constant 18 : i32
        %add3A_949 = vector.broadcast %add3A_948 : i32 to vector<16xi32>
        %add3A_950 = arith.addi %shift_right_logical3A_4, %add3A_949 : vector<16xi32>
        %add3A_951 = arith.constant 13 : i32
        %add3A_952 = vector.broadcast %add3A_951 : i32 to vector<16xi32>
        %add3A_953 = arith.addi %add3A_950, %add3A_952 : vector<16xi32>
        %gather3A_954 = tpu.vector_load_idx %arg7[%add3A_953, %add3A_749] : memref<39x512xf32, #tpu.memory_space<vmem>>[vector<16xi32>, vector<16xi32>], vector<16xf32>,
        %convert_element_type3A_955 = arith.fptosi %gather3A_954 : vector<16xf32> to vector<16xi32>
        %mul3A_956 = arith.constant 100000 : i32
        %mul3A_957 = vector.broadcast %mul3A_956 : i32 to vector<16xi32>
        %mul3A_958 = arith.muli %add3A_950, %mul3A_957 : vector<16xi32>
        %add3A_959 = arith.addi %convert_element_type3A_955, %mul3A_958 : vector<16xi32>
        %shift_right_logical3A_960 = arith.constant 2 : i32
        %shift_right_logical3A_961 = vector.broadcast %shift_right_logical3A_960 : i32 to vector<16xi32>
        %shift_right_logical3A_962 = arith.shrui %add3A_959, %shift_right_logical3A_961 : vector<16xi32>
        %swap3A_963 = arith.constant 144 : index
        %swap3A_964 = tpu.vector_load %arg8[%swap3A_963] {strides = array<i32>} : memref<208xi32, #tpu.memory_space<vmem>>, vector<16xi32>,
        tpu.vector_store %arg8[%swap3A_963], %shift_right_logical3A_962 {strides = array<i32>} : memref<208xi32, #tpu.memory_space<vmem>>, vector<16xi32>,
        %and3A_965 = arith.constant 3 : i32
        %and3A_966 = vector.broadcast %and3A_965 : i32 to vector<16xi32>
        %and3A_967 = arith.andi %add3A_959, %and3A_966 : vector<16xi32>
        %swap3A_968 = arith.constant 144 : index
        %swap3A_969 = tpu.vector_load %arg9[%swap3A_968] {strides = array<i32>} : memref<208xi32, #tpu.memory_space<vmem>>, vector<16xi32>,
        tpu.vector_store %arg9[%swap3A_968], %and3A_967 {strides = array<i32>} : memref<208xi32, #tpu.memory_space<vmem>>, vector<16xi32>,
        %add3A_970 = arith.constant 20 : i32
        %add3A_971 = vector.broadcast %add3A_970 : i32 to vector<16xi32>
        %add3A_972 = arith.addi %shift_right_logical3A_4, %add3A_971 : vector<16xi32>
        %add3A_973 = arith.constant 13 : i32
        %add3A_974 = vector.broadcast %add3A_973 : i32 to vector<16xi32>
        %add3A_975 = arith.addi %add3A_972, %add3A_974 : vector<16xi32>
        %gather3A_976 = tpu.vector_load_idx %arg7[%add3A_975, %add3A_749] : memref<39x512xf32, #tpu.memory_space<vmem>>[vector<16xi32>, vector<16xi32>], vector<16xf32>,
        %convert_element_type3A_977 = arith.fptosi %gather3A_976 : vector<16xf32> to vector<16xi32>
        %mul3A_978 = arith.constant 100000 : i32
        %mul3A_979 = vector.broadcast %mul3A_978 : i32 to vector<16xi32>
        %mul3A_980 = arith.muli %add3A_972, %mul3A_979 : vector<16xi32>
        %add3A_981 = arith.addi %convert_element_type3A_977, %mul3A_980 : vector<16xi32>
        %shift_right_logical3A_982 = arith.constant 2 : i32
        %shift_right_logical3A_983 = vector.broadcast %shift_right_logical3A_982 : i32 to vector<16xi32>
        %shift_right_logical3A_984 = arith.shrui %add3A_981, %shift_right_logical3A_983 : vector<16xi32>
        %swap3A_985 = arith.constant 160 : index
        %swap3A_986 = tpu.vector_load %arg8[%swap3A_985] {strides = array<i32>} : memref<208xi32, #tpu.memory_space<vmem>>, vector<16xi32>,
        tpu.vector_store %arg8[%swap3A_985], %shift_right_logical3A_984 {strides = array<i32>} : memref<208xi32, #tpu.memory_space<vmem>>, vector<16xi32>,
        %and3A_987 = arith.constant 3 : i32
        %and3A_988 = vector.broadcast %and3A_987 : i32 to vector<16xi32>
        %and3A_989 = arith.andi %add3A_981, %and3A_988 : vector<16xi32>
        %swap3A_990 = arith.constant 160 : index
        %swap3A_991 = tpu.vector_load %arg9[%swap3A_990] {strides = array<i32>} : memref<208xi32, #tpu.memory_space<vmem>>, vector<16xi32>,
        tpu.vector_store %arg9[%swap3A_990], %and3A_989 {strides = array<i32>} : memref<208xi32, #tpu.memory_space<vmem>>, vector<16xi32>,
        %add3A_992 = arith.constant 22 : i32
        %add3A_993 = vector.broadcast %add3A_992 : i32 to vector<16xi32>
        %add3A_994 = arith.addi %shift_right_logical3A_4, %add3A_993 : vector<16xi32>
        %add3A_995 = arith.constant 13 : i32
        %add3A_996 = vector.broadcast %add3A_995 : i32 to vector<16xi32>
        %add3A_997 = arith.addi %add3A_994, %add3A_996 : vector<16xi32>
        %gather3A_998 = tpu.vector_load_idx %arg7[%add3A_997, %add3A_749] : memref<39x512xf32, #tpu.memory_space<vmem>>[vector<16xi32>, vector<16xi32>], vector<16xf32>,
        %convert_element_type3A_999 = arith.fptosi %gather3A_998 : vector<16xf32> to vector<16xi32>
        %mul3A_1000 = arith.constant 100000 : i32
        %mul3A_1001 = vector.broadcast %mul3A_1000 : i32 to vector<16xi32>
        %mul3A_1002 = arith.muli %add3A_994, %mul3A_1001 : vector<16xi32>
        %add3A_1003 = arith.addi %convert_element_type3A_999, %mul3A_1002 : vector<16xi32>
        %shift_right_logical3A_1004 = arith.constant 2 : i32
        %shift_right_logical3A_1005 = vector.broadcast %shift_right_logical3A_1004 : i32 to vector<16xi32>
        %shift_right_logical3A_1006 = arith.shrui %add3A_1003, %shift_right_logical3A_1005 : vector<16xi32>
        %swap3A_1007 = arith.constant 176 : index
        %swap3A_1008 = tpu.vector_load %arg8[%swap3A_1007] {strides = array<i32>} : memref<208xi32, #tpu.memory_space<vmem>>, vector<16xi32>,
        tpu.vector_store %arg8[%swap3A_1007], %shift_right_logical3A_1006 {strides = array<i32>} : memref<208xi32, #tpu.memory_space<vmem>>, vector<16xi32>,
        %and3A_1009 = arith.constant 3 : i32
        %and3A_1010 = vector.broadcast %and3A_1009 : i32 to vector<16xi32>
        %and3A_1011 = arith.andi %add3A_1003, %and3A_1010 : vector<16xi32>
        %swap3A_1012 = arith.constant 176 : index
        %swap3A_1013 = tpu.vector_load %arg9[%swap3A_1012] {strides = array<i32>} : memref<208xi32, #tpu.memory_space<vmem>>, vector<16xi32>,
        tpu.vector_store %arg9[%swap3A_1012], %and3A_1011 {strides = array<i32>} : memref<208xi32, #tpu.memory_space<vmem>>, vector<16xi32>,
        %add3A_1014 = arith.constant 24 : i32
        %add3A_1015 = vector.broadcast %add3A_1014 : i32 to vector<16xi32>
        %add3A_1016 = arith.addi %shift_right_logical3A_4, %add3A_1015 : vector<16xi32>
        %add3A_1017 = arith.constant 13 : i32
        %add3A_1018 = vector.broadcast %add3A_1017 : i32 to vector<16xi32>
        %add3A_1019 = arith.addi %add3A_1016, %add3A_1018 : vector<16xi32>
        %gather3A_1020 = tpu.vector_load_idx %arg7[%add3A_1019, %add3A_749] : memref<39x512xf32, #tpu.memory_space<vmem>>[vector<16xi32>, vector<16xi32>], vector<16xf32>,
        %convert_element_type3A_1021 = arith.fptosi %gather3A_1020 : vector<16xf32> to vector<16xi32>
        %mul3A_1022 = arith.constant 100000 : i32
        %mul3A_1023 = vector.broadcast %mul3A_1022 : i32 to vector<16xi32>
        %mul3A_1024 = arith.muli %add3A_1016, %mul3A_1023 : vector<16xi32>
        %add3A_1025 = arith.addi %convert_element_type3A_1021, %mul3A_1024 : vector<16xi32>
        %shift_right_logical3A_1026 = arith.constant 2 : i32
        %shift_right_logical3A_1027 = vector.broadcast %shift_right_logical3A_1026 : i32 to vector<16xi32>
        %shift_right_logical3A_1028 = arith.shrui %add3A_1025, %shift_right_logical3A_1027 : vector<16xi32>
        %swap3A_1029 = arith.constant 192 : index
        %swap3A_1030 = tpu.vector_load %arg8[%swap3A_1029] {strides = array<i32>} : memref<208xi32, #tpu.memory_space<vmem>>, vector<16xi32>,
        tpu.vector_store %arg8[%swap3A_1029], %shift_right_logical3A_1028 {strides = array<i32>} : memref<208xi32, #tpu.memory_space<vmem>>, vector<16xi32>,
        %and3A_1031 = arith.constant 3 : i32
        %and3A_1032 = vector.broadcast %and3A_1031 : i32 to vector<16xi32>
        %and3A_1033 = arith.andi %add3A_1025, %and3A_1032 : vector<16xi32>
        %swap3A_1034 = arith.constant 192 : index
        %swap3A_1035 = tpu.vector_load %arg9[%swap3A_1034] {strides = array<i32>} : memref<208xi32, #tpu.memory_space<vmem>>, vector<16xi32>,
        tpu.vector_store %arg9[%swap3A_1034], %and3A_1033 {strides = array<i32>} : memref<208xi32, #tpu.memory_space<vmem>>, vector<16xi32>,
        %dma_start3A_1036 = arith.constant 0 : i32
        %dma_start3A_1037 = arith.constant 0 : i32
        %dma_start3A_1038 = tpu.memref_slice %arg12[%dma_start3A_1036, %dma_start3A_1037] : memref<208x128xf32, #tpu.memory_space<vmem>> -> memref<104x128xf32, #tpu.memory_space<vmem>>
        %dma_start3A_1039 = arith.constant 0 : i32
        %dma_start3A_1040 = tpu.memref_slice %arg8[%dma_start3A_1039] : memref<208xi32, #tpu.memory_space<vmem>> -> memref<104xi32, #tpu.memory_space<vmem>>
        %dma_start3A_1041 = arith.constant 0 : i32
        %dma_start3A_1042 = arith.constant 0 : i32
        %dma_start3A_1043 = tpu.memref_slice %arg3[%dma_start3A_1041, %dma_start3A_1042] : memref<650000x128xf32, #tpu.memory_space<hbm>> -> memref<650000x128xf32, #tpu.memory_space<hbm>>
        tpu.enqueue_indirect_dma source(%dma_start3A_1043 : memref<650000x128xf32, #tpu.memory_space<hbm>>) target(%dma_start3A_1038 : memref<104x128xf32, #tpu.memory_space<vmem>>) offsets(%dma_start3A_1040 : memref<104xi32, #tpu.memory_space<vmem>>) semaphore(%arg18 : memref<!tpu.dma_semaphore, #tpu.memory_space<semaphore_mem>>)
        %dma_start3A_1044 = arith.constant 104 : i32
        %dma_start3A_1045 = arith.constant 0 : i32
        %dma_start3A_1046 = tpu.memref_slice %arg12[%dma_start3A_1044, %dma_start3A_1045] : memref<208x128xf32, #tpu.memory_space<vmem>> -> memref<104x128xf32, #tpu.memory_space<vmem>>
        %dma_start3A_1047 = arith.constant 104 : i32
        %dma_start3A_1048 = tpu.memref_slice %arg8[%dma_start3A_1047] : memref<208xi32, #tpu.memory_space<vmem>> -> memref<104xi32, #tpu.memory_space<vmem>>
        %dma_start3A_1049 = arith.constant 0 : i32
        %dma_start3A_1050 = arith.constant 0 : i32
        %dma_start3A_1051 = tpu.memref_slice %arg3[%dma_start3A_1049, %dma_start3A_1050] : memref<650000x128xf32, #tpu.memory_space<hbm>> -> memref<650000x128xf32, #tpu.memory_space<hbm>>
        tpu.enqueue_indirect_dma source(%dma_start3A_1051 : memref<650000x128xf32, #tpu.memory_space<hbm>>) target(%dma_start3A_1046 : memref<104x128xf32, #tpu.memory_space<vmem>>) offsets(%dma_start3A_1048 : memref<104xi32, #tpu.memory_space<vmem>>) semaphore(%arg18 : memref<!tpu.dma_semaphore, #tpu.memory_space<semaphore_mem>>)
      } else {
      }
      %gt3A_692 = arith.constant 0 : i32
      %gt3A_693 = arith.cmpi sgt, %scan3A_326, %gt3A_692 : i32
      %convert_element_type3A_694 = arith.extui %gt3A_693 : i1 to i32
      %cond3A_695 = arith.constant 0 : i32
      %cond3A_696 = arith.cmpi ne, %convert_element_type3A_694, %cond3A_695 : i32
      scf.if %cond3A_696 {
        %dma_wait3A_744 = arith.constant 0 : i32
        %dma_wait3A_745 = arith.constant 0 : i32
        %dma_wait3A_746 = tpu.memref_slice %arg6[%dma_wait3A_744, %dma_wait3A_745] : memref<16384x845xf32, #tpu.memory_space<hbm>> -> memref<8x845xf32, #tpu.memory_space<hbm>>
        %dma_wait3A_747 = arith.constant 0 : i32
        %dma_wait3A_748 = arith.constant 0 : i32
        %dma_wait3A_749 = tpu.memref_slice %arg6[%dma_wait3A_747, %dma_wait3A_748] : memref<16384x845xf32, #tpu.memory_space<hbm>> -> memref<8x845xf32, #tpu.memory_space<hbm>>
        tpu.wait_dma2 semaphore(%arg21 : memref<!tpu.dma_semaphore, #tpu.memory_space<semaphore_mem>>) src(%arg15 : memref<8x845xf32, #tpu.memory_space<vmem>>) dst(%dma_wait3A_749 : memref<8x845xf32, #tpu.memory_space<hbm>>)
      } else {
      }
      %dma_wait3A_697 = arith.constant 0 : i32
      %dma_wait3A_698 = arith.constant 0 : i32
      %dma_wait3A_699 = tpu.memref_slice %arg13[%dma_wait3A_697, %dma_wait3A_698] : memref<208x128xf32, #tpu.memory_space<vmem>> -> memref<104x128xf32, #tpu.memory_space<vmem>>
      %dma_wait3A_700 = arith.constant 0 : i32
      %dma_wait3A_701 = tpu.memref_slice %arg10[%dma_wait3A_700] : memref<208xi32, #tpu.memory_space<vmem>> -> memref<104xi32, #tpu.memory_space<vmem>>
      %dma_wait3A_702 = arith.constant 0 : i32
      %dma_wait3A_703 = arith.constant 0 : i32
      %dma_wait3A_704 = tpu.memref_slice %arg3[%dma_wait3A_702, %dma_wait3A_703] : memref<650000x128xf32, #tpu.memory_space<hbm>> -> memref<650000x128xf32, #tpu.memory_space<hbm>>
      tpu.wait_indirect_dma semaphore(%arg19 : memref<!tpu.dma_semaphore, #tpu.memory_space<semaphore_mem>>) src(%dma_wait3A_704 : memref<650000x128xf32, #tpu.memory_space<hbm>>) dst(%dma_wait3A_699 : memref<104x128xf32, #tpu.memory_space<vmem>>)
      %dma_wait3A_705 = arith.constant 104 : i32
      %dma_wait3A_706 = arith.constant 0 : i32
      %dma_wait3A_707 = tpu.memref_slice %arg13[%dma_wait3A_705, %dma_wait3A_706] : memref<208x128xf32, #tpu.memory_space<vmem>> -> memref<104x128xf32, #tpu.memory_space<vmem>>
      %dma_wait3A_708 = arith.constant 104 : i32
      %dma_wait3A_709 = tpu.memref_slice %arg10[%dma_wait3A_708] : memref<208xi32, #tpu.memory_space<vmem>> -> memref<104xi32, #tpu.memory_space<vmem>>
      %dma_wait3A_710 = arith.constant 0 : i32
      %dma_wait3A_711 = arith.constant 0 : i32
      %dma_wait3A_712 = tpu.memref_slice %arg3[%dma_wait3A_710, %dma_wait3A_711] : memref<650000x128xf32, #tpu.memory_space<hbm>> -> memref<650000x128xf32, #tpu.memory_space<hbm>>
      tpu.wait_indirect_dma semaphore(%arg19 : memref<!tpu.dma_semaphore, #tpu.memory_space<semaphore_mem>>) src(%dma_wait3A_712 : memref<650000x128xf32, #tpu.memory_space<hbm>>) dst(%dma_wait3A_707 : memref<104x128xf32, #tpu.memory_space<vmem>>)
      %scan3A_713 = arith.constant 0 : i32
      %scan3A_714 = arith.constant 0 : i32
      %scan3A_715 = arith.constant 8 : i32
      %scan3A_716 = arith.addi %scan3A_714, %scan3A_715 : i32
      %scan3A_717 = arith.constant 1 : i32
      scf.for %scan3A_744 = %scan3A_714 to %scan3A_716 step %scan3A_717  : i32 {
        %broadcast_in_dim3A = arith.constant 0 : i32
        %broadcast_in_dim3A_745 = vector.broadcast %broadcast_in_dim3A : i32 to vector<16xi32>
        %add3A_746 = vector.broadcast %scan3A_744 : i32 to vector<16xi32>
        %add3A_747 = arith.addi %broadcast_in_dim3A_745, %add3A_746 : vector<16xi32>
        %broadcast_in_dim3A_748 = arith.constant 0 : i32
        %broadcast_in_dim3A_749 = vector.broadcast %broadcast_in_dim3A_748 : i32 to vector<16xi32>
        %add3A_750 = vector.broadcast %scan3A_744 : i32 to vector<16xi32>
        %add3A_751 = arith.addi %broadcast_in_dim3A_749, %add3A_750 : vector<16xi32>
        %gather3A_752 = tpu.vector_load_idx %arg11[%add3A_751] : memref<208xi32, #tpu.memory_space<vmem>>[vector<16xi32>], vector<16xi32>,
        %mul3A_753 = arith.constant 32 : i32
        %mul3A_754 = vector.broadcast %mul3A_753 : i32 to vector<16xi32>
        %mul3A_755 = arith.muli %gather3A_752, %mul3A_754 : vector<16xi32>
        %add3A_756 = arith.addi %mul3A_755, %iota3A : vector<16xi32>
        %add3A_757 = arith.constant 0 : i32
        %add3A_758 = vector.broadcast %add3A_757 : i32 to vector<16xi32>
        %add3A_759 = arith.addi %add3A_756, %add3A_758 : vector<16xi32>
        %gather3A_760 = tpu.vector_load_idx %arg13[%add3A_751, %add3A_759] : memref<208x128xf32, #tpu.memory_space<vmem>>[vector<16xi32>, vector<16xi32>], vector<16xf32>,
        %add3A_761 = arith.constant 13 : i32
        %add3A_762 = vector.broadcast %add3A_761 : i32 to vector<16xi32>
        %add3A_763 = arith.addi %iota3A, %add3A_762 : vector<16xi32>
        tpu.vector_store_idx %arg15[%add3A_747, %add3A_763], %gather3A_760 : memref<8x845xf32, #tpu.memory_space<vmem>>[vector<16xi32>, vector<16xi32>], vector<16xf32>,
        %add3A_764 = arith.constant 16 : i32
        %add3A_765 = vector.broadcast %add3A_764 : i32 to vector<16xi32>
        %add3A_766 = arith.addi %add3A_756, %add3A_765 : vector<16xi32>
        %gather3A_767 = tpu.vector_load_idx %arg13[%add3A_751, %add3A_766] : memref<208x128xf32, #tpu.memory_space<vmem>>[vector<16xi32>, vector<16xi32>], vector<16xf32>,
        %add3A_768 = arith.constant 29 : i32
        %add3A_769 = vector.broadcast %add3A_768 : i32 to vector<16xi32>
        %add3A_770 = arith.addi %iota3A, %add3A_769 : vector<16xi32>
        tpu.vector_store_idx %arg15[%add3A_747, %add3A_770], %gather3A_767 : memref<8x845xf32, #tpu.memory_space<vmem>>[vector<16xi32>, vector<16xi32>], vector<16xf32>,
        %broadcast_in_dim3A_771 = arith.constant 8 : i32
        %broadcast_in_dim3A_772 = vector.broadcast %broadcast_in_dim3A_771 : i32 to vector<16xi32>
        %add3A_773 = vector.broadcast %scan3A_744 : i32 to vector<16xi32>
        %add3A_774 = arith.addi %broadcast_in_dim3A_772, %add3A_773 : vector<16xi32>
        %gather3A_775 = tpu.vector_load_idx %arg11[%add3A_774] : memref<208xi32, #tpu.memory_space<vmem>>[vector<16xi32>], vector<16xi32>,
        %mul3A_776 = arith.constant 32 : i32
        %mul3A_777 = vector.broadcast %mul3A_776 : i32 to vector<16xi32>
        %mul3A_778 = arith.muli %gather3A_775, %mul3A_777 : vector<16xi32>
        %add3A_779 = arith.addi %mul3A_778, %iota3A : vector<16xi32>
        %add3A_780 = arith.constant 0 : i32
        %add3A_781 = vector.broadcast %add3A_780 : i32 to vector<16xi32>
        %add3A_782 = arith.addi %add3A_779, %add3A_781 : vector<16xi32>
        %gather3A_783 = tpu.vector_load_idx %arg13[%add3A_774, %add3A_782] : memref<208x128xf32, #tpu.memory_space<vmem>>[vector<16xi32>, vector<16xi32>], vector<16xf32>,
        %add3A_784 = arith.constant 45 : i32
        %add3A_785 = vector.broadcast %add3A_784 : i32 to vector<16xi32>
        %add3A_786 = arith.addi %iota3A, %add3A_785 : vector<16xi32>
        tpu.vector_store_idx %arg15[%add3A_747, %add3A_786], %gather3A_783 : memref<8x845xf32, #tpu.memory_space<vmem>>[vector<16xi32>, vector<16xi32>], vector<16xf32>,
        %add3A_787 = arith.constant 16 : i32
        %add3A_788 = vector.broadcast %add3A_787 : i32 to vector<16xi32>
        %add3A_789 = arith.addi %add3A_779, %add3A_788 : vector<16xi32>
        %gather3A_790 = tpu.vector_load_idx %arg13[%add3A_774, %add3A_789] : memref<208x128xf32, #tpu.memory_space<vmem>>[vector<16xi32>, vector<16xi32>], vector<16xf32>,
        %add3A_791 = arith.constant 61 : i32
        %add3A_792 = vector.broadcast %add3A_791 : i32 to vector<16xi32>
        %add3A_793 = arith.addi %iota3A, %add3A_792 : vector<16xi32>
        tpu.vector_store_idx %arg15[%add3A_747, %add3A_793], %gather3A_790 : memref<8x845xf32, #tpu.memory_space<vmem>>[vector<16xi32>, vector<16xi32>], vector<16xf32>,
        %broadcast_in_dim3A_794 = arith.constant 16 : i32
        %broadcast_in_dim3A_795 = vector.broadcast %broadcast_in_dim3A_794 : i32 to vector<16xi32>
        %add3A_796 = vector.broadcast %scan3A_744 : i32 to vector<16xi32>
        %add3A_797 = arith.addi %broadcast_in_dim3A_795, %add3A_796 : vector<16xi32>
        %gather3A_798 = tpu.vector_load_idx %arg11[%add3A_797] : memref<208xi32, #tpu.memory_space<vmem>>[vector<16xi32>], vector<16xi32>,
        %mul3A_799 = arith.constant 32 : i32
        %mul3A_800 = vector.broadcast %mul3A_799 : i32 to vector<16xi32>
        %mul3A_801 = arith.muli %gather3A_798, %mul3A_800 : vector<16xi32>
        %add3A_802 = arith.addi %mul3A_801, %iota3A : vector<16xi32>
        %add3A_803 = arith.constant 0 : i32
        %add3A_804 = vector.broadcast %add3A_803 : i32 to vector<16xi32>
        %add3A_805 = arith.addi %add3A_802, %add3A_804 : vector<16xi32>
        %gather3A_806 = tpu.vector_load_idx %arg13[%add3A_797, %add3A_805] : memref<208x128xf32, #tpu.memory_space<vmem>>[vector<16xi32>, vector<16xi32>], vector<16xf32>,
        %add3A_807 = arith.constant 77 : i32
        %add3A_808 = vector.broadcast %add3A_807 : i32 to vector<16xi32>
        %add3A_809 = arith.addi %iota3A, %add3A_808 : vector<16xi32>
        tpu.vector_store_idx %arg15[%add3A_747, %add3A_809], %gather3A_806 : memref<8x845xf32, #tpu.memory_space<vmem>>[vector<16xi32>, vector<16xi32>], vector<16xf32>,
        %add3A_810 = arith.constant 16 : i32
        %add3A_811 = vector.broadcast %add3A_810 : i32 to vector<16xi32>
        %add3A_812 = arith.addi %add3A_802, %add3A_811 : vector<16xi32>
        %gather3A_813 = tpu.vector_load_idx %arg13[%add3A_797, %add3A_812] : memref<208x128xf32, #tpu.memory_space<vmem>>[vector<16xi32>, vector<16xi32>], vector<16xf32>,
        %add3A_814 = arith.constant 93 : i32
        %add3A_815 = vector.broadcast %add3A_814 : i32 to vector<16xi32>
        %add3A_816 = arith.addi %iota3A, %add3A_815 : vector<16xi32>
        tpu.vector_store_idx %arg15[%add3A_747, %add3A_816], %gather3A_813 : memref<8x845xf32, #tpu.memory_space<vmem>>[vector<16xi32>, vector<16xi32>], vector<16xf32>,
        %broadcast_in_dim3A_817 = arith.constant 24 : i32
        %broadcast_in_dim3A_818 = vector.broadcast %broadcast_in_dim3A_817 : i32 to vector<16xi32>
        %add3A_819 = vector.broadcast %scan3A_744 : i32 to vector<16xi32>
        %add3A_820 = arith.addi %broadcast_in_dim3A_818, %add3A_819 : vector<16xi32>
        %gather3A_821 = tpu.vector_load_idx %arg11[%add3A_820] : memref<208xi32, #tpu.memory_space<vmem>>[vector<16xi32>], vector<16xi32>,
        %mul3A_822 = arith.constant 32 : i32
        %mul3A_823 = vector.broadcast %mul3A_822 : i32 to vector<16xi32>
        %mul3A_824 = arith.muli %gather3A_821, %mul3A_823 : vector<16xi32>
        %add3A_825 = arith.addi %mul3A_824, %iota3A : vector<16xi32>
        %add3A_826 = arith.constant 0 : i32
        %add3A_827 = vector.broadcast %add3A_826 : i32 to vector<16xi32>
        %add3A_828 = arith.addi %add3A_825, %add3A_827 : vector<16xi32>
        %gather3A_829 = tpu.vector_load_idx %arg13[%add3A_820, %add3A_828] : memref<208x128xf32, #tpu.memory_space<vmem>>[vector<16xi32>, vector<16xi32>], vector<16xf32>,
        %add3A_830 = arith.constant 109 : i32
        %add3A_831 = vector.broadcast %add3A_830 : i32 to vector<16xi32>
        %add3A_832 = arith.addi %iota3A, %add3A_831 : vector<16xi32>
        tpu.vector_store_idx %arg15[%add3A_747, %add3A_832], %gather3A_829 : memref<8x845xf32, #tpu.memory_space<vmem>>[vector<16xi32>, vector<16xi32>], vector<16xf32>,
        %add3A_833 = arith.constant 16 : i32
        %add3A_834 = vector.broadcast %add3A_833 : i32 to vector<16xi32>
        %add3A_835 = arith.addi %add3A_825, %add3A_834 : vector<16xi32>
        %gather3A_836 = tpu.vector_load_idx %arg13[%add3A_820, %add3A_835] : memref<208x128xf32, #tpu.memory_space<vmem>>[vector<16xi32>, vector<16xi32>], vector<16xf32>,
        %add3A_837 = arith.constant 125 : i32
        %add3A_838 = vector.broadcast %add3A_837 : i32 to vector<16xi32>
        %add3A_839 = arith.addi %iota3A, %add3A_838 : vector<16xi32>
        tpu.vector_store_idx %arg15[%add3A_747, %add3A_839], %gather3A_836 : memref<8x845xf32, #tpu.memory_space<vmem>>[vector<16xi32>, vector<16xi32>], vector<16xf32>,
        %broadcast_in_dim3A_840 = arith.constant 32 : i32
        %broadcast_in_dim3A_841 = vector.broadcast %broadcast_in_dim3A_840 : i32 to vector<16xi32>
        %add3A_842 = vector.broadcast %scan3A_744 : i32 to vector<16xi32>
        %add3A_843 = arith.addi %broadcast_in_dim3A_841, %add3A_842 : vector<16xi32>
        %gather3A_844 = tpu.vector_load_idx %arg11[%add3A_843] : memref<208xi32, #tpu.memory_space<vmem>>[vector<16xi32>], vector<16xi32>,
        %mul3A_845 = arith.constant 32 : i32
        %mul3A_846 = vector.broadcast %mul3A_845 : i32 to vector<16xi32>
        %mul3A_847 = arith.muli %gather3A_844, %mul3A_846 : vector<16xi32>
        %add3A_848 = arith.addi %mul3A_847, %iota3A : vector<16xi32>
        %add3A_849 = arith.constant 0 : i32
        %add3A_850 = vector.broadcast %add3A_849 : i32 to vector<16xi32>
        %add3A_851 = arith.addi %add3A_848, %add3A_850 : vector<16xi32>
        %gather3A_852 = tpu.vector_load_idx %arg13[%add3A_843, %add3A_851] : memref<208x128xf32, #tpu.memory_space<vmem>>[vector<16xi32>, vector<16xi32>], vector<16xf32>,
        %add3A_853 = arith.constant 141 : i32
        %add3A_854 = vector.broadcast %add3A_853 : i32 to vector<16xi32>
        %add3A_855 = arith.addi %iota3A, %add3A_854 : vector<16xi32>
        tpu.vector_store_idx %arg15[%add3A_747, %add3A_855], %gather3A_852 : memref<8x845xf32, #tpu.memory_space<vmem>>[vector<16xi32>, vector<16xi32>], vector<16xf32>,
        %add3A_856 = arith.constant 16 : i32
        %add3A_857 = vector.broadcast %add3A_856 : i32 to vector<16xi32>
        %add3A_858 = arith.addi %add3A_848, %add3A_857 : vector<16xi32>
        %gather3A_859 = tpu.vector_load_idx %arg13[%add3A_843, %add3A_858] : memref<208x128xf32, #tpu.memory_space<vmem>>[vector<16xi32>, vector<16xi32>], vector<16xf32>,
        %add3A_860 = arith.constant 157 : i32
        %add3A_861 = vector.broadcast %add3A_860 : i32 to vector<16xi32>
        %add3A_862 = arith.addi %iota3A, %add3A_861 : vector<16xi32>
        tpu.vector_store_idx %arg15[%add3A_747, %add3A_862], %gather3A_859 : memref<8x845xf32, #tpu.memory_space<vmem>>[vector<16xi32>, vector<16xi32>], vector<16xf32>,
        %broadcast_in_dim3A_863 = arith.constant 40 : i32
        %broadcast_in_dim3A_864 = vector.broadcast %broadcast_in_dim3A_863 : i32 to vector<16xi32>
        %add3A_865 = vector.broadcast %scan3A_744 : i32 to vector<16xi32>
        %add3A_866 = arith.addi %broadcast_in_dim3A_864, %add3A_865 : vector<16xi32>
        %gather3A_867 = tpu.vector_load_idx %arg11[%add3A_866] : memref<208xi32, #tpu.memory_space<vmem>>[vector<16xi32>], vector<16xi32>,
        %mul3A_868 = arith.constant 32 : i32
        %mul3A_869 = vector.broadcast %mul3A_868 : i32 to vector<16xi32>
        %mul3A_870 = arith.muli %gather3A_867, %mul3A_869 : vector<16xi32>
        %add3A_871 = arith.addi %mul3A_870, %iota3A : vector<16xi32>
        %add3A_872 = arith.constant 0 : i32
        %add3A_873 = vector.broadcast %add3A_872 : i32 to vector<16xi32>
        %add3A_874 = arith.addi %add3A_871, %add3A_873 : vector<16xi32>
        %gather3A_875 = tpu.vector_load_idx %arg13[%add3A_866, %add3A_874] : memref<208x128xf32, #tpu.memory_space<vmem>>[vector<16xi32>, vector<16xi32>], vector<16xf32>,
        %add3A_876 = arith.constant 173 : i32
        %add3A_877 = vector.broadcast %add3A_876 : i32 to vector<16xi32>
        %add3A_878 = arith.addi %iota3A, %add3A_877 : vector<16xi32>
        tpu.vector_store_idx %arg15[%add3A_747, %add3A_878], %gather3A_875 : memref<8x845xf32, #tpu.memory_space<vmem>>[vector<16xi32>, vector<16xi32>], vector<16xf32>,
        %add3A_879 = arith.constant 16 : i32
        %add3A_880 = vector.broadcast %add3A_879 : i32 to vector<16xi32>
        %add3A_881 = arith.addi %add3A_871, %add3A_880 : vector<16xi32>
        %gather3A_882 = tpu.vector_load_idx %arg13[%add3A_866, %add3A_881] : memref<208x128xf32, #tpu.memory_space<vmem>>[vector<16xi32>, vector<16xi32>], vector<16xf32>,
        %add3A_883 = arith.constant 189 : i32
        %add3A_884 = vector.broadcast %add3A_883 : i32 to vector<16xi32>
        %add3A_885 = arith.addi %iota3A, %add3A_884 : vector<16xi32>
        tpu.vector_store_idx %arg15[%add3A_747, %add3A_885], %gather3A_882 : memref<8x845xf32, #tpu.memory_space<vmem>>[vector<16xi32>, vector<16xi32>], vector<16xf32>,
        %broadcast_in_dim3A_886 = arith.constant 48 : i32
        %broadcast_in_dim3A_887 = vector.broadcast %broadcast_in_dim3A_886 : i32 to vector<16xi32>
        %add3A_888 = vector.broadcast %scan3A_744 : i32 to vector<16xi32>
        %add3A_889 = arith.addi %broadcast_in_dim3A_887, %add3A_888 : vector<16xi32>
        %gather3A_890 = tpu.vector_load_idx %arg11[%add3A_889] : memref<208xi32, #tpu.memory_space<vmem>>[vector<16xi32>], vector<16xi32>,
        %mul3A_891 = arith.constant 32 : i32
        %mul3A_892 = vector.broadcast %mul3A_891 : i32 to vector<16xi32>
        %mul3A_893 = arith.muli %gather3A_890, %mul3A_892 : vector<16xi32>
        %add3A_894 = arith.addi %mul3A_893, %iota3A : vector<16xi32>
        %add3A_895 = arith.constant 0 : i32
        %add3A_896 = vector.broadcast %add3A_895 : i32 to vector<16xi32>
        %add3A_897 = arith.addi %add3A_894, %add3A_896 : vector<16xi32>
        %gather3A_898 = tpu.vector_load_idx %arg13[%add3A_889, %add3A_897] : memref<208x128xf32, #tpu.memory_space<vmem>>[vector<16xi32>, vector<16xi32>], vector<16xf32>,
        %add3A_899 = arith.constant 205 : i32
        %add3A_900 = vector.broadcast %add3A_899 : i32 to vector<16xi32>
        %add3A_901 = arith.addi %iota3A, %add3A_900 : vector<16xi32>
        tpu.vector_store_idx %arg15[%add3A_747, %add3A_901], %gather3A_898 : memref<8x845xf32, #tpu.memory_space<vmem>>[vector<16xi32>, vector<16xi32>], vector<16xf32>,
        %add3A_902 = arith.constant 16 : i32
        %add3A_903 = vector.broadcast %add3A_902 : i32 to vector<16xi32>
        %add3A_904 = arith.addi %add3A_894, %add3A_903 : vector<16xi32>
        %gather3A_905 = tpu.vector_load_idx %arg13[%add3A_889, %add3A_904] : memref<208x128xf32, #tpu.memory_space<vmem>>[vector<16xi32>, vector<16xi32>], vector<16xf32>,
        %add3A_906 = arith.constant 221 : i32
        %add3A_907 = vector.broadcast %add3A_906 : i32 to vector<16xi32>
        %add3A_908 = arith.addi %iota3A, %add3A_907 : vector<16xi32>
        tpu.vector_store_idx %arg15[%add3A_747, %add3A_908], %gather3A_905 : memref<8x845xf32, #tpu.memory_space<vmem>>[vector<16xi32>, vector<16xi32>], vector<16xf32>,
        %broadcast_in_dim3A_909 = arith.constant 56 : i32
        %broadcast_in_dim3A_910 = vector.broadcast %broadcast_in_dim3A_909 : i32 to vector<16xi32>
        %add3A_911 = vector.broadcast %scan3A_744 : i32 to vector<16xi32>
        %add3A_912 = arith.addi %broadcast_in_dim3A_910, %add3A_911 : vector<16xi32>
        %gather3A_913 = tpu.vector_load_idx %arg11[%add3A_912] : memref<208xi32, #tpu.memory_space<vmem>>[vector<16xi32>], vector<16xi32>,
        %mul3A_914 = arith.constant 32 : i32
        %mul3A_915 = vector.broadcast %mul3A_914 : i32 to vector<16xi32>
        %mul3A_916 = arith.muli %gather3A_913, %mul3A_915 : vector<16xi32>
        %add3A_917 = arith.addi %mul3A_916, %iota3A : vector<16xi32>
        %add3A_918 = arith.constant 0 : i32
        %add3A_919 = vector.broadcast %add3A_918 : i32 to vector<16xi32>
        %add3A_920 = arith.addi %add3A_917, %add3A_919 : vector<16xi32>
        %gather3A_921 = tpu.vector_load_idx %arg13[%add3A_912, %add3A_920] : memref<208x128xf32, #tpu.memory_space<vmem>>[vector<16xi32>, vector<16xi32>], vector<16xf32>,
        %add3A_922 = arith.constant 237 : i32
        %add3A_923 = vector.broadcast %add3A_922 : i32 to vector<16xi32>
        %add3A_924 = arith.addi %iota3A, %add3A_923 : vector<16xi32>
        tpu.vector_store_idx %arg15[%add3A_747, %add3A_924], %gather3A_921 : memref<8x845xf32, #tpu.memory_space<vmem>>[vector<16xi32>, vector<16xi32>], vector<16xf32>,
        %add3A_925 = arith.constant 16 : i32
        %add3A_926 = vector.broadcast %add3A_925 : i32 to vector<16xi32>
        %add3A_927 = arith.addi %add3A_917, %add3A_926 : vector<16xi32>
        %gather3A_928 = tpu.vector_load_idx %arg13[%add3A_912, %add3A_927] : memref<208x128xf32, #tpu.memory_space<vmem>>[vector<16xi32>, vector<16xi32>], vector<16xf32>,
        %add3A_929 = arith.constant 253 : i32
        %add3A_930 = vector.broadcast %add3A_929 : i32 to vector<16xi32>
        %add3A_931 = arith.addi %iota3A, %add3A_930 : vector<16xi32>
        tpu.vector_store_idx %arg15[%add3A_747, %add3A_931], %gather3A_928 : memref<8x845xf32, #tpu.memory_space<vmem>>[vector<16xi32>, vector<16xi32>], vector<16xf32>,
        %broadcast_in_dim3A_932 = arith.constant 64 : i32
        %broadcast_in_dim3A_933 = vector.broadcast %broadcast_in_dim3A_932 : i32 to vector<16xi32>
        %add3A_934 = vector.broadcast %scan3A_744 : i32 to vector<16xi32>
        %add3A_935 = arith.addi %broadcast_in_dim3A_933, %add3A_934 : vector<16xi32>
        %gather3A_936 = tpu.vector_load_idx %arg11[%add3A_935] : memref<208xi32, #tpu.memory_space<vmem>>[vector<16xi32>], vector<16xi32>,
        %mul3A_937 = arith.constant 32 : i32
        %mul3A_938 = vector.broadcast %mul3A_937 : i32 to vector<16xi32>
        %mul3A_939 = arith.muli %gather3A_936, %mul3A_938 : vector<16xi32>
        %add3A_940 = arith.addi %mul3A_939, %iota3A : vector<16xi32>
        %add3A_941 = arith.constant 0 : i32
        %add3A_942 = vector.broadcast %add3A_941 : i32 to vector<16xi32>
        %add3A_943 = arith.addi %add3A_940, %add3A_942 : vector<16xi32>
        %gather3A_944 = tpu.vector_load_idx %arg13[%add3A_935, %add3A_943] : memref<208x128xf32, #tpu.memory_space<vmem>>[vector<16xi32>, vector<16xi32>], vector<16xf32>,
        %add3A_945 = arith.constant 269 : i32
        %add3A_946 = vector.broadcast %add3A_945 : i32 to vector<16xi32>
        %add3A_947 = arith.addi %iota3A, %add3A_946 : vector<16xi32>
        tpu.vector_store_idx %arg15[%add3A_747, %add3A_947], %gather3A_944 : memref<8x845xf32, #tpu.memory_space<vmem>>[vector<16xi32>, vector<16xi32>], vector<16xf32>,
        %add3A_948 = arith.constant 16 : i32
        %add3A_949 = vector.broadcast %add3A_948 : i32 to vector<16xi32>
        %add3A_950 = arith.addi %add3A_940, %add3A_949 : vector<16xi32>
        %gather3A_951 = tpu.vector_load_idx %arg13[%add3A_935, %add3A_950] : memref<208x128xf32, #tpu.memory_space<vmem>>[vector<16xi32>, vector<16xi32>], vector<16xf32>,
        %add3A_952 = arith.constant 285 : i32
        %add3A_953 = vector.broadcast %add3A_952 : i32 to vector<16xi32>
        %add3A_954 = arith.addi %iota3A, %add3A_953 : vector<16xi32>
        tpu.vector_store_idx %arg15[%add3A_747, %add3A_954], %gather3A_951 : memref<8x845xf32, #tpu.memory_space<vmem>>[vector<16xi32>, vector<16xi32>], vector<16xf32>,
        %broadcast_in_dim3A_955 = arith.constant 72 : i32
        %broadcast_in_dim3A_956 = vector.broadcast %broadcast_in_dim3A_955 : i32 to vector<16xi32>
        %add3A_957 = vector.broadcast %scan3A_744 : i32 to vector<16xi32>
        %add3A_958 = arith.addi %broadcast_in_dim3A_956, %add3A_957 : vector<16xi32>
        %gather3A_959 = tpu.vector_load_idx %arg11[%add3A_958] : memref<208xi32, #tpu.memory_space<vmem>>[vector<16xi32>], vector<16xi32>,
        %mul3A_960 = arith.constant 32 : i32
        %mul3A_961 = vector.broadcast %mul3A_960 : i32 to vector<16xi32>
        %mul3A_962 = arith.muli %gather3A_959, %mul3A_961 : vector<16xi32>
        %add3A_963 = arith.addi %mul3A_962, %iota3A : vector<16xi32>
        %add3A_964 = arith.constant 0 : i32
        %add3A_965 = vector.broadcast %add3A_964 : i32 to vector<16xi32>
        %add3A_966 = arith.addi %add3A_963, %add3A_965 : vector<16xi32>
        %gather3A_967 = tpu.vector_load_idx %arg13[%add3A_958, %add3A_966] : memref<208x128xf32, #tpu.memory_space<vmem>>[vector<16xi32>, vector<16xi32>], vector<16xf32>,
        %add3A_968 = arith.constant 301 : i32
        %add3A_969 = vector.broadcast %add3A_968 : i32 to vector<16xi32>
        %add3A_970 = arith.addi %iota3A, %add3A_969 : vector<16xi32>
        tpu.vector_store_idx %arg15[%add3A_747, %add3A_970], %gather3A_967 : memref<8x845xf32, #tpu.memory_space<vmem>>[vector<16xi32>, vector<16xi32>], vector<16xf32>,
        %add3A_971 = arith.constant 16 : i32
        %add3A_972 = vector.broadcast %add3A_971 : i32 to vector<16xi32>
        %add3A_973 = arith.addi %add3A_963, %add3A_972 : vector<16xi32>
        %gather3A_974 = tpu.vector_load_idx %arg13[%add3A_958, %add3A_973] : memref<208x128xf32, #tpu.memory_space<vmem>>[vector<16xi32>, vector<16xi32>], vector<16xf32>,
        %add3A_975 = arith.constant 317 : i32
        %add3A_976 = vector.broadcast %add3A_975 : i32 to vector<16xi32>
        %add3A_977 = arith.addi %iota3A, %add3A_976 : vector<16xi32>
        tpu.vector_store_idx %arg15[%add3A_747, %add3A_977], %gather3A_974 : memref<8x845xf32, #tpu.memory_space<vmem>>[vector<16xi32>, vector<16xi32>], vector<16xf32>,
        %broadcast_in_dim3A_978 = arith.constant 80 : i32
        %broadcast_in_dim3A_979 = vector.broadcast %broadcast_in_dim3A_978 : i32 to vector<16xi32>
        %add3A_980 = vector.broadcast %scan3A_744 : i32 to vector<16xi32>
        %add3A_981 = arith.addi %broadcast_in_dim3A_979, %add3A_980 : vector<16xi32>
        %gather3A_982 = tpu.vector_load_idx %arg11[%add3A_981] : memref<208xi32, #tpu.memory_space<vmem>>[vector<16xi32>], vector<16xi32>,
        %mul3A_983 = arith.constant 32 : i32
        %mul3A_984 = vector.broadcast %mul3A_983 : i32 to vector<16xi32>
        %mul3A_985 = arith.muli %gather3A_982, %mul3A_984 : vector<16xi32>
        %add3A_986 = arith.addi %mul3A_985, %iota3A : vector<16xi32>
        %add3A_987 = arith.constant 0 : i32
        %add3A_988 = vector.broadcast %add3A_987 : i32 to vector<16xi32>
        %add3A_989 = arith.addi %add3A_986, %add3A_988 : vector<16xi32>
        %gather3A_990 = tpu.vector_load_idx %arg13[%add3A_981, %add3A_989] : memref<208x128xf32, #tpu.memory_space<vmem>>[vector<16xi32>, vector<16xi32>], vector<16xf32>,
        %add3A_991 = arith.constant 333 : i32
        %add3A_992 = vector.broadcast %add3A_991 : i32 to vector<16xi32>
        %add3A_993 = arith.addi %iota3A, %add3A_992 : vector<16xi32>
        tpu.vector_store_idx %arg15[%add3A_747, %add3A_993], %gather3A_990 : memref<8x845xf32, #tpu.memory_space<vmem>>[vector<16xi32>, vector<16xi32>], vector<16xf32>,
        %add3A_994 = arith.constant 16 : i32
        %add3A_995 = vector.broadcast %add3A_994 : i32 to vector<16xi32>
        %add3A_996 = arith.addi %add3A_986, %add3A_995 : vector<16xi32>
        %gather3A_997 = tpu.vector_load_idx %arg13[%add3A_981, %add3A_996] : memref<208x128xf32, #tpu.memory_space<vmem>>[vector<16xi32>, vector<16xi32>], vector<16xf32>,
        %add3A_998 = arith.constant 349 : i32
        %add3A_999 = vector.broadcast %add3A_998 : i32 to vector<16xi32>
        %add3A_1000 = arith.addi %iota3A, %add3A_999 : vector<16xi32>
        tpu.vector_store_idx %arg15[%add3A_747, %add3A_1000], %gather3A_997 : memref<8x845xf32, #tpu.memory_space<vmem>>[vector<16xi32>, vector<16xi32>], vector<16xf32>,
        %broadcast_in_dim3A_1001 = arith.constant 88 : i32
        %broadcast_in_dim3A_1002 = vector.broadcast %broadcast_in_dim3A_1001 : i32 to vector<16xi32>
        %add3A_1003 = vector.broadcast %scan3A_744 : i32 to vector<16xi32>
        %add3A_1004 = arith.addi %broadcast_in_dim3A_1002, %add3A_1003 : vector<16xi32>
        %gather3A_1005 = tpu.vector_load_idx %arg11[%add3A_1004] : memref<208xi32, #tpu.memory_space<vmem>>[vector<16xi32>], vector<16xi32>,
        %mul3A_1006 = arith.constant 32 : i32
        %mul3A_1007 = vector.broadcast %mul3A_1006 : i32 to vector<16xi32>
        %mul3A_1008 = arith.muli %gather3A_1005, %mul3A_1007 : vector<16xi32>
        %add3A_1009 = arith.addi %mul3A_1008, %iota3A : vector<16xi32>
        %add3A_1010 = arith.constant 0 : i32
        %add3A_1011 = vector.broadcast %add3A_1010 : i32 to vector<16xi32>
        %add3A_1012 = arith.addi %add3A_1009, %add3A_1011 : vector<16xi32>
        %gather3A_1013 = tpu.vector_load_idx %arg13[%add3A_1004, %add3A_1012] : memref<208x128xf32, #tpu.memory_space<vmem>>[vector<16xi32>, vector<16xi32>], vector<16xf32>,
        %add3A_1014 = arith.constant 365 : i32
        %add3A_1015 = vector.broadcast %add3A_1014 : i32 to vector<16xi32>
        %add3A_1016 = arith.addi %iota3A, %add3A_1015 : vector<16xi32>
        tpu.vector_store_idx %arg15[%add3A_747, %add3A_1016], %gather3A_1013 : memref<8x845xf32, #tpu.memory_space<vmem>>[vector<16xi32>, vector<16xi32>], vector<16xf32>,
        %add3A_1017 = arith.constant 16 : i32
        %add3A_1018 = vector.broadcast %add3A_1017 : i32 to vector<16xi32>
        %add3A_1019 = arith.addi %add3A_1009, %add3A_1018 : vector<16xi32>
        %gather3A_1020 = tpu.vector_load_idx %arg13[%add3A_1004, %add3A_1019] : memref<208x128xf32, #tpu.memory_space<vmem>>[vector<16xi32>, vector<16xi32>], vector<16xf32>,
        %add3A_1021 = arith.constant 381 : i32
        %add3A_1022 = vector.broadcast %add3A_1021 : i32 to vector<16xi32>
        %add3A_1023 = arith.addi %iota3A, %add3A_1022 : vector<16xi32>
        tpu.vector_store_idx %arg15[%add3A_747, %add3A_1023], %gather3A_1020 : memref<8x845xf32, #tpu.memory_space<vmem>>[vector<16xi32>, vector<16xi32>], vector<16xf32>,
        %broadcast_in_dim3A_1024 = arith.constant 96 : i32
        %broadcast_in_dim3A_1025 = vector.broadcast %broadcast_in_dim3A_1024 : i32 to vector<16xi32>
        %add3A_1026 = vector.broadcast %scan3A_744 : i32 to vector<16xi32>
        %add3A_1027 = arith.addi %broadcast_in_dim3A_1025, %add3A_1026 : vector<16xi32>
        %gather3A_1028 = tpu.vector_load_idx %arg11[%add3A_1027] : memref<208xi32, #tpu.memory_space<vmem>>[vector<16xi32>], vector<16xi32>,
        %mul3A_1029 = arith.constant 32 : i32
        %mul3A_1030 = vector.broadcast %mul3A_1029 : i32 to vector<16xi32>
        %mul3A_1031 = arith.muli %gather3A_1028, %mul3A_1030 : vector<16xi32>
        %add3A_1032 = arith.addi %mul3A_1031, %iota3A : vector<16xi32>
        %add3A_1033 = arith.constant 0 : i32
        %add3A_1034 = vector.broadcast %add3A_1033 : i32 to vector<16xi32>
        %add3A_1035 = arith.addi %add3A_1032, %add3A_1034 : vector<16xi32>
        %gather3A_1036 = tpu.vector_load_idx %arg13[%add3A_1027, %add3A_1035] : memref<208x128xf32, #tpu.memory_space<vmem>>[vector<16xi32>, vector<16xi32>], vector<16xf32>,
        %add3A_1037 = arith.constant 397 : i32
        %add3A_1038 = vector.broadcast %add3A_1037 : i32 to vector<16xi32>
        %add3A_1039 = arith.addi %iota3A, %add3A_1038 : vector<16xi32>
        tpu.vector_store_idx %arg15[%add3A_747, %add3A_1039], %gather3A_1036 : memref<8x845xf32, #tpu.memory_space<vmem>>[vector<16xi32>, vector<16xi32>], vector<16xf32>,
        %add3A_1040 = arith.constant 16 : i32
        %add3A_1041 = vector.broadcast %add3A_1040 : i32 to vector<16xi32>
        %add3A_1042 = arith.addi %add3A_1032, %add3A_1041 : vector<16xi32>
        %gather3A_1043 = tpu.vector_load_idx %arg13[%add3A_1027, %add3A_1042] : memref<208x128xf32, #tpu.memory_space<vmem>>[vector<16xi32>, vector<16xi32>], vector<16xf32>,
        %add3A_1044 = arith.constant 413 : i32
        %add3A_1045 = vector.broadcast %add3A_1044 : i32 to vector<16xi32>
        %add3A_1046 = arith.addi %iota3A, %add3A_1045 : vector<16xi32>
        tpu.vector_store_idx %arg15[%add3A_747, %add3A_1046], %gather3A_1043 : memref<8x845xf32, #tpu.memory_space<vmem>>[vector<16xi32>, vector<16xi32>], vector<16xf32>,
        %broadcast_in_dim3A_1047 = arith.constant 104 : i32
        %broadcast_in_dim3A_1048 = vector.broadcast %broadcast_in_dim3A_1047 : i32 to vector<16xi32>
        %add3A_1049 = vector.broadcast %scan3A_744 : i32 to vector<16xi32>
        %add3A_1050 = arith.addi %broadcast_in_dim3A_1048, %add3A_1049 : vector<16xi32>
        %gather3A_1051 = tpu.vector_load_idx %arg11[%add3A_1050] : memref<208xi32, #tpu.memory_space<vmem>>[vector<16xi32>], vector<16xi32>,
        %mul3A_1052 = arith.constant 32 : i32
        %mul3A_1053 = vector.broadcast %mul3A_1052 : i32 to vector<16xi32>
        %mul3A_1054 = arith.muli %gather3A_1051, %mul3A_1053 : vector<16xi32>
        %add3A_1055 = arith.addi %mul3A_1054, %iota3A : vector<16xi32>
        %add3A_1056 = arith.constant 0 : i32
        %add3A_1057 = vector.broadcast %add3A_1056 : i32 to vector<16xi32>
        %add3A_1058 = arith.addi %add3A_1055, %add3A_1057 : vector<16xi32>
        %gather3A_1059 = tpu.vector_load_idx %arg13[%add3A_1050, %add3A_1058] : memref<208x128xf32, #tpu.memory_space<vmem>>[vector<16xi32>, vector<16xi32>], vector<16xf32>,
        %add3A_1060 = arith.constant 429 : i32
        %add3A_1061 = vector.broadcast %add3A_1060 : i32 to vector<16xi32>
        %add3A_1062 = arith.addi %iota3A, %add3A_1061 : vector<16xi32>
        tpu.vector_store_idx %arg15[%add3A_747, %add3A_1062], %gather3A_1059 : memref<8x845xf32, #tpu.memory_space<vmem>>[vector<16xi32>, vector<16xi32>], vector<16xf32>,
        %add3A_1063 = arith.constant 16 : i32
        %add3A_1064 = vector.broadcast %add3A_1063 : i32 to vector<16xi32>
        %add3A_1065 = arith.addi %add3A_1055, %add3A_1064 : vector<16xi32>
        %gather3A_1066 = tpu.vector_load_idx %arg13[%add3A_1050, %add3A_1065] : memref<208x128xf32, #tpu.memory_space<vmem>>[vector<16xi32>, vector<16xi32>], vector<16xf32>,
        %add3A_1067 = arith.constant 445 : i32
        %add3A_1068 = vector.broadcast %add3A_1067 : i32 to vector<16xi32>
        %add3A_1069 = arith.addi %iota3A, %add3A_1068 : vector<16xi32>
        tpu.vector_store_idx %arg15[%add3A_747, %add3A_1069], %gather3A_1066 : memref<8x845xf32, #tpu.memory_space<vmem>>[vector<16xi32>, vector<16xi32>], vector<16xf32>,
        %broadcast_in_dim3A_1070 = arith.constant 112 : i32
        %broadcast_in_dim3A_1071 = vector.broadcast %broadcast_in_dim3A_1070 : i32 to vector<16xi32>
        %add3A_1072 = vector.broadcast %scan3A_744 : i32 to vector<16xi32>
        %add3A_1073 = arith.addi %broadcast_in_dim3A_1071, %add3A_1072 : vector<16xi32>
        %gather3A_1074 = tpu.vector_load_idx %arg11[%add3A_1073] : memref<208xi32, #tpu.memory_space<vmem>>[vector<16xi32>], vector<16xi32>,
        %mul3A_1075 = arith.constant 32 : i32
        %mul3A_1076 = vector.broadcast %mul3A_1075 : i32 to vector<16xi32>
        %mul3A_1077 = arith.muli %gather3A_1074, %mul3A_1076 : vector<16xi32>
        %add3A_1078 = arith.addi %mul3A_1077, %iota3A : vector<16xi32>
        %add3A_1079 = arith.constant 0 : i32
        %add3A_1080 = vector.broadcast %add3A_1079 : i32 to vector<16xi32>
        %add3A_1081 = arith.addi %add3A_1078, %add3A_1080 : vector<16xi32>
        %gather3A_1082 = tpu.vector_load_idx %arg13[%add3A_1073, %add3A_1081] : memref<208x128xf32, #tpu.memory_space<vmem>>[vector<16xi32>, vector<16xi32>], vector<16xf32>,
        %add3A_1083 = arith.constant 461 : i32
        %add3A_1084 = vector.broadcast %add3A_1083 : i32 to vector<16xi32>
        %add3A_1085 = arith.addi %iota3A, %add3A_1084 : vector<16xi32>
        tpu.vector_store_idx %arg15[%add3A_747, %add3A_1085], %gather3A_1082 : memref<8x845xf32, #tpu.memory_space<vmem>>[vector<16xi32>, vector<16xi32>], vector<16xf32>,
        %add3A_1086 = arith.constant 16 : i32
        %add3A_1087 = vector.broadcast %add3A_1086 : i32 to vector<16xi32>
        %add3A_1088 = arith.addi %add3A_1078, %add3A_1087 : vector<16xi32>
        %gather3A_1089 = tpu.vector_load_idx %arg13[%add3A_1073, %add3A_1088] : memref<208x128xf32, #tpu.memory_space<vmem>>[vector<16xi32>, vector<16xi32>], vector<16xf32>,
        %add3A_1090 = arith.constant 477 : i32
        %add3A_1091 = vector.broadcast %add3A_1090 : i32 to vector<16xi32>
        %add3A_1092 = arith.addi %iota3A, %add3A_1091 : vector<16xi32>
        tpu.vector_store_idx %arg15[%add3A_747, %add3A_1092], %gather3A_1089 : memref<8x845xf32, #tpu.memory_space<vmem>>[vector<16xi32>, vector<16xi32>], vector<16xf32>,
        %broadcast_in_dim3A_1093 = arith.constant 120 : i32
        %broadcast_in_dim3A_1094 = vector.broadcast %broadcast_in_dim3A_1093 : i32 to vector<16xi32>
        %add3A_1095 = vector.broadcast %scan3A_744 : i32 to vector<16xi32>
        %add3A_1096 = arith.addi %broadcast_in_dim3A_1094, %add3A_1095 : vector<16xi32>
        %gather3A_1097 = tpu.vector_load_idx %arg11[%add3A_1096] : memref<208xi32, #tpu.memory_space<vmem>>[vector<16xi32>], vector<16xi32>,
        %mul3A_1098 = arith.constant 32 : i32
        %mul3A_1099 = vector.broadcast %mul3A_1098 : i32 to vector<16xi32>
        %mul3A_1100 = arith.muli %gather3A_1097, %mul3A_1099 : vector<16xi32>
        %add3A_1101 = arith.addi %mul3A_1100, %iota3A : vector<16xi32>
        %add3A_1102 = arith.constant 0 : i32
        %add3A_1103 = vector.broadcast %add3A_1102 : i32 to vector<16xi32>
        %add3A_1104 = arith.addi %add3A_1101, %add3A_1103 : vector<16xi32>
        %gather3A_1105 = tpu.vector_load_idx %arg13[%add3A_1096, %add3A_1104] : memref<208x128xf32, #tpu.memory_space<vmem>>[vector<16xi32>, vector<16xi32>], vector<16xf32>,
        %add3A_1106 = arith.constant 493 : i32
        %add3A_1107 = vector.broadcast %add3A_1106 : i32 to vector<16xi32>
        %add3A_1108 = arith.addi %iota3A, %add3A_1107 : vector<16xi32>
        tpu.vector_store_idx %arg15[%add3A_747, %add3A_1108], %gather3A_1105 : memref<8x845xf32, #tpu.memory_space<vmem>>[vector<16xi32>, vector<16xi32>], vector<16xf32>,
        %add3A_1109 = arith.constant 16 : i32
        %add3A_1110 = vector.broadcast %add3A_1109 : i32 to vector<16xi32>
        %add3A_1111 = arith.addi %add3A_1101, %add3A_1110 : vector<16xi32>
        %gather3A_1112 = tpu.vector_load_idx %arg13[%add3A_1096, %add3A_1111] : memref<208x128xf32, #tpu.memory_space<vmem>>[vector<16xi32>, vector<16xi32>], vector<16xf32>,
        %add3A_1113 = arith.constant 509 : i32
        %add3A_1114 = vector.broadcast %add3A_1113 : i32 to vector<16xi32>
        %add3A_1115 = arith.addi %iota3A, %add3A_1114 : vector<16xi32>
        tpu.vector_store_idx %arg15[%add3A_747, %add3A_1115], %gather3A_1112 : memref<8x845xf32, #tpu.memory_space<vmem>>[vector<16xi32>, vector<16xi32>], vector<16xf32>,
        %broadcast_in_dim3A_1116 = arith.constant 128 : i32
        %broadcast_in_dim3A_1117 = vector.broadcast %broadcast_in_dim3A_1116 : i32 to vector<16xi32>
        %add3A_1118 = vector.broadcast %scan3A_744 : i32 to vector<16xi32>
        %add3A_1119 = arith.addi %broadcast_in_dim3A_1117, %add3A_1118 : vector<16xi32>
        %gather3A_1120 = tpu.vector_load_idx %arg11[%add3A_1119] : memref<208xi32, #tpu.memory_space<vmem>>[vector<16xi32>], vector<16xi32>,
        %mul3A_1121 = arith.constant 32 : i32
        %mul3A_1122 = vector.broadcast %mul3A_1121 : i32 to vector<16xi32>
        %mul3A_1123 = arith.muli %gather3A_1120, %mul3A_1122 : vector<16xi32>
        %add3A_1124 = arith.addi %mul3A_1123, %iota3A : vector<16xi32>
        %add3A_1125 = arith.constant 0 : i32
        %add3A_1126 = vector.broadcast %add3A_1125 : i32 to vector<16xi32>
        %add3A_1127 = arith.addi %add3A_1124, %add3A_1126 : vector<16xi32>
        %gather3A_1128 = tpu.vector_load_idx %arg13[%add3A_1119, %add3A_1127] : memref<208x128xf32, #tpu.memory_space<vmem>>[vector<16xi32>, vector<16xi32>], vector<16xf32>,
        %add3A_1129 = arith.constant 525 : i32
        %add3A_1130 = vector.broadcast %add3A_1129 : i32 to vector<16xi32>
        %add3A_1131 = arith.addi %iota3A, %add3A_1130 : vector<16xi32>
        tpu.vector_store_idx %arg15[%add3A_747, %add3A_1131], %gather3A_1128 : memref<8x845xf32, #tpu.memory_space<vmem>>[vector<16xi32>, vector<16xi32>], vector<16xf32>,
        %add3A_1132 = arith.constant 16 : i32
        %add3A_1133 = vector.broadcast %add3A_1132 : i32 to vector<16xi32>
        %add3A_1134 = arith.addi %add3A_1124, %add3A_1133 : vector<16xi32>
        %gather3A_1135 = tpu.vector_load_idx %arg13[%add3A_1119, %add3A_1134] : memref<208x128xf32, #tpu.memory_space<vmem>>[vector<16xi32>, vector<16xi32>], vector<16xf32>,
        %add3A_1136 = arith.constant 541 : i32
        %add3A_1137 = vector.broadcast %add3A_1136 : i32 to vector<16xi32>
        %add3A_1138 = arith.addi %iota3A, %add3A_1137 : vector<16xi32>
        tpu.vector_store_idx %arg15[%add3A_747, %add3A_1138], %gather3A_1135 : memref<8x845xf32, #tpu.memory_space<vmem>>[vector<16xi32>, vector<16xi32>], vector<16xf32>,
        %broadcast_in_dim3A_1139 = arith.constant 136 : i32
        %broadcast_in_dim3A_1140 = vector.broadcast %broadcast_in_dim3A_1139 : i32 to vector<16xi32>
        %add3A_1141 = vector.broadcast %scan3A_744 : i32 to vector<16xi32>
        %add3A_1142 = arith.addi %broadcast_in_dim3A_1140, %add3A_1141 : vector<16xi32>
        %gather3A_1143 = tpu.vector_load_idx %arg11[%add3A_1142] : memref<208xi32, #tpu.memory_space<vmem>>[vector<16xi32>], vector<16xi32>,
        %mul3A_1144 = arith.constant 32 : i32
        %mul3A_1145 = vector.broadcast %mul3A_1144 : i32 to vector<16xi32>
        %mul3A_1146 = arith.muli %gather3A_1143, %mul3A_1145 : vector<16xi32>
        %add3A_1147 = arith.addi %mul3A_1146, %iota3A : vector<16xi32>
        %add3A_1148 = arith.constant 0 : i32
        %add3A_1149 = vector.broadcast %add3A_1148 : i32 to vector<16xi32>
        %add3A_1150 = arith.addi %add3A_1147, %add3A_1149 : vector<16xi32>
        %gather3A_1151 = tpu.vector_load_idx %arg13[%add3A_1142, %add3A_1150] : memref<208x128xf32, #tpu.memory_space<vmem>>[vector<16xi32>, vector<16xi32>], vector<16xf32>,
        %add3A_1152 = arith.constant 557 : i32
        %add3A_1153 = vector.broadcast %add3A_1152 : i32 to vector<16xi32>
        %add3A_1154 = arith.addi %iota3A, %add3A_1153 : vector<16xi32>
        tpu.vector_store_idx %arg15[%add3A_747, %add3A_1154], %gather3A_1151 : memref<8x845xf32, #tpu.memory_space<vmem>>[vector<16xi32>, vector<16xi32>], vector<16xf32>,
        %add3A_1155 = arith.constant 16 : i32
        %add3A_1156 = vector.broadcast %add3A_1155 : i32 to vector<16xi32>
        %add3A_1157 = arith.addi %add3A_1147, %add3A_1156 : vector<16xi32>
        %gather3A_1158 = tpu.vector_load_idx %arg13[%add3A_1142, %add3A_1157] : memref<208x128xf32, #tpu.memory_space<vmem>>[vector<16xi32>, vector<16xi32>], vector<16xf32>,
        %add3A_1159 = arith.constant 573 : i32
        %add3A_1160 = vector.broadcast %add3A_1159 : i32 to vector<16xi32>
        %add3A_1161 = arith.addi %iota3A, %add3A_1160 : vector<16xi32>
        tpu.vector_store_idx %arg15[%add3A_747, %add3A_1161], %gather3A_1158 : memref<8x845xf32, #tpu.memory_space<vmem>>[vector<16xi32>, vector<16xi32>], vector<16xf32>,
        %broadcast_in_dim3A_1162 = arith.constant 144 : i32
        %broadcast_in_dim3A_1163 = vector.broadcast %broadcast_in_dim3A_1162 : i32 to vector<16xi32>
        %add3A_1164 = vector.broadcast %scan3A_744 : i32 to vector<16xi32>
        %add3A_1165 = arith.addi %broadcast_in_dim3A_1163, %add3A_1164 : vector<16xi32>
        %gather3A_1166 = tpu.vector_load_idx %arg11[%add3A_1165] : memref<208xi32, #tpu.memory_space<vmem>>[vector<16xi32>], vector<16xi32>,
        %mul3A_1167 = arith.constant 32 : i32
        %mul3A_1168 = vector.broadcast %mul3A_1167 : i32 to vector<16xi32>
        %mul3A_1169 = arith.muli %gather3A_1166, %mul3A_1168 : vector<16xi32>
        %add3A_1170 = arith.addi %mul3A_1169, %iota3A : vector<16xi32>
        %add3A_1171 = arith.constant 0 : i32
        %add3A_1172 = vector.broadcast %add3A_1171 : i32 to vector<16xi32>
        %add3A_1173 = arith.addi %add3A_1170, %add3A_1172 : vector<16xi32>
        %gather3A_1174 = tpu.vector_load_idx %arg13[%add3A_1165, %add3A_1173] : memref<208x128xf32, #tpu.memory_space<vmem>>[vector<16xi32>, vector<16xi32>], vector<16xf32>,
        %add3A_1175 = arith.constant 589 : i32
        %add3A_1176 = vector.broadcast %add3A_1175 : i32 to vector<16xi32>
        %add3A_1177 = arith.addi %iota3A, %add3A_1176 : vector<16xi32>
        tpu.vector_store_idx %arg15[%add3A_747, %add3A_1177], %gather3A_1174 : memref<8x845xf32, #tpu.memory_space<vmem>>[vector<16xi32>, vector<16xi32>], vector<16xf32>,
        %add3A_1178 = arith.constant 16 : i32
        %add3A_1179 = vector.broadcast %add3A_1178 : i32 to vector<16xi32>
        %add3A_1180 = arith.addi %add3A_1170, %add3A_1179 : vector<16xi32>
        %gather3A_1181 = tpu.vector_load_idx %arg13[%add3A_1165, %add3A_1180] : memref<208x128xf32, #tpu.memory_space<vmem>>[vector<16xi32>, vector<16xi32>], vector<16xf32>,
        %add3A_1182 = arith.constant 605 : i32
        %add3A_1183 = vector.broadcast %add3A_1182 : i32 to vector<16xi32>
        %add3A_1184 = arith.addi %iota3A, %add3A_1183 : vector<16xi32>
        tpu.vector_store_idx %arg15[%add3A_747, %add3A_1184], %gather3A_1181 : memref<8x845xf32, #tpu.memory_space<vmem>>[vector<16xi32>, vector<16xi32>], vector<16xf32>,
        %broadcast_in_dim3A_1185 = arith.constant 152 : i32
        %broadcast_in_dim3A_1186 = vector.broadcast %broadcast_in_dim3A_1185 : i32 to vector<16xi32>
        %add3A_1187 = vector.broadcast %scan3A_744 : i32 to vector<16xi32>
        %add3A_1188 = arith.addi %broadcast_in_dim3A_1186, %add3A_1187 : vector<16xi32>
        %gather3A_1189 = tpu.vector_load_idx %arg11[%add3A_1188] : memref<208xi32, #tpu.memory_space<vmem>>[vector<16xi32>], vector<16xi32>,
        %mul3A_1190 = arith.constant 32 : i32
        %mul3A_1191 = vector.broadcast %mul3A_1190 : i32 to vector<16xi32>
        %mul3A_1192 = arith.muli %gather3A_1189, %mul3A_1191 : vector<16xi32>
        %add3A_1193 = arith.addi %mul3A_1192, %iota3A : vector<16xi32>
        %add3A_1194 = arith.constant 0 : i32
        %add3A_1195 = vector.broadcast %add3A_1194 : i32 to vector<16xi32>
        %add3A_1196 = arith.addi %add3A_1193, %add3A_1195 : vector<16xi32>
        %gather3A_1197 = tpu.vector_load_idx %arg13[%add3A_1188, %add3A_1196] : memref<208x128xf32, #tpu.memory_space<vmem>>[vector<16xi32>, vector<16xi32>], vector<16xf32>,
        %add3A_1198 = arith.constant 621 : i32
        %add3A_1199 = vector.broadcast %add3A_1198 : i32 to vector<16xi32>
        %add3A_1200 = arith.addi %iota3A, %add3A_1199 : vector<16xi32>
        tpu.vector_store_idx %arg15[%add3A_747, %add3A_1200], %gather3A_1197 : memref<8x845xf32, #tpu.memory_space<vmem>>[vector<16xi32>, vector<16xi32>], vector<16xf32>,
        %add3A_1201 = arith.constant 16 : i32
        %add3A_1202 = vector.broadcast %add3A_1201 : i32 to vector<16xi32>
        %add3A_1203 = arith.addi %add3A_1193, %add3A_1202 : vector<16xi32>
        %gather3A_1204 = tpu.vector_load_idx %arg13[%add3A_1188, %add3A_1203] : memref<208x128xf32, #tpu.memory_space<vmem>>[vector<16xi32>, vector<16xi32>], vector<16xf32>,
        %add3A_1205 = arith.constant 637 : i32
        %add3A_1206 = vector.broadcast %add3A_1205 : i32 to vector<16xi32>
        %add3A_1207 = arith.addi %iota3A, %add3A_1206 : vector<16xi32>
        tpu.vector_store_idx %arg15[%add3A_747, %add3A_1207], %gather3A_1204 : memref<8x845xf32, #tpu.memory_space<vmem>>[vector<16xi32>, vector<16xi32>], vector<16xf32>,
        %broadcast_in_dim3A_1208 = arith.constant 160 : i32
        %broadcast_in_dim3A_1209 = vector.broadcast %broadcast_in_dim3A_1208 : i32 to vector<16xi32>
        %add3A_1210 = vector.broadcast %scan3A_744 : i32 to vector<16xi32>
        %add3A_1211 = arith.addi %broadcast_in_dim3A_1209, %add3A_1210 : vector<16xi32>
        %gather3A_1212 = tpu.vector_load_idx %arg11[%add3A_1211] : memref<208xi32, #tpu.memory_space<vmem>>[vector<16xi32>], vector<16xi32>,
        %mul3A_1213 = arith.constant 32 : i32
        %mul3A_1214 = vector.broadcast %mul3A_1213 : i32 to vector<16xi32>
        %mul3A_1215 = arith.muli %gather3A_1212, %mul3A_1214 : vector<16xi32>
        %add3A_1216 = arith.addi %mul3A_1215, %iota3A : vector<16xi32>
        %add3A_1217 = arith.constant 0 : i32
        %add3A_1218 = vector.broadcast %add3A_1217 : i32 to vector<16xi32>
        %add3A_1219 = arith.addi %add3A_1216, %add3A_1218 : vector<16xi32>
        %gather3A_1220 = tpu.vector_load_idx %arg13[%add3A_1211, %add3A_1219] : memref<208x128xf32, #tpu.memory_space<vmem>>[vector<16xi32>, vector<16xi32>], vector<16xf32>,
        %add3A_1221 = arith.constant 653 : i32
        %add3A_1222 = vector.broadcast %add3A_1221 : i32 to vector<16xi32>
        %add3A_1223 = arith.addi %iota3A, %add3A_1222 : vector<16xi32>
        tpu.vector_store_idx %arg15[%add3A_747, %add3A_1223], %gather3A_1220 : memref<8x845xf32, #tpu.memory_space<vmem>>[vector<16xi32>, vector<16xi32>], vector<16xf32>,
        %add3A_1224 = arith.constant 16 : i32
        %add3A_1225 = vector.broadcast %add3A_1224 : i32 to vector<16xi32>
        %add3A_1226 = arith.addi %add3A_1216, %add3A_1225 : vector<16xi32>
        %gather3A_1227 = tpu.vector_load_idx %arg13[%add3A_1211, %add3A_1226] : memref<208x128xf32, #tpu.memory_space<vmem>>[vector<16xi32>, vector<16xi32>], vector<16xf32>,
        %add3A_1228 = arith.constant 669 : i32
        %add3A_1229 = vector.broadcast %add3A_1228 : i32 to vector<16xi32>
        %add3A_1230 = arith.addi %iota3A, %add3A_1229 : vector<16xi32>
        tpu.vector_store_idx %arg15[%add3A_747, %add3A_1230], %gather3A_1227 : memref<8x845xf32, #tpu.memory_space<vmem>>[vector<16xi32>, vector<16xi32>], vector<16xf32>,
        %broadcast_in_dim3A_1231 = arith.constant 168 : i32
        %broadcast_in_dim3A_1232 = vector.broadcast %broadcast_in_dim3A_1231 : i32 to vector<16xi32>
        %add3A_1233 = vector.broadcast %scan3A_744 : i32 to vector<16xi32>
        %add3A_1234 = arith.addi %broadcast_in_dim3A_1232, %add3A_1233 : vector<16xi32>
        %gather3A_1235 = tpu.vector_load_idx %arg11[%add3A_1234] : memref<208xi32, #tpu.memory_space<vmem>>[vector<16xi32>], vector<16xi32>,
        %mul3A_1236 = arith.constant 32 : i32
        %mul3A_1237 = vector.broadcast %mul3A_1236 : i32 to vector<16xi32>
        %mul3A_1238 = arith.muli %gather3A_1235, %mul3A_1237 : vector<16xi32>
        %add3A_1239 = arith.addi %mul3A_1238, %iota3A : vector<16xi32>
        %add3A_1240 = arith.constant 0 : i32
        %add3A_1241 = vector.broadcast %add3A_1240 : i32 to vector<16xi32>
        %add3A_1242 = arith.addi %add3A_1239, %add3A_1241 : vector<16xi32>
        %gather3A_1243 = tpu.vector_load_idx %arg13[%add3A_1234, %add3A_1242] : memref<208x128xf32, #tpu.memory_space<vmem>>[vector<16xi32>, vector<16xi32>], vector<16xf32>,
        %add3A_1244 = arith.constant 685 : i32
        %add3A_1245 = vector.broadcast %add3A_1244 : i32 to vector<16xi32>
        %add3A_1246 = arith.addi %iota3A, %add3A_1245 : vector<16xi32>
        tpu.vector_store_idx %arg15[%add3A_747, %add3A_1246], %gather3A_1243 : memref<8x845xf32, #tpu.memory_space<vmem>>[vector<16xi32>, vector<16xi32>], vector<16xf32>,
        %add3A_1247 = arith.constant 16 : i32
        %add3A_1248 = vector.broadcast %add3A_1247 : i32 to vector<16xi32>
        %add3A_1249 = arith.addi %add3A_1239, %add3A_1248 : vector<16xi32>
        %gather3A_1250 = tpu.vector_load_idx %arg13[%add3A_1234, %add3A_1249] : memref<208x128xf32, #tpu.memory_space<vmem>>[vector<16xi32>, vector<16xi32>], vector<16xf32>,
        %add3A_1251 = arith.constant 701 : i32
        %add3A_1252 = vector.broadcast %add3A_1251 : i32 to vector<16xi32>
        %add3A_1253 = arith.addi %iota3A, %add3A_1252 : vector<16xi32>
        tpu.vector_store_idx %arg15[%add3A_747, %add3A_1253], %gather3A_1250 : memref<8x845xf32, #tpu.memory_space<vmem>>[vector<16xi32>, vector<16xi32>], vector<16xf32>,
        %broadcast_in_dim3A_1254 = arith.constant 176 : i32
        %broadcast_in_dim3A_1255 = vector.broadcast %broadcast_in_dim3A_1254 : i32 to vector<16xi32>
        %add3A_1256 = vector.broadcast %scan3A_744 : i32 to vector<16xi32>
        %add3A_1257 = arith.addi %broadcast_in_dim3A_1255, %add3A_1256 : vector<16xi32>
        %gather3A_1258 = tpu.vector_load_idx %arg11[%add3A_1257] : memref<208xi32, #tpu.memory_space<vmem>>[vector<16xi32>], vector<16xi32>,
        %mul3A_1259 = arith.constant 32 : i32
        %mul3A_1260 = vector.broadcast %mul3A_1259 : i32 to vector<16xi32>
        %mul3A_1261 = arith.muli %gather3A_1258, %mul3A_1260 : vector<16xi32>
        %add3A_1262 = arith.addi %mul3A_1261, %iota3A : vector<16xi32>
        %add3A_1263 = arith.constant 0 : i32
        %add3A_1264 = vector.broadcast %add3A_1263 : i32 to vector<16xi32>
        %add3A_1265 = arith.addi %add3A_1262, %add3A_1264 : vector<16xi32>
        %gather3A_1266 = tpu.vector_load_idx %arg13[%add3A_1257, %add3A_1265] : memref<208x128xf32, #tpu.memory_space<vmem>>[vector<16xi32>, vector<16xi32>], vector<16xf32>,
        %add3A_1267 = arith.constant 717 : i32
        %add3A_1268 = vector.broadcast %add3A_1267 : i32 to vector<16xi32>
        %add3A_1269 = arith.addi %iota3A, %add3A_1268 : vector<16xi32>
        tpu.vector_store_idx %arg15[%add3A_747, %add3A_1269], %gather3A_1266 : memref<8x845xf32, #tpu.memory_space<vmem>>[vector<16xi32>, vector<16xi32>], vector<16xf32>,
        %add3A_1270 = arith.constant 16 : i32
        %add3A_1271 = vector.broadcast %add3A_1270 : i32 to vector<16xi32>
        %add3A_1272 = arith.addi %add3A_1262, %add3A_1271 : vector<16xi32>
        %gather3A_1273 = tpu.vector_load_idx %arg13[%add3A_1257, %add3A_1272] : memref<208x128xf32, #tpu.memory_space<vmem>>[vector<16xi32>, vector<16xi32>], vector<16xf32>,
        %add3A_1274 = arith.constant 733 : i32
        %add3A_1275 = vector.broadcast %add3A_1274 : i32 to vector<16xi32>
        %add3A_1276 = arith.addi %iota3A, %add3A_1275 : vector<16xi32>
        tpu.vector_store_idx %arg15[%add3A_747, %add3A_1276], %gather3A_1273 : memref<8x845xf32, #tpu.memory_space<vmem>>[vector<16xi32>, vector<16xi32>], vector<16xf32>,
        %broadcast_in_dim3A_1277 = arith.constant 184 : i32
        %broadcast_in_dim3A_1278 = vector.broadcast %broadcast_in_dim3A_1277 : i32 to vector<16xi32>
        %add3A_1279 = vector.broadcast %scan3A_744 : i32 to vector<16xi32>
        %add3A_1280 = arith.addi %broadcast_in_dim3A_1278, %add3A_1279 : vector<16xi32>
        %gather3A_1281 = tpu.vector_load_idx %arg11[%add3A_1280] : memref<208xi32, #tpu.memory_space<vmem>>[vector<16xi32>], vector<16xi32>,
        %mul3A_1282 = arith.constant 32 : i32
        %mul3A_1283 = vector.broadcast %mul3A_1282 : i32 to vector<16xi32>
        %mul3A_1284 = arith.muli %gather3A_1281, %mul3A_1283 : vector<16xi32>
        %add3A_1285 = arith.addi %mul3A_1284, %iota3A : vector<16xi32>
        %add3A_1286 = arith.constant 0 : i32
        %add3A_1287 = vector.broadcast %add3A_1286 : i32 to vector<16xi32>
        %add3A_1288 = arith.addi %add3A_1285, %add3A_1287 : vector<16xi32>
        %gather3A_1289 = tpu.vector_load_idx %arg13[%add3A_1280, %add3A_1288] : memref<208x128xf32, #tpu.memory_space<vmem>>[vector<16xi32>, vector<16xi32>], vector<16xf32>,
        %add3A_1290 = arith.constant 749 : i32
        %add3A_1291 = vector.broadcast %add3A_1290 : i32 to vector<16xi32>
        %add3A_1292 = arith.addi %iota3A, %add3A_1291 : vector<16xi32>
        tpu.vector_store_idx %arg15[%add3A_747, %add3A_1292], %gather3A_1289 : memref<8x845xf32, #tpu.memory_space<vmem>>[vector<16xi32>, vector<16xi32>], vector<16xf32>,
        %add3A_1293 = arith.constant 16 : i32
        %add3A_1294 = vector.broadcast %add3A_1293 : i32 to vector<16xi32>
        %add3A_1295 = arith.addi %add3A_1285, %add3A_1294 : vector<16xi32>
        %gather3A_1296 = tpu.vector_load_idx %arg13[%add3A_1280, %add3A_1295] : memref<208x128xf32, #tpu.memory_space<vmem>>[vector<16xi32>, vector<16xi32>], vector<16xf32>,
        %add3A_1297 = arith.constant 765 : i32
        %add3A_1298 = vector.broadcast %add3A_1297 : i32 to vector<16xi32>
        %add3A_1299 = arith.addi %iota3A, %add3A_1298 : vector<16xi32>
        tpu.vector_store_idx %arg15[%add3A_747, %add3A_1299], %gather3A_1296 : memref<8x845xf32, #tpu.memory_space<vmem>>[vector<16xi32>, vector<16xi32>], vector<16xf32>,
        %broadcast_in_dim3A_1300 = arith.constant 192 : i32
        %broadcast_in_dim3A_1301 = vector.broadcast %broadcast_in_dim3A_1300 : i32 to vector<16xi32>
        %add3A_1302 = vector.broadcast %scan3A_744 : i32 to vector<16xi32>
        %add3A_1303 = arith.addi %broadcast_in_dim3A_1301, %add3A_1302 : vector<16xi32>
        %gather3A_1304 = tpu.vector_load_idx %arg11[%add3A_1303] : memref<208xi32, #tpu.memory_space<vmem>>[vector<16xi32>], vector<16xi32>,
        %mul3A_1305 = arith.constant 32 : i32
        %mul3A_1306 = vector.broadcast %mul3A_1305 : i32 to vector<16xi32>
        %mul3A_1307 = arith.muli %gather3A_1304, %mul3A_1306 : vector<16xi32>
        %add3A_1308 = arith.addi %mul3A_1307, %iota3A : vector<16xi32>
        %add3A_1309 = arith.constant 0 : i32
        %add3A_1310 = vector.broadcast %add3A_1309 : i32 to vector<16xi32>
        %add3A_1311 = arith.addi %add3A_1308, %add3A_1310 : vector<16xi32>
        %gather3A_1312 = tpu.vector_load_idx %arg13[%add3A_1303, %add3A_1311] : memref<208x128xf32, #tpu.memory_space<vmem>>[vector<16xi32>, vector<16xi32>], vector<16xf32>,
        %add3A_1313 = arith.constant 781 : i32
        %add3A_1314 = vector.broadcast %add3A_1313 : i32 to vector<16xi32>
        %add3A_1315 = arith.addi %iota3A, %add3A_1314 : vector<16xi32>
        tpu.vector_store_idx %arg15[%add3A_747, %add3A_1315], %gather3A_1312 : memref<8x845xf32, #tpu.memory_space<vmem>>[vector<16xi32>, vector<16xi32>], vector<16xf32>,
        %add3A_1316 = arith.constant 16 : i32
        %add3A_1317 = vector.broadcast %add3A_1316 : i32 to vector<16xi32>
        %add3A_1318 = arith.addi %add3A_1308, %add3A_1317 : vector<16xi32>
        %gather3A_1319 = tpu.vector_load_idx %arg13[%add3A_1303, %add3A_1318] : memref<208x128xf32, #tpu.memory_space<vmem>>[vector<16xi32>, vector<16xi32>], vector<16xf32>,
        %add3A_1320 = arith.constant 797 : i32
        %add3A_1321 = vector.broadcast %add3A_1320 : i32 to vector<16xi32>
        %add3A_1322 = arith.addi %iota3A, %add3A_1321 : vector<16xi32>
        tpu.vector_store_idx %arg15[%add3A_747, %add3A_1322], %gather3A_1319 : memref<8x845xf32, #tpu.memory_space<vmem>>[vector<16xi32>, vector<16xi32>], vector<16xf32>,
        %broadcast_in_dim3A_1323 = arith.constant 200 : i32
        %broadcast_in_dim3A_1324 = vector.broadcast %broadcast_in_dim3A_1323 : i32 to vector<16xi32>
        %add3A_1325 = vector.broadcast %scan3A_744 : i32 to vector<16xi32>
        %add3A_1326 = arith.addi %broadcast_in_dim3A_1324, %add3A_1325 : vector<16xi32>
        %gather3A_1327 = tpu.vector_load_idx %arg11[%add3A_1326] : memref<208xi32, #tpu.memory_space<vmem>>[vector<16xi32>], vector<16xi32>,
        %mul3A_1328 = arith.constant 32 : i32
        %mul3A_1329 = vector.broadcast %mul3A_1328 : i32 to vector<16xi32>
        %mul3A_1330 = arith.muli %gather3A_1327, %mul3A_1329 : vector<16xi32>
        %add3A_1331 = arith.addi %mul3A_1330, %iota3A : vector<16xi32>
        %add3A_1332 = arith.constant 0 : i32
        %add3A_1333 = vector.broadcast %add3A_1332 : i32 to vector<16xi32>
        %add3A_1334 = arith.addi %add3A_1331, %add3A_1333 : vector<16xi32>
        %gather3A_1335 = tpu.vector_load_idx %arg13[%add3A_1326, %add3A_1334] : memref<208x128xf32, #tpu.memory_space<vmem>>[vector<16xi32>, vector<16xi32>], vector<16xf32>,
        %add3A_1336 = arith.constant 813 : i32
        %add3A_1337 = vector.broadcast %add3A_1336 : i32 to vector<16xi32>
        %add3A_1338 = arith.addi %iota3A, %add3A_1337 : vector<16xi32>
        tpu.vector_store_idx %arg15[%add3A_747, %add3A_1338], %gather3A_1335 : memref<8x845xf32, #tpu.memory_space<vmem>>[vector<16xi32>, vector<16xi32>], vector<16xf32>,
        %add3A_1339 = arith.constant 16 : i32
        %add3A_1340 = vector.broadcast %add3A_1339 : i32 to vector<16xi32>
        %add3A_1341 = arith.addi %add3A_1331, %add3A_1340 : vector<16xi32>
        %gather3A_1342 = tpu.vector_load_idx %arg13[%add3A_1326, %add3A_1341] : memref<208x128xf32, #tpu.memory_space<vmem>>[vector<16xi32>, vector<16xi32>], vector<16xf32>,
        %add3A_1343 = arith.constant 829 : i32
        %add3A_1344 = vector.broadcast %add3A_1343 : i32 to vector<16xi32>
        %add3A_1345 = arith.addi %iota3A, %add3A_1344 : vector<16xi32>
        tpu.vector_store_idx %arg15[%add3A_747, %add3A_1345], %gather3A_1342 : memref<8x845xf32, #tpu.memory_space<vmem>>[vector<16xi32>, vector<16xi32>], vector<16xf32>,
      }
      %scan3A_718 = arith.constant 8 : i32
      %get3A_719 = arith.constant 0 : index
      %get3A_720 = tpu.vector_load %arg16[%get3A_719] {strides = array<i32>} : memref<16xf32, #tpu.memory_space<vmem>>, vector<16xf32>,
      %get3A_721 = arith.constant 0 : index
      %get3A_722 = tpu.vector_load %arg17[%get3A_721] {strides = array<i32>} : memref<16xf32, #tpu.memory_space<vmem>>, vector<16xf32>,
      %add3A_723 = arith.constant 9.99999993E-9 : f32
      %add3A_724 = vector.broadcast %add3A_723 : f32 to vector<16xf32>
      %add3A_725 = arith.addf %get3A_722, %add3A_724 : vector<16xf32>
      %div3A_726 = arith.constant 1.000000e+00 : f32
      %div3A_727 = vector.broadcast %div3A_726 : f32 to vector<16xf32>
      %div3A_728 = arith.divf %div3A_727, %add3A_725 : vector<16xf32>
      %scan3A_729 = arith.constant 0 : i32
      %scan3A_730 = arith.constant 0 : i32
      %scan3A_731 = arith.constant 8 : i32
      %scan3A_732 = arith.addi %scan3A_730, %scan3A_731 : i32
      %scan3A_733 = arith.constant 1 : i32
      scf.for %scan3A_744 = %scan3A_730 to %scan3A_732 step %scan3A_733  : i32 {
        %broadcast_in_dim3A = arith.constant 0 : i32
        %broadcast_in_dim3A_745 = vector.broadcast %broadcast_in_dim3A : i32 to vector<16xi32>
        %mul3A_746 = arith.constant 8 : i32
        %mul3A_747 = arith.muli %add3A_332, %mul3A_746 : i32
        %add3A_748 = vector.broadcast %mul3A_747 : i32 to vector<16xi32>
        %add3A_749 = arith.addi %broadcast_in_dim3A_745, %add3A_748 : vector<16xi32>
        %add3A_750 = vector.broadcast %scan3A_744 : i32 to vector<16xi32>
        %add3A_751 = arith.addi %add3A_749, %add3A_750 : vector<16xi32>
        %gather3A_752 = tpu.vector_load_idx %arg7[%iota3A, %add3A_751] : memref<39x512xf32, #tpu.memory_space<vmem>>[vector<16xi32>, vector<16xi32>], vector<16xf32>,
        %broadcast_in_dim3A_753 = arith.constant 0 : i32
        %broadcast_in_dim3A_754 = vector.broadcast %broadcast_in_dim3A_753 : i32 to vector<16xi32>
        %add3A_755 = vector.broadcast %scan3A_744 : i32 to vector<16xi32>
        %add3A_756 = arith.addi %broadcast_in_dim3A_754, %add3A_755 : vector<16xi32>
        %sub3A = arith.subf %gather3A_752, %get3A_720 : vector<16xf32>
        %mul3A_757 = arith.mulf %sub3A, %div3A_728 : vector<16xf32>
        tpu.vector_store_idx %arg15[%add3A_756, %iota3A], %mul3A_757 masked %lt3A_8 : memref<8x845xf32, #tpu.memory_space<vmem>>[vector<16xi32>, vector<16xi32>], vector<16xf32>, vector<16xi1>
      }
      %scan3A_734 = arith.constant 8 : i32
      %mul3A_735 = arith.constant 512 : i32
      %mul3A_736 = arith.muli %add3A, %mul3A_735 : i32
      %mul3A_737 = arith.constant 8 : i32
      %mul3A_738 = arith.muli %add3A_332, %mul3A_737 : i32
      %add3A_739 = arith.addi %mul3A_736, %mul3A_738 : i32
      %dma_start3A_740 = arith.constant 0 : i32
      %dma_start3A_741 = tpu.memref_slice %arg6[%add3A_739, %dma_start3A_740] : memref<16384x845xf32, #tpu.memory_space<hbm>> -> memref<8x845xf32, #tpu.memory_space<hbm>>
      %dma_start3A_742 = arith.constant 0 : i32
      %dma_start3A_743 = tpu.memref_slice %arg6[%add3A_739, %dma_start3A_742] : memref<16384x845xf32, #tpu.memory_space<hbm>> -> memref<8x845xf32, #tpu.memory_space<hbm>>
      tpu.enqueue_dma source(%arg15 : memref<8x845xf32, #tpu.memory_space<vmem>>) target(%dma_start3A_743 : memref<8x845xf32, #tpu.memory_space<hbm>>) target_semaphore(%arg21 : memref<!tpu.dma_semaphore, #tpu.memory_space<semaphore_mem>>)
    }
    %scan3A_314 = arith.constant 32 : i32
    %dma_wait3A = arith.constant 0 : i32
    %dma_wait3A_315 = arith.constant 0 : i32
    %dma_wait3A_316 = tpu.memref_slice %arg6[%dma_wait3A, %dma_wait3A_315] : memref<16384x845xf32, #tpu.memory_space<hbm>> -> memref<8x845xf32, #tpu.memory_space<hbm>>
    %dma_wait3A_317 = arith.constant 0 : i32
    %dma_wait3A_318 = arith.constant 0 : i32
    %dma_wait3A_319 = tpu.memref_slice %arg6[%dma_wait3A_317, %dma_wait3A_318] : memref<16384x845xf32, #tpu.memory_space<hbm>> -> memref<8x845xf32, #tpu.memory_space<hbm>>
    tpu.wait_dma2 semaphore(%arg20 : memref<!tpu.dma_semaphore, #tpu.memory_space<semaphore_mem>>) src(%arg14 : memref<8x845xf32, #tpu.memory_space<vmem>>) dst(%dma_wait3A_319 : memref<8x845xf32, #tpu.memory_space<hbm>>)
    %dma_wait3A_320 = arith.constant 0 : i32
    %dma_wait3A_321 = arith.constant 0 : i32
    %dma_wait3A_322 = tpu.memref_slice %arg6[%dma_wait3A_320, %dma_wait3A_321] : memref<16384x845xf32, #tpu.memory_space<hbm>> -> memref<8x845xf32, #tpu.memory_space<hbm>>
    %dma_wait3A_323 = arith.constant 0 : i32
    %dma_wait3A_324 = arith.constant 0 : i32
    %dma_wait3A_325 = tpu.memref_slice %arg6[%dma_wait3A_323, %dma_wait3A_324] : memref<16384x845xf32, #tpu.memory_space<hbm>> -> memref<8x845xf32, #tpu.memory_space<hbm>>
    tpu.wait_dma2 semaphore(%arg21 : memref<!tpu.dma_semaphore, #tpu.memory_space<semaphore_mem>>) src(%arg15 : memref<8x845xf32, #tpu.memory_space<vmem>>) dst(%dma_wait3A_325 : memref<8x845xf32, #tpu.memory_space<hbm>>)
    return
  }
}

</mosaic_0001>

<sc_bundles>
// kernel: _run.3.cloned.1.call-start
scs
__scs_entry_jumppad:
0x0: {  	(pc) =	sbr.rel $0x88, $3  }
0x1: {  	(tag) =	ssettag $0x0;
	lr =	simm.s32 $0x1  }
0x2: {  	[smem:$0x3F9D] =	sst lr;
	_ =	strace $0xD0000000  }
0x3: {  	_ = 	snop  }
0x4: {  	_ = 	snop  }
0x5: {  	_ = 	snop  }
0x6: {  	_ = 	snop  }
0x7: {  	_ = 	snop  }
__scs_overlays_trampoline_lowered:
0x8: {  	[smem:$0x3FAC] =	sst s0  }
0x9: {  	[smem:$0x3FAD] =	sst s1  }
0xa: {  	[smem:$0x3FAE] =	sst s2  }
0xb: {  	[smem:$0x3FAF] =	sst s3  }
0xc: {  	[smem:$0x3FB0] =	sst s4  }
0xd: {  	[smem:$0x3FB1] =	sst s5  }
0xe: {  	[smem:$0x3FB2] =	sst s6  }
0xf: {  	[smem:$0x3FB3] =	sst s7  }
0x10: {  	[smem:$0x3FB4] =	sst s8  }
0x11: {  	[smem:$0x3FB5] =	sst s9;
	s0 =	simm.s32 @!p0 $0x0  }
0x12: {  	s1 =	sld [smem:$0x3F9B];
	s0 =	simm.s32 @p0 $0x1  }
0x13: {  	[smem:$0x3FB6] =	sst s0;
	s0 =	simm.s32 @!p1 $0x0  }
0x14: {  	s2 =	sld [smem:$0x3F9A];
	s0 =	simm.s32 @p1 $0x1  }
0x15: {  	[smem:$0x3FB7] =	sst s0;
	s0 =	simm.s32 @!p2 $0x0  }
0x16: {  	s3 =	sld [smem:$0x3FDB];
	s0 =	simm.s32 @p2 $0x1  }
0x17: {  	s4 =	simm.s32 $0x1BF5;
	[smem:$0x3FB9] =	sst s0  }
0x18: {  	s0 =	sld [smem:$0x3F9C];
	_ =	swait.ge [sflag:s4], $0x0  }
0x19: {  	s7 =	sld [smem:$0x3F9D]  }
0x1a: {  	s8 =	sadd.s32 $0xFFFFE003, lr  }
0x1b: {  	s9 =	sadd.s32 $0xFFFFFEF7, lr;
	s5 =	simm.s32 $0xFFFFFFFF;
	p2 =	slt.u32 s8, $0xFFFFF086  }
0x1c: {  	p1 =	slt.u32 s9, $0xF7A;
	s5 =	simm.s32 @!p2 $0x0  }
0x1d: {  	s5 =	simm.s32 @p1 $0x1;
	p0 =	seq.s32 s7, s2  }
0x1e: {  	s7 =	smul.u32 @!p0 $0xF7A, s2;
	p2 =	seq.s32 @!p0 s5, $0x0  }
0x1f: {  	s9 =	smul.u32 $0xF7A, s1;
	s8 =	simm.s32 @!p0 $0x1BF5;
	p2 =	por !p2, p0  }
0x20: {  	[sflag:s8] =	ssyncset.s32 @!p0 $0xFFFFF086;
	s6 =	sadd.s32 @!p0 s3, s7;
	s7 =	simm.s32 @!p0 $0x108  }
0x21: {  	s3 =	sadd.s32 s3, s9;
	s6 =	sadd.s32 @!p0 $0x88, s6;
	s7 =	simm.s32 @p2 $0x1082  }
0x22: {  	[simem:s7], [sflag:s8] =	dma.local @!p0 [hbm:s6], $0xF7A  }
0x23: {  	s9 =	sor.u32 $0xD0000000, s2;
	s6 =	simm.s32 $0x108;
	_ =	swait.ge @!p0 [sflag:s8], $0x0  }
0x24: {  	s3 =	sadd.s32 $0x88, s3;
	s6 =	simm.s32 @!p1 $0x1082;
	[sflag:s4] =	ssyncset.s32 $0xFFFFF086  }
0x25: {  	[simem:s6], [sflag:s4] =	dma.local [hbm:s3], $0xF7A  }
0x26: {  	[smem:$0x3F9D] =	sst s1;
	(tag) =	ssettag s2;
	_ =	strace s9  }
0x27: {  	s1 =	sld [smem:$0x3FAD]  }
0x28: {  	s2 =	sld [smem:$0x3FAE]  }
0x29: {  	s4 =	sld [smem:$0x3FB0]  }
0x2a: {  	p0 =	seq.s32 s5, $0x0;
	s5 =	sld [smem:$0x3FB1]  }
0x2b: {  	s6 =	sld [smem:$0x3FB2]  }
0x2c: {  	s7 =	sld [smem:$0x3FB3]  }
0x2d: {  	s3 =	simm.s32 $0x108;
	s8 =	sld [smem:$0x3FB4]  }
0x2e: {  	s3 =	simm.s32 @!p0 $0x1082;
	s9 =	sld [smem:$0x3FB5]  }
0x2f: {  	lr =	sadd.s32 s0, s3;
	s0 =	sld [smem:$0x3FAC]  }
0x30: {  	s3 =	sld [smem:$0x3FAF]  }
0x31: {  	[smem:$0x3FB8] =	sst s10  }
0x32: {  	s10 =	sld [smem:$0x3FB6];
	_ =	sdelay $0x3  }
0x33: {  	p0 =	seq.s32 s10, $0x1;
	s10 =	sld [smem:$0x3FB8];
	_ =	sdelay $0x3  }
0x34: {  	[smem:$0x3FB8] =	sst s10  }
0x35: {  	s10 =	sld [smem:$0x3FB7];
	_ =	sdelay $0x3  }
0x36: {  	p1 =	seq.s32 s10, $0x1;
	s10 =	sld [smem:$0x3FB8];
	_ =	sdelay $0x3  }
0x37: {  	[smem:$0x3FB8] =	sst s10  }
0x38: {  	s10 =	sld [smem:$0x3FB9]  }
0x39: {  	_ = 	snop;
	(pc) =	sbr.ind lr, $3  }
0x3a: {  	_ = 	snop  }
0x3b: {  	_ = 	snop  }
0x3c: {  	p2 =	seq.s32 s10, $0x1;
	s10 =	sld [smem:$0x3FB8]  }
0x3d: {  	_ =	shalt  }
0x3e: {  	_ =	shalt  }
0x3f: {  	_ =	shalt  }
0x40: {  	_ =	shalt  }
0x41: {  	_ =	shalt  }
0x42: {  	_ =	shalt  }
0x43: {  	_ =	shalt  }
0x44: {  	_ =	shalt  }
0x45: {  	_ =	shalt  }
0x46: {  	_ =	shalt  }
0x47: {  	_ =	shalt  }
0x48: {  	_ =	shalt  }
0x49: {  	_ =	shalt  }
0x4a: {  	_ =	shalt  }
0x4b: {  	_ =	shalt  }
0x4c: {  	_ =	shalt  }
0x4d: {  	_ =	shalt  }
0x4e: {  	_ =	shalt  }
0x4f: {  	_ =	shalt  }
0x50: {  	_ =	shalt  }
0x51: {  	_ =	shalt  }
0x52: {  	_ =	shalt  }
0x53: {  	_ =	shalt  }
0x54: {  	_ =	shalt  }
0x55: {  	_ =	shalt  }
0x56: {  	_ =	shalt  }
0x57: {  	_ =	shalt  }
0x58: {  	_ =	shalt  }
0x59: {  	_ =	shalt  }
0x5a: {  	_ =	shalt  }
0x5b: {  	_ =	shalt  }
0x5c: {  	_ =	shalt  }
0x5d: {  	_ =	shalt  }
0x5e: {  	_ =	shalt  }
0x5f: {  	_ =	shalt  }
0x60: {  	_ =	shalt  }
0x61: {  	_ =	shalt  }
0x62: {  	_ =	shalt  }
0x63: {  	_ =	shalt  }
0x64: {  	_ =	shalt  }
0x65: {  	_ =	shalt  }
0x66: {  	_ =	shalt  }
0x67: {  	_ =	shalt  }
0x68: {  	_ =	shalt  }
0x69: {  	_ =	shalt  }
0x6a: {  	_ =	shalt  }
0x6b: {  	_ =	shalt  }
0x6c: {  	_ =	shalt  }
0x6d: {  	_ =	shalt  }
0x6e: {  	_ =	shalt  }
0x6f: {  	_ =	shalt  }
0x70: {  	_ =	shalt  }
0x71: {  	_ =	shalt  }
0x72: {  	_ =	shalt  }
0x73: {  	_ =	shalt  }
0x74: {  	_ =	shalt  }
0x75: {  	_ =	shalt  }
0x76: {  	_ =	shalt  }
0x77: {  	_ =	shalt  }
0x78: {  	_ =	shalt  }
0x79: {  	_ =	shalt  }
0x7a: {  	_ =	shalt  }
0x7b: {  	_ =	shalt  }
0x7c: {  	_ =	shalt  }
0x7d: {  	_ =	shalt  }
0x7e: {  	_ =	shalt  }
0x7f: {  	_ =	shalt  }
0x80: {  	_ =	shalt  }
0x81: {  	_ =	shalt  }
0x82: {  	_ =	shalt  }
0x83: {  	_ =	shalt  }
0x84: {  	_ =	shalt  }
0x85: {  	_ =	shalt  }
0x86: {  	_ =	shalt  }
0x87: {  	_ =	shalt  }
.Lfunc_end0:
.L_simem_size_0:
called_computation_lowered:
.L_overlay_start_0:
0x88: {  	s2 =	sld [smem:$0x3FD9]  }
0x89: {  	s3 =	sld [smem:$0x3FFE];
	_ =	sdelay $0x1  }
0x8a: {  	s1 =	srdreg.scid  }
0x8b: {  	s0 =	sand.u32 $0x1, s1  }
0x8c: {  	s17 =	sshll.u32 s0, $0xA;
	s2 =	sadd.s32 s3, s2  }
0x8d: {  	s2 =	sadd.s32 s2, s17  }
0x8e: {  	[smem:$0x3FC4] =	sst s2  }
0x8f: {  	_ = 	snop  }
0x90: {  	s2 =	sld [smem:$0x3FC9]  }
0x91: {  	s18 =	sld [smem:$0x3FC8]  }
0x92: {  	s4 =	sld [smem:$0x3FC7]  }
0x93: {  	s5 =	sld [smem:$0x3FC6];
	(tm) =	ssettm $0x1  }
0x94: {  	s6 =	sld [smem:$0x3FFB];
	_ =	sdelay $0x3  }
0x95: {  	_ =	strace s6  }
0x96: {  	s6 =	sld [smem:$0x3FFC];
	_ =	sdelay $0x3  }
0x97: {  	_ =	strace s6  }
0x98: {  	s6 =	sld [smem:$0x3FFD];
	_ =	sdelay $0x3  }
0x99: {  	_ =	strace s6  }
0x9a: {  	_ =	strace $0x8FFFFFFF  }
0x9b: {  	s19 =	sld [smem:$0x3FDB];
	_ =	sdelay $0x1  }
0x9c: {  	s7 =	simm.s32 $_scs_section_size  }
0x9d: {  	s8 =	simm.s32 $_size__tile_overlayer_lowered;
	s9 =	simm.s32 $_tile_overlayer_lowered  }
0x9e: {  	s22 =	simm.s32 $0x1BFF;
	s21 =	sshll.u32 s9, $0x1;
	s6 =	sadd.s32 s7, s19  }
0x9f: {  	s10 =	simm.s32 $0x0;
	s20 =	sshll.u32 s8, $0x1;
	s8 =	sadd.s32 s21, s6  }
0xa0: {  	[timem:s10], [sflag:s22] =	dma.local [hbm:s8], s20  }
0xa1: {  	_ =	swait.ge [sflag:s22], s20  }
0xa2: {  	s7 =	ssub.s32 $0x0, s20;
	[sflag:s22] =	ssyncset.done $0x0  }
0xa3: {  	[sflag:s22] =	ssyncadd.s32 s7;
	_ =	sdelay $0x1  }
0xa4: {  	s23 =	simm.s32 $0x1B8B  }
0xa5: {  	_ =	swait.ge [sflag:s23], $0x1  }
0xa6: {  	[sflag:s23] =	ssyncset.done $0x0  }
0xa7: {  	s25 =	simm.s32 $0x1B8E;
	s24 =	sld [smem:$0x3FFE];
	[sflag:s23] =	ssyncadd.s32 $0xFFFFFFFF  }
0xa8: {  	s26 =	simm.s32 $execute0_lowered;
	[smem:$0x3FD2] =	sst s25  }
0xa9: {  	s8 =	sshll.u32 s26, $0x1;
	_ =	strace $0x80000046;
	[dreg:$0x1] =	wrdreg $0xFFFFFFFF  }
0xaa: {  	s28 =	simm.s32 $_size_execute0_lowered;
	s6 =	sadd.s32 s6, s8;
	[dreg:$0x0] =	wrdreg $0x0  }
0xab: {  	s8 =	sshll.u32 s28, $0x1;
	[dreg:$0x2] =	wrdreg s6  }
0xac: {  	[dreg:$0x3] =	wrdreg s8  }
0xad: {  	[dreg:$0x4] =	wrdreg $0xC0  }
0xae: {  	_ =	task [dreg:s10], $0x5FFFF  }
0xaf: {  	[dreg:$0x1] =	wrdreg $0xFFFFFFFF  }
0xb0: {  	[dreg:$0x0] =	wrdreg $0x60  }
0xb1: {  	[dreg:$0x2] =	wrdreg s2  }
0xb2: {  	[dreg:$0x3] =	wrdreg s18  }
0xb3: {  	[dreg:$0x4] =	wrdreg s4  }
0xb4: {  	[dreg:$0x5] =	wrdreg s5  }
0xb5: {  	[dreg:$0x6] =	wrdreg s24  }
0xb6: {  	[dreg:$0x7] =	wrdreg $0x9  }
0xb7: {  	_ =	task.clear_ibuf [dreg:s10], $0x8FFFF;
	_ =	strace $0x90000046  }
0xb8: {  	s29 =	simm.s32 $0x9;
	_ =	strace $0x80000048  }
0xb9: {  	_ =	swait.ge [sflag:s29], $0x1  }
0xba: {  	[sflag:s29] =	ssyncadd.s32 $0xFFFFFFFF  }
0xbb: {  	_ =	strace $0x90000048  }
0xbc: {  	_ =	sfence  }
0xbd: {  	s30 =	sld [smem:$0x0];
	_ =	sdelay $0x2  }
0xbe: {  	s31 =	sshll.u32 s1, $0xD;
	s1 =	sshrl.u32 s1, $0x2  }
0xbf: {  	s3 =	sand.u32 $0x4000, s31;
	s1 =	sadd.s32 s1, s30  }
0xc0: {  	s0 =	sor.u32 s3, s0;
	s1 =	sshll.u32 s1, $0x11  }
0xc1: {  	s0 =	sor.u32 s1, s0  }
0xc2: {  	s0 =	sadd.s32 $0x8F2B, s0  }
0xc3: {  	[sflag:s0] =	ssyncadd.remote.s32 $0x1  }
0xc4: {  	_ =	sfence.sel $0xFFFF  }
0xc5: {  	[dreg:$0x0] =	wrdreg $0xFFFFFFFF;
	(pc) =	sbr.abs _section_cstart, $3  }
0xc6: {  	[dreg:$0x1] =	wrdreg $0xFFFFFFFF  }
0xc7: {  	_ =	task.clear_ibuf [dreg:s10], $0x2FFFF;
	_ =	strace $0x9FFFFFFF  }
0xc8: {  	(tm) =	ssettm $0x7FFFFFFF  }
0xc9: {  	_ =	shalt  }
tec
execute0_lowered:
.L_overlay_start_1:
0x0: {  	(tag) =	ssettag $0x1  }
0x1: {  	v0 =	vimm.s32 $0x1307  }
0x2: {  	vm14 =	vcmask $0x300;
	vm13 =	vcmask $0x704;
	vm12 =	vcmask $0xB08  }
0x3: {  	vm11 =	vcmask $0xF0C;
	vm10 =	vcmask $0x1310;
	vm9 =	vcmask $0x1714  }
0x4: {  	vm8 =	vcmask $0x1B18;
	vm7 =	vcmask $0x1F1C;
	vm6 =	vcmask $0x2320  }
0x5: {  	vm5 =	vcmask $0x2724;
	vm4 =	vcmask $0x2B28;
	vm3 =	vcmask $0x2F2C  }
0x6: {  	vm2 =	vcmask $0x3330;
	vm0 =	vcmask $0x3734;
	v1 =	vimm.s32 $0x2007  }
0x7: {  	vm1 =	vcmask $0x3B38;
	v3 =	vimm.s32 $0x2107;
	v4 =	vimm.s32 $0x2207  }
0x8: {  	v0 =	vsel vm14, $0x1280, v0;
	v2 =	vsel vm14, $0x1380, v1;
	v1 =	vlaneseq.u32  }
0x9: {  	v3 =	vsel vm14, $0x2080, v3;
	v4 =	vsel vm14, $0x2180, v4;
	v0 =	vsel vm13, $0x1281, v0  }
0xa: {  	v2 =	vsel vm13, $0x1381, v2;
	v3 =	vsel vm13, $0x2081, v3;
	v4 =	vsel vm13, $0x2181, v4  }
0xb: {  	v0 =	vsel vm12, $0x1282, v0;
	v2 =	vsel vm12, $0x1382, v2;
	v3 =	vsel vm12, $0x2082, v3  }
0xc: {  	v4 =	vsel vm12, $0x2182, v4;
	v0 =	vsel vm11, $0x1283, v0;
	v2 =	vsel vm11, $0x1383, v2  }
0xd: {  	v3 =	vsel vm11, $0x2083, v3;
	v4 =	vsel vm11, $0x2183, v4;
	v0 =	vsel vm10, $0x1284, v0  }
0xe: {  	v2 =	vsel vm10, $0x1384, v2;
	v3 =	vsel vm10, $0x2084, v3;
	v0 =	vsel vm9, $0x1285, v0  }
0xf: {  	v4 =	vsel vm10, $0x2184, v4;
	v2 =	vsel vm9, $0x1385, v2;
	v0 =	vsel vm8, $0x1286, v0  }
0x10: {  	v3 =	vsel vm9, $0x2085, v3;
	v2 =	vsel vm8, $0x1386, v2;
	v0 =	vsel vm7, $0x1287, v0  }
0x11: {  	v4 =	vsel vm9, $0x2185, v4;
	v2 =	vsel vm7, $0x1387, v2;
	v0 =	vsel vm6, $0x1300, v0  }
0x12: {  	v3 =	vsel vm8, $0x2086, v3;
	v2 =	vsel vm6, $0x2000, v2;
	v0 =	vsel vm5, $0x1301, v0  }
0x13: {  	v4 =	vsel vm8, $0x2186, v4;
	v2 =	vsel vm5, $0x2001, v2;
	v0 =	vsel vm4, $0x1302, v0  }
0x14: {  	v3 =	vsel vm7, $0x2087, v3;
	v2 =	vsel vm4, $0x2002, v2;
	v0 =	vsel vm3, $0x1303, v0  }
0x15: {  	v4 =	vsel vm7, $0x2187, v4;
	v2 =	vsel vm3, $0x2003, v2;
	v0 =	vsel vm2, $0x1304, v0  }
0x16: {  	v3 =	vsel vm6, $0x2100, v3;
	v2 =	vsel vm2, $0x2004, v2;
	v0 =	vsel vm0, $0x1305, v0  }
0x17: {  	v3 =	vsel vm5, $0x2101, v3;
	v2 =	vsel vm0, $0x2005, v2;
	v0 =	vsel vm1, $0x1306, v0  }
0x18: {  	v3 =	vsel vm4, $0x2102, v3;
	v2 =	vsel vm1, $0x2006, v2;
	[tilespmem:$0x1FD80] =	vst v0;
	v0 =	vshrl.u32 v1, $0x3  }
0x19: {  	v4 =	vsel vm6, $0x2200, v4;
	[tilespmem:$0x1FD90] =	vst v2;
	v2 =	vsel vm3, $0x2103, v3;
	v5 =	vmul.u32 $0x186A0, v0  }
0x1a: {  	v3 =	vsel vm5, $0x2201, v4;
	v2 =	vsel vm2, $0x2104, v2  }
0x1b: {  	v3 =	vsel vm4, $0x2202, v3;
	v2 =	vsel vm0, $0x2105, v2;
	v4 =	vadd.s32 $0x30D40, v5  }
0x1c: {  	v3 =	vsel vm3, $0x2203, v3;
	v2 =	vsel vm1, $0x2106, v2;
	[tilespmem:$0x1FDA0] =	vst v4  }
0x1d: {  	v4 =	vimm.s32 $0x2307;
	[tilespmem:$0x1FDB0] =	vst v2;
	v2 =	vsel vm2, $0x2204, v3  }
0x1e: {  	v3 =	vsel vm14, $0x2280, v4;
	v2 =	vsel vm0, $0x2205, v2  }
0x1f: {  	v3 =	vsel vm13, $0x2281, v3;
	v2 =	vsel vm1, $0x2206, v2  }
0x20: {  	[tilespmem:$0x1FDD0] =	vst v2;
	v2 =	vsel vm12, $0x2282, v3  }
0x21: {  	v3 =	vimm.s32 $0x3007;
	v2 =	vsel vm11, $0x2283, v2  }
0x22: {  	v4 =	vadd.s32 $0x61A80, v5;
	v3 =	vsel vm14, $0x2380, v3;
	v2 =	vsel vm10, $0x2284, v2  }
0x23: {  	[tilespmem:$0x1FDC0] =	vst v4;
	v4 =	vadd.s32 $0x927C0, v5;
	v3 =	vsel vm13, $0x2381, v3;
	v2 =	vsel vm9, $0x2285, v2  }
0x24: {  	[tilespmem:$0x1FDE0] =	vst v4;
	v4 =	vimm.s32 $0x3107;
	v3 =	vsel vm12, $0x2382, v3;
	v2 =	vsel vm8, $0x2286, v2  }
0x25: {  	v4 =	vsel vm14, $0x3080, v4;
	v3 =	vsel vm11, $0x2383, v3;
	v2 =	vsel vm7, $0x2287, v2  }
0x26: {  	v4 =	vsel vm13, $0x3081, v4;
	v3 =	vsel vm10, $0x2384, v3;
	v2 =	vsel vm6, $0x2300, v2  }
0x27: {  	v4 =	vsel vm12, $0x3082, v4;
	v3 =	vsel vm9, $0x2385, v3;
	v2 =	vsel vm5, $0x2301, v2  }
0x28: {  	v4 =	vsel vm11, $0x3083, v4;
	v3 =	vsel vm8, $0x2386, v3;
	v2 =	vsel vm4, $0x2302, v2  }
0x29: {  	v4 =	vsel vm10, $0x3084, v4;
	v3 =	vsel vm7, $0x2387, v3;
	v2 =	vsel vm3, $0x2303, v2  }
0x2a: {  	v4 =	vsel vm9, $0x3085, v4;
	v3 =	vsel vm6, $0x3000, v3;
	v2 =	vsel vm2, $0x2304, v2  }
0x2b: {  	v4 =	vsel vm8, $0x3086, v4;
	v3 =	vsel vm5, $0x3001, v3;
	v2 =	vsel vm0, $0x2305, v2  }
0x2c: {  	v4 =	vsel vm7, $0x3087, v4;
	v3 =	vsel vm4, $0x3002, v3;
	v2 =	vsel vm1, $0x2306, v2  }
0x2d: {  	v4 =	vsel vm6, $0x3100, v4;
	[tilespmem:$0x1FDF0] =	vst v2;
	v2 =	vsel vm3, $0x3003, v3  }
0x2e: {  	v3 =	vsel vm5, $0x3101, v4;
	v2 =	vsel vm2, $0x3004, v2  }
0x2f: {  	v4 =	vadd.s32 $0xC3500, v5;
	v3 =	vsel vm4, $0x3102, v3;
	v2 =	vsel vm0, $0x3005, v2  }
0x30: {  	[tilespmem:$0x1FE00] =	vst v4;
	v3 =	vsel vm3, $0x3103, v3;
	v2 =	vsel vm1, $0x3006, v2  }
0x31: {  	v4 =	vimm.s32 $0x3207;
	[tilespmem:$0x1FE10] =	vst v2;
	v2 =	vsel vm2, $0x3104, v3  }
0x32: {  	v3 =	vsel vm14, $0x3180, v4;
	v2 =	vsel vm0, $0x3105, v2  }
0x33: {  	v3 =	vsel vm13, $0x3181, v3;
	v2 =	vsel vm1, $0x3106, v2  }
0x34: {  	[tilespmem:$0x1FE30] =	vst v2;
	v2 =	vsel vm12, $0x3182, v3  }
0x35: {  	v3 =	vimm.s32 $0x3307;
	v2 =	vsel vm11, $0x3183, v2  }
0x36: {  	v4 =	vadd.s32 $0xF4240, v5;
	v3 =	vsel vm14, $0x3280, v3;
	v2 =	vsel vm10, $0x3184, v2  }
0x37: {  	[tilespmem:$0x1FE20] =	vst v4;
	v4 =	vadd.s32 $0x124F80, v5;
	v3 =	vsel vm13, $0x3281, v3;
	v2 =	vsel vm9, $0x3185, v2  }
0x38: {  	[tilespmem:$0x1FE40] =	vst v4;
	v4 =	vimm.s32 $0x4007;
	v3 =	vsel vm12, $0x3282, v3;
	v2 =	vsel vm8, $0x3186, v2  }
0x39: {  	v4 =	vsel vm14, $0x3380, v4;
	v3 =	vsel vm11, $0x3283, v3;
	v2 =	vsel vm7, $0x3187, v2  }
0x3a: {  	v4 =	vsel vm13, $0x3381, v4;
	v3 =	vsel vm10, $0x3284, v3;
	v2 =	vsel vm6, $0x3200, v2  }
0x3b: {  	v4 =	vsel vm12, $0x3382, v4;
	v3 =	vsel vm9, $0x3285, v3;
	v2 =	vsel vm5, $0x3201, v2  }
0x3c: {  	v4 =	vsel vm11, $0x3383, v4;
	v3 =	vsel vm8, $0x3286, v3;
	v2 =	vsel vm4, $0x3202, v2  }
0x3d: {  	v4 =	vsel vm10, $0x3384, v4;
	v3 =	vsel vm7, $0x3287, v3;
	v2 =	vsel vm3, $0x3203, v2  }
0x3e: {  	v4 =	vsel vm9, $0x3385, v4;
	v3 =	vsel vm6, $0x3300, v3;
	v2 =	vsel vm2, $0x3204, v2  }
0x3f: {  	v4 =	vsel vm8, $0x3386, v4;
	v3 =	vsel vm5, $0x3301, v3;
	v2 =	vsel vm0, $0x3205, v2  }
0x40: {  	v4 =	vsel vm7, $0x3387, v4;
	v3 =	vsel vm4, $0x3302, v3;
	v2 =	vsel vm1, $0x3206, v2  }
0x41: {  	v4 =	vsel vm6, $0x4000, v4;
	[tilespmem:$0x1FE50] =	vst v2;
	v2 =	vsel vm3, $0x3303, v3  }
0x42: {  	v3 =	vsel vm5, $0x4001, v4;
	v2 =	vsel vm2, $0x3304, v2  }
0x43: {  	v4 =	vadd.s32 $0x155CC0, v5;
	v3 =	vsel vm4, $0x4002, v3;
	v2 =	vsel vm0, $0x3305, v2  }
0x44: {  	[tilespmem:$0x1FE60] =	vst v4;
	v3 =	vsel vm3, $0x4003, v3;
	v2 =	vsel vm1, $0x3306, v2  }
0x45: {  	v4 =	vimm.s32 $0x4107;
	[tilespmem:$0x1FE70] =	vst v2;
	v2 =	vsel vm2, $0x4004, v3  }
0x46: {  	v3 =	vsel vm14, $0x4080, v4;
	v2 =	vsel vm0, $0x4005, v2  }
0x47: {  	v3 =	vsel vm13, $0x4081, v3;
	v2 =	vsel vm1, $0x4006, v2  }
0x48: {  	[tilespmem:$0x1FE90] =	vst v2;
	v2 =	vsel vm12, $0x4082, v3  }
0x49: {  	v3 =	vimm.s32 $0x4207;
	v2 =	vsel vm11, $0x4083, v2  }
0x4a: {  	v4 =	vadd.s32 $0x186A00, v5;
	v3 =	vsel vm14, $0x4180, v3;
	v2 =	vsel vm10, $0x4084, v2  }
0x4b: {  	[tilespmem:$0x1FE80] =	vst v4;
	v4 =	vadd.s32 $0x1B7740, v5;
	v3 =	vsel vm13, $0x4181, v3;
	v2 =	vsel vm9, $0x4085, v2  }
0x4c: {  	[tilespmem:$0x1FEA0] =	vst v4;
	v4 =	vimm.s32 $0x4307;
	v3 =	vsel vm12, $0x4182, v3;
	v2 =	vsel vm8, $0x4086, v2  }
0x4d: {  	v4 =	vsel vm14, $0x4280, v4;
	v3 =	vsel vm11, $0x4183, v3;
	v2 =	vsel vm7, $0x4087, v2  }
0x4e: {  	v4 =	vsel vm13, $0x4281, v4;
	v3 =	vsel vm10, $0x4184, v3;
	v2 =	vsel vm6, $0x4100, v2  }
0x4f: {  	v4 =	vsel vm12, $0x4282, v4;
	v3 =	vsel vm9, $0x4185, v3;
	v2 =	vsel vm5, $0x4101, v2  }
0x50: {  	v4 =	vsel vm11, $0x4283, v4;
	v3 =	vsel vm8, $0x4186, v3;
	v2 =	vsel vm4, $0x4102, v2  }
0x51: {  	v4 =	vsel vm10, $0x4284, v4;
	v3 =	vsel vm7, $0x4187, v3;
	v2 =	vsel vm3, $0x4103, v2  }
0x52: {  	v4 =	vsel vm9, $0x4285, v4;
	v3 =	vsel vm6, $0x4200, v3;
	v2 =	vsel vm2, $0x4104, v2  }
0x53: {  	v4 =	vsel vm8, $0x4286, v4;
	v3 =	vsel vm5, $0x4201, v3;
	v2 =	vsel vm0, $0x4105, v2  }
0x54: {  	v4 =	vsel vm7, $0x4287, v4;
	v3 =	vsel vm4, $0x4202, v3;
	v2 =	vsel vm1, $0x4106, v2  }
0x55: {  	v4 =	vsel vm6, $0x4300, v4;
	[tilespmem:$0x1FEB0] =	vst v2;
	v2 =	vsel vm3, $0x4203, v3  }
0x56: {  	v3 =	vsel vm5, $0x4301, v4;
	v2 =	vsel vm2, $0x4204, v2  }
0x57: {  	v4 =	vadd.s32 $0x1E8480, v5;
	v3 =	vsel vm4, $0x4302, v3;
	v2 =	vsel vm0, $0x4205, v2  }
0x58: {  	[tilespmem:$0x1FEC0] =	vst v4;
	v3 =	vsel vm3, $0x4303, v3;
	v2 =	vsel vm1, $0x4206, v2  }
0x59: {  	v4 =	vimm.s32 $0x7F7E7D;
	[tilespmem:$0x1FED0] =	vst v2;
	v2 =	vsel vm2, $0x4304, v3  }
0x5a: {  	v3 =	vunpack.c.0.s8.s32 v4;
	v4 =	vadd.s32 $0x2191C0, v5;
	v2 =	vsel vm0, $0x4305, v2  }
0x5b: {  	[tilespmem:$0x1FEE0] =	vst v4;
	v2 =	vsel vm1, $0x4306, v2  }
0x5c: {  	vm15 =	vcmask $0xB00;
	v4 =	vadd.s32 $0x249F00, v5;
	[tilespmem:$0x1FEF0] =	vst v2;
	v2 =	vmul.u32 $0x80, v0  }
0x5d: {  	v41 =	vadd.s32 $0xD, v1;
	[tilespmem:$0x1FF10] =	vst v4;
	v4 =	vand.u32 $0x7, v1;
	v0 =	vmul.u32 $0xC80, v0  }
0x5e: {  	v42 =	vor.u32 $0x10, v1;
	v3 =	vnsel vm15, $0x40C, v3;
	[tilespmem:$0x1FF20] =	vst v4;
	v4 =	vadd.s32 $0x1280, v2  }
0x5f: {  	v43 =	vadd.s32 $0x1D, v1;
	v3 =	vsel vm11, $0x400, v3;
	[tilespmem:$0x1FF30] =	vst v4;
	v4 =	vadd.s32 $0x1380, v0  }
0x60: {  	v44 =	vadd.s32 $0x2D, v1;
	v3 =	vsel vm10, $0x401, v3;
	[tilespmem:$0x1FF40] =	vst v4;
	v4 =	vadd.s32 $0x2080, v2  }
0x61: {  	v45 =	vadd.s32 $0x3D, v1;
	v3 =	vsel vm9, $0x402, v3;
	[tilespmem:$0x1FF50] =	vst v4;
	v4 =	vadd.s32 $0x2180, v2  }
0x62: {  	v46 =	vadd.s32 $0x4D, v1;
	v3 =	vsel vm8, $0x403, v3;
	[tilespmem:$0x1FF60] =	vst v4;
	v4 =	vadd.s32 $0x2280, v2  }
0x63: {  	v3 =	vsel vm7, $0x404, v3;
	[tilespmem:$0x1FF70] =	vst v4;
	v4 =	vadd.s32 $0x2380, v0;
	v0 =	vadd.s32 $0x3380, v0  }
0x64: {  	v47 =	vadd.s32 $0x5D, v1;
	v3 =	vsel vm6, $0x405, v3;
	[tilespmem:$0x1FFC0] =	vst v0;
	v0 =	vadd.s32 $0x4080, v2  }
0x65: {  	v48 =	vadd.s32 $0x6D, v1;
	v50 =	vadd.s32 $0x40D, v1;
	[tilespmem:$0x1FFD0] =	vst v0;
	v0 =	vsel vm5, $0x406, v3  }
0x66: {  	v51 =	vadd.s32 $0x41D, v1;
	v52 =	vadd.s32 $0x42D, v1;
	v0 =	vsel vm4, $0x407, v0  }
0x67: {  	v53 =	vadd.s32 $0x43D, v1;
	v54 =	vadd.s32 $0x44D, v1;
	v0 =	vsel vm3, $0x408, v0  }
0x68: {  	v55 =	vadd.s32 $0x45D, v1;
	[tilespmem:$0x1FF80] =	vst v4;
	v4 =	vadd.s32 $0x3080, v2;
	v0 =	vsel vm2, $0x409, v0  }
0x69: {  	v56 =	vadd.s32 $0x46D, v1;
	[tilespmem:$0x1FF90] =	vst v4;
	v4 =	vadd.s32 $0x3180, v2;
	v0 =	vsel vm0, $0x40A, v0  }
0x6a: {  	v3 =	vadd.s32 $0x4180, v2;
	v49 =	vsel vm1, $0x40B, v0;
	v0 =	vimm.s32 $0x80C  }
0x6b: {  	[tilespmem:$0x1FFA0] =	vst v4;
	v4 =	vadd.s32 $0x3280, v2;
	v2 =	vadd.s32 $0x4280, v2;
	v0 =	vsel vm14, $0x47D, v0  }
0x6c: {  	v58 =	vadd.s32 $0x80D, v1;
	[tilespmem:$0x1FFF0] =	vst v2;
	v2 =	vimm.s32 $0xC0C;
	v0 =	vsel vm13, $0x47E, v0  }
0x6d: {  	v7 =	vadd.s32 $0x84D, v1;
	v2 =	vsel vm14, $0x87D, v2;
	v0 =	vsel vm12, $0x47F, v0  }
0x6e: {  	[tilespmem:$0x1FFE0] =	vst v3;
	v3 =	vimm.s32 $0x100C;
	v2 =	vsel vm13, $0x87E, v2;
	v0 =	vsel vm11, $0x800, v0  }
0x6f: {  	v3 =	vsel vm14, $0xC7D, v3;
	v2 =	vsel vm12, $0x87F, v2;
	v0 =	vsel vm10, $0x801, v0  }
0x70: {  	v3 =	vsel vm13, $0xC7E, v3;
	v2 =	vsel vm11, $0xC00, v2;
	v0 =	vsel vm9, $0x802, v0  }
0x71: {  	v3 =	vsel vm12, $0xC7F, v3;
	v2 =	vsel vm10, $0xC01, v2;
	v0 =	vsel vm8, $0x803, v0  }
0x72: {  	v3 =	vsel vm11, $0x1000, v3;
	v2 =	vsel vm9, $0xC02, v2;
	v0 =	vsel vm7, $0x804, v0  }
0x73: {  	v3 =	vsel vm10, $0x1001, v3;
	v2 =	vsel vm8, $0xC03, v2;
	v0 =	vsel vm6, $0x805, v0  }
0x74: {  	v3 =	vsel vm9, $0x1002, v3;
	v2 =	vsel vm7, $0xC04, v2;
	v0 =	vsel vm5, $0x806, v0  }
0x75: {  	v3 =	vsel vm8, $0x1003, v3;
	v2 =	vsel vm6, $0xC05, v2;
	v0 =	vsel vm4, $0x807, v0  }
0x76: {  	v3 =	vsel vm7, $0x1004, v3;
	v2 =	vsel vm5, $0xC06, v2;
	v0 =	vsel vm3, $0x808, v0  }
0x77: {  	v3 =	vsel vm6, $0x1005, v3;
	v2 =	vsel vm4, $0xC07, v2;
	v0 =	vsel vm2, $0x809, v0  }
0x78: {  	v3 =	vsel vm5, $0x1006, v3;
	v2 =	vsel vm3, $0xC08, v2;
	v0 =	vsel vm0, $0x80A, v0  }
0x79: {  	v3 =	vsel vm4, $0x1007, v3;
	v57 =	vsel vm1, $0x80B, v0;
	v0 =	vsel vm2, $0xC09, v2  }
0x7a: {  	[tilespmem:$0x1FF00] =	vst v5;
	v5 =	vadd.s32 $0x83D, v1;
	v3 =	vsel vm3, $0x1008, v3;
	v0 =	vsel vm0, $0xC0A, v0  }
0x7b: {  	v2 =	vsel vm2, $0x1009, v3;
	v59 =	vsel vm1, $0xC0B, v0;
	v0 =	vimm.s32 $0x140C  }
0x7c: {  	v3 =	vimm.s32 $0x1380;
	v2 =	vsel vm0, $0x100A, v2;
	v0 =	vsel vm14, $0x107D, v0  }
0x7d: {  	v60 =	vsel vm1, $0x100B, v2;
	v2 =	vimm.s32 $0x180C;
	v0 =	vsel vm13, $0x107E, v0  }
0x7e: {  	v3 =	vsel vm14, $0x0, v3;
	v2 =	vsel vm14, $0x147D, v2;
	v0 =	vsel vm12, $0x107F, v0  }
0x7f: {  	s1 =	rddreg [dreg:$0x0];
	v3 =	vsel vm13, $0x80, v3;
	v2 =	vsel vm13, $0x147E, v2;
	v0 =	vsel vm11, $0x1400, v0  }
0x80: {  	s0 =	rddreg [dreg:$0x1];
	v3 =	vsel vm12, $0x100, v3;
	v2 =	vsel vm12, $0x147F, v2;
	v0 =	vsel vm10, $0x1401, v0  }
0x81: {  	s2 =	rddreg [dreg:$0x4];
	s4 =	simm.s32 $0x0;
	v3 =	vsel vm11, $0x180, v3;
	v2 =	vsel vm11, $0x1800, v2;
	v0 =	vsel vm9, $0x1402, v0  }
0x82: {  	s3 =	srdreg.scid;
	s6 =	stileid.u32;
	s11 =	simm.s32 $0x5;
	v3 =	vsel vm10, $0x200, v3;
	v2 =	vsel vm10, $0x1801, v2;
	v0 =	vsel vm8, $0x1403, v0  }
0x83: {  	s15 =	simm.s32 $0x68;
	s16 =	simm.s32 $0x5000;
	s17 =	simm.s32 $0x5400;
	v3 =	vsel vm9, $0x280, v3;
	v2 =	vsel vm9, $0x1802, v2;
	v0 =	vsel vm7, $0x1404, v0  }
0x84: {  	s18 =	simm.s32 $0x5068;
	s19 =	simm.s32 $0x8800;
	s20 =	simm.s32 $0x5200;
	v3 =	vsel vm8, $0x300, v3;
	v2 =	vsel vm8, $0x1803, v2;
	v0 =	vsel vm6, $0x1405, v0  }
0x85: {  	s21 =	simm.s32 $0xBC00;
	s22 =	simm.s32 $0x5268;
	s23 =	simm.s32 $0xF000;
	v3 =	vsel vm7, $0x380, v3;
	v2 =	vsel vm7, $0x1804, v2;
	v0 =	vsel vm5, $0x1406, v0  }
0x86: {  	s24 =	simm.s32 $0x1;
	s25 =	simm.s32 $0x5100;
	s28 =	simm.s32 $0x2;
	v3 =	vsel vm6, $0x1000, v3;
	v2 =	vsel vm6, $0x1805, v2;
	v0 =	vsel vm4, $0x1407, v0  }
0x87: {  	s29 =	simm.s32 $0x5300;
	s30 =	simm.s32 $0x14000;
	s31 =	simm.s32 $0x3;
	v3 =	vsel vm5, $0x1080, v3;
	v2 =	vsel vm5, $0x1806, v2;
	v0 =	vsel vm3, $0x1408, v0  }
0x88: {  	[smem:$0x7FF] =	sst s4;
	s3 =	sand.u32 $0x1, s3;
	s6 =	sshll.u32 s6, $0xA;
	v3 =	vsel vm4, $0x1100, v3;
	v2 =	vsel vm4, $0x1807, v2;
	v0 =	vsel vm2, $0x1409, v0  }
0x89: {  	s7 =	sadd.s32 $0x400, s2;
	s5 =	ssub.s32 $0x2, s3;
	s3 =	sshll.u32 s3, $0x9;
	v3 =	vsel vm3, $0x1180, v3;
	v2 =	vsel vm3, $0x1808, v2;
	v0 =	vsel vm0, $0x140A, v0  }
0x8a: {  	s8 =	sshrl.u32 s5, $0x1;
	s6 =	sor.u32 s3, s6;
	s3 =	simm.s32 $0x4;
	v3 =	vsel vm2, $0x1200, v3;
	v2 =	vsel vm2, $0x1809, v2;
	v61 =	vsel vm1, $0x140B, v0  }
0x8b: {  	s26 =	ssub.s32 s5, s8;
	s8 =	sadd.s32 s1, s6;
	s5 =	simm.s32 $0x0;
	[tilespmem:$0x1FFB0] =	vst v4;
	v0 =	vsel vm0, $0x180A, v2;
	v2 =	vsel vm0, $0x1280, v3;
	v3 =	vadd.s32 $0x82D, v1  }
0x8c: {  	s9 =	smax.u32 s26, $0x1;
	s26 =	simm.s32 $0x12400;
	_ =	strace $0x80000047;
	v62 =	vsel vm1, $0x180B, v0;
	v63 =	vsel vm1, $0x1300, v2;
	v0 =	vadd.s32 $0x81D, v1  }
.LBB2_1:
0x8d: {  	s1 =	rddreg [dreg:$0x2];
	s2 =	simm.s32 $0x15C00  }
0x8e: {  	[tilespmem:s2], [sflag:$0x5] =	stream.linear.gather [hbm4b:s1+s4], $0x80, $0x38;
	[tilespmem:$0x15D00] =	vst v63  }
0x8f: {  	_ =	swait.ge [sflag:s11], $0x80  }
0x90: {  	[sflag:s11] =	ssyncset.done $0x0  }
0x91: {  	[sflag:s11] =	ssyncadd.s32 $0xFFFFFF80  }
0x92: {  	s12 =	simm.s32 $0x15C80;
	s10 =	rddreg [dreg:$0x3]  }
0x93: {  	[tilespmem:s12], [sflag:$0x5] =	stream.linear.gather [hbm4b:s10+s4], $0x80, $0x38;
	[tilespmem:$0x15D00] =	vst v63  }
0x94: {  	_ =	swait.ge [sflag:s11], $0x80  }
0x95: {  	[sflag:s11] =	ssyncset.done $0x0  }
0x96: {  	s13 =	simm.s32 $0x1000;
	s14 =	simm.s32 $0x20000;
	[sflag:s11] =	ssyncadd.s32 $0xFFFFFF80  }
0x97: {  	[tilespmem:s4], [sflag:$0x5] =	stream.strided.gather [hbm4b:s8+s13], $0x5000, s14, s13, $0x38;
	[tilespmem:$0x15D00] =	vst v63  }
0x98: {  	_ =	swait.ge [sflag:s11], $0x5000  }
0x99: {  	v2 =	vld [tilespmem:$0x1FD80];
	_ =	sdelay $0x5  }
0x9a: {  	[sflag:s11] =	ssyncset.done $0x0  }
0x9b: {  	[sflag:s11] =	ssyncadd.s32 $0xFFFFB000  }
0x9c: {  	v2 =	vld.idx.msk [tilespmem:v2+s4+$0x0], $0xffff;
	_ =	sdelay $0x2  }
0x9d: {  	v4 =	vld [tilespmem:$0x1FF00];
	_ =	sdelay $0x1  }
0x9e: {  	v2 =	vtrunc.f32 v2  }
0x9f: {  	v2 =	vcvt.f32.s32 v2;
	_ =	sdelay $0x1  }
0xa0: {  	v4 =	vadd.s32 v4, v2;
	v2 =	vand.u32 $0x3, v2  }
0xa1: {  	[tilespmem:$0x5100] =	vst v2;
	v2 =	vld [tilespmem:$0x1FD90];
	_ =	sdelay $0x5  }
0xa2: {  	v4 =	vshrl.u32 v4, $0x2  }
0xa3: {  	[tilespmem:$0x5000] =	vst v4  }
0xa4: {  	v2 =	vld.idx.msk [tilespmem:v2+s4+$0x0], $0xffff;
	_ =	sdelay $0x2  }
0xa5: {  	v4 =	vld [tilespmem:$0x1FDA0];
	_ =	sdelay $0x1  }
0xa6: {  	v2 =	vtrunc.f32 v2  }
0xa7: {  	v2 =	vcvt.f32.s32 v2;
	_ =	sdelay $0x1  }
0xa8: {  	v4 =	vadd.s32 v4, v2;
	v2 =	vand.u32 $0x3, v2  }
0xa9: {  	[tilespmem:$0x5110] =	vst v2;
	v2 =	vld [tilespmem:$0x1FDB0];
	_ =	sdelay $0x5  }
0xaa: {  	v4 =	vshrl.u32 v4, $0x2  }
0xab: {  	[tilespmem:$0x5010] =	vst v4  }
0xac: {  	v2 =	vld.idx.msk [tilespmem:v2+s4+$0x0], $0xffff;
	_ =	sdelay $0x2  }
0xad: {  	v4 =	vld [tilespmem:$0x1FDC0];
	_ =	sdelay $0x1  }
0xae: {  	v2 =	vtrunc.f32 v2  }
0xaf: {  	v2 =	vcvt.f32.s32 v2;
	_ =	sdelay $0x1  }
0xb0: {  	v4 =	vadd.s32 v4, v2;
	v2 =	vand.u32 $0x3, v2  }
0xb1: {  	[tilespmem:$0x5120] =	vst v2;
	v2 =	vld [tilespmem:$0x1FDD0];
	_ =	sdelay $0x5  }
0xb2: {  	v4 =	vshrl.u32 v4, $0x2  }
0xb3: {  	[tilespmem:$0x5020] =	vst v4  }
0xb4: {  	v2 =	vld.idx.msk [tilespmem:v2+s4+$0x0], $0xffff;
	_ =	sdelay $0x2  }
0xb5: {  	v4 =	vld [tilespmem:$0x1FDE0];
	_ =	sdelay $0x1  }
0xb6: {  	v2 =	vtrunc.f32 v2  }
0xb7: {  	v2 =	vcvt.f32.s32 v2;
	_ =	sdelay $0x1  }
0xb8: {  	v4 =	vadd.s32 v4, v2;
	v2 =	vand.u32 $0x3, v2  }
0xb9: {  	[tilespmem:$0x5130] =	vst v2;
	v2 =	vld [tilespmem:$0x1FDF0];
	_ =	sdelay $0x5  }
0xba: {  	v4 =	vshrl.u32 v4, $0x2  }
0xbb: {  	[tilespmem:$0x5030] =	vst v4  }
0xbc: {  	v2 =	vld.idx.msk [tilespmem:v2+s4+$0x0], $0xffff;
	_ =	sdelay $0x2  }
0xbd: {  	v4 =	vld [tilespmem:$0x1FE00];
	_ =	sdelay $0x1  }
0xbe: {  	v2 =	vtrunc.f32 v2  }
0xbf: {  	v2 =	vcvt.f32.s32 v2;
	_ =	sdelay $0x1  }
0xc0: {  	v4 =	vadd.s32 v4, v2;
	v2 =	vand.u32 $0x3, v2  }
0xc1: {  	[tilespmem:$0x5140] =	vst v2;
	v2 =	vld [tilespmem:$0x1FE10];
	_ =	sdelay $0x5  }
0xc2: {  	v4 =	vshrl.u32 v4, $0x2  }
0xc3: {  	[tilespmem:$0x5040] =	vst v4  }
0xc4: {  	v2 =	vld.idx.msk [tilespmem:v2+s4+$0x0], $0xffff;
	_ =	sdelay $0x2  }
0xc5: {  	v4 =	vld [tilespmem:$0x1FE20];
	_ =	sdelay $0x1  }
0xc6: {  	v2 =	vtrunc.f32 v2  }
0xc7: {  	v2 =	vcvt.f32.s32 v2;
	_ =	sdelay $0x1  }
0xc8: {  	v4 =	vadd.s32 v4, v2;
	v2 =	vand.u32 $0x3, v2  }
0xc9: {  	[tilespmem:$0x5150] =	vst v2;
	v2 =	vld [tilespmem:$0x1FE30];
	_ =	sdelay $0x5  }
0xca: {  	v4 =	vshrl.u32 v4, $0x2  }
0xcb: {  	[tilespmem:$0x5050] =	vst v4  }
0xcc: {  	v2 =	vld.idx.msk [tilespmem:v2+s4+$0x0], $0xffff;
	_ =	sdelay $0x2  }
0xcd: {  	v4 =	vld [tilespmem:$0x1FE40];
	_ =	sdelay $0x1  }
0xce: {  	v2 =	vtrunc.f32 v2  }
0xcf: {  	v2 =	vcvt.f32.s32 v2;
	_ =	sdelay $0x1  }
0xd0: {  	v4 =	vadd.s32 v4, v2;
	v2 =	vand.u32 $0x3, v2  }
0xd1: {  	[tilespmem:$0x5160] =	vst v2;
	v2 =	vld [tilespmem:$0x1FE50];
	_ =	sdelay $0x5  }
0xd2: {  	v4 =	vshrl.u32 v4, $0x2  }
0xd3: {  	[tilespmem:$0x5060] =	vst v4  }
0xd4: {  	v2 =	vld.idx.msk [tilespmem:v2+s4+$0x0], $0xffff;
	_ =	sdelay $0x2  }
0xd5: {  	v4 =	vld [tilespmem:$0x1FE60];
	_ =	sdelay $0x1  }
0xd6: {  	v2 =	vtrunc.f32 v2  }
0xd7: {  	v2 =	vcvt.f32.s32 v2;
	_ =	sdelay $0x1  }
0xd8: {  	v4 =	vadd.s32 v4, v2;
	v2 =	vand.u32 $0x3, v2  }
0xd9: {  	[tilespmem:$0x5170] =	vst v2;
	v2 =	vld [tilespmem:$0x1FE70];
	_ =	sdelay $0x5  }
0xda: {  	v4 =	vshrl.u32 v4, $0x2  }
0xdb: {  	[tilespmem:$0x5070] =	vst v4  }
0xdc: {  	v2 =	vld.idx.msk [tilespmem:v2+s4+$0x0], $0xffff;
	_ =	sdelay $0x2  }
0xdd: {  	v4 =	vld [tilespmem:$0x1FE80];
	_ =	sdelay $0x1  }
0xde: {  	v2 =	vtrunc.f32 v2  }
0xdf: {  	v2 =	vcvt.f32.s32 v2;
	_ =	sdelay $0x1  }
0xe0: {  	v4 =	vadd.s32 v4, v2;
	v2 =	vand.u32 $0x3, v2  }
0xe1: {  	[tilespmem:$0x5180] =	vst v2;
	v2 =	vld [tilespmem:$0x1FE90];
	_ =	sdelay $0x5  }
0xe2: {  	v4 =	vshrl.u32 v4, $0x2  }
0xe3: {  	[tilespmem:$0x5080] =	vst v4  }
0xe4: {  	v2 =	vld.idx.msk [tilespmem:v2+s4+$0x0], $0xffff;
	_ =	sdelay $0x2  }
0xe5: {  	v4 =	vld [tilespmem:$0x1FEA0];
	_ =	sdelay $0x1  }
0xe6: {  	v2 =	vtrunc.f32 v2  }
0xe7: {  	v2 =	vcvt.f32.s32 v2;
	_ =	sdelay $0x1  }
0xe8: {  	v4 =	vadd.s32 v4, v2;
	v2 =	vand.u32 $0x3, v2  }
0xe9: {  	[tilespmem:$0x5190] =	vst v2;
	v2 =	vld [tilespmem:$0x1FEB0];
	_ =	sdelay $0x5  }
0xea: {  	v4 =	vshrl.u32 v4, $0x2  }
0xeb: {  	[tilespmem:$0x5090] =	vst v4  }
0xec: {  	v2 =	vld.idx.msk [tilespmem:v2+s4+$0x0], $0xffff;
	_ =	sdelay $0x2  }
0xed: {  	v4 =	vld [tilespmem:$0x1FEC0];
	_ =	sdelay $0x1  }
0xee: {  	v2 =	vtrunc.f32 v2  }
0xef: {  	v2 =	vcvt.f32.s32 v2;
	_ =	sdelay $0x1  }
0xf0: {  	v4 =	vadd.s32 v4, v2;
	v2 =	vand.u32 $0x3, v2  }
0xf1: {  	[tilespmem:$0x51A0] =	vst v2;
	v2 =	vld [tilespmem:$0x1FED0];
	_ =	sdelay $0x5  }
0xf2: {  	v4 =	vshrl.u32 v4, $0x2  }
0xf3: {  	[tilespmem:$0x50A0] =	vst v4  }
0xf4: {  	v2 =	vld.idx.msk [tilespmem:v2+s4+$0x0], $0xffff;
	_ =	sdelay $0x2  }
0xf5: {  	v4 =	vld [tilespmem:$0x1FEE0];
	_ =	sdelay $0x1  }
0xf6: {  	v2 =	vtrunc.f32 v2  }
0xf7: {  	v2 =	vcvt.f32.s32 v2;
	_ =	sdelay $0x1  }
0xf8: {  	v4 =	vadd.s32 v4, v2;
	v2 =	vand.u32 $0x3, v2  }
0xf9: {  	[tilespmem:$0x51B0] =	vst v2;
	v2 =	vld [tilespmem:$0x1FEF0];
	_ =	sdelay $0x5  }
0xfa: {  	v4 =	vshrl.u32 v4, $0x2  }
0xfb: {  	[tilespmem:$0x50B0] =	vst v4  }
0xfc: {  	v2 =	vld.idx.msk [tilespmem:v2+s4+$0x0], $0xffff;
	_ =	sdelay $0x2  }
0xfd: {  	v4 =	vld [tilespmem:$0x1FF10];
	_ =	sdelay $0x1  }
0xfe: {  	v2 =	vtrunc.f32 v2  }
0xff: {  	v2 =	vcvt.f32.s32 v2;
	_ =	sdelay $0x1  }
0x100: {  	v4 =	vadd.s32 v4, v2;
	v2 =	vand.u32 $0x3, v2  }
0x101: {  	v4 =	vshrl.u32 v4, $0x2;
	[tilespmem:$0x51C0] =	vst v2  }
0x102: {  	[tilespmem:$0x50C0] =	vst v4  }
0x103: {  	[tilespmem:s17], [sflag:$0x1] =	stream.indirect.gather [hbm4b:s0+s15], $0x80, s16, s15, $0xb8;
	[tilespmem:$0x15D00] =	vst v63  }
0x104: {  	s1 =	simm.s32 $0x0  }
0x105: {  	[tilespmem:s19], [sflag:$0x1] =	stream.indirect.gather [hbm4b:s0+s15], $0x80, s18, s15, $0xb8;
	[tilespmem:$0x15D00] =	vst v63  }
.LBB2_2:
0x106: {  	s10 =	sshll.u32 s1, $0x4  }
0x107: {  	v2 =	vld [tilespmem:$0x1FF20];
	s2 =	sor.u32 $0x8, s10  }
0x108: {  	v4 =	vmov s2  }
0x109: {  	[tilespmem:$0x1FD70] =	vst v4;
	v4 =	vshll.u32 v4, $0x3  }
0x10a: {  	v11 =	vand.u32 $0xC00, v4;
	v4 =	vld [tilespmem:$0x1FF30];
	_ =	sdelay $0x1  }
0x10b: {  	v2 =	vor.u32 s2, v2  }
0x10c: {  	v2 =	vand.u32 $0x7F, v2  }
0x10d: {  	v2 =	vor.u32 v11, v2  }
0x10e: {  	v4 =	vor.u32 v4, v2;
	_ =	sdelay $0x4  }
0x10f: {  	v4 =	vld.idx.msk [tilespmem:v4+s4+$0x0], $0xffff  }
0x110: {  	v6 =	vld [tilespmem:$0x1FF40];
	_ =	sdelay $0x1  }
0x111: {  	v8 =	vld [tilespmem:$0x1FF00];
	_ =	sdelay $0x1  }
0x112: {  	v4 =	vtrunc.f32 v4  }
0x113: {  	v6 =	vor.u32 v6, v2;
	v4 =	vcvt.f32.s32 v4;
	_ =	sdelay $0x1  }
0x114: {  	v8 =	vadd.s32 v8, v4;
	v4 =	vand.u32 $0x3, v4  }
0x115: {  	v8 =	vshrl.u32 v8, $0x2;
	[tilespmem:$0x5300] =	vst v4  }
0x116: {  	[tilespmem:$0x5200] =	vst v8  }
0x117: {  	v4 =	vld.idx.msk [tilespmem:v6+s4+$0x0], $0xffff  }
0x118: {  	v6 =	vld [tilespmem:$0x1FF50];
	_ =	sdelay $0x1  }
0x119: {  	v8 =	vld [tilespmem:$0x1FDA0];
	_ =	sdelay $0x1  }
0x11a: {  	v4 =	vtrunc.f32 v4  }
0x11b: {  	v6 =	vor.u32 v6, v2;
	v4 =	vcvt.f32.s32 v4;
	_ =	sdelay $0x1  }
0x11c: {  	v8 =	vadd.s32 v8, v4;
	v4 =	vand.u32 $0x3, v4  }
0x11d: {  	v8 =	vshrl.u32 v8, $0x2;
	[tilespmem:$0x5310] =	vst v4  }
0x11e: {  	[tilespmem:$0x5210] =	vst v8  }
0x11f: {  	v4 =	vld.idx.msk [tilespmem:v6+s4+$0x0], $0xffff  }
0x120: {  	v6 =	vld [tilespmem:$0x1FF60];
	_ =	sdelay $0x1  }
0x121: {  	v8 =	vld [tilespmem:$0x1FDC0];
	_ =	sdelay $0x1  }
0x122: {  	v4 =	vtrunc.f32 v4  }
0x123: {  	v6 =	vor.u32 v6, v2;
	v4 =	vcvt.f32.s32 v4;
	_ =	sdelay $0x1  }
0x124: {  	v8 =	vadd.s32 v8, v4;
	v4 =	vand.u32 $0x3, v4  }
0x125: {  	v8 =	vshrl.u32 v8, $0x2;
	[tilespmem:$0x5320] =	vst v4  }
0x126: {  	[tilespmem:$0x5220] =	vst v8  }
0x127: {  	v4 =	vld.idx.msk [tilespmem:v6+s4+$0x0], $0xffff  }
0x128: {  	v6 =	vld [tilespmem:$0x1FF70];
	_ =	sdelay $0x1  }
0x129: {  	v8 =	vld [tilespmem:$0x1FDE0];
	_ =	sdelay $0x1  }
0x12a: {  	v4 =	vtrunc.f32 v4  }
0x12b: {  	v6 =	vor.u32 v6, v2;
	v4 =	vcvt.f32.s32 v4;
	_ =	sdelay $0x1  }
0x12c: {  	v8 =	vadd.s32 v8, v4;
	v4 =	vand.u32 $0x3, v4  }
0x12d: {  	v8 =	vshrl.u32 v8, $0x2;
	[tilespmem:$0x5330] =	vst v4  }
0x12e: {  	[tilespmem:$0x5230] =	vst v8  }
0x12f: {  	v4 =	vld.idx.msk [tilespmem:v6+s4+$0x0], $0xffff  }
0x130: {  	v6 =	vld [tilespmem:$0x1FF80];
	_ =	sdelay $0x1  }
0x131: {  	v8 =	vld [tilespmem:$0x1FE00];
	_ =	sdelay $0x1  }
0x132: {  	v4 =	vtrunc.f32 v4  }
0x133: {  	v6 =	vor.u32 v6, v2;
	v4 =	vcvt.f32.s32 v4;
	_ =	sdelay $0x1  }
0x134: {  	v8 =	vadd.s32 v8, v4;
	v4 =	vand.u32 $0x3, v4  }
0x135: {  	v8 =	vshrl.u32 v8, $0x2;
	[tilespmem:$0x5340] =	vst v4  }
0x136: {  	[tilespmem:$0x5240] =	vst v8  }
0x137: {  	v4 =	vld.idx.msk [tilespmem:v6+s4+$0x0], $0xffff  }
0x138: {  	v6 =	vld [tilespmem:$0x1FF90];
	_ =	sdelay $0x1  }
0x139: {  	v8 =	vld [tilespmem:$0x1FE20];
	_ =	sdelay $0x1  }
0x13a: {  	v4 =	vtrunc.f32 v4  }
0x13b: {  	v6 =	vor.u32 v6, v2;
	v4 =	vcvt.f32.s32 v4;
	_ =	sdelay $0x1  }
0x13c: {  	v8 =	vadd.s32 v8, v4;
	v4 =	vand.u32 $0x3, v4  }
0x13d: {  	v8 =	vshrl.u32 v8, $0x2;
	[tilespmem:$0x5350] =	vst v4  }
0x13e: {  	[tilespmem:$0x5250] =	vst v8  }
0x13f: {  	v4 =	vld.idx.msk [tilespmem:v6+s4+$0x0], $0xffff  }
0x140: {  	v6 =	vld [tilespmem:$0x1FFA0];
	_ =	sdelay $0x1  }
0x141: {  	v8 =	vld [tilespmem:$0x1FE40];
	_ =	sdelay $0x1  }
0x142: {  	v4 =	vtrunc.f32 v4  }
0x143: {  	v6 =	vor.u32 v6, v2;
	v4 =	vcvt.f32.s32 v4;
	_ =	sdelay $0x1  }
0x144: {  	v8 =	vadd.s32 v8, v4;
	v4 =	vand.u32 $0x3, v4  }
0x145: {  	v8 =	vshrl.u32 v8, $0x2;
	[tilespmem:$0x5360] =	vst v4  }
0x146: {  	[tilespmem:$0x5260] =	vst v8  }
0x147: {  	v4 =	vld.idx.msk [tilespmem:v6+s4+$0x0], $0xffff  }
0x148: {  	v6 =	vld [tilespmem:$0x1FFB0];
	_ =	sdelay $0x1  }
0x149: {  	v8 =	vld [tilespmem:$0x1FE60];
	_ =	sdelay $0x1  }
0x14a: {  	v4 =	vtrunc.f32 v4  }
0x14b: {  	v6 =	vor.u32 v6, v2;
	v4 =	vcvt.f32.s32 v4;
	_ =	sdelay $0x1  }
0x14c: {  	v8 =	vadd.s32 v8, v4;
	v4 =	vand.u32 $0x3, v4  }
0x14d: {  	v8 =	vshrl.u32 v8, $0x2;
	[tilespmem:$0x5370] =	vst v4  }
0x14e: {  	[tilespmem:$0x5270] =	vst v8  }
0x14f: {  	v4 =	vld.idx.msk [tilespmem:v6+s4+$0x0], $0xffff  }
0x150: {  	v6 =	vld [tilespmem:$0x1FFC0];
	_ =	sdelay $0x1  }
0x151: {  	v8 =	vld [tilespmem:$0x1FE80];
	_ =	sdelay $0x1  }
0x152: {  	v4 =	vtrunc.f32 v4  }
0x153: {  	v6 =	vor.u32 v6, v2;
	v4 =	vcvt.f32.s32 v4;
	_ =	sdelay $0x1  }
0x154: {  	v8 =	vadd.s32 v8, v4;
	v4 =	vand.u32 $0x3, v4  }
0x155: {  	v8 =	vshrl.u32 v8, $0x2;
	[tilespmem:$0x5380] =	vst v4  }
0x156: {  	[tilespmem:$0x5280] =	vst v8  }
0x157: {  	v4 =	vld.idx.msk [tilespmem:v6+s4+$0x0], $0xffff  }
0x158: {  	v6 =	vld [tilespmem:$0x1FFD0];
	_ =	sdelay $0x1  }
0x159: {  	v8 =	vld [tilespmem:$0x1FEA0];
	_ =	sdelay $0x1  }
0x15a: {  	v4 =	vtrunc.f32 v4  }
0x15b: {  	v6 =	vor.u32 v6, v2;
	v4 =	vcvt.f32.s32 v4;
	_ =	sdelay $0x1  }
0x15c: {  	v8 =	vadd.s32 v8, v4;
	v4 =	vand.u32 $0x3, v4  }
0x15d: {  	v8 =	vshrl.u32 v8, $0x2;
	[tilespmem:$0x5390] =	vst v4  }
0x15e: {  	[tilespmem:$0x5290] =	vst v8  }
0x15f: {  	v4 =	vld.idx.msk [tilespmem:v6+s4+$0x0], $0xffff  }
0x160: {  	v6 =	vld [tilespmem:$0x1FFE0];
	_ =	sdelay $0x1  }
0x161: {  	v8 =	vld [tilespmem:$0x1FEC0];
	_ =	sdelay $0x1  }
0x162: {  	v4 =	vtrunc.f32 v4  }
0x163: {  	v6 =	vor.u32 v6, v2;
	v4 =	vcvt.f32.s32 v4;
	_ =	sdelay $0x1  }
0x164: {  	v8 =	vadd.s32 v8, v4;
	v4 =	vand.u32 $0x3, v4  }
0x165: {  	v8 =	vshrl.u32 v8, $0x2;
	[tilespmem:$0x53A0] =	vst v4  }
0x166: {  	[tilespmem:$0x52A0] =	vst v8  }
0x167: {  	v4 =	vld.idx.msk [tilespmem:v6+s4+$0x0], $0xffff  }
0x168: {  	v6 =	vld [tilespmem:$0x1FFF0];
	_ =	sdelay $0x4  }
0x169: {  	v2 =	vor.u32 v6, v2;
	v6 =	vld [tilespmem:$0x1FEE0];
	_ =	sdelay $0x1  }
0x16a: {  	v4 =	vtrunc.f32 v4  }
0x16b: {  	v4 =	vcvt.f32.s32 v4;
	_ =	sdelay $0x1  }
0x16c: {  	v6 =	vadd.s32 v6, v4;
	v4 =	vand.u32 $0x3, v4  }
0x16d: {  	v6 =	vshrl.u32 v6, $0x2;
	[tilespmem:$0x53B0] =	vst v4  }
0x16e: {  	[tilespmem:$0x52B0] =	vst v6  }
0x16f: {  	v2 =	vld.idx.msk [tilespmem:v2+s4+$0x0], $0xffff;
	_ =	sdelay $0x2  }
0x170: {  	v4 =	vld [tilespmem:$0x1FF10];
	_ =	sdelay $0x1  }
0x171: {  	v2 =	vtrunc.f32 v2  }
0x172: {  	v2 =	vcvt.f32.s32 v2;
	_ =	sdelay $0x1  }
0x173: {  	v4 =	vadd.s32 v4, v2;
	v2 =	vand.u32 $0x3, v2  }
0x174: {  	v4 =	vshrl.u32 v4, $0x2;
	[tilespmem:$0x53C0] =	vst v2  }
0x175: {  	p0 =	seq.s32 s1, $0x0;
	[tilespmem:$0x52C0] =	vst v4  }
0x176: {  	[tilespmem:s21], [sflag:$0x2] =	stream.indirect.gather [hbm4b:s0+s15], $0x80, s20, s15, $0xb8;
	[tilespmem:$0x15D00] =	vst v63  }
0x177: {  	s12 =	simm.s32 @!p0 $0x3  }
0x178: {  	[tilespmem:s23], [sflag:$0x2] =	stream.indirect.gather [hbm4b:s0+s15], $0x80, s22, s15, $0xb8;
	[tilespmem:$0x15D00] =	vst v63  }
0x179: {  	_ =	swait.ge @!p0 [sflag:s12], $0x1C00  }
0x17a: {  	[sflag:s12] =	ssyncset.done @!p0 $0x0  }
0x17b: {  	[sflag:s12] =	ssyncadd.s32 @!p0 $0xFFFFE400  }
0x17c: {  	_ =	swait.ge [sflag:s24], $0x3400  }
0x17d: {  	[sflag:s24] =	ssyncset.done $0x0  }
0x17e: {  	[sflag:s24] =	ssyncadd.s32 $0xFFFFCC00  }
0x17f: {  	_ =	swait.ge [sflag:s24], $0x3400  }
0x180: {  	[sflag:s24] =	ssyncset.done $0x0  }
0x181: {  	s12 =	simm.s32 $0x0;
	[sflag:s24] =	ssyncadd.s32 $0xFFFFCC00  }
.LBB2_3:
0x182: {  	v35 =	vmov s12;
	_ =	sdelay $0x4  }
0x183: {  	v2 =	vld.idx.msk [tilespmem:v35+s25+$0x0], $0xffff;
	_ =	sdelay $0x4  }
0x184: {  	v2 =	vshll.u32 v2, $0x5  }
0x185: {  	v37 =	vshll.u32 v35, $0x7;
	v4 =	vor.u32 v1, v2;
	v6 =	vand.u32 $0xFFFFFF80, v2  }
0x186: {  	v4 =	vand.u32 $0x6F, v4;
	v6 =	vadd.s32 v37, v6  }
0x187: {  	v4 =	vor.u32 v4, v6;
	_ =	sdelay $0x3  }
0x188: {  	v2 =	vor.u32 v42, v2  }
0x189: {  	v8 =	vor.u32 v41, v37;
	v2 =	vand.u32 $0x7F, v2;
	v4 =	vld.idx.msk [tilespmem:v4+s17+$0x0], $0xffff  }
0x18a: {  	v2 =	vor.u32 v2, v6;
	_ =	sdelay $0x3  }
0x18b: {  	[tilespmem:v8+s26+$0x0] =	vst.idx.msk $0xffff, v4  }
0x18c: {  	v4 =	vor.u32 v43, v37;
	v2 =	vld.idx.msk [tilespmem:v2+s17+$0x0], $0xffff  }
0x18d: {  	v6 =	vor.u32 $0x8, v35;
	_ =	sdelay $0x3  }
0x18e: {  	[tilespmem:v4+s26+$0x0] =	vst.idx.msk $0xffff, v2  }
0x18f: {  	v2 =	vld.idx.msk [tilespmem:v6+s25+$0x0], $0xffff;
	_ =	sdelay $0x4  }
0x190: {  	v2 =	vshll.u32 v2, $0x5  }
0x191: {  	v6 =	vshll.u32 v6, $0x7;
	v4 =	vor.u32 v1, v2;
	v8 =	vand.u32 $0xFFFFFF80, v2  }
0x192: {  	v4 =	vand.u32 $0x6F, v4;
	v6 =	vadd.s32 v6, v8  }
0x193: {  	v4 =	vor.u32 v4, v6;
	_ =	sdelay $0x3  }
0x194: {  	v2 =	vor.u32 v42, v2  }
0x195: {  	v8 =	vor.u32 v44, v37;
	v2 =	vand.u32 $0x7F, v2;
	v4 =	vld.idx.msk [tilespmem:v4+s17+$0x0], $0xffff  }
0x196: {  	v2 =	vor.u32 v2, v6;
	_ =	sdelay $0x3  }
0x197: {  	[tilespmem:v8+s26+$0x0] =	vst.idx.msk $0xffff, v4  }
0x198: {  	v4 =	vor.u32 v45, v37;
	v2 =	vld.idx.msk [tilespmem:v2+s17+$0x0], $0xffff  }
0x199: {  	v6 =	vor.u32 $0x10, v35;
	_ =	sdelay $0x3  }
0x19a: {  	[tilespmem:v4+s26+$0x0] =	vst.idx.msk $0xffff, v2  }
0x19b: {  	v2 =	vld.idx.msk [tilespmem:v6+s25+$0x0], $0xffff;
	_ =	sdelay $0x4  }
0x19c: {  	v2 =	vshll.u32 v2, $0x5  }
0x19d: {  	v6 =	vshll.u32 v6, $0x7;
	v4 =	vor.u32 v1, v2;
	v8 =	vand.u32 $0xFFFFFF80, v2  }
0x19e: {  	v4 =	vand.u32 $0x6F, v4;
	v6 =	vadd.s32 v6, v8  }
0x19f: {  	v4 =	vor.u32 v4, v6;
	_ =	sdelay $0x3  }
0x1a0: {  	v2 =	vor.u32 v42, v2  }
0x1a1: {  	v8 =	vor.u32 v46, v37;
	v2 =	vand.u32 $0x7F, v2;
	v4 =	vld.idx.msk [tilespmem:v4+s17+$0x0], $0xffff  }
0x1a2: {  	v2 =	vor.u32 v2, v6;
	_ =	sdelay $0x3  }
0x1a3: {  	[tilespmem:v8+s26+$0x0] =	vst.idx.msk $0xffff, v4  }
0x1a4: {  	v4 =	vor.u32 v47, v37;
	v2 =	vld.idx.msk [tilespmem:v2+s17+$0x0], $0xffff  }
0x1a5: {  	v6 =	vor.u32 $0x18, v35;
	_ =	sdelay $0x3  }
0x1a6: {  	[tilespmem:v4+s26+$0x0] =	vst.idx.msk $0xffff, v2  }
0x1a7: {  	v2 =	vld.idx.msk [tilespmem:v6+s25+$0x0], $0xffff;
	_ =	sdelay $0x4  }
0x1a8: {  	v2 =	vshll.u32 v2, $0x5  }
0x1a9: {  	v6 =	vshll.u32 v6, $0x7;
	v4 =	vor.u32 v1, v2;
	v8 =	vand.u32 $0xFFFFFF80, v2  }
0x1aa: {  	v4 =	vand.u32 $0x6F, v4;
	v6 =	vadd.s32 v6, v8  }
0x1ab: {  	v4 =	vor.u32 v4, v6;
	_ =	sdelay $0x3  }
0x1ac: {  	v2 =	vor.u32 v42, v2  }
0x1ad: {  	v8 =	vor.u32 v48, v37;
	v2 =	vand.u32 $0x7F, v2;
	v4 =	vld.idx.msk [tilespmem:v4+s17+$0x0], $0xffff  }
0x1ae: {  	v2 =	vor.u32 v2, v6;
	_ =	sdelay $0x3  }
0x1af: {  	[tilespmem:v8+s26+$0x0] =	vst.idx.msk $0xffff, v4  }
0x1b0: {  	v4 =	vor.u32 v49, v37;
	v2 =	vld.idx.msk [tilespmem:v2+s17+$0x0], $0xffff  }
0x1b1: {  	v6 =	vor.u32 $0x20, v35;
	_ =	sdelay $0x3  }
0x1b2: {  	[tilespmem:v4+s26+$0x0] =	vst.idx.msk $0xffff, v2  }
0x1b3: {  	v2 =	vld.idx.msk [tilespmem:v6+s25+$0x0], $0xffff;
	_ =	sdelay $0x4  }
0x1b4: {  	v2 =	vshll.u32 v2, $0x5  }
0x1b5: {  	v6 =	vshll.u32 v6, $0x7;
	v4 =	vor.u32 v1, v2;
	v8 =	vand.u32 $0xFFFFFF80, v2  }
0x1b6: {  	v4 =	vand.u32 $0x6F, v4;
	v6 =	vadd.s32 v6, v8  }
0x1b7: {  	v4 =	vor.u32 v4, v6;
	_ =	sdelay $0x3  }
0x1b8: {  	v2 =	vor.u32 v42, v2  }
0x1b9: {  	v8 =	vor.u32 v50, v37;
	v2 =	vand.u32 $0x7F, v2;
	v4 =	vld.idx.msk [tilespmem:v4+s17+$0x0], $0xffff  }
0x1ba: {  	v2 =	vor.u32 v2, v6;
	_ =	sdelay $0x3  }
0x1bb: {  	[tilespmem:v8+s26+$0x0] =	vst.idx.msk $0xffff, v4  }
0x1bc: {  	v4 =	vor.u32 v51, v37;
	v2 =	vld.idx.msk [tilespmem:v2+s17+$0x0], $0xffff  }
0x1bd: {  	v6 =	vor.u32 $0x28, v35;
	_ =	sdelay $0x3  }
0x1be: {  	[tilespmem:v4+s26+$0x0] =	vst.idx.msk $0xffff, v2  }
0x1bf: {  	v2 =	vld.idx.msk [tilespmem:v6+s25+$0x0], $0xffff;
	_ =	sdelay $0x4  }
0x1c0: {  	v2 =	vshll.u32 v2, $0x5  }
0x1c1: {  	v6 =	vshll.u32 v6, $0x7;
	v4 =	vor.u32 v1, v2;
	v8 =	vand.u32 $0xFFFFFF80, v2  }
0x1c2: {  	v4 =	vand.u32 $0x6F, v4;
	v6 =	vadd.s32 v6, v8  }
0x1c3: {  	v4 =	vor.u32 v4, v6;
	_ =	sdelay $0x3  }
0x1c4: {  	v2 =	vor.u32 v42, v2  }
0x1c5: {  	v8 =	vor.u32 v52, v37;
	v2 =	vand.u32 $0x7F, v2;
	v4 =	vld.idx.msk [tilespmem:v4+s17+$0x0], $0xffff  }
0x1c6: {  	v2 =	vor.u32 v2, v6;
	_ =	sdelay $0x3  }
0x1c7: {  	[tilespmem:v8+s26+$0x0] =	vst.idx.msk $0xffff, v4  }
0x1c8: {  	v4 =	vor.u32 v53, v37;
	v2 =	vld.idx.msk [tilespmem:v2+s17+$0x0], $0xffff  }
0x1c9: {  	v6 =	vor.u32 $0x30, v35;
	_ =	sdelay $0x3  }
0x1ca: {  	[tilespmem:v4+s26+$0x0] =	vst.idx.msk $0xffff, v2  }
0x1cb: {  	v2 =	vld.idx.msk [tilespmem:v6+s25+$0x0], $0xffff;
	_ =	sdelay $0x4  }
0x1cc: {  	v2 =	vshll.u32 v2, $0x5  }
0x1cd: {  	v6 =	vshll.u32 v6, $0x7;
	v4 =	vor.u32 v1, v2;
	v8 =	vand.u32 $0xFFFFFF80, v2  }
0x1ce: {  	v4 =	vand.u32 $0x6F, v4;
	v6 =	vadd.s32 v6, v8  }
0x1cf: {  	v4 =	vor.u32 v4, v6;
	_ =	sdelay $0x3  }
0x1d0: {  	v2 =	vor.u32 v42, v2  }
0x1d1: {  	v8 =	vor.u32 v54, v37;
	v2 =	vand.u32 $0x7F, v2;
	v4 =	vld.idx.msk [tilespmem:v4+s17+$0x0], $0xffff  }
0x1d2: {  	v2 =	vor.u32 v2, v6;
	_ =	sdelay $0x3  }
0x1d3: {  	[tilespmem:v8+s26+$0x0] =	vst.idx.msk $0xffff, v4  }
0x1d4: {  	v4 =	vor.u32 v55, v37;
	v2 =	vld.idx.msk [tilespmem:v2+s17+$0x0], $0xffff  }
0x1d5: {  	v6 =	vor.u32 $0x38, v35;
	_ =	sdelay $0x3  }
0x1d6: {  	[tilespmem:v4+s26+$0x0] =	vst.idx.msk $0xffff, v2  }
0x1d7: {  	v2 =	vld.idx.msk [tilespmem:v6+s25+$0x0], $0xffff;
	_ =	sdelay $0x4  }
0x1d8: {  	v2 =	vshll.u32 v2, $0x5  }
0x1d9: {  	v6 =	vshll.u32 v6, $0x7;
	v4 =	vor.u32 v1, v2;
	v8 =	vand.u32 $0xFFFFFF80, v2  }
0x1da: {  	v4 =	vand.u32 $0x6F, v4;
	v6 =	vadd.s32 v6, v8  }
0x1db: {  	v4 =	vor.u32 v4, v6;
	_ =	sdelay $0x3  }
0x1dc: {  	v2 =	vor.u32 v42, v2  }
0x1dd: {  	v8 =	vor.u32 v56, v37;
	v2 =	vand.u32 $0x7F, v2;
	v4 =	vld.idx.msk [tilespmem:v4+s17+$0x0], $0xffff  }
0x1de: {  	v2 =	vor.u32 v2, v6;
	_ =	sdelay $0x3  }
0x1df: {  	[tilespmem:v8+s26+$0x0] =	vst.idx.msk $0xffff, v4  }
0x1e0: {  	v4 =	vor.u32 v57, v37;
	v2 =	vld.idx.msk [tilespmem:v2+s17+$0x0], $0xffff  }
0x1e1: {  	v6 =	vor.u32 $0x40, v35;
	_ =	sdelay $0x3  }
0x1e2: {  	[tilespmem:v4+s26+$0x0] =	vst.idx.msk $0xffff, v2  }
0x1e3: {  	v2 =	vld.idx.msk [tilespmem:v6+s25+$0x0], $0xffff;
	_ =	sdelay $0x4  }
0x1e4: {  	v2 =	vshll.u32 v2, $0x5  }
0x1e5: {  	v6 =	vshll.u32 v6, $0x7;
	v4 =	vor.u32 v1, v2;
	v8 =	vand.u32 $0xFFFFFF80, v2  }
0x1e6: {  	v4 =	vand.u32 $0x6F, v4;
	v6 =	vadd.s32 v6, v8  }
0x1e7: {  	v4 =	vor.u32 v4, v6;
	_ =	sdelay $0x3  }
0x1e8: {  	v2 =	vor.u32 v42, v2  }
0x1e9: {  	v8 =	vor.u32 v58, v37;
	v2 =	vand.u32 $0x7F, v2;
	v4 =	vld.idx.msk [tilespmem:v4+s17+$0x0], $0xffff  }
0x1ea: {  	v2 =	vor.u32 v2, v6;
	_ =	sdelay $0x3  }
0x1eb: {  	[tilespmem:v8+s26+$0x0] =	vst.idx.msk $0xffff, v4  }
0x1ec: {  	v4 =	vor.u32 v0, v37;
	v2 =	vld.idx.msk [tilespmem:v2+s17+$0x0], $0xffff  }
0x1ed: {  	v6 =	vor.u32 $0x48, v35;
	_ =	sdelay $0x3  }
0x1ee: {  	[tilespmem:v4+s26+$0x0] =	vst.idx.msk $0xffff, v2  }
0x1ef: {  	v2 =	vld.idx.msk [tilespmem:v6+s25+$0x0], $0xffff;
	_ =	sdelay $0x4  }
0x1f0: {  	v2 =	vshll.u32 v2, $0x5  }
0x1f1: {  	v6 =	vshll.u32 v6, $0x7;
	v4 =	vor.u32 v1, v2;
	v8 =	vand.u32 $0xFFFFFF80, v2  }
0x1f2: {  	v4 =	vand.u32 $0x6F, v4;
	v6 =	vadd.s32 v6, v8  }
0x1f3: {  	v4 =	vor.u32 v4, v6;
	_ =	sdelay $0x3  }
0x1f4: {  	v2 =	vor.u32 v42, v2  }
0x1f5: {  	v8 =	vor.u32 v3, v37;
	v2 =	vand.u32 $0x7F, v2;
	v4 =	vld.idx.msk [tilespmem:v4+s17+$0x0], $0xffff  }
0x1f6: {  	v2 =	vor.u32 v2, v6;
	_ =	sdelay $0x3  }
0x1f7: {  	[tilespmem:v8+s26+$0x0] =	vst.idx.msk $0xffff, v4  }
0x1f8: {  	v4 =	vor.u32 v5, v37;
	v2 =	vld.idx.msk [tilespmem:v2+s17+$0x0], $0xffff  }
0x1f9: {  	v6 =	vor.u32 $0x50, v35;
	_ =	sdelay $0x3  }
0x1fa: {  	[tilespmem:v4+s26+$0x0] =	vst.idx.msk $0xffff, v2  }
0x1fb: {  	v2 =	vld.idx.msk [tilespmem:v6+s25+$0x0], $0xffff;
	_ =	sdelay $0x4  }
0x1fc: {  	v2 =	vshll.u32 v2, $0x5  }
0x1fd: {  	v6 =	vshll.u32 v6, $0x7;
	v4 =	vor.u32 v1, v2;
	v8 =	vand.u32 $0xFFFFFF80, v2  }
0x1fe: {  	v4 =	vand.u32 $0x6F, v4;
	v6 =	vadd.s32 v6, v8  }
0x1ff: {  	v4 =	vor.u32 v4, v6;
	_ =	sdelay $0x3  }
0x200: {  	v2 =	vor.u32 v42, v2  }
0x201: {  	v8 =	vor.u32 v7, v37;
	v2 =	vand.u32 $0x7F, v2;
	v4 =	vld.idx.msk [tilespmem:v4+s17+$0x0], $0xffff  }
0x202: {  	v2 =	vor.u32 v2, v6;
	_ =	sdelay $0x3  }
0x203: {  	v13 =	vadd.s32 $0x85D, v1;
	[tilespmem:v8+s26+$0x0] =	vst.idx.msk $0xffff, v4  }
0x204: {  	v4 =	vor.u32 v13, v37;
	v2 =	vld.idx.msk [tilespmem:v2+s17+$0x0], $0xffff  }
0x205: {  	v6 =	vor.u32 $0x58, v35;
	_ =	sdelay $0x3  }
0x206: {  	[tilespmem:v4+s26+$0x0] =	vst.idx.msk $0xffff, v2  }
0x207: {  	v2 =	vld.idx.msk [tilespmem:v6+s25+$0x0], $0xffff;
	_ =	sdelay $0x4  }
0x208: {  	v2 =	vshll.u32 v2, $0x5  }
0x209: {  	v6 =	vshll.u32 v6, $0x7;
	v4 =	vor.u32 v1, v2;
	v8 =	vand.u32 $0xFFFFFF80, v2  }
0x20a: {  	v4 =	vand.u32 $0x6F, v4;
	v6 =	vadd.s32 v6, v8  }
0x20b: {  	v4 =	vor.u32 v4, v6;
	_ =	sdelay $0x3  }
0x20c: {  	v15 =	vadd.s32 $0x86D, v1;
	v2 =	vor.u32 v42, v2  }
0x20d: {  	v8 =	vor.u32 v15, v37;
	v2 =	vand.u32 $0x7F, v2;
	v4 =	vld.idx.msk [tilespmem:v4+s17+$0x0], $0xffff  }
0x20e: {  	v2 =	vor.u32 v2, v6;
	_ =	sdelay $0x3  }
0x20f: {  	[tilespmem:v8+s26+$0x0] =	vst.idx.msk $0xffff, v4  }
0x210: {  	v4 =	vor.u32 v59, v37;
	v2 =	vld.idx.msk [tilespmem:v2+s17+$0x0], $0xffff  }
0x211: {  	v6 =	vor.u32 $0x60, v35;
	_ =	sdelay $0x3  }
0x212: {  	[tilespmem:v4+s26+$0x0] =	vst.idx.msk $0xffff, v2  }
0x213: {  	v2 =	vld.idx.msk [tilespmem:v6+s25+$0x0], $0xffff;
	_ =	sdelay $0x4  }
0x214: {  	v2 =	vshll.u32 v2, $0x5  }
0x215: {  	v6 =	vshll.u32 v6, $0x7;
	v4 =	vor.u32 v1, v2;
	v8 =	vand.u32 $0xFFFFFF80, v2  }
0x216: {  	v4 =	vand.u32 $0x6F, v4;
	v6 =	vadd.s32 v6, v8  }
0x217: {  	v4 =	vor.u32 v4, v6;
	_ =	sdelay $0x3  }
0x218: {  	v17 =	vadd.s32 $0xC0D, v1;
	v2 =	vor.u32 v42, v2  }
0x219: {  	v8 =	vor.u32 v17, v37;
	v2 =	vand.u32 $0x7F, v2;
	v4 =	vld.idx.msk [tilespmem:v4+s17+$0x0], $0xffff  }
0x21a: {  	v2 =	vor.u32 v2, v6;
	_ =	sdelay $0x3  }
0x21b: {  	v19 =	vadd.s32 $0xC1D, v1;
	[tilespmem:v8+s26+$0x0] =	vst.idx.msk $0xffff, v4  }
0x21c: {  	v4 =	vor.u32 v19, v37;
	v2 =	vld.idx.msk [tilespmem:v2+s17+$0x0], $0xffff  }
0x21d: {  	v6 =	vor.u32 $0x68, v35;
	_ =	sdelay $0x3  }
0x21e: {  	[tilespmem:v4+s26+$0x0] =	vst.idx.msk $0xffff, v2  }
0x21f: {  	v2 =	vld.idx.msk [tilespmem:v6+s25+$0x0], $0xffff;
	_ =	sdelay $0x4  }
0x220: {  	v2 =	vshll.u32 v2, $0x5  }
0x221: {  	v6 =	vshll.u32 v6, $0x7;
	v4 =	vor.u32 v1, v2;
	v8 =	vand.u32 $0xFFFFFF80, v2  }
0x222: {  	v4 =	vand.u32 $0x6F, v4;
	v6 =	vadd.s32 v6, v8  }
0x223: {  	v4 =	vor.u32 v4, v6;
	_ =	sdelay $0x3  }
0x224: {  	v21 =	vadd.s32 $0xC2D, v1;
	v2 =	vor.u32 v42, v2  }
0x225: {  	v8 =	vor.u32 v21, v37;
	v2 =	vand.u32 $0x7F, v2;
	v4 =	vld.idx.msk [tilespmem:v4+s17+$0x0], $0xffff  }
0x226: {  	v2 =	vor.u32 v2, v6;
	_ =	sdelay $0x3  }
0x227: {  	v23 =	vadd.s32 $0xC3D, v1;
	[tilespmem:v8+s26+$0x0] =	vst.idx.msk $0xffff, v4  }
0x228: {  	v4 =	vor.u32 v23, v37;
	v2 =	vld.idx.msk [tilespmem:v2+s17+$0x0], $0xffff  }
0x229: {  	v6 =	vor.u32 $0x70, v35;
	_ =	sdelay $0x3  }
0x22a: {  	[tilespmem:v4+s26+$0x0] =	vst.idx.msk $0xffff, v2  }
0x22b: {  	v2 =	vld.idx.msk [tilespmem:v6+s25+$0x0], $0xffff;
	_ =	sdelay $0x4  }
0x22c: {  	v2 =	vshll.u32 v2, $0x5  }
0x22d: {  	v6 =	vshll.u32 v6, $0x7;
	v4 =	vor.u32 v1, v2;
	v8 =	vand.u32 $0xFFFFFF80, v2  }
0x22e: {  	v4 =	vand.u32 $0x6F, v4;
	v6 =	vadd.s32 v6, v8  }
0x22f: {  	v4 =	vor.u32 v4, v6;
	_ =	sdelay $0x3  }
0x230: {  	v25 =	vadd.s32 $0xC4D, v1;
	v2 =	vor.u32 v42, v2  }
0x231: {  	v8 =	vor.u32 v25, v37;
	v2 =	vand.u32 $0x7F, v2;
	v4 =	vld.idx.msk [tilespmem:v4+s17+$0x0], $0xffff  }
0x232: {  	v6 =	vor.u32 v2, v6;
	_ =	sdelay $0x3  }
0x233: {  	v2 =	vadd.s32 $0xC5D, v1;
	[tilespmem:v8+s26+$0x0] =	vst.idx.msk $0xffff, v4  }
0x234: {  	v4 =	vld.idx.msk [tilespmem:v6+s17+$0x0], $0xffff;
	v6 =	vor.u32 v2, v37  }
0x235: {  	v8 =	vor.u32 $0x78, v35;
	_ =	sdelay $0x3  }
0x236: {  	[tilespmem:v6+s26+$0x0] =	vst.idx.msk $0xffff, v4  }
0x237: {  	v4 =	vld.idx.msk [tilespmem:v8+s25+$0x0], $0xffff;
	_ =	sdelay $0x4  }
0x238: {  	v6 =	vshll.u32 v4, $0x5  }
0x239: {  	v8 =	vshll.u32 v8, $0x7;
	v4 =	vor.u32 v1, v6;
	v10 =	vand.u32 $0xFFFFFF80, v6  }
0x23a: {  	v4 =	vand.u32 $0x6F, v4;
	v8 =	vadd.s32 v8, v10  }
0x23b: {  	v10 =	vor.u32 v4, v8;
	_ =	sdelay $0x3  }
0x23c: {  	v6 =	vor.u32 v42, v6;
	v4 =	vadd.s32 $0xC6D, v1  }
0x23d: {  	v6 =	vand.u32 $0x7F, v6;
	v12 =	vor.u32 v4, v37;
	v10 =	vld.idx.msk [tilespmem:v10+s17+$0x0], $0xffff  }
0x23e: {  	v6 =	vor.u32 v6, v8;
	_ =	sdelay $0x3  }
0x23f: {  	[tilespmem:v12+s26+$0x0] =	vst.idx.msk $0xffff, v10  }
0x240: {  	v8 =	vor.u32 v60, v37;
	v6 =	vld.idx.msk [tilespmem:v6+s17+$0x0], $0xffff  }
0x241: {  	v10 =	vor.u32 $0x80, v35;
	_ =	sdelay $0x3  }
0x242: {  	[tilespmem:v8+s26+$0x0] =	vst.idx.msk $0xffff, v6  }
0x243: {  	v6 =	vld.idx.msk [tilespmem:v10+s25+$0x0], $0xffff;
	_ =	sdelay $0x4  }
0x244: {  	v8 =	vshll.u32 v6, $0x5  }
0x245: {  	v10 =	vshll.u32 v10, $0x7;
	v6 =	vor.u32 v1, v8;
	v12 =	vand.u32 $0xFFFFFF80, v8  }
0x246: {  	v6 =	vand.u32 $0x6F, v6;
	v10 =	vadd.s32 v10, v12  }
0x247: {  	v12 =	vor.u32 v6, v10;
	_ =	sdelay $0x3  }
0x248: {  	v8 =	vor.u32 v42, v8;
	v6 =	vadd.s32 $0x100D, v1  }
0x249: {  	v8 =	vand.u32 $0x7F, v8;
	v14 =	vor.u32 v6, v37;
	v12 =	vld.idx.msk [tilespmem:v12+s17+$0x0], $0xffff  }
0x24a: {  	v10 =	vor.u32 v8, v10;
	_ =	sdelay $0x3  }
0x24b: {  	v8 =	vadd.s32 $0x101D, v1;
	[tilespmem:v14+s26+$0x0] =	vst.idx.msk $0xffff, v12  }
0x24c: {  	v12 =	vor.u32 v8, v37;
	v10 =	vld.idx.msk [tilespmem:v10+s17+$0x0], $0xffff  }
0x24d: {  	v14 =	vor.u32 $0x88, v35;
	_ =	sdelay $0x3  }
0x24e: {  	[tilespmem:v12+s26+$0x0] =	vst.idx.msk $0xffff, v10  }
0x24f: {  	v10 =	vld.idx.msk [tilespmem:v14+s25+$0x0], $0xffff;
	_ =	sdelay $0x4  }
0x250: {  	v12 =	vshll.u32 v10, $0x5  }
0x251: {  	v14 =	vshll.u32 v14, $0x7;
	v10 =	vor.u32 v1, v12;
	v16 =	vand.u32 $0xFFFFFF80, v12  }
0x252: {  	v10 =	vand.u32 $0x6F, v10;
	v14 =	vadd.s32 v14, v16  }
0x253: {  	v16 =	vor.u32 v10, v14;
	_ =	sdelay $0x3  }
0x254: {  	v12 =	vor.u32 v42, v12;
	v10 =	vadd.s32 $0x102D, v1  }
0x255: {  	v12 =	vand.u32 $0x7F, v12;
	v18 =	vor.u32 v10, v37;
	v16 =	vld.idx.msk [tilespmem:v16+s17+$0x0], $0xffff  }
0x256: {  	v14 =	vor.u32 v12, v14;
	_ =	sdelay $0x3  }
0x257: {  	v12 =	vadd.s32 $0x103D, v1;
	[tilespmem:v18+s26+$0x0] =	vst.idx.msk $0xffff, v16  }
0x258: {  	v16 =	vor.u32 v12, v37;
	v14 =	vld.idx.msk [tilespmem:v14+s17+$0x0], $0xffff  }
0x259: {  	v18 =	vor.u32 $0x90, v35;
	_ =	sdelay $0x3  }
0x25a: {  	[tilespmem:v16+s26+$0x0] =	vst.idx.msk $0xffff, v14  }
0x25b: {  	v14 =	vld.idx.msk [tilespmem:v18+s25+$0x0], $0xffff;
	_ =	sdelay $0x4  }
0x25c: {  	v16 =	vshll.u32 v14, $0x5  }
0x25d: {  	v18 =	vshll.u32 v18, $0x7;
	v14 =	vor.u32 v1, v16;
	v20 =	vand.u32 $0xFFFFFF80, v16  }
0x25e: {  	v14 =	vand.u32 $0x6F, v14;
	v18 =	vadd.s32 v18, v20  }
0x25f: {  	v20 =	vor.u32 v14, v18;
	_ =	sdelay $0x3  }
0x260: {  	v16 =	vor.u32 v42, v16;
	v14 =	vadd.s32 $0x104D, v1  }
0x261: {  	v16 =	vand.u32 $0x7F, v16;
	v27 =	vor.u32 v14, v37;
	v20 =	vld.idx.msk [tilespmem:v20+s17+$0x0], $0xffff  }
0x262: {  	v18 =	vor.u32 v16, v18;
	_ =	sdelay $0x3  }
0x263: {  	v16 =	vadd.s32 $0x105D, v1;
	[tilespmem:v27+s26+$0x0] =	vst.idx.msk $0xffff, v20  }
0x264: {  	v20 =	vor.u32 v16, v37;
	v18 =	vld.idx.msk [tilespmem:v18+s17+$0x0], $0xffff  }
0x265: {  	v27 =	vor.u32 $0x98, v35;
	_ =	sdelay $0x3  }
0x266: {  	[tilespmem:v20+s26+$0x0] =	vst.idx.msk $0xffff, v18  }
0x267: {  	v18 =	vld.idx.msk [tilespmem:v27+s25+$0x0], $0xffff;
	_ =	sdelay $0x4  }
0x268: {  	v20 =	vshll.u32 v18, $0x5  }
0x269: {  	v27 =	vshll.u32 v27, $0x7;
	v18 =	vor.u32 v1, v20;
	v28 =	vand.u32 $0xFFFFFF80, v20  }
0x26a: {  	v18 =	vand.u32 $0x6F, v18;
	v27 =	vadd.s32 v27, v28  }
0x26b: {  	v28 =	vor.u32 v18, v27;
	_ =	sdelay $0x3  }
0x26c: {  	v20 =	vor.u32 v42, v20;
	v18 =	vadd.s32 $0x106D, v1  }
0x26d: {  	v20 =	vand.u32 $0x7F, v20;
	v29 =	vor.u32 v18, v37;
	v28 =	vld.idx.msk [tilespmem:v28+s17+$0x0], $0xffff  }
0x26e: {  	v20 =	vor.u32 v20, v27;
	_ =	sdelay $0x3  }
0x26f: {  	[tilespmem:v29+s26+$0x0] =	vst.idx.msk $0xffff, v28  }
0x270: {  	v27 =	vor.u32 v61, v37;
	v20 =	vld.idx.msk [tilespmem:v20+s17+$0x0], $0xffff  }
0x271: {  	v28 =	vor.u32 $0xA0, v35;
	_ =	sdelay $0x3  }
0x272: {  	[tilespmem:v27+s26+$0x0] =	vst.idx.msk $0xffff, v20  }
0x273: {  	v20 =	vld.idx.msk [tilespmem:v28+s25+$0x0], $0xffff;
	_ =	sdelay $0x4  }
0x274: {  	v20 =	vshll.u32 v20, $0x5  }
0x275: {  	v28 =	vshll.u32 v28, $0x7;
	v27 =	vor.u32 v1, v20;
	v29 =	vand.u32 $0xFFFFFF80, v20  }
0x276: {  	v27 =	vand.u32 $0x6F, v27;
	v28 =	vadd.s32 v28, v29  }
0x277: {  	v29 =	vor.u32 v27, v28;
	_ =	sdelay $0x3  }
0x278: {  	v20 =	vor.u32 v42, v20;
	v27 =	vadd.s32 $0x140D, v1  }
0x279: {  	v20 =	vand.u32 $0x7F, v20;
	v30 =	vor.u32 v27, v37;
	v29 =	vld.idx.msk [tilespmem:v29+s17+$0x0], $0xffff  }
0x27a: {  	v20 =	vor.u32 v20, v28;
	_ =	sdelay $0x3  }
0x27b: {  	v28 =	vadd.s32 $0x141D, v1;
	[tilespmem:v30+s26+$0x0] =	vst.idx.msk $0xffff, v29  }
0x27c: {  	v29 =	vor.u32 v28, v37;
	v20 =	vld.idx.msk [tilespmem:v20+s17+$0x0], $0xffff  }
0x27d: {  	v30 =	vor.u32 $0xA8, v35;
	_ =	sdelay $0x3  }
0x27e: {  	[tilespmem:v29+s26+$0x0] =	vst.idx.msk $0xffff, v20  }
0x27f: {  	v20 =	vld.idx.msk [tilespmem:v30+s25+$0x0], $0xffff;
	_ =	sdelay $0x4  }
0x280: {  	v29 =	vshll.u32 v20, $0x5  }
0x281: {  	v30 =	vshll.u32 v30, $0x7;
	v20 =	vor.u32 v1, v29;
	v31 =	vand.u32 $0xFFFFFF80, v29  }
0x282: {  	v20 =	vand.u32 $0x6F, v20;
	v30 =	vadd.s32 v30, v31  }
0x283: {  	v31 =	vor.u32 v20, v30;
	_ =	sdelay $0x3  }
0x284: {  	v29 =	vor.u32 v42, v29;
	v20 =	vadd.s32 $0x142D, v1  }
0x285: {  	v29 =	vand.u32 $0x7F, v29;
	v32 =	vor.u32 v20, v37;
	v31 =	vld.idx.msk [tilespmem:v31+s17+$0x0], $0xffff  }
0x286: {  	v30 =	vor.u32 v29, v30;
	_ =	sdelay $0x3  }
0x287: {  	v29 =	vadd.s32 $0x143D, v1;
	[tilespmem:v32+s26+$0x0] =	vst.idx.msk $0xffff, v31  }
0x288: {  	v31 =	vor.u32 v29, v37;
	v30 =	vld.idx.msk [tilespmem:v30+s17+$0x0], $0xffff  }
0x289: {  	v38 =	vor.u32 $0xB0, v35;
	_ =	sdelay $0x3  }
0x28a: {  	[tilespmem:v31+s26+$0x0] =	vst.idx.msk $0xffff, v30  }
0x28b: {  	v30 =	vld.idx.msk [tilespmem:v38+s25+$0x0], $0xffff;
	_ =	sdelay $0x4  }
0x28c: {  	v31 =	vshll.u32 v30, $0x5  }
0x28d: {  	v32 =	vshll.u32 v38, $0x7;
	v30 =	vor.u32 v1, v31;
	v33 =	vand.u32 $0xFFFFFF80, v31  }
0x28e: {  	v30 =	vand.u32 $0x6F, v30;
	v32 =	vadd.s32 v32, v33  }
0x28f: {  	v33 =	vor.u32 v30, v32;
	_ =	sdelay $0x3  }
0x290: {  	v31 =	vor.u32 v42, v31;
	v30 =	vadd.s32 $0x144D, v1  }
0x291: {  	v31 =	vand.u32 $0x7F, v31;
	v34 =	vor.u32 v30, v37;
	v33 =	vld.idx.msk [tilespmem:v33+s17+$0x0], $0xffff  }
0x292: {  	v32 =	vor.u32 v31, v32;
	_ =	sdelay $0x3  }
0x293: {  	v31 =	vadd.s32 $0x145D, v1;
	[tilespmem:v34+s26+$0x0] =	vst.idx.msk $0xffff, v33  }
0x294: {  	v39 =	vor.u32 v31, v37;
	v32 =	vld.idx.msk [tilespmem:v32+s17+$0x0], $0xffff  }
0x295: {  	v34 =	vor.u32 $0xB8, v35;
	_ =	sdelay $0x3  }
0x296: {  	[tilespmem:v39+s26+$0x0] =	vst.idx.msk $0xffff, v32  }
0x297: {  	v32 =	vld.idx.msk [tilespmem:v34+s25+$0x0], $0xffff;
	_ =	sdelay $0x4  }
0x298: {  	v40 =	vshll.u32 v32, $0x5  }
0x299: {  	v34 =	vshll.u32 v34, $0x7;
	v32 =	vor.u32 v1, v40;
	v36 =	vand.u32 $0xFFFFFF80, v40  }
0x29a: {  	v32 =	vand.u32 $0x6F, v32;
	v34 =	vadd.s32 v34, v36  }
0x29b: {  	v36 =	vor.u32 v32, v34;
	_ =	sdelay $0x3  }
0x29c: {  	v33 =	vor.u32 v42, v40;
	v32 =	vadd.s32 $0x146D, v1  }
0x29d: {  	v33 =	vand.u32 $0x7F, v33;
	v38 =	vor.u32 v32, v37;
	v36 =	vld.idx.msk [tilespmem:v36+s17+$0x0], $0xffff  }
0x29e: {  	v33 =	vor.u32 v33, v34;
	_ =	sdelay $0x3  }
0x29f: {  	[tilespmem:v38+s26+$0x0] =	vst.idx.msk $0xffff, v36  }
0x2a0: {  	v40 =	vor.u32 v62, v37;
	v33 =	vld.idx.msk [tilespmem:v33+s17+$0x0], $0xffff  }
0x2a1: {  	v36 =	vor.u32 $0xC0, v35;
	_ =	sdelay $0x3  }
0x2a2: {  	[tilespmem:v40+s26+$0x0] =	vst.idx.msk $0xffff, v33  }
0x2a3: {  	v33 =	vld.idx.msk [tilespmem:v36+s25+$0x0], $0xffff;
	_ =	sdelay $0x4  }
0x2a4: {  	v34 =	vshll.u32 v33, $0x5  }
0x2a5: {  	v36 =	vshll.u32 v36, $0x7;
	v33 =	vor.u32 v1, v34;
	v40 =	vand.u32 $0xFFFFFF80, v34  }
0x2a6: {  	v33 =	vand.u32 $0x6F, v33;
	v36 =	vadd.s32 v36, v40  }
0x2a7: {  	v38 =	vor.u32 v33, v36;
	_ =	sdelay $0x3  }
0x2a8: {  	v34 =	vor.u32 v42, v34;
	v33 =	vadd.s32 $0x180D, v1  }
0x2a9: {  	v34 =	vand.u32 $0x7F, v34;
	v39 =	vor.u32 v33, v37;
	v38 =	vld.idx.msk [tilespmem:v38+s17+$0x0], $0xffff  }
0x2aa: {  	v36 =	vor.u32 v34, v36;
	_ =	sdelay $0x3  }
0x2ab: {  	v34 =	vadd.s32 $0x181D, v1;
	[tilespmem:v39+s26+$0x0] =	vst.idx.msk $0xffff, v38  }
0x2ac: {  	v40 =	vor.u32 v34, v37;
	v36 =	vld.idx.msk [tilespmem:v36+s17+$0x0], $0xffff  }
0x2ad: {  	v35 =	vor.u32 $0xC8, v35;
	_ =	sdelay $0x3  }
0x2ae: {  	[tilespmem:v40+s26+$0x0] =	vst.idx.msk $0xffff, v36  }
0x2af: {  	v36 =	vld.idx.msk [tilespmem:v35+s25+$0x0], $0xffff;
	_ =	sdelay $0x4  }
0x2b0: {  	v36 =	vshll.u32 v36, $0x5  }
0x2b1: {  	v35 =	vshll.u32 v35, $0x7;
	v38 =	vor.u32 v1, v36;
	v39 =	vand.u32 $0xFFFFFF80, v36  }
0x2b2: {  	v38 =	vand.u32 $0x6F, v38;
	v39 =	vadd.s32 v35, v39  }
0x2b3: {  	v38 =	vor.u32 v38, v39;
	_ =	sdelay $0x3  }
0x2b4: {  	v36 =	vor.u32 v42, v36;
	v35 =	vadd.s32 $0x182D, v1  }
0x2b5: {  	v36 =	vand.u32 $0x7F, v36;
	v40 =	vor.u32 v35, v37;
	v38 =	vld.idx.msk [tilespmem:v38+s17+$0x0], $0xffff  }
0x2b6: {  	v39 =	vor.u32 v36, v39;
	_ =	sdelay $0x3  }
0x2b7: {  	v36 =	vadd.s32 $0x183D, v1;
	[tilespmem:v40+s26+$0x0] =	vst.idx.msk $0xffff, v38  }
0x2b8: {  	p0 =	sne.s32 s12, $0x7;
	v37 =	vor.u32 v36, v37;
	v38 =	vld.idx.msk [tilespmem:v39+s17+$0x0], $0xffff  }
.Ltmp0:
0x2b9: {  	_ = 	snop;
	(pc) =	sbr.rel @p0 .LBB2_3-.Ltmp0, $2  }
0x2ba: {  	_ =	sdelay $0x2  }
0x2bb: {  	s12 =	sadd.s32 $0x1, s12;
	[tilespmem:v37+s26+$0x0] =	vst.idx.msk $0xffff, v38  }
0x2bc: {  	v37 =	vld [tilespmem:$0x15C80];
	_ =	sdelay $0x4  }
0x2bd: {  	v37 =	vadd.f32 $9.999999930e-09, v37  }
0x2be: {  	s12 =	sadd.s32 $0x0, s10  }
0x2bf: {  	v40 =	vmov s12;
	(erf) = vrcp.f32 v37  }
0x2c0: {  	v38 =	vshll.u32 v40, $0x3  }
0x2c1: {  	v38 =	vand.u32 $0x7FFFFC00, v38;
	v37 =	vand.u32 $0x77, v40  }
0x2c2: {  	v37 =	vor.u32 v37, v38  }
0x2c3: {  	v37 =	vadd.s32 v63, v37;
	_ =	sdelay $0x2  }
0x2c4: {  	s14 =	simm.s32 $0x0  }
0x2c5: {  	v40 =	vmov s14;
	v38 =	vld [tilespmem:$0x15C00]  }
0x2c6: {  	s13 =	simm.s32 $0x2;
	s12 =	simm.s32 $0x1;
	s14 =	sadd.s32 $0x1, s10;
	v40 =	vshll.u32 v40, $0x7;
	v37 =	vld.idx.msk [tilespmem:v37+s4+$0x0], $0xffff;
	v39 =	vpop (erf)  }
.LBB2_5:
0x2c7: {  	p0 =	sne.s32 s13, $0x7;
	v22 =	vmov s14;
	v40 =	vand.u32 $0x380, v40  }
0x2c8: {  	v24 =	vshll.u32 v22, $0x3;
	v40 =	vbroadcast v40, $0x0  }
0x2c9: {  	v22 =	vand.u32 $0x77, v22;
	v24 =	vand.u32 $0x7FFFFC00, v24  }
0x2ca: {  	v22 =	vor.u32 v22, v24;
	v24 =	vor.u32 v1, v40  }
0x2cb: {  	v37 =	vsub.f32 v37, v38;
	v22 =	vadd.s32 v63, v22;
	_ =	sdelay $0x1  }
.Ltmp1:
0x2cc: {  	v37 =	vmul.f32 v37, v39;
	(pc) =	sbr.rel @p0 .LBB2_5-.Ltmp1, $4  }
0x2cd: {  	_ = 	snop  }
0x2ce: {  	[tilespmem:v24+s26+$0x0] =	vst.idx.msk $0x1fff, v37  }
0x2cf: {  	v24 =	vmov s12;
	s12 =	smov.u32 s13;
	v37 =	vld.idx.msk [tilespmem:v22+s4+$0x0], $0xffff  }
0x2d0: {  	s13 =	sadd.s32 $0x1, s13;
	s14 =	sadd.s32 s10, s12;
	v40 =	vshll.u32 v24, $0x7  }
0x2d1: {  	v22 =	vmov s14;
	v24 =	vand.u32 $0x380, v40  }
0x2d2: {  	v40 =	vshll.u32 v22, $0x3;
	v24 =	vbroadcast v24, $0x0  }
0x2d3: {  	v22 =	vand.u32 $0x77, v22;
	v40 =	vand.u32 $0x7FFFFC00, v40  }
0x2d4: {  	v22 =	vor.u32 v22, v40;
	v24 =	vor.u32 v1, v24  }
0x2d5: {  	v37 =	vsub.f32 v37, v38;
	v22 =	vadd.s32 v63, v22;
	_ =	sdelay $0x1  }
0x2d6: {  	v37 =	vmul.f32 v37, v39;
	_ =	sdelay $0x1  }
0x2d7: {  	v40 =	vmov s12;
	[tilespmem:v24+s26+$0x0] =	vst.idx.msk $0x1fff, v37  }
0x2d8: {  	v24 =	vshll.u32 v40, $0x7;
	v22 =	vld.idx.msk [tilespmem:v22+s4+$0x0], $0xffff  }
0x2d9: {  	p0 =	seq.s32 s1, $0x1F;
	v24 =	vand.u32 $0x380, v24  }
0x2da: {  	s12 =	sadd.s32 @!p0 $0x10, s10;
	v37 =	vlaneseq.u32 @!p0;
	v24 =	vbroadcast v24, $0x0  }
0x2db: {  	v40 =	vmov @!p0 s12;
	v26 =	vshrl.u32 @!p0 v37, $0x3;
	v9 =	vor.u32 @!p0 s12, v37  }
0x2dc: {  	v40 =	vshll.u32 @!p0 v40, $0x3;
	v37 =	vmul.u32 @!p0 $0x80, v26;
	v24 =	vor.u32 v1, v24  }
0x2dd: {  	s14 =	sor.u32 s6, s10;
	v9 =	vand.u32 @!p0 $0x77, v9;
	v22 =	vsub.f32 v22, v38;
	v38 =	vand.u32 @!p0 $0x1C00, v40  }
0x2de: {  	s10 =	sshrl.u32 s14, $0x3;
	v38 =	vor.u32 @!p0 v38, v9;
	v9 =	vadd.s32 @!p0 $0x1280, v37  }
0x2df: {  	s10 =	smul.u32 $0x380, s10;
	v22 =	vmul.f32 v22, v39;
	v9 =	vadd.s32 @!p0 v9, v38;
	_ =	sdelay $0x1  }
0x2e0: {  	s10 =	sadd.s32 s7, s10;
	[tilespmem:v24+s26+$0x0] =	vst.idx.msk $0x1fff, v22  }
0x2e1: {  	[hbm4b:s10+s4] =	stream.linear.scatter [tilespmem:s26], [sflag:$0x3], $0x1C00, $0x38;
	[tilespmem:$0x15D00] =	vst v63  }
0x2e2: {  	s10 =	simm.s32 @!p0 $0x0  }
0x2e3: {  	v9 =	vld.idx.msk @!p0 [tilespmem:v9+s10+$0x0], $0xffff;
	_ =	sdelay $0x2  }
0x2e4: {  	v22 =	vmul.u32 @!p0 $0xC80, v26;
	_ =	sdelay $0x1  }
0x2e5: {  	v24 =	vadd.s32 @!p0 $0x1380, v22;
	v9 =	vtrunc.f32 @!p0 v9  }
0x2e6: {  	v39 =	vmul.u32 @!p0 $0x186A0, v26;
	v24 =	vadd.s32 @!p0 v24, v38;
	v9 =	vcvt.f32.s32 @!p0 v9;
	_ =	sdelay $0x1  }
0x2e7: {  	v26 =	vadd.s32 @!p0 v39, v9;
	v9 =	vand.u32 @!p0 $0x3, v9  }
0x2e8: {  	v26 =	vshrl.u32 @!p0 v26, $0x2;
	[tilespmem:$0x5100] =	vst @!p0 v9  }
0x2e9: {  	[tilespmem:$0x5000] =	vst @!p0 v26  }
0x2ea: {  	v9 =	vld.idx.msk @!p0 [tilespmem:v24+s10+$0x0], $0xffff;
	_ =	sdelay $0x4  }
0x2eb: {  	v24 =	vadd.s32 @!p0 $0x2080, v37;
	v9 =	vtrunc.f32 @!p0 v9  }
0x2ec: {  	v24 =	vor.u32 @!p0 v24, v38;
	v9 =	vcvt.f32.s32 @!p0 v9  }
0x2ed: {  	v26 =	vadd.s32 @!p0 $0x30D40, v39  }
0x2ee: {  	v26 =	vadd.s32 @!p0 v26, v9;
	v9 =	vand.u32 @!p0 $0x3, v9  }
0x2ef: {  	v26 =	vshrl.u32 @!p0 v26, $0x2;
	[tilespmem:$0x5110] =	vst @!p0 v9  }
0x2f0: {  	[tilespmem:$0x5010] =	vst @!p0 v26  }
0x2f1: {  	v9 =	vld.idx.msk @!p0 [tilespmem:v24+s10+$0x0], $0xffff;
	_ =	sdelay $0x4  }
0x2f2: {  	v24 =	vadd.s32 @!p0 $0x2180, v37;
	v9 =	vtrunc.f32 @!p0 v9  }
0x2f3: {  	v24 =	vor.u32 @!p0 v24, v38;
	v9 =	vcvt.f32.s32 @!p0 v9  }
0x2f4: {  	v26 =	vadd.s32 @!p0 $0x61A80, v39  }
0x2f5: {  	v26 =	vadd.s32 @!p0 v26, v9;
	v9 =	vand.u32 @!p0 $0x3, v9  }
0x2f6: {  	v26 =	vshrl.u32 @!p0 v26, $0x2;
	[tilespmem:$0x5120] =	vst @!p0 v9  }
0x2f7: {  	[tilespmem:$0x5020] =	vst @!p0 v26  }
0x2f8: {  	v9 =	vld.idx.msk @!p0 [tilespmem:v24+s10+$0x0], $0xffff;
	_ =	sdelay $0x4  }
0x2f9: {  	v24 =	vadd.s32 @!p0 $0x2280, v37;
	v9 =	vtrunc.f32 @!p0 v9  }
0x2fa: {  	v24 =	vor.u32 @!p0 v24, v38;
	v9 =	vcvt.f32.s32 @!p0 v9  }
0x2fb: {  	v26 =	vadd.s32 @!p0 $0x927C0, v39  }
0x2fc: {  	v26 =	vadd.s32 @!p0 v26, v9;
	v9 =	vand.u32 @!p0 $0x3, v9  }
0x2fd: {  	v26 =	vshrl.u32 @!p0 v26, $0x2;
	[tilespmem:$0x5130] =	vst @!p0 v9  }
0x2fe: {  	[tilespmem:$0x5030] =	vst @!p0 v26  }
0x2ff: {  	v9 =	vld.idx.msk @!p0 [tilespmem:v24+s10+$0x0], $0xffff;
	_ =	sdelay $0x4  }
0x300: {  	v24 =	vadd.s32 @!p0 $0x2380, v22;
	v9 =	vtrunc.f32 @!p0 v9  }
0x301: {  	v24 =	vadd.s32 @!p0 v24, v38;
	v9 =	vcvt.f32.s32 @!p0 v9  }
0x302: {  	v26 =	vadd.s32 @!p0 $0xC3500, v39  }
0x303: {  	v26 =	vadd.s32 @!p0 v26, v9;
	v9 =	vand.u32 @!p0 $0x3, v9  }
0x304: {  	v26 =	vshrl.u32 @!p0 v26, $0x2;
	[tilespmem:$0x5140] =	vst @!p0 v9  }
0x305: {  	[tilespmem:$0x5040] =	vst @!p0 v26  }
0x306: {  	v9 =	vld.idx.msk @!p0 [tilespmem:v24+s10+$0x0], $0xffff;
	_ =	sdelay $0x4  }
0x307: {  	v24 =	vadd.s32 @!p0 $0x3080, v37;
	v9 =	vtrunc.f32 @!p0 v9  }
0x308: {  	v24 =	vadd.s32 @!p0 v24, v38;
	v9 =	vcvt.f32.s32 @!p0 v9  }
0x309: {  	v26 =	vadd.s32 @!p0 $0xF4240, v39  }
0x30a: {  	v26 =	vadd.s32 @!p0 v26, v9;
	v9 =	vand.u32 @!p0 $0x3, v9  }
0x30b: {  	v26 =	vshrl.u32 @!p0 v26, $0x2;
	[tilespmem:$0x5150] =	vst @!p0 v9  }
0x30c: {  	[tilespmem:$0x5050] =	vst @!p0 v26  }
0x30d: {  	v9 =	vld.idx.msk @!p0 [tilespmem:v24+s10+$0x0], $0xffff;
	_ =	sdelay $0x4  }
0x30e: {  	v24 =	vadd.s32 @!p0 $0x3180, v37;
	v9 =	vtrunc.f32 @!p0 v9  }
0x30f: {  	v24 =	vadd.s32 @!p0 v24, v38;
	v9 =	vcvt.f32.s32 @!p0 v9  }
0x310: {  	v26 =	vadd.s32 @!p0 $0x124F80, v39  }
0x311: {  	v26 =	vadd.s32 @!p0 v26, v9;
	v9 =	vand.u32 @!p0 $0x3, v9  }
0x312: {  	v26 =	vshrl.u32 @!p0 v26, $0x2;
	[tilespmem:$0x5160] =	vst @!p0 v9  }
0x313: {  	[tilespmem:$0x5060] =	vst @!p0 v26  }
0x314: {  	v9 =	vld.idx.msk @!p0 [tilespmem:v24+s10+$0x0], $0xffff;
	_ =	sdelay $0x4  }
0x315: {  	v24 =	vadd.s32 @!p0 $0x3280, v37;
	v9 =	vtrunc.f32 @!p0 v9  }
0x316: {  	v24 =	vadd.s32 @!p0 v24, v38;
	v9 =	vcvt.f32.s32 @!p0 v9  }
0x317: {  	v26 =	vadd.s32 @!p0 $0x155CC0, v39  }
0x318: {  	v26 =	vadd.s32 @!p0 v26, v9;
	v9 =	vand.u32 @!p0 $0x3, v9  }
0x319: {  	v26 =	vshrl.u32 @!p0 v26, $0x2;
	[tilespmem:$0x5170] =	vst @!p0 v9  }
0x31a: {  	[tilespmem:$0x5070] =	vst @!p0 v26  }
0x31b: {  	v9 =	vld.idx.msk @!p0 [tilespmem:v24+s10+$0x0], $0xffff;
	_ =	sdelay $0x4  }
0x31c: {  	v22 =	vadd.s32 @!p0 $0x3380, v22;
	v9 =	vtrunc.f32 @!p0 v9  }
0x31d: {  	v22 =	vadd.s32 @!p0 v22, v38;
	v9 =	vcvt.f32.s32 @!p0 v9  }
0x31e: {  	v24 =	vadd.s32 @!p0 $0x186A00, v39  }
0x31f: {  	v24 =	vadd.s32 @!p0 v24, v9;
	v9 =	vand.u32 @!p0 $0x3, v9  }
0x320: {  	v24 =	vshrl.u32 @!p0 v24, $0x2;
	[tilespmem:$0x5180] =	vst @!p0 v9  }
0x321: {  	[tilespmem:$0x5080] =	vst @!p0 v24  }
0x322: {  	v9 =	vld.idx.msk @!p0 [tilespmem:v22+s10+$0x0], $0xffff;
	_ =	sdelay $0x4  }
0x323: {  	v22 =	vadd.s32 @!p0 $0x4080, v37;
	v9 =	vtrunc.f32 @!p0 v9  }
0x324: {  	v22 =	vor.u32 @!p0 v22, v38;
	v9 =	vcvt.f32.s32 @!p0 v9  }
0x325: {  	v24 =	vadd.s32 @!p0 $0x1B7740, v39  }
0x326: {  	v24 =	vadd.s32 @!p0 v24, v9;
	v9 =	vand.u32 @!p0 $0x3, v9  }
0x327: {  	v24 =	vshrl.u32 @!p0 v24, $0x2;
	[tilespmem:$0x5190] =	vst @!p0 v9  }
0x328: {  	[tilespmem:$0x5090] =	vst @!p0 v24  }
0x329: {  	v9 =	vld.idx.msk @!p0 [tilespmem:v22+s10+$0x0], $0xffff;
	_ =	sdelay $0x4  }
0x32a: {  	v22 =	vadd.s32 @!p0 $0x4180, v37;
	v9 =	vtrunc.f32 @!p0 v9  }
0x32b: {  	v22 =	vor.u32 @!p0 v22, v38;
	v9 =	vcvt.f32.s32 @!p0 v9  }
0x32c: {  	v24 =	vadd.s32 @!p0 $0x1E8480, v39  }
0x32d: {  	v24 =	vadd.s32 @!p0 v24, v9;
	v9 =	vand.u32 @!p0 $0x3, v9  }
0x32e: {  	v24 =	vshrl.u32 @!p0 v24, $0x2;
	[tilespmem:$0x51A0] =	vst @!p0 v9  }
0x32f: {  	[tilespmem:$0x50A0] =	vst @!p0 v24  }
0x330: {  	v9 =	vld.idx.msk @!p0 [tilespmem:v22+s10+$0x0], $0xffff;
	_ =	sdelay $0x4  }
0x331: {  	v22 =	vadd.s32 @!p0 $0x4280, v37;
	v9 =	vtrunc.f32 @!p0 v9  }
0x332: {  	v22 =	vor.u32 @!p0 v22, v38;
	v9 =	vcvt.f32.s32 @!p0 v9  }
0x333: {  	v24 =	vadd.s32 @!p0 $0x2191C0, v39  }
0x334: {  	v24 =	vadd.s32 @!p0 v24, v9;
	v9 =	vand.u32 @!p0 $0x3, v9  }
0x335: {  	v24 =	vshrl.u32 @!p0 v24, $0x2;
	[tilespmem:$0x51B0] =	vst @!p0 v9  }
0x336: {  	[tilespmem:$0x50B0] =	vst @!p0 v24  }
0x337: {  	v9 =	vld.idx.msk @!p0 [tilespmem:v22+s10+$0x0], $0xffff;
	_ =	sdelay $0x4  }
0x338: {  	v9 =	vtrunc.f32 @!p0 v9  }
0x339: {  	v9 =	vcvt.f32.s32 @!p0 v9  }
0x33a: {  	v22 =	vadd.s32 @!p0 $0x249F00, v39  }
0x33b: {  	v22 =	vadd.s32 @!p0 v22, v9;
	v9 =	vand.u32 @!p0 $0x3, v9  }
0x33c: {  	v22 =	vshrl.u32 @!p0 v22, $0x2;
	[tilespmem:$0x51C0] =	vst @!p0 v9  }
0x33d: {  	s13 =	simm.s32 @!p0 $0x5400;
	s12 =	simm.s32 @!p0 $0x5000;
	s10 =	simm.s32 @!p0 $0x68;
	[tilespmem:$0x50C0] =	vst @!p0 v22  }
0x33e: {  	[tilespmem:s13], [sflag:$0x1] =	stream.indirect.gather @!p0 [hbm4b:s0+s10], $0x80, s12, s10, $0xb8;
	[tilespmem:$0x15D00] =	vst v63  }
0x33f: {  	p1 =	seq.s32 @!p0 s1, $0x0;
	s12 =	simm.s32 @!p0 $0x5068;
	s13 =	simm.s32 @!p0 $0x8800  }
0x340: {  	[tilespmem:s13], [sflag:$0x1] =	stream.indirect.gather @!p0 [hbm4b:s0+s10], $0x80, s12, s10, $0xb8;
	[tilespmem:$0x15D00] =	vst v63  }
0x341: {  	p0 =	por p0, !p1  }
0x342: {  	_ =	swait.ge @p0 [sflag:s3], $0x1C00  }
0x343: {  	[sflag:s3] =	ssyncset.done @p0 $0x0  }
0x344: {  	[sflag:s3] =	ssyncadd.s32 @p0 $0xFFFFE400  }
0x345: {  	_ =	swait.ge [sflag:s28], $0x3400  }
0x346: {  	[sflag:s28] =	ssyncset.done $0x0  }
0x347: {  	[sflag:s28] =	ssyncadd.s32 $0xFFFFCC00  }
0x348: {  	_ =	swait.ge [sflag:s28], $0x3400  }
0x349: {  	[sflag:s28] =	ssyncset.done $0x0  }
0x34a: {  	s10 =	simm.s32 $0x0;
	[sflag:s28] =	ssyncadd.s32 $0xFFFFCC00  }
.LBB2_7:
0x34b: {  	v38 =	vmov s10;
	_ =	sdelay $0x4  }
0x34c: {  	v9 =	vld.idx.msk [tilespmem:v38+s29+$0x0], $0xffff;
	_ =	sdelay $0x4  }
0x34d: {  	v9 =	vshll.u32 v9, $0x5  }
0x34e: {  	v37 =	vshll.u32 v38, $0x7;
	v22 =	vor.u32 v1, v9;
	v24 =	vand.u32 $0xFFFFFF80, v9  }
0x34f: {  	v22 =	vand.u32 $0x6F, v22;
	v24 =	vadd.s32 v37, v24  }
0x350: {  	v22 =	vor.u32 v22, v24;
	_ =	sdelay $0x3  }
0x351: {  	v9 =	vor.u32 v42, v9  }
0x352: {  	v26 =	vor.u32 v41, v37;
	v9 =	vand.u32 $0x7F, v9;
	v22 =	vld.idx.msk [tilespmem:v22+s21+$0x0], $0xffff  }
0x353: {  	v9 =	vor.u32 v9, v24;
	_ =	sdelay $0x3  }
0x354: {  	[tilespmem:v26+s30+$0x0] =	vst.idx.msk $0xffff, v22  }
0x355: {  	v22 =	vor.u32 v43, v37;
	v9 =	vld.idx.msk [tilespmem:v9+s21+$0x0], $0xffff  }
0x356: {  	v24 =	vor.u32 $0x8, v38;
	_ =	sdelay $0x3  }
0x357: {  	[tilespmem:v22+s30+$0x0] =	vst.idx.msk $0xffff, v9  }
0x358: {  	v9 =	vld.idx.msk [tilespmem:v24+s29+$0x0], $0xffff;
	_ =	sdelay $0x4  }
0x359: {  	v9 =	vshll.u32 v9, $0x5  }
0x35a: {  	v24 =	vshll.u32 v24, $0x7;
	v22 =	vor.u32 v1, v9;
	v26 =	vand.u32 $0xFFFFFF80, v9  }
0x35b: {  	v22 =	vand.u32 $0x6F, v22;
	v24 =	vadd.s32 v24, v26  }
0x35c: {  	v22 =	vor.u32 v22, v24;
	_ =	sdelay $0x3  }
0x35d: {  	v9 =	vor.u32 v42, v9  }
0x35e: {  	v26 =	vor.u32 v44, v37;
	v9 =	vand.u32 $0x7F, v9;
	v22 =	vld.idx.msk [tilespmem:v22+s21+$0x0], $0xffff  }
0x35f: {  	v9 =	vor.u32 v9, v24;
	_ =	sdelay $0x3  }
0x360: {  	[tilespmem:v26+s30+$0x0] =	vst.idx.msk $0xffff, v22  }
0x361: {  	v22 =	vor.u32 v45, v37;
	v9 =	vld.idx.msk [tilespmem:v9+s21+$0x0], $0xffff  }
0x362: {  	v24 =	vor.u32 $0x10, v38;
	_ =	sdelay $0x3  }
0x363: {  	[tilespmem:v22+s30+$0x0] =	vst.idx.msk $0xffff, v9  }
0x364: {  	v9 =	vld.idx.msk [tilespmem:v24+s29+$0x0], $0xffff;
	_ =	sdelay $0x4  }
0x365: {  	v9 =	vshll.u32 v9, $0x5  }
0x366: {  	v24 =	vshll.u32 v24, $0x7;
	v22 =	vor.u32 v1, v9;
	v26 =	vand.u32 $0xFFFFFF80, v9  }
0x367: {  	v22 =	vand.u32 $0x6F, v22;
	v24 =	vadd.s32 v24, v26  }
0x368: {  	v22 =	vor.u32 v22, v24;
	_ =	sdelay $0x3  }
0x369: {  	v9 =	vor.u32 v42, v9  }
0x36a: {  	v26 =	vor.u32 v46, v37;
	v9 =	vand.u32 $0x7F, v9;
	v22 =	vld.idx.msk [tilespmem:v22+s21+$0x0], $0xffff  }
0x36b: {  	v9 =	vor.u32 v9, v24;
	_ =	sdelay $0x3  }
0x36c: {  	[tilespmem:v26+s30+$0x0] =	vst.idx.msk $0xffff, v22  }
0x36d: {  	v22 =	vor.u32 v47, v37;
	v9 =	vld.idx.msk [tilespmem:v9+s21+$0x0], $0xffff  }
0x36e: {  	v24 =	vor.u32 $0x18, v38;
	_ =	sdelay $0x3  }
0x36f: {  	[tilespmem:v22+s30+$0x0] =	vst.idx.msk $0xffff, v9  }
0x370: {  	v9 =	vld.idx.msk [tilespmem:v24+s29+$0x0], $0xffff;
	_ =	sdelay $0x4  }
0x371: {  	v9 =	vshll.u32 v9, $0x5  }
0x372: {  	v24 =	vshll.u32 v24, $0x7;
	v22 =	vor.u32 v1, v9;
	v26 =	vand.u32 $0xFFFFFF80, v9  }
0x373: {  	v22 =	vand.u32 $0x6F, v22;
	v24 =	vadd.s32 v24, v26  }
0x374: {  	v22 =	vor.u32 v22, v24;
	_ =	sdelay $0x3  }
0x375: {  	v9 =	vor.u32 v42, v9  }
0x376: {  	v26 =	vor.u32 v48, v37;
	v9 =	vand.u32 $0x7F, v9;
	v22 =	vld.idx.msk [tilespmem:v22+s21+$0x0], $0xffff  }
0x377: {  	v9 =	vor.u32 v9, v24;
	_ =	sdelay $0x3  }
0x378: {  	[tilespmem:v26+s30+$0x0] =	vst.idx.msk $0xffff, v22  }
0x379: {  	v22 =	vor.u32 v49, v37;
	v9 =	vld.idx.msk [tilespmem:v9+s21+$0x0], $0xffff  }
0x37a: {  	v24 =	vor.u32 $0x20, v38;
	_ =	sdelay $0x3  }
0x37b: {  	[tilespmem:v22+s30+$0x0] =	vst.idx.msk $0xffff, v9  }
0x37c: {  	v9 =	vld.idx.msk [tilespmem:v24+s29+$0x0], $0xffff;
	_ =	sdelay $0x4  }
0x37d: {  	v9 =	vshll.u32 v9, $0x5  }
0x37e: {  	v24 =	vshll.u32 v24, $0x7;
	v22 =	vor.u32 v1, v9;
	v26 =	vand.u32 $0xFFFFFF80, v9  }
0x37f: {  	v22 =	vand.u32 $0x6F, v22;
	v24 =	vadd.s32 v24, v26  }
0x380: {  	v22 =	vor.u32 v22, v24;
	_ =	sdelay $0x3  }
0x381: {  	v9 =	vor.u32 v42, v9  }
0x382: {  	v26 =	vor.u32 v50, v37;
	v9 =	vand.u32 $0x7F, v9;
	v22 =	vld.idx.msk [tilespmem:v22+s21+$0x0], $0xffff  }
0x383: {  	v9 =	vor.u32 v9, v24;
	_ =	sdelay $0x3  }
0x384: {  	[tilespmem:v26+s30+$0x0] =	vst.idx.msk $0xffff, v22  }
0x385: {  	v22 =	vor.u32 v51, v37;
	v9 =	vld.idx.msk [tilespmem:v9+s21+$0x0], $0xffff  }
0x386: {  	v24 =	vor.u32 $0x28, v38;
	_ =	sdelay $0x3  }
0x387: {  	[tilespmem:v22+s30+$0x0] =	vst.idx.msk $0xffff, v9  }
0x388: {  	v9 =	vld.idx.msk [tilespmem:v24+s29+$0x0], $0xffff;
	_ =	sdelay $0x4  }
0x389: {  	v9 =	vshll.u32 v9, $0x5  }
0x38a: {  	v24 =	vshll.u32 v24, $0x7;
	v22 =	vor.u32 v1, v9;
	v26 =	vand.u32 $0xFFFFFF80, v9  }
0x38b: {  	v22 =	vand.u32 $0x6F, v22;
	v24 =	vadd.s32 v24, v26  }
0x38c: {  	v22 =	vor.u32 v22, v24;
	_ =	sdelay $0x3  }
0x38d: {  	v9 =	vor.u32 v42, v9  }
0x38e: {  	v26 =	vor.u32 v52, v37;
	v9 =	vand.u32 $0x7F, v9;
	v22 =	vld.idx.msk [tilespmem:v22+s21+$0x0], $0xffff  }
0x38f: {  	v9 =	vor.u32 v9, v24;
	_ =	sdelay $0x3  }
0x390: {  	[tilespmem:v26+s30+$0x0] =	vst.idx.msk $0xffff, v22  }
0x391: {  	v22 =	vor.u32 v53, v37;
	v9 =	vld.idx.msk [tilespmem:v9+s21+$0x0], $0xffff  }
0x392: {  	v24 =	vor.u32 $0x30, v38;
	_ =	sdelay $0x3  }
0x393: {  	[tilespmem:v22+s30+$0x0] =	vst.idx.msk $0xffff, v9  }
0x394: {  	v9 =	vld.idx.msk [tilespmem:v24+s29+$0x0], $0xffff;
	_ =	sdelay $0x4  }
0x395: {  	v9 =	vshll.u32 v9, $0x5  }
0x396: {  	v24 =	vshll.u32 v24, $0x7;
	v22 =	vor.u32 v1, v9;
	v26 =	vand.u32 $0xFFFFFF80, v9  }
0x397: {  	v22 =	vand.u32 $0x6F, v22;
	v24 =	vadd.s32 v24, v26  }
0x398: {  	v22 =	vor.u32 v22, v24;
	_ =	sdelay $0x3  }
0x399: {  	v9 =	vor.u32 v42, v9  }
0x39a: {  	v26 =	vor.u32 v54, v37;
	v9 =	vand.u32 $0x7F, v9;
	v22 =	vld.idx.msk [tilespmem:v22+s21+$0x0], $0xffff  }
0x39b: {  	v9 =	vor.u32 v9, v24;
	_ =	sdelay $0x3  }
0x39c: {  	[tilespmem:v26+s30+$0x0] =	vst.idx.msk $0xffff, v22  }
0x39d: {  	v22 =	vor.u32 v55, v37;
	v9 =	vld.idx.msk [tilespmem:v9+s21+$0x0], $0xffff  }
0x39e: {  	v24 =	vor.u32 $0x38, v38;
	_ =	sdelay $0x3  }
0x39f: {  	[tilespmem:v22+s30+$0x0] =	vst.idx.msk $0xffff, v9  }
0x3a0: {  	v9 =	vld.idx.msk [tilespmem:v24+s29+$0x0], $0xffff;
	_ =	sdelay $0x4  }
0x3a1: {  	v9 =	vshll.u32 v9, $0x5  }
0x3a2: {  	v24 =	vshll.u32 v24, $0x7;
	v22 =	vor.u32 v1, v9;
	v26 =	vand.u32 $0xFFFFFF80, v9  }
0x3a3: {  	v22 =	vand.u32 $0x6F, v22;
	v24 =	vadd.s32 v24, v26  }
0x3a4: {  	v22 =	vor.u32 v22, v24;
	_ =	sdelay $0x3  }
0x3a5: {  	v9 =	vor.u32 v42, v9  }
0x3a6: {  	v26 =	vor.u32 v56, v37;
	v9 =	vand.u32 $0x7F, v9;
	v22 =	vld.idx.msk [tilespmem:v22+s21+$0x0], $0xffff  }
0x3a7: {  	v9 =	vor.u32 v9, v24;
	_ =	sdelay $0x3  }
0x3a8: {  	[tilespmem:v26+s30+$0x0] =	vst.idx.msk $0xffff, v22  }
0x3a9: {  	v22 =	vor.u32 v57, v37;
	v9 =	vld.idx.msk [tilespmem:v9+s21+$0x0], $0xffff  }
0x3aa: {  	v24 =	vor.u32 $0x40, v38;
	_ =	sdelay $0x3  }
0x3ab: {  	[tilespmem:v22+s30+$0x0] =	vst.idx.msk $0xffff, v9  }
0x3ac: {  	v9 =	vld.idx.msk [tilespmem:v24+s29+$0x0], $0xffff;
	_ =	sdelay $0x4  }
0x3ad: {  	v9 =	vshll.u32 v9, $0x5  }
0x3ae: {  	v24 =	vshll.u32 v24, $0x7;
	v22 =	vor.u32 v1, v9;
	v26 =	vand.u32 $0xFFFFFF80, v9  }
0x3af: {  	v22 =	vand.u32 $0x6F, v22;
	v24 =	vadd.s32 v24, v26  }
0x3b0: {  	v22 =	vor.u32 v22, v24;
	_ =	sdelay $0x3  }
0x3b1: {  	v9 =	vor.u32 v42, v9  }
0x3b2: {  	v26 =	vor.u32 v58, v37;
	v9 =	vand.u32 $0x7F, v9;
	v22 =	vld.idx.msk [tilespmem:v22+s21+$0x0], $0xffff  }
0x3b3: {  	v9 =	vor.u32 v9, v24;
	_ =	sdelay $0x3  }
0x3b4: {  	[tilespmem:v26+s30+$0x0] =	vst.idx.msk $0xffff, v22  }
0x3b5: {  	v22 =	vor.u32 v0, v37;
	v9 =	vld.idx.msk [tilespmem:v9+s21+$0x0], $0xffff  }
0x3b6: {  	v24 =	vor.u32 $0x48, v38;
	_ =	sdelay $0x3  }
0x3b7: {  	[tilespmem:v22+s30+$0x0] =	vst.idx.msk $0xffff, v9  }
0x3b8: {  	v9 =	vld.idx.msk [tilespmem:v24+s29+$0x0], $0xffff;
	_ =	sdelay $0x4  }
0x3b9: {  	v9 =	vshll.u32 v9, $0x5  }
0x3ba: {  	v24 =	vshll.u32 v24, $0x7;
	v22 =	vor.u32 v1, v9;
	v26 =	vand.u32 $0xFFFFFF80, v9  }
0x3bb: {  	v22 =	vand.u32 $0x6F, v22;
	v24 =	vadd.s32 v24, v26  }
0x3bc: {  	v22 =	vor.u32 v22, v24;
	_ =	sdelay $0x3  }
0x3bd: {  	v9 =	vor.u32 v42, v9  }
0x3be: {  	v26 =	vor.u32 v3, v37;
	v9 =	vand.u32 $0x7F, v9;
	v22 =	vld.idx.msk [tilespmem:v22+s21+$0x0], $0xffff  }
0x3bf: {  	v9 =	vor.u32 v9, v24;
	_ =	sdelay $0x3  }
0x3c0: {  	[tilespmem:v26+s30+$0x0] =	vst.idx.msk $0xffff, v22  }
0x3c1: {  	v22 =	vor.u32 v5, v37;
	v9 =	vld.idx.msk [tilespmem:v9+s21+$0x0], $0xffff  }
0x3c2: {  	v24 =	vor.u32 $0x50, v38;
	_ =	sdelay $0x3  }
0x3c3: {  	[tilespmem:v22+s30+$0x0] =	vst.idx.msk $0xffff, v9  }
0x3c4: {  	v9 =	vld.idx.msk [tilespmem:v24+s29+$0x0], $0xffff;
	_ =	sdelay $0x4  }
0x3c5: {  	v9 =	vshll.u32 v9, $0x5  }
0x3c6: {  	v24 =	vshll.u32 v24, $0x7;
	v22 =	vor.u32 v1, v9;
	v26 =	vand.u32 $0xFFFFFF80, v9  }
0x3c7: {  	v22 =	vand.u32 $0x6F, v22;
	v24 =	vadd.s32 v24, v26  }
0x3c8: {  	v22 =	vor.u32 v22, v24;
	_ =	sdelay $0x3  }
0x3c9: {  	v9 =	vor.u32 v42, v9  }
0x3ca: {  	v26 =	vor.u32 v7, v37;
	v9 =	vand.u32 $0x7F, v9;
	v22 =	vld.idx.msk [tilespmem:v22+s21+$0x0], $0xffff  }
0x3cb: {  	v9 =	vor.u32 v9, v24;
	_ =	sdelay $0x3  }
0x3cc: {  	[tilespmem:v26+s30+$0x0] =	vst.idx.msk $0xffff, v22  }
0x3cd: {  	v22 =	vor.u32 v13, v37;
	v9 =	vld.idx.msk [tilespmem:v9+s21+$0x0], $0xffff  }
0x3ce: {  	v24 =	vor.u32 $0x58, v38;
	_ =	sdelay $0x3  }
0x3cf: {  	[tilespmem:v22+s30+$0x0] =	vst.idx.msk $0xffff, v9  }
0x3d0: {  	v9 =	vld.idx.msk [tilespmem:v24+s29+$0x0], $0xffff;
	_ =	sdelay $0x4  }
0x3d1: {  	v9 =	vshll.u32 v9, $0x5  }
0x3d2: {  	v24 =	vshll.u32 v24, $0x7;
	v22 =	vor.u32 v1, v9;
	v26 =	vand.u32 $0xFFFFFF80, v9  }
0x3d3: {  	v22 =	vand.u32 $0x6F, v22;
	v24 =	vadd.s32 v24, v26  }
0x3d4: {  	v22 =	vor.u32 v22, v24;
	_ =	sdelay $0x3  }
0x3d5: {  	v9 =	vor.u32 v42, v9  }
0x3d6: {  	v26 =	vor.u32 v15, v37;
	v9 =	vand.u32 $0x7F, v9;
	v22 =	vld.idx.msk [tilespmem:v22+s21+$0x0], $0xffff  }
0x3d7: {  	v9 =	vor.u32 v9, v24;
	_ =	sdelay $0x3  }
0x3d8: {  	[tilespmem:v26+s30+$0x0] =	vst.idx.msk $0xffff, v22  }
0x3d9: {  	v22 =	vor.u32 v59, v37;
	v9 =	vld.idx.msk [tilespmem:v9+s21+$0x0], $0xffff  }
0x3da: {  	v24 =	vor.u32 $0x60, v38;
	_ =	sdelay $0x3  }
0x3db: {  	[tilespmem:v22+s30+$0x0] =	vst.idx.msk $0xffff, v9  }
0x3dc: {  	v9 =	vld.idx.msk [tilespmem:v24+s29+$0x0], $0xffff;
	_ =	sdelay $0x4  }
0x3dd: {  	v9 =	vshll.u32 v9, $0x5  }
0x3de: {  	v24 =	vshll.u32 v24, $0x7;
	v22 =	vor.u32 v1, v9;
	v26 =	vand.u32 $0xFFFFFF80, v9  }
0x3df: {  	v22 =	vand.u32 $0x6F, v22;
	v24 =	vadd.s32 v24, v26  }
0x3e0: {  	v22 =	vor.u32 v22, v24;
	_ =	sdelay $0x3  }
0x3e1: {  	v9 =	vor.u32 v42, v9  }
0x3e2: {  	v26 =	vor.u32 v17, v37;
	v9 =	vand.u32 $0x7F, v9;
	v22 =	vld.idx.msk [tilespmem:v22+s21+$0x0], $0xffff  }
0x3e3: {  	v9 =	vor.u32 v9, v24;
	_ =	sdelay $0x3  }
0x3e4: {  	[tilespmem:v26+s30+$0x0] =	vst.idx.msk $0xffff, v22  }
0x3e5: {  	v22 =	vor.u32 v19, v37;
	v9 =	vld.idx.msk [tilespmem:v9+s21+$0x0], $0xffff  }
0x3e6: {  	v24 =	vor.u32 $0x68, v38;
	_ =	sdelay $0x3  }
0x3e7: {  	[tilespmem:v22+s30+$0x0] =	vst.idx.msk $0xffff, v9  }
0x3e8: {  	v9 =	vld.idx.msk [tilespmem:v24+s29+$0x0], $0xffff;
	_ =	sdelay $0x4  }
0x3e9: {  	v9 =	vshll.u32 v9, $0x5  }
0x3ea: {  	v24 =	vshll.u32 v24, $0x7;
	v22 =	vor.u32 v1, v9;
	v26 =	vand.u32 $0xFFFFFF80, v9  }
0x3eb: {  	v22 =	vand.u32 $0x6F, v22;
	v24 =	vadd.s32 v24, v26  }
0x3ec: {  	v22 =	vor.u32 v22, v24;
	_ =	sdelay $0x3  }
0x3ed: {  	v9 =	vor.u32 v42, v9  }
0x3ee: {  	v26 =	vor.u32 v21, v37;
	v9 =	vand.u32 $0x7F, v9;
	v22 =	vld.idx.msk [tilespmem:v22+s21+$0x0], $0xffff  }
0x3ef: {  	v9 =	vor.u32 v9, v24;
	_ =	sdelay $0x3  }
0x3f0: {  	[tilespmem:v26+s30+$0x0] =	vst.idx.msk $0xffff, v22  }
0x3f1: {  	v22 =	vor.u32 v23, v37;
	v9 =	vld.idx.msk [tilespmem:v9+s21+$0x0], $0xffff  }
0x3f2: {  	v24 =	vor.u32 $0x70, v38;
	_ =	sdelay $0x3  }
0x3f3: {  	[tilespmem:v22+s30+$0x0] =	vst.idx.msk $0xffff, v9  }
0x3f4: {  	v9 =	vld.idx.msk [tilespmem:v24+s29+$0x0], $0xffff;
	_ =	sdelay $0x4  }
0x3f5: {  	v9 =	vshll.u32 v9, $0x5  }
0x3f6: {  	v24 =	vshll.u32 v24, $0x7;
	v22 =	vor.u32 v1, v9;
	v26 =	vand.u32 $0xFFFFFF80, v9  }
0x3f7: {  	v22 =	vand.u32 $0x6F, v22;
	v24 =	vadd.s32 v24, v26  }
0x3f8: {  	v22 =	vor.u32 v22, v24;
	_ =	sdelay $0x3  }
0x3f9: {  	v9 =	vor.u32 v42, v9  }
0x3fa: {  	v26 =	vor.u32 v25, v37;
	v9 =	vand.u32 $0x7F, v9;
	v22 =	vld.idx.msk [tilespmem:v22+s21+$0x0], $0xffff  }
0x3fb: {  	v9 =	vor.u32 v9, v24;
	_ =	sdelay $0x3  }
0x3fc: {  	[tilespmem:v26+s30+$0x0] =	vst.idx.msk $0xffff, v22  }
0x3fd: {  	v22 =	vor.u32 v2, v37;
	v9 =	vld.idx.msk [tilespmem:v9+s21+$0x0], $0xffff  }
0x3fe: {  	v24 =	vor.u32 $0x78, v38;
	_ =	sdelay $0x3  }
0x3ff: {  	[tilespmem:v22+s30+$0x0] =	vst.idx.msk $0xffff, v9  }
0x400: {  	v9 =	vld.idx.msk [tilespmem:v24+s29+$0x0], $0xffff;
	_ =	sdelay $0x4  }
0x401: {  	v9 =	vshll.u32 v9, $0x5  }
0x402: {  	v24 =	vshll.u32 v24, $0x7;
	v22 =	vor.u32 v1, v9;
	v26 =	vand.u32 $0xFFFFFF80, v9  }
0x403: {  	v22 =	vand.u32 $0x6F, v22;
	v24 =	vadd.s32 v24, v26  }
0x404: {  	v22 =	vor.u32 v22, v24;
	_ =	sdelay $0x3  }
0x405: {  	v9 =	vor.u32 v42, v9  }
0x406: {  	v26 =	vor.u32 v4, v37;
	v9 =	vand.u32 $0x7F, v9;
	v22 =	vld.idx.msk [tilespmem:v22+s21+$0x0], $0xffff  }
0x407: {  	v9 =	vor.u32 v9, v24;
	_ =	sdelay $0x3  }
0x408: {  	[tilespmem:v26+s30+$0x0] =	vst.idx.msk $0xffff, v22  }
0x409: {  	v22 =	vor.u32 v60, v37;
	v9 =	vld.idx.msk [tilespmem:v9+s21+$0x0], $0xffff  }
0x40a: {  	v24 =	vor.u32 $0x80, v38;
	_ =	sdelay $0x3  }
0x40b: {  	[tilespmem:v22+s30+$0x0] =	vst.idx.msk $0xffff, v9  }
0x40c: {  	v9 =	vld.idx.msk [tilespmem:v24+s29+$0x0], $0xffff;
	_ =	sdelay $0x4  }
0x40d: {  	v9 =	vshll.u32 v9, $0x5  }
0x40e: {  	v24 =	vshll.u32 v24, $0x7;
	v22 =	vor.u32 v1, v9;
	v26 =	vand.u32 $0xFFFFFF80, v9  }
0x40f: {  	v22 =	vand.u32 $0x6F, v22;
	v24 =	vadd.s32 v24, v26  }
0x410: {  	v22 =	vor.u32 v22, v24;
	_ =	sdelay $0x3  }
0x411: {  	v9 =	vor.u32 v42, v9  }
0x412: {  	v26 =	vor.u32 v6, v37;
	v9 =	vand.u32 $0x7F, v9;
	v22 =	vld.idx.msk [tilespmem:v22+s21+$0x0], $0xffff  }
0x413: {  	v9 =	vor.u32 v9, v24;
	_ =	sdelay $0x3  }
0x414: {  	[tilespmem:v26+s30+$0x0] =	vst.idx.msk $0xffff, v22  }
0x415: {  	v22 =	vor.u32 v8, v37;
	v9 =	vld.idx.msk [tilespmem:v9+s21+$0x0], $0xffff  }
0x416: {  	v24 =	vor.u32 $0x88, v38;
	_ =	sdelay $0x3  }
0x417: {  	[tilespmem:v22+s30+$0x0] =	vst.idx.msk $0xffff, v9  }
0x418: {  	v9 =	vld.idx.msk [tilespmem:v24+s29+$0x0], $0xffff;
	_ =	sdelay $0x4  }
0x419: {  	v9 =	vshll.u32 v9, $0x5  }
0x41a: {  	v24 =	vshll.u32 v24, $0x7;
	v22 =	vor.u32 v1, v9;
	v26 =	vand.u32 $0xFFFFFF80, v9  }
0x41b: {  	v22 =	vand.u32 $0x6F, v22;
	v24 =	vadd.s32 v24, v26  }
0x41c: {  	v22 =	vor.u32 v22, v24;
	_ =	sdelay $0x3  }
0x41d: {  	v9 =	vor.u32 v42, v9  }
0x41e: {  	v26 =	vor.u32 v10, v37;
	v9 =	vand.u32 $0x7F, v9;
	v22 =	vld.idx.msk [tilespmem:v22+s21+$0x0], $0xffff  }
0x41f: {  	v9 =	vor.u32 v9, v24;
	_ =	sdelay $0x3  }
0x420: {  	[tilespmem:v26+s30+$0x0] =	vst.idx.msk $0xffff, v22  }
0x421: {  	v22 =	vor.u32 v12, v37;
	v9 =	vld.idx.msk [tilespmem:v9+s21+$0x0], $0xffff  }
0x422: {  	v24 =	vor.u32 $0x90, v38;
	_ =	sdelay $0x3  }
0x423: {  	[tilespmem:v22+s30+$0x0] =	vst.idx.msk $0xffff, v9  }
0x424: {  	v9 =	vld.idx.msk [tilespmem:v24+s29+$0x0], $0xffff;
	_ =	sdelay $0x4  }
0x425: {  	v9 =	vshll.u32 v9, $0x5  }
0x426: {  	v24 =	vshll.u32 v24, $0x7;
	v22 =	vor.u32 v1, v9;
	v26 =	vand.u32 $0xFFFFFF80, v9  }
0x427: {  	v22 =	vand.u32 $0x6F, v22;
	v24 =	vadd.s32 v24, v26  }
0x428: {  	v22 =	vor.u32 v22, v24;
	_ =	sdelay $0x3  }
0x429: {  	v9 =	vor.u32 v42, v9  }
0x42a: {  	v26 =	vor.u32 v14, v37;
	v9 =	vand.u32 $0x7F, v9;
	v22 =	vld.idx.msk [tilespmem:v22+s21+$0x0], $0xffff  }
0x42b: {  	v9 =	vor.u32 v9, v24;
	_ =	sdelay $0x3  }
0x42c: {  	[tilespmem:v26+s30+$0x0] =	vst.idx.msk $0xffff, v22  }
0x42d: {  	v22 =	vor.u32 v16, v37;
	v9 =	vld.idx.msk [tilespmem:v9+s21+$0x0], $0xffff  }
0x42e: {  	v24 =	vor.u32 $0x98, v38;
	_ =	sdelay $0x3  }
0x42f: {  	[tilespmem:v22+s30+$0x0] =	vst.idx.msk $0xffff, v9  }
0x430: {  	v9 =	vld.idx.msk [tilespmem:v24+s29+$0x0], $0xffff;
	_ =	sdelay $0x4  }
0x431: {  	v9 =	vshll.u32 v9, $0x5  }
0x432: {  	v24 =	vshll.u32 v24, $0x7;
	v22 =	vor.u32 v1, v9;
	v26 =	vand.u32 $0xFFFFFF80, v9  }
0x433: {  	v22 =	vand.u32 $0x6F, v22;
	v24 =	vadd.s32 v24, v26  }
0x434: {  	v22 =	vor.u32 v22, v24;
	_ =	sdelay $0x3  }
0x435: {  	v9 =	vor.u32 v42, v9  }
0x436: {  	v26 =	vor.u32 v18, v37;
	v9 =	vand.u32 $0x7F, v9;
	v22 =	vld.idx.msk [tilespmem:v22+s21+$0x0], $0xffff  }
0x437: {  	v9 =	vor.u32 v9, v24;
	_ =	sdelay $0x3  }
0x438: {  	[tilespmem:v26+s30+$0x0] =	vst.idx.msk $0xffff, v22  }
0x439: {  	v22 =	vor.u32 v61, v37;
	v9 =	vld.idx.msk [tilespmem:v9+s21+$0x0], $0xffff  }
0x43a: {  	v24 =	vor.u32 $0xA0, v38;
	_ =	sdelay $0x3  }
0x43b: {  	[tilespmem:v22+s30+$0x0] =	vst.idx.msk $0xffff, v9  }
0x43c: {  	v9 =	vld.idx.msk [tilespmem:v24+s29+$0x0], $0xffff;
	_ =	sdelay $0x4  }
0x43d: {  	v9 =	vshll.u32 v9, $0x5  }
0x43e: {  	v24 =	vshll.u32 v24, $0x7;
	v22 =	vor.u32 v1, v9;
	v26 =	vand.u32 $0xFFFFFF80, v9  }
0x43f: {  	v22 =	vand.u32 $0x6F, v22;
	v24 =	vadd.s32 v24, v26  }
0x440: {  	v22 =	vor.u32 v22, v24;
	_ =	sdelay $0x3  }
0x441: {  	v9 =	vor.u32 v42, v9  }
0x442: {  	v26 =	vor.u32 v27, v37;
	v9 =	vand.u32 $0x7F, v9;
	v22 =	vld.idx.msk [tilespmem:v22+s21+$0x0], $0xffff  }
0x443: {  	v9 =	vor.u32 v9, v24;
	_ =	sdelay $0x3  }
0x444: {  	[tilespmem:v26+s30+$0x0] =	vst.idx.msk $0xffff, v22  }
0x445: {  	v22 =	vor.u32 v28, v37;
	v9 =	vld.idx.msk [tilespmem:v9+s21+$0x0], $0xffff  }
0x446: {  	v24 =	vor.u32 $0xA8, v38;
	_ =	sdelay $0x3  }
0x447: {  	[tilespmem:v22+s30+$0x0] =	vst.idx.msk $0xffff, v9  }
0x448: {  	v9 =	vld.idx.msk [tilespmem:v24+s29+$0x0], $0xffff;
	_ =	sdelay $0x4  }
0x449: {  	v9 =	vshll.u32 v9, $0x5  }
0x44a: {  	v24 =	vshll.u32 v24, $0x7;
	v22 =	vor.u32 v1, v9;
	v26 =	vand.u32 $0xFFFFFF80, v9  }
0x44b: {  	v22 =	vand.u32 $0x6F, v22;
	v24 =	vadd.s32 v24, v26  }
0x44c: {  	v22 =	vor.u32 v22, v24;
	_ =	sdelay $0x3  }
0x44d: {  	v9 =	vor.u32 v42, v9  }
0x44e: {  	v26 =	vor.u32 v20, v37;
	v9 =	vand.u32 $0x7F, v9;
	v22 =	vld.idx.msk [tilespmem:v22+s21+$0x0], $0xffff  }
0x44f: {  	v9 =	vor.u32 v9, v24;
	_ =	sdelay $0x3  }
0x450: {  	[tilespmem:v26+s30+$0x0] =	vst.idx.msk $0xffff, v22  }
0x451: {  	v22 =	vor.u32 v29, v37;
	v9 =	vld.idx.msk [tilespmem:v9+s21+$0x0], $0xffff  }
0x452: {  	v24 =	vor.u32 $0xB0, v38;
	_ =	sdelay $0x3  }
0x453: {  	[tilespmem:v22+s30+$0x0] =	vst.idx.msk $0xffff, v9  }
0x454: {  	v9 =	vld.idx.msk [tilespmem:v24+s29+$0x0], $0xffff;
	_ =	sdelay $0x4  }
0x455: {  	v9 =	vshll.u32 v9, $0x5  }
0x456: {  	v24 =	vshll.u32 v24, $0x7;
	v22 =	vor.u32 v1, v9;
	v26 =	vand.u32 $0xFFFFFF80, v9  }
0x457: {  	v22 =	vand.u32 $0x6F, v22;
	v24 =	vadd.s32 v24, v26  }
0x458: {  	v22 =	vor.u32 v22, v24;
	_ =	sdelay $0x3  }
0x459: {  	v9 =	vor.u32 v42, v9  }
0x45a: {  	v26 =	vor.u32 v30, v37;
	v9 =	vand.u32 $0x7F, v9;
	v22 =	vld.idx.msk [tilespmem:v22+s21+$0x0], $0xffff  }
0x45b: {  	v9 =	vor.u32 v9, v24;
	_ =	sdelay $0x3  }
0x45c: {  	[tilespmem:v26+s30+$0x0] =	vst.idx.msk $0xffff, v22  }
0x45d: {  	v22 =	vor.u32 v31, v37;
	v9 =	vld.idx.msk [tilespmem:v9+s21+$0x0], $0xffff  }
0x45e: {  	v24 =	vor.u32 $0xB8, v38;
	_ =	sdelay $0x3  }
0x45f: {  	[tilespmem:v22+s30+$0x0] =	vst.idx.msk $0xffff, v9  }
0x460: {  	v9 =	vld.idx.msk [tilespmem:v24+s29+$0x0], $0xffff;
	_ =	sdelay $0x4  }
0x461: {  	v9 =	vshll.u32 v9, $0x5  }
0x462: {  	v24 =	vshll.u32 v24, $0x7;
	v22 =	vor.u32 v1, v9;
	v26 =	vand.u32 $0xFFFFFF80, v9  }
0x463: {  	v22 =	vand.u32 $0x6F, v22;
	v24 =	vadd.s32 v24, v26  }
0x464: {  	v22 =	vor.u32 v22, v24;
	_ =	sdelay $0x3  }
0x465: {  	v9 =	vor.u32 v42, v9  }
0x466: {  	v26 =	vor.u32 v32, v37;
	v9 =	vand.u32 $0x7F, v9;
	v22 =	vld.idx.msk [tilespmem:v22+s21+$0x0], $0xffff  }
0x467: {  	v9 =	vor.u32 v9, v24;
	_ =	sdelay $0x3  }
0x468: {  	[tilespmem:v26+s30+$0x0] =	vst.idx.msk $0xffff, v22  }
0x469: {  	v22 =	vor.u32 v62, v37;
	v9 =	vld.idx.msk [tilespmem:v9+s21+$0x0], $0xffff  }
0x46a: {  	v24 =	vor.u32 $0xC0, v38;
	_ =	sdelay $0x3  }
0x46b: {  	[tilespmem:v22+s30+$0x0] =	vst.idx.msk $0xffff, v9  }
0x46c: {  	v9 =	vld.idx.msk [tilespmem:v24+s29+$0x0], $0xffff;
	_ =	sdelay $0x4  }
0x46d: {  	v9 =	vshll.u32 v9, $0x5  }
0x46e: {  	v24 =	vshll.u32 v24, $0x7;
	v22 =	vor.u32 v1, v9;
	v26 =	vand.u32 $0xFFFFFF80, v9  }
0x46f: {  	v22 =	vand.u32 $0x6F, v22;
	v24 =	vadd.s32 v24, v26  }
0x470: {  	v22 =	vor.u32 v22, v24;
	_ =	sdelay $0x3  }
0x471: {  	v9 =	vor.u32 v42, v9  }
0x472: {  	v26 =	vor.u32 v33, v37;
	v9 =	vand.u32 $0x7F, v9;
	v22 =	vld.idx.msk [tilespmem:v22+s21+$0x0], $0xffff  }
0x473: {  	v9 =	vor.u32 v9, v24;
	_ =	sdelay $0x3  }
0x474: {  	[tilespmem:v26+s30+$0x0] =	vst.idx.msk $0xffff, v22  }
0x475: {  	v22 =	vor.u32 v34, v37;
	v9 =	vld.idx.msk [tilespmem:v9+s21+$0x0], $0xffff  }
0x476: {  	v24 =	vor.u32 $0xC8, v38;
	_ =	sdelay $0x3  }
0x477: {  	[tilespmem:v22+s30+$0x0] =	vst.idx.msk $0xffff, v9  }
0x478: {  	v9 =	vld.idx.msk [tilespmem:v24+s29+$0x0], $0xffff;
	_ =	sdelay $0x4  }
0x479: {  	v9 =	vshll.u32 v9, $0x5  }
0x47a: {  	v24 =	vshll.u32 v24, $0x7;
	v22 =	vor.u32 v1, v9;
	v26 =	vand.u32 $0xFFFFFF80, v9  }
0x47b: {  	v22 =	vand.u32 $0x6F, v22;
	v24 =	vadd.s32 v24, v26  }
0x47c: {  	v22 =	vor.u32 v22, v24;
	_ =	sdelay $0x3  }
0x47d: {  	v9 =	vor.u32 v42, v9  }
0x47e: {  	v26 =	vor.u32 v35, v37;
	v9 =	vand.u32 $0x7F, v9;
	v22 =	vld.idx.msk [tilespmem:v22+s21+$0x0], $0xffff  }
0x47f: {  	v9 =	vor.u32 v9, v24;
	_ =	sdelay $0x3  }
0x480: {  	[tilespmem:v26+s30+$0x0] =	vst.idx.msk $0xffff, v22  }
0x481: {  	p0 =	sne.s32 s10, $0x7;
	v22 =	vor.u32 v36, v37;
	v9 =	vld.idx.msk [tilespmem:v9+s21+$0x0], $0xffff  }
.Ltmp2:
0x482: {  	_ = 	snop;
	(pc) =	sbr.rel @p0 .LBB2_7-.Ltmp2, $2  }
0x483: {  	_ =	sdelay $0x2  }
0x484: {  	s10 =	sadd.s32 $0x1, s10;
	[tilespmem:v22+s30+$0x0] =	vst.idx.msk $0xffff, v9  }
0x485: {  	v4 =	vld [tilespmem:$0x1FD70];
	_ =	sdelay $0x1  }
0x486: {  	v2 =	vld [tilespmem:$0x15C80];
	_ =	sdelay $0x2  }
0x487: {  	v4 =	vand.u32 $0x78, v4  }
0x488: {  	v4 =	vor.u32 v11, v4  }
0x489: {  	s10 =	simm.s32 $0x0;
	v2 =	vadd.f32 $9.999999930e-09, v2;
	v6 =	vor.u32 v63, v4  }
0x48a: {  	v4 =	vor.u32 s10, v6  }
0x48b: {  	(erf) = vrcp.f32 v2;
	_ =	sdelay $0x2  }
0x48c: {  	v2 =	vld [tilespmem:$0x15C00]  }
0x48d: {  	v10 =	vld.idx.msk [tilespmem:v4+s4+$0x0], $0xffff;
	_ =	sdelay $0x1  }
0x48e: {  	v4 =	vmov s10  }
0x48f: {  	v8 =	vshll.u32 v4, $0x7  }
0x490: {  	s10 =	simm.s32 $0x1;
	v8 =	vor.u32 v1, v8  }
0x491: {  	s12 =	simm.s32 $0x2;
	v9 =	vor.u32 s10, v6;
	v4 =	vpop (erf);
	v10 =	vsub.f32 v10, v2  }
.LBB2_9:
0x492: {  	p0 =	sne.s32 s12, $0x7  }
0x493: {  	v10 =	vmul.f32 v10, v4;
	_ =	sdelay $0x1  }
0x494: {  	[tilespmem:v8+s30+$0x0] =	vst.idx.msk $0x1fff, v10  }
0x495: {  	v10 =	vld.idx.msk [tilespmem:v9+s4+$0x0], $0xffff;
	_ =	sdelay $0x1  }
.Ltmp3:
0x496: {  	(pc) =	sbr.rel @p0 .LBB2_9-.Ltmp3, $4  }
0x497: {  	v8 =	vmov s10;
	s10 =	smov.u32 s12  }
0x498: {  	v8 =	vshll.u32 v8, $0x7  }
0x499: {  	v8 =	vor.u32 v1, v8  }
0x49a: {  	s12 =	sadd.s32 $0x1, s12;
	v9 =	vor.u32 s10, v6;
	v10 =	vsub.f32 v10, v2  }
0x49b: {  	_ =	sdelay $0x1  }
0x49c: {  	v6 =	vmul.f32 v10, v4;
	_ =	sdelay $0x1  }
0x49d: {  	[tilespmem:v8+s30+$0x0] =	vst.idx.msk $0x1fff, v6  }
0x49e: {  	v6 =	vld.idx.msk [tilespmem:v9+s4+$0x0], $0xffff;
	_ =	sdelay $0x1  }
0x49f: {  	v8 =	vmov s10  }
0x4a0: {  	v8 =	vshll.u32 v8, $0x7  }
0x4a1: {  	s1 =	sadd.s32 $0x1, s1;
	v8 =	vor.u32 v1, v8  }
0x4a2: {  	s2 =	sor.u32 s6, s2;
	p0 =	sne.s32 s1, $0x20;
	v2 =	vsub.f32 v6, v2  }
.Ltmp4:
0x4a3: {  	s2 =	sshrl.u32 s2, $0x3;
	(pc) =	sbr.rel @p0 .LBB2_2-.Ltmp4, $3  }
0x4a4: {  	s2 =	smul.u32 $0x380, s2;
	v2 =	vmul.f32 v2, v4;
	_ =	sdelay $0x1  }
0x4a5: {  	s2 =	sadd.s32 s7, s2;
	[tilespmem:v8+s30+$0x0] =	vst.idx.msk $0x1fff, v2  }
0x4a6: {  	[hbm4b:s2+s4] =	stream.linear.scatter [tilespmem:s30], [sflag:$0x4], $0x1C00, $0x38;
	[tilespmem:$0x15D00] =	vst v63  }
0x4a7: {  	s5 =	sadd.s32 $0x1, s5  }
0x4a8: {  	_ =	swait.ge [sflag:s31], $0x1C00;
	p0 =	sne.s32 s5, s9  }
.Ltmp5:
0x4a9: {  	[sflag:s31] =	ssyncset.done $0x0;
	(pc) =	sbr.rel @p0 .LBB2_1-.Ltmp5, $4  }
0x4aa: {  	[sflag:s31] =	ssyncadd.s32 $0xFFFFE400  }
0x4ab: {  	_ =	swait.ge [sflag:s3], $0x1C00  }
0x4ac: {  	[sflag:s3] =	ssyncset.done $0x0  }
0x4ad: {  	[sflag:s3] =	ssyncadd.s32 $0xFFFFE400  }
0x4ae: {  	_ =	sfence.sel $0x180000  }
0x4af: {  	[bflag:$0x0] =	sbarrier.arrive $0xFFFF  }
0x4b0: {  	_ =	strace $0x90000047  }
0x4b1: {  	s0 =	stileid.u32;
	[bflag:$0x2] =	sbarrier.arrive $0xFFFF  }
0x4b2: {  	p0 =	sne.s32 s0, $0x0;
	s0 =	rddreg [dreg:$0x5]  }
0x4b3: {  	s0 =	sadd.s32 @!p0 $0x100000, s0  }
0x4b4: {  	[sflag:s0] =	ssyncadd.tile.s32 @!p0 $0x1;
	_ =	shalt  }
.Lfunc_end2:
_tile_overlayer_lowered:
.L_overlay_start_2:
0x4b5: {  	(tag) =	ssettag $0x2  }
0x4b6: {  	s0 =	rddreg [dreg:$0x0];
	s2 =	stileid.u32  }
0x4b7: {  	s1 =	rddreg [dreg:$0x1];
	p0 =	sne.s32 s2, $0x0  }
0x4b8: {  	s3 =	rddreg [dreg:$0x2];
	[bflag:$0x3] =	sbarrier.arrive $0xFFFF;
	s2 =	simm.s32 @!p0 $0x1C05  }
0x4b9: {  	[timem:s3], [sflag:s2] =	dma.local @!p0 [hbm:s0], s1  }
0x4ba: {  	s0 =	simm.s32 @!p0 $0x5  }
0x4bb: {  	_ =	swait.ge @!p0 [sflag:s0], s1  }
0x4bc: {  	s1 =	ssub.s32 @!p0 $0x0, s1;
	[sflag:s0] =	ssyncset.done @!p0 $0x0  }
0x4bd: {  	[sflag:s0] =	ssyncadd.s32 @!p0 s1  }
0x4be: {  	[bflag:$0x3] =	sbarrier.arrive $0xFFFF  }
0x4bf: {  	_ =	shalt  }

</sc_bundles>
